<compile_context>
chip_gen: v7x
topology: tpu7x:2x2x1
jax: 0.10.2.dev20260603
libtpu: 0.0.44.dev20260713+nightly
codegen_flags: <defaults>
</compile_context>

<pallas_src>
import functools

import jax
import jax.numpy as jnp
from jax import lax
from jax.experimental import pallas as pl
from jax.experimental.pallas import tpu as pltpu
from jax.experimental.pallas import tpu_sc as plsc

N_USERS_K = 5000
N_ITEMS_K = 5000
N_NODES_K = N_USERS_K + N_ITEMS_K
E_K = 320000
D_K = 128
ALPHA_K = 0.5

NC, NS, L = 2, 16, 16
NW = NC * NS
NPT = 320
N_PAD = NW * NPT
RPS = N_PAD // NS
CHUNK = 128
NCHUNK = E_K // CHUNK
JG = D_K // L
SBC = 32


def _build_ego_body(pref_ref, emb_ref, out_ref):
    out_ref[0:N_USERS_K, :] = pref_ref[...]
    e = emb_ref[...]
    n = jnp.sqrt(jnp.sum(e * e, axis=1, keepdims=True))
    out_ref[N_USERS_K:N_NODES_K, :] = e / jnp.maximum(n, 1e-12)
    out_ref[N_NODES_K:N_PAD, :] = jnp.zeros((N_PAD - N_NODES_K, D_K), jnp.float32)


def _build_ego(pref, emb):
    return pl.pallas_call(
        _build_ego_body,
        out_shape=jax.ShapeDtypeStruct((N_PAD, D_K), jnp.float32),
    )(pref, emb)


def _merge_body(p_ref, ego_ref, out_ref):
    out_ref[...] = p_ref[0] + p_ref[1] + ALPHA_K * ego_ref[...]


def _merge(partials, ego):
    return pl.pallas_call(
        _merge_body,
        out_shape=jax.ShapeDtypeStruct((N_PAD, D_K), jnp.float32),
    )(partials, ego)


_mesh = plsc.VectorSubcoreMesh(core_axis_name="c", subcore_axis_name="s")


@functools.partial(
    pl.kernel,
    out_type=jax.ShapeDtypeStruct((NC, N_PAD, D_K), jnp.float32),
    mesh=_mesh,
    scratch_types=[
        pltpu.VMEM_SHARED((N_PAD, D_K), jnp.float32),
        pltpu.VMEM((SBC * CHUNK,), jnp.int32),
        pltpu.VMEM((SBC, CHUNK), jnp.int32),
        pltpu.VMEM((SBC * CHUNK,), jnp.float32),
        pltpu.VMEM((CHUNK, D_K), jnp.float32),
        pltpu.VMEM((CHUNK, D_K), jnp.float32),
        pltpu.SemaphoreType.DMA,
        pltpu.SemaphoreType.DMA,
        pltpu.SemaphoreType.DMA,
    ],
)
def _sc_layer(ego, sdata, ddata, wdata, zeros, out, accs, sbuf, dbuf, wsbuf,
              gbuf0, gbuf1, sem_e, sem_g0, sem_g1):
    cid = lax.axis_index("c")
    sid = lax.axis_index("s")
    tid = sid * NC + cid

    pltpu.sync_copy(zeros.at[pl.ds(sid * RPS, RPS)],
                    accs.at[pl.ds(sid * RPS, RPS)])
    plsc.subcore_barrier()

    c_lo = (NCHUNK * tid) // NW
    c_hi = (NCHUNK * (tid + 1)) // NW

    def _start_gather(k, gbuf, sem):
        idx = sbuf.at[pl.ds(k * CHUNK, CHUNK)]
        return pltpu.async_copy(ego.at[idx], gbuf, sem)

    def _compute_scatter(k, gbuf):
        def _edge(e, carry):
            w = wsbuf[pl.ds(k * CHUNK + e, L)][0]
            wv = jnp.full((L,), w, jnp.float32)
            vals = [gbuf[e, pl.ds(j * L, L)] * wv for j in range(JG)]
            for j in range(JG):
                gbuf[e, pl.ds(j * L, L)] = vals[j]
            return carry

        lax.fori_loop(0, CHUNK, _edge, 0)
        pltpu.sync_copy(gbuf, accs.at[dbuf.at[k]], add=True)

    cs0 = (c_lo // SBC) * SBC

    def _super_block(s_, carry):
        cs = cs0 + s_ * SBC
        k_begin = jnp.maximum(c_lo - cs, 0)
        k_end = jnp.minimum(c_hi - cs, SBC)
        pltpu.async_copy(sdata.at[pl.ds(cs * CHUNK, SBC * CHUNK)], sbuf,
                         sem_e).wait()
        pltpu.async_copy(ddata.at[pl.ds(cs, SBC)], dbuf, sem_e).wait()
        pltpu.async_copy(wdata.at[pl.ds(cs * CHUNK, SBC * CHUNK)], wsbuf,
                         sem_e).wait()

        @pl.when(k_begin < k_end)
        def _():
            _start_gather(k_begin, gbuf0, sem_g0)

        def _pair(q, pcarry):
            k0 = k_begin + 2 * q
            k1 = k0 + 1

            @pl.when(k1 < k_end)
            def _():
                _start_gather(k1, gbuf1, sem_g1)

            pltpu.make_async_copy(ego.at[sbuf.at[pl.ds(0, CHUNK)]],
                                  gbuf0, sem_g0).wait()
            _compute_scatter(k0, gbuf0)

            @pl.when(k0 + 2 < k_end)
            def _():
                _start_gather(k0 + 2, gbuf0, sem_g0)

            @pl.when(k1 < k_end)
            def _():
                pltpu.make_async_copy(
                    ego.at[sbuf.at[pl.ds(0, CHUNK)]],
                    gbuf1, sem_g1).wait()
                _compute_scatter(k1, gbuf1)

            return pcarry

        lax.fori_loop(0, (k_end - k_begin + 1) // 2, _pair, 0)
        return carry

    nsb = (c_hi - cs0 + SBC - 1) // SBC
    lax.fori_loop(0, nsb, _super_block, 0)

    plsc.subcore_barrier()
    pltpu.sync_copy(accs.at[pl.ds(sid * RPS, RPS)],
                    out.at[cid, pl.ds(sid * RPS, RPS)])


def kernel(edge_index, edge_weight, interaction_preference, interaction_embedding):
    src = edge_index[0].astype(jnp.int32)
    dst = edge_index[1].astype(jnp.int32)
    w = edge_weight[:, 0].astype(jnp.float32)

    pad = SBC * CHUNK
    sdata = jnp.concatenate([src, jnp.zeros((pad,), jnp.int32)])
    ddata = jnp.concatenate([dst, jnp.zeros((pad,), jnp.int32)]
                            ).reshape(NCHUNK + SBC, CHUNK)
    wdata = jnp.concatenate([w, jnp.zeros((pad,), jnp.float32)])
    zeros = jnp.zeros((N_PAD, D_K), jnp.float32)

    ego = _build_ego(interaction_preference, interaction_embedding)
    parts = _sc_layer(ego, sdata, ddata, wdata, zeros)
    ego = _merge(parts, ego)
    parts = _sc_layer(ego, sdata, ddata, wdata, zeros)
    ego = _merge(parts, ego)
    return ego[:N_NODES_K]

# --- scband reference (transcript-rebuilt; emitter-appended) ---
"""Pipeline reference for scband-me-gcn-35235911696847 (READ-ONLY COPY).

The authoritative reference and input builder live on the scoring server;
editing this copy changes nothing except your own understanding.
"""

import jax, jax.numpy as jnp
import numpy as np

N_USERS = 5000
N_ITEMS = 5000
N_NODES = N_USERS + N_ITEMS
N_EDGES = 320000
D = 128
N_LAYERS = 2
ALPHA = 0.5


def setup_inputs(seed: int = 0) -> dict:
    key = jax.random.key(seed)
    k1, k2, k3, k4 = jax.random.split(key, 4)
    edge_index = jax.random.randint(k1, (2, N_EDGES), 0, N_NODES, dtype=jnp.int64)
    edge_weight = jax.random.uniform(k2, (N_EDGES, 1), dtype=jnp.float32)
    # xavier_uniform init for learned embedding tables
    bound = float(np.sqrt(6.0 / (N_USERS + D)))
    interaction_preference = jax.random.uniform(k3, (N_USERS, D), minval=-bound, maxval=bound, dtype=jnp.float32)
    bound2 = float(np.sqrt(6.0 / (N_ITEMS + D)))
    interaction_embedding = jax.random.uniform(k4, (N_ITEMS, D), minval=-bound2, maxval=bound2, dtype=jnp.float32)
    return {
        "edge_index": edge_index,
        "edge_weight": edge_weight,
        "interaction_preference": interaction_preference,
        "interaction_embedding": interaction_embedding,
    }


def _l2_normalize(x, eps=1e-12):
    # matches torch.nn.functional.normalize(x, p=2, dim=1)
    norm = jnp.linalg.norm(x, axis=1, keepdims=True)
    return x / jnp.maximum(norm, eps)


def reference(edge_index, edge_weight, interaction_preference, interaction_embedding):
    # use_interact only, cf=False, lightgcn=False, has_norm=True
    interaction_emb = _l2_normalize(interaction_embedding)
    ego = jnp.concatenate([interaction_preference, interaction_emb], axis=0)  # [N_NODES, D]
    src = edge_index[0]
    dst = edge_index[1]
    for _ in range(N_LAYERS):
        # MessagePassing(aggr='add'): message = x_j * weight_vector, scatter-add at dst
        msg = jnp.take(ego, src, axis=0) * edge_weight  # [E, D]
        side = jax.ops.segment_sum(msg, dst, num_segments=N_NODES)  # [N_NODES, D]
        ego = side + ALPHA * ego
    return ego

if __name__ == "__main__":
    import jax
    _d = setup_inputs()
    print(jax.jit(kernel)(*tuple(_d.values())))

</pallas_src>

<mosaic_0001>
#map = affine_map<(d0, d1) -> (0, 0)>
#map1 = affine_map<(d0, d1) -> (0)>
#map2 = affine_map<(d0, d1) -> (0, 0, 0)>
module attributes {stable_mosaic.version = 14 : i64} {
  func.func @_sc_layer(%arg0: i32, %arg1: i32, %arg2: memref<10240x128xf32, #tpu.memory_space<hbm>>, %arg3: memref<324096xi32, #tpu.memory_space<hbm>>, %arg4: memref<2532x128xi32, #tpu.memory_space<hbm>>, %arg5: memref<324096xf32, #tpu.memory_space<hbm>>, %arg6: memref<10240x128xf32, #tpu.memory_space<hbm>>, %arg7: memref<2x10240x128xf32, #tpu.memory_space<hbm>>, %arg8: memref<10240x128xf32, #tpu.memory_space<vmem_shared>>, %arg9: memref<4096xi32, #tpu.memory_space<vmem>>, %arg10: memref<32x128xi32, #tpu.memory_space<vmem>>, %arg11: memref<4096xf32, #tpu.memory_space<vmem>>, %arg12: memref<128x128xf32, #tpu.memory_space<vmem>>, %arg13: memref<128x128xf32, #tpu.memory_space<vmem>>, %arg14: memref<!tpu.dma_semaphore, #tpu.memory_space<semaphore_mem>>, %arg15: memref<!tpu.dma_semaphore, #tpu.memory_space<semaphore_mem>>, %arg16: memref<!tpu.dma_semaphore, #tpu.memory_space<semaphore_mem>>) attributes {dimension_semantics = [#tpu.dimension_semantics<core_parallel>, #tpu.dimension_semantics<subcore_parallel>], iteration_bounds = array<i64: 2, 16>, scalar_prefetch = 0 : i64, scratch_operands = 9 : i64, tpu.core_type = #tpu.core_type<sc_vector_subcore>, window_params = [{transform_indices = #map}, {transform_indices = #map1}, {transform_indices = #map}, {transform_indices = #map1}, {transform_indices = #map}, {transform_indices = #map2}]} {
    %mul3A = arith.constant 2 : i32
    %mul3A_0 = arith.muli %arg1, %mul3A : i32
    %add3A = arith.addi %mul3A_0, %arg0 : i32
    %mul3A_1 = arith.constant 640 : i32
    %mul3A_2 = arith.muli %arg1, %mul3A_1 : i32
    %mul3A_3 = arith.constant 640 : i32
    %mul3A_4 = arith.muli %arg1, %mul3A_3 : i32
    "tpu.region"() ({
      %run_scoped3A = tpu.sem_alloc : memref<!tpu.dma_semaphore, #tpu.memory_space<semaphore_mem>>
      %dma_start3A = arith.constant 0 : i32
      %dma_start3A_120 = tpu.memref_slice %arg8[%mul3A_4, %dma_start3A] : memref<10240x128xf32, #tpu.memory_space<vmem_shared>> -> memref<640x128xf32, #tpu.memory_space<vmem_shared>>
      %dma_start3A_121 = arith.constant 0 : i32
      %dma_start3A_122 = tpu.memref_slice %arg6[%mul3A_2, %dma_start3A_121] : memref<10240x128xf32, #tpu.memory_space<hbm>> -> memref<640x128xf32, #tpu.memory_space<hbm>>
      tpu.enqueue_dma source(%dma_start3A_122 : memref<640x128xf32, #tpu.memory_space<hbm>>) target(%dma_start3A_120 : memref<640x128xf32, #tpu.memory_space<vmem_shared>>) target_semaphore(%run_scoped3A : memref<!tpu.dma_semaphore, #tpu.memory_space<semaphore_mem>>)
      %dma_wait3A = arith.constant 0 : i32
      %dma_wait3A_123 = tpu.memref_slice %arg8[%mul3A_4, %dma_wait3A] : memref<10240x128xf32, #tpu.memory_space<vmem_shared>> -> memref<640x128xf32, #tpu.memory_space<vmem_shared>>
      %dma_wait3A_124 = arith.constant 0 : i32
      %dma_wait3A_125 = tpu.memref_slice %arg6[%mul3A_2, %dma_wait3A_124] : memref<10240x128xf32, #tpu.memory_space<hbm>> -> memref<640x128xf32, #tpu.memory_space<hbm>>
      tpu.wait_dma2 semaphore(%run_scoped3A : memref<!tpu.dma_semaphore, #tpu.memory_space<semaphore_mem>>) src(%dma_wait3A_125 : memref<640x128xf32, #tpu.memory_space<hbm>>) dst(%dma_wait3A_123 : memref<640x128xf32, #tpu.memory_space<vmem_shared>>)
      tpu.yield
    }) : () -> ()
    %barrier3A = arith.constant 0 : index
    tpu.barrier barrier_id(%barrier3A)
    %mul3A_5 = arith.constant 2500 : i32
    %mul3A_6 = arith.muli %mul3A_5, %add3A : i32
    %jit3A = arith.constant 32 : i32
    %div3A = arith.divsi %mul3A_6, %jit3A : i32
    %sign3A = arith.constant 0 : i32
    %sign3A_7 = arith.cmpi sgt, %mul3A_6, %sign3A : i32
    %sign3A_8 = arith.extui %sign3A_7 : i1 to i32
    %sign3A_9 = arith.constant 0 : i32
    %sign3A_10 = arith.cmpi slt, %mul3A_6, %sign3A_9 : i32
    %sign3A_11 = arith.extui %sign3A_10 : i1 to i32
    %sign3A_12 = arith.subi %sign3A_8, %sign3A_11 : i32
    %sign3A_13 = arith.constant 0 : i32
    %sign3A_14 = arith.cmpi sgt, %jit3A, %sign3A_13 : i32
    %sign3A_15 = arith.extui %sign3A_14 : i1 to i32
    %sign3A_16 = arith.constant 0 : i32
    %sign3A_17 = arith.cmpi slt, %jit3A, %sign3A_16 : i32
    %sign3A_18 = arith.extui %sign3A_17 : i1 to i32
    %sign3A_19 = arith.subi %sign3A_15, %sign3A_18 : i32
    %ne3A = arith.cmpi ne, %sign3A_12, %sign3A_19 : i32
    %rem3A = arith.remsi %mul3A_6, %jit3A : i32
    %ne3A_20 = arith.constant 0 : i32
    %ne3A_21 = arith.cmpi ne, %rem3A, %ne3A_20 : i32
    %and3A = arith.andi %ne3A, %ne3A_21 : i1
    %sub3A = arith.constant 1 : i32
    %sub3A_22 = arith.subi %div3A, %sub3A : i32
    %select_n3A = arith.select %and3A, %sub3A_22, %div3A : i32
    %add3A_23 = arith.constant 1 : i32
    %add3A_24 = arith.addi %add3A, %add3A_23 : i32
    %mul3A_25 = arith.constant 2500 : i32
    %mul3A_26 = arith.muli %mul3A_25, %add3A_24 : i32
    %jit3A_27 = arith.constant 32 : i32
    %div3A_28 = arith.divsi %mul3A_26, %jit3A_27 : i32
    %sign3A_29 = arith.constant 0 : i32
    %sign3A_30 = arith.cmpi sgt, %mul3A_26, %sign3A_29 : i32
    %sign3A_31 = arith.extui %sign3A_30 : i1 to i32
    %sign3A_32 = arith.constant 0 : i32
    %sign3A_33 = arith.cmpi slt, %mul3A_26, %sign3A_32 : i32
    %sign3A_34 = arith.extui %sign3A_33 : i1 to i32
    %sign3A_35 = arith.subi %sign3A_31, %sign3A_34 : i32
    %sign3A_36 = arith.constant 0 : i32
    %sign3A_37 = arith.cmpi sgt, %jit3A_27, %sign3A_36 : i32
    %sign3A_38 = arith.extui %sign3A_37 : i1 to i32
    %sign3A_39 = arith.constant 0 : i32
    %sign3A_40 = arith.cmpi slt, %jit3A_27, %sign3A_39 : i32
    %sign3A_41 = arith.extui %sign3A_40 : i1 to i32
    %sign3A_42 = arith.subi %sign3A_38, %sign3A_41 : i32
    %ne3A_43 = arith.cmpi ne, %sign3A_35, %sign3A_42 : i32
    %rem3A_44 = arith.remsi %mul3A_26, %jit3A_27 : i32
    %ne3A_45 = arith.constant 0 : i32
    %ne3A_46 = arith.cmpi ne, %rem3A_44, %ne3A_45 : i32
    %and3A_47 = arith.andi %ne3A_43, %ne3A_46 : i1
    %sub3A_48 = arith.constant 1 : i32
    %sub3A_49 = arith.subi %div3A_28, %sub3A_48 : i32
    %select_n3A_50 = arith.select %and3A_47, %sub3A_49, %div3A_28 : i32
    %jit3A_51 = arith.constant 32 : i32
    %div3A_52 = arith.divsi %select_n3A, %jit3A_51 : i32
    %sign3A_53 = arith.constant 0 : i32
    %sign3A_54 = arith.cmpi sgt, %select_n3A, %sign3A_53 : i32
    %sign3A_55 = arith.extui %sign3A_54 : i1 to i32
    %sign3A_56 = arith.constant 0 : i32
    %sign3A_57 = arith.cmpi slt, %select_n3A, %sign3A_56 : i32
    %sign3A_58 = arith.extui %sign3A_57 : i1 to i32
    %sign3A_59 = arith.subi %sign3A_55, %sign3A_58 : i32
    %sign3A_60 = arith.constant 0 : i32
    %sign3A_61 = arith.cmpi sgt, %jit3A_51, %sign3A_60 : i32
    %sign3A_62 = arith.extui %sign3A_61 : i1 to i32
    %sign3A_63 = arith.constant 0 : i32
    %sign3A_64 = arith.cmpi slt, %jit3A_51, %sign3A_63 : i32
    %sign3A_65 = arith.extui %sign3A_64 : i1 to i32
    %sign3A_66 = arith.subi %sign3A_62, %sign3A_65 : i32
    %ne3A_67 = arith.cmpi ne, %sign3A_59, %sign3A_66 : i32
    %rem3A_68 = arith.remsi %select_n3A, %jit3A_51 : i32
    %ne3A_69 = arith.constant 0 : i32
    %ne3A_70 = arith.cmpi ne, %rem3A_68, %ne3A_69 : i32
    %and3A_71 = arith.andi %ne3A_67, %ne3A_70 : i1
    %sub3A_72 = arith.constant 1 : i32
    %sub3A_73 = arith.subi %div3A_52, %sub3A_72 : i32
    %select_n3A_74 = arith.select %and3A_71, %sub3A_73, %div3A_52 : i32
    %mul3A_75 = arith.constant 32 : i32
    %mul3A_76 = arith.muli %select_n3A_74, %mul3A_75 : i32
    %sub3A_77 = arith.subi %select_n3A_50, %mul3A_76 : i32
    %add3A_78 = arith.constant 32 : i32
    %add3A_79 = arith.addi %sub3A_77, %add3A_78 : i32
    %sub3A_80 = arith.constant 1 : i32
    %sub3A_81 = arith.subi %add3A_79, %sub3A_80 : i32
    %jit3A_82 = arith.constant 32 : i32
    %div3A_83 = arith.divsi %sub3A_81, %jit3A_82 : i32
    %sign3A_84 = arith.constant 0 : i32
    %sign3A_85 = arith.cmpi sgt, %sub3A_81, %sign3A_84 : i32
    %sign3A_86 = arith.extui %sign3A_85 : i1 to i32
    %sign3A_87 = arith.constant 0 : i32
    %sign3A_88 = arith.cmpi slt, %sub3A_81, %sign3A_87 : i32
    %sign3A_89 = arith.extui %sign3A_88 : i1 to i32
    %sign3A_90 = arith.subi %sign3A_86, %sign3A_89 : i32
    %sign3A_91 = arith.constant 0 : i32
    %sign3A_92 = arith.cmpi sgt, %jit3A_82, %sign3A_91 : i32
    %sign3A_93 = arith.extui %sign3A_92 : i1 to i32
    %sign3A_94 = arith.constant 0 : i32
    %sign3A_95 = arith.cmpi slt, %jit3A_82, %sign3A_94 : i32
    %sign3A_96 = arith.extui %sign3A_95 : i1 to i32
    %sign3A_97 = arith.subi %sign3A_93, %sign3A_96 : i32
    %ne3A_98 = arith.cmpi ne, %sign3A_90, %sign3A_97 : i32
    %rem3A_99 = arith.remsi %sub3A_81, %jit3A_82 : i32
    %ne3A_100 = arith.constant 0 : i32
    %ne3A_101 = arith.cmpi ne, %rem3A_99, %ne3A_100 : i32
    %and3A_102 = arith.andi %ne3A_98, %ne3A_101 : i1
    %sub3A_103 = arith.constant 1 : i32
    %sub3A_104 = arith.subi %div3A_83, %sub3A_103 : i32
    %select_n3A_105 = arith.select %and3A_102, %sub3A_104, %div3A_83 : i32
    %while3A = arith.constant 0 : i32
    %while3A_106 = arith.constant 0 : i32
    %while3A_107 = arith.subi %select_n3A_105, %while3A_106 : i32
    %while3A_108 = arith.addi %while3A_106, %while3A_107 : i32
    %while3A_109 = arith.constant 1 : i32
    %while3A_110 = arith.divsi %while3A_107, %while3A_109 : i32
    %while3A_111 = arith.muli %while3A_110, %while3A_109 : i32
    %while3A_112 = arith.addi %while3A_106, %while3A_111 : i32
    %while3A_113 = arith.constant 1 : i32
    scf.for %while3A_120 = %while3A_106 to %while3A_112 step %while3A_113  : i32 {
      %mul3A_121 = arith.constant 32 : i32
      %mul3A_122 = arith.muli %while3A_120, %mul3A_121 : i32
      %add3A_123 = arith.addi %mul3A_76, %mul3A_122 : i32
      %sub3A_124 = arith.subi %select_n3A, %add3A_123 : i32
      %max3A = arith.constant 0 : i32
      %max3A_125 = arith.maxsi %sub3A_124, %max3A : i32
      %sub3A_126 = arith.subi %select_n3A_50, %add3A_123 : i32
      %min3A = arith.constant 32 : i32
      %min3A_127 = arith.minsi %sub3A_126, %min3A : i32
      %mul3A_128 = arith.constant 128 : i32
      %mul3A_129 = arith.muli %add3A_123, %mul3A_128 : i32
      %dma_start3A = tpu.memref_slice %arg3[%mul3A_129] : memref<324096xi32, #tpu.memory_space<hbm>> -> memref<4096xi32, #tpu.memory_space<hbm>>
      %dma_start3A_130 = tpu.memref_slice %arg3[%mul3A_129] : memref<324096xi32, #tpu.memory_space<hbm>> -> memref<4096xi32, #tpu.memory_space<hbm>>
      tpu.enqueue_dma source(%dma_start3A_130 : memref<4096xi32, #tpu.memory_space<hbm>>) target(%arg9 : memref<4096xi32, #tpu.memory_space<vmem>>) target_semaphore(%arg14 : memref<!tpu.dma_semaphore, #tpu.memory_space<semaphore_mem>>)
      %dma_wait3A = tpu.memref_slice %arg3[%mul3A_129] : memref<324096xi32, #tpu.memory_space<hbm>> -> memref<4096xi32, #tpu.memory_space<hbm>>
      %dma_wait3A_131 = tpu.memref_slice %arg3[%mul3A_129] : memref<324096xi32, #tpu.memory_space<hbm>> -> memref<4096xi32, #tpu.memory_space<hbm>>
      tpu.wait_dma2 semaphore(%arg14 : memref<!tpu.dma_semaphore, #tpu.memory_space<semaphore_mem>>) src(%dma_wait3A_131 : memref<4096xi32, #tpu.memory_space<hbm>>) dst(%arg9 : memref<4096xi32, #tpu.memory_space<vmem>>)
      %dma_start3A_132 = arith.constant 0 : i32
      %dma_start3A_133 = tpu.memref_slice %arg4[%add3A_123, %dma_start3A_132] : memref<2532x128xi32, #tpu.memory_space<hbm>> -> memref<32x128xi32, #tpu.memory_space<hbm>>
      %dma_start3A_134 = arith.constant 0 : i32
      %dma_start3A_135 = tpu.memref_slice %arg4[%add3A_123, %dma_start3A_134] : memref<2532x128xi32, #tpu.memory_space<hbm>> -> memref<32x128xi32, #tpu.memory_space<hbm>>
      tpu.enqueue_dma source(%dma_start3A_135 : memref<32x128xi32, #tpu.memory_space<hbm>>) target(%arg10 : memref<32x128xi32, #tpu.memory_space<vmem>>) target_semaphore(%arg14 : memref<!tpu.dma_semaphore, #tpu.memory_space<semaphore_mem>>)
      %dma_wait3A_136 = arith.constant 0 : i32
      %dma_wait3A_137 = tpu.memref_slice %arg4[%add3A_123, %dma_wait3A_136] : memref<2532x128xi32, #tpu.memory_space<hbm>> -> memref<32x128xi32, #tpu.memory_space<hbm>>
      %dma_wait3A_138 = arith.constant 0 : i32
      %dma_wait3A_139 = tpu.memref_slice %arg4[%add3A_123, %dma_wait3A_138] : memref<2532x128xi32, #tpu.memory_space<hbm>> -> memref<32x128xi32, #tpu.memory_space<hbm>>
      tpu.wait_dma2 semaphore(%arg14 : memref<!tpu.dma_semaphore, #tpu.memory_space<semaphore_mem>>) src(%dma_wait3A_139 : memref<32x128xi32, #tpu.memory_space<hbm>>) dst(%arg10 : memref<32x128xi32, #tpu.memory_space<vmem>>)
      %mul3A_140 = arith.constant 128 : i32
      %mul3A_141 = arith.muli %add3A_123, %mul3A_140 : i32
      %dma_start3A_142 = tpu.memref_slice %arg5[%mul3A_141] : memref<324096xf32, #tpu.memory_space<hbm>> -> memref<4096xf32, #tpu.memory_space<hbm>>
      %dma_start3A_143 = tpu.memref_slice %arg5[%mul3A_141] : memref<324096xf32, #tpu.memory_space<hbm>> -> memref<4096xf32, #tpu.memory_space<hbm>>
      tpu.enqueue_dma source(%dma_start3A_143 : memref<4096xf32, #tpu.memory_space<hbm>>) target(%arg11 : memref<4096xf32, #tpu.memory_space<vmem>>) target_semaphore(%arg14 : memref<!tpu.dma_semaphore, #tpu.memory_space<semaphore_mem>>)
      %dma_wait3A_144 = tpu.memref_slice %arg5[%mul3A_141] : memref<324096xf32, #tpu.memory_space<hbm>> -> memref<4096xf32, #tpu.memory_space<hbm>>
      %dma_wait3A_145 = tpu.memref_slice %arg5[%mul3A_141] : memref<324096xf32, #tpu.memory_space<hbm>> -> memref<4096xf32, #tpu.memory_space<hbm>>
      tpu.wait_dma2 semaphore(%arg14 : memref<!tpu.dma_semaphore, #tpu.memory_space<semaphore_mem>>) src(%dma_wait3A_145 : memref<4096xf32, #tpu.memory_space<hbm>>) dst(%arg11 : memref<4096xf32, #tpu.memory_space<vmem>>)
      %lt3A = arith.cmpi slt, %max3A_125, %min3A_127 : i32
      %convert_element_type3A = arith.extui %lt3A : i1 to i32
      %cond3A = arith.constant 0 : i32
      %cond3A_146 = arith.cmpi ne, %convert_element_type3A, %cond3A : i32
      scf.if %cond3A_146 {
        %mul3A_184 = arith.constant 128 : i32
        %mul3A_185 = arith.muli %max3A_125, %mul3A_184 : i32
        %dma_start3A_186 = tpu.memref_slice %arg9[%mul3A_185] : memref<4096xi32, #tpu.memory_space<vmem>> -> memref<128xi32, #tpu.memory_space<vmem>>
        %dma_start3A_187 = arith.constant 0 : i32
        %dma_start3A_188 = arith.constant 0 : i32
        %dma_start3A_189 = tpu.memref_slice %arg2[%dma_start3A_187, %dma_start3A_188] : memref<10240x128xf32, #tpu.memory_space<hbm>> -> memref<10240x128xf32, #tpu.memory_space<hbm>>
        tpu.enqueue_indirect_dma source(%dma_start3A_189 : memref<10240x128xf32, #tpu.memory_space<hbm>>) target(%arg12 : memref<128x128xf32, #tpu.memory_space<vmem>>) offsets(%dma_start3A_186 : memref<128xi32, #tpu.memory_space<vmem>>) semaphore(%arg15 : memref<!tpu.dma_semaphore, #tpu.memory_space<semaphore_mem>>)
      } else {
      }
      %sub3A_147 = arith.subi %min3A_127, %max3A_125 : i32
      %add3A_148 = arith.constant 1 : i32
      %add3A_149 = arith.addi %sub3A_147, %add3A_148 : i32
      %jit3A_150 = arith.constant 2 : i32
      %div3A_151 = arith.divsi %add3A_149, %jit3A_150 : i32
      %sign3A_152 = arith.constant 0 : i32
      %sign3A_153 = arith.cmpi sgt, %add3A_149, %sign3A_152 : i32
      %sign3A_154 = arith.extui %sign3A_153 : i1 to i32
      %sign3A_155 = arith.constant 0 : i32
      %sign3A_156 = arith.cmpi slt, %add3A_149, %sign3A_155 : i32
      %sign3A_157 = arith.extui %sign3A_156 : i1 to i32
      %sign3A_158 = arith.subi %sign3A_154, %sign3A_157 : i32
      %sign3A_159 = arith.constant 0 : i32
      %sign3A_160 = arith.cmpi sgt, %jit3A_150, %sign3A_159 : i32
      %sign3A_161 = arith.extui %sign3A_160 : i1 to i32
      %sign3A_162 = arith.constant 0 : i32
      %sign3A_163 = arith.cmpi slt, %jit3A_150, %sign3A_162 : i32
      %sign3A_164 = arith.extui %sign3A_163 : i1 to i32
      %sign3A_165 = arith.subi %sign3A_161, %sign3A_164 : i32
      %ne3A_166 = arith.cmpi ne, %sign3A_158, %sign3A_165 : i32
      %rem3A_167 = arith.remsi %add3A_149, %jit3A_150 : i32
      %ne3A_168 = arith.constant 0 : i32
      %ne3A_169 = arith.cmpi ne, %rem3A_167, %ne3A_168 : i32
      %and3A_170 = arith.andi %ne3A_166, %ne3A_169 : i1
      %sub3A_171 = arith.constant 1 : i32
      %sub3A_172 = arith.subi %div3A_151, %sub3A_171 : i32
      %select_n3A_173 = arith.select %and3A_170, %sub3A_172, %div3A_151 : i32
      %while3A_174 = arith.constant 0 : i32
      %while3A_175 = arith.constant 0 : i32
      %while3A_176 = arith.subi %select_n3A_173, %while3A_175 : i32
      %while3A_177 = arith.addi %while3A_175, %while3A_176 : i32
      %while3A_178 = arith.constant 1 : i32
      %while3A_179 = arith.divsi %while3A_176, %while3A_178 : i32
      %while3A_180 = arith.muli %while3A_179, %while3A_178 : i32
      %while3A_181 = arith.addi %while3A_175, %while3A_180 : i32
      %while3A_182 = arith.constant 1 : i32
      scf.for %while3A_184 = %while3A_175 to %while3A_181 step %while3A_182  : i32 {
        %mul3A_185 = arith.constant 2 : i32
        %mul3A_186 = arith.muli %mul3A_185, %while3A_184 : i32
        %add3A_187 = arith.addi %max3A_125, %mul3A_186 : i32
        %add3A_188 = arith.constant 1 : i32
        %add3A_189 = arith.addi %add3A_187, %add3A_188 : i32
        %lt3A_190 = arith.cmpi slt, %add3A_189, %min3A_127 : i32
        %convert_element_type3A_191 = arith.extui %lt3A_190 : i1 to i32
        %cond3A_192 = arith.constant 0 : i32
        %cond3A_193 = arith.cmpi ne, %convert_element_type3A_191, %cond3A_192 : i32
        scf.if %cond3A_193 {
          %mul3A_214 = arith.constant 128 : i32
          %mul3A_215 = arith.muli %add3A_189, %mul3A_214 : i32
          %dma_start3A_216 = tpu.memref_slice %arg9[%mul3A_215] : memref<4096xi32, #tpu.memory_space<vmem>> -> memref<128xi32, #tpu.memory_space<vmem>>
          %dma_start3A_217 = arith.constant 0 : i32
          %dma_start3A_218 = arith.constant 0 : i32
          %dma_start3A_219 = tpu.memref_slice %arg2[%dma_start3A_217, %dma_start3A_218] : memref<10240x128xf32, #tpu.memory_space<hbm>> -> memref<10240x128xf32, #tpu.memory_space<hbm>>
          tpu.enqueue_indirect_dma source(%dma_start3A_219 : memref<10240x128xf32, #tpu.memory_space<hbm>>) target(%arg13 : memref<128x128xf32, #tpu.memory_space<vmem>>) offsets(%dma_start3A_216 : memref<128xi32, #tpu.memory_space<vmem>>) semaphore(%arg16 : memref<!tpu.dma_semaphore, #tpu.memory_space<semaphore_mem>>)
        } else {
        }
        %dma_wait3A_194 = arith.constant 0 : i32
        %dma_wait3A_195 = tpu.memref_slice %arg9[%dma_wait3A_194] : memref<4096xi32, #tpu.memory_space<vmem>> -> memref<128xi32, #tpu.memory_space<vmem>>
        %dma_wait3A_196 = arith.constant 0 : i32
        %dma_wait3A_197 = arith.constant 0 : i32
        %dma_wait3A_198 = tpu.memref_slice %arg2[%dma_wait3A_196, %dma_wait3A_197] : memref<10240x128xf32, #tpu.memory_space<hbm>> -> memref<10240x128xf32, #tpu.memory_space<hbm>>
        tpu.wait_indirect_dma semaphore(%arg15 : memref<!tpu.dma_semaphore, #tpu.memory_space<semaphore_mem>>) src(%dma_wait3A_198 : memref<10240x128xf32, #tpu.memory_space<hbm>>) dst(%arg12 : memref<128x128xf32, #tpu.memory_space<vmem>>)
        %scan3A = arith.constant 0 : i32
        %scan3A_199 = arith.constant 0 : i32
        %scan3A_200 = arith.constant 128 : i32
        %scan3A_201 = arith.addi %scan3A_199, %scan3A_200 : i32
        %scan3A_202 = arith.constant 1 : i32
        scf.for %scan3A_214 = %scan3A_199 to %scan3A_201 step %scan3A_202  : i32 {
          %mul3A_215 = arith.constant 128 : i32
          %mul3A_216 = arith.muli %add3A_187, %mul3A_215 : i32
          %add3A_217 = arith.addi %mul3A_216, %scan3A_214 : i32
          %get3A = arith.index_cast %add3A_217 : i32 to index
          %get3A_218 = tpu.vector_load %arg11[%get3A] {strides = array<i32>} : memref<4096xf32, #tpu.memory_space<vmem>>, vector<16xf32>,
          %get3A_219 = vector.shape_cast %get3A_218 : vector<16xf32> to vector<16xf32>
          %slice3A = vector.extract_strided_slice %get3A_219 {offsets = [0], sizes = [1], strides = [1]} : vector<16xf32> to vector<1xf32>
          %squeeze3A = vector.extract %slice3A[0] : f32 from vector<1xf32>
          %broadcast_in_dim3A = vector.broadcast %squeeze3A : f32 to vector<16xf32>
          %get3A_220 = arith.index_cast %scan3A_214 : i32 to index
          %get3A_221 = arith.constant 0 : index
          %get3A_222 = tpu.vector_load %arg12[%get3A_220, %get3A_221] {strides = array<i32>} : memref<128x128xf32, #tpu.memory_space<vmem>>, vector<1x16xf32>,
          %get3A_223 = vector.shape_cast %get3A_222 : vector<1x16xf32> to vector<16xf32>
          %mul3A_224 = arith.mulf %get3A_223, %broadcast_in_dim3A : vector<16xf32>
          %get3A_225 = arith.index_cast %scan3A_214 : i32 to index
          %get3A_226 = arith.constant 16 : index
          %get3A_227 = tpu.vector_load %arg12[%get3A_225, %get3A_226] {strides = array<i32>} : memref<128x128xf32, #tpu.memory_space<vmem>>, vector<1x16xf32>,
          %get3A_228 = vector.shape_cast %get3A_227 : vector<1x16xf32> to vector<16xf32>
          %mul3A_229 = arith.mulf %get3A_228, %broadcast_in_dim3A : vector<16xf32>
          %get3A_230 = arith.index_cast %scan3A_214 : i32 to index
          %get3A_231 = arith.constant 32 : index
          %get3A_232 = tpu.vector_load %arg12[%get3A_230, %get3A_231] {strides = array<i32>} : memref<128x128xf32, #tpu.memory_space<vmem>>, vector<1x16xf32>,
          %get3A_233 = vector.shape_cast %get3A_232 : vector<1x16xf32> to vector<16xf32>
          %mul3A_234 = arith.mulf %get3A_233, %broadcast_in_dim3A : vector<16xf32>
          %get3A_235 = arith.index_cast %scan3A_214 : i32 to index
          %get3A_236 = arith.constant 48 : index
          %get3A_237 = tpu.vector_load %arg12[%get3A_235, %get3A_236] {strides = array<i32>} : memref<128x128xf32, #tpu.memory_space<vmem>>, vector<1x16xf32>,
          %get3A_238 = vector.shape_cast %get3A_237 : vector<1x16xf32> to vector<16xf32>
          %mul3A_239 = arith.mulf %get3A_238, %broadcast_in_dim3A : vector<16xf32>
          %get3A_240 = arith.index_cast %scan3A_214 : i32 to index
          %get3A_241 = arith.constant 64 : index
          %get3A_242 = tpu.vector_load %arg12[%get3A_240, %get3A_241] {strides = array<i32>} : memref<128x128xf32, #tpu.memory_space<vmem>>, vector<1x16xf32>,
          %get3A_243 = vector.shape_cast %get3A_242 : vector<1x16xf32> to vector<16xf32>
          %mul3A_244 = arith.mulf %get3A_243, %broadcast_in_dim3A : vector<16xf32>
          %get3A_245 = arith.index_cast %scan3A_214 : i32 to index
          %get3A_246 = arith.constant 80 : index
          %get3A_247 = tpu.vector_load %arg12[%get3A_245, %get3A_246] {strides = array<i32>} : memref<128x128xf32, #tpu.memory_space<vmem>>, vector<1x16xf32>,
          %get3A_248 = vector.shape_cast %get3A_247 : vector<1x16xf32> to vector<16xf32>
          %mul3A_249 = arith.mulf %get3A_248, %broadcast_in_dim3A : vector<16xf32>
          %get3A_250 = arith.index_cast %scan3A_214 : i32 to index
          %get3A_251 = arith.constant 96 : index
          %get3A_252 = tpu.vector_load %arg12[%get3A_250, %get3A_251] {strides = array<i32>} : memref<128x128xf32, #tpu.memory_space<vmem>>, vector<1x16xf32>,
          %get3A_253 = vector.shape_cast %get3A_252 : vector<1x16xf32> to vector<16xf32>
          %mul3A_254 = arith.mulf %get3A_253, %broadcast_in_dim3A : vector<16xf32>
          %get3A_255 = arith.index_cast %scan3A_214 : i32 to index
          %get3A_256 = arith.constant 112 : index
          %get3A_257 = tpu.vector_load %arg12[%get3A_255, %get3A_256] {strides = array<i32>} : memref<128x128xf32, #tpu.memory_space<vmem>>, vector<1x16xf32>,
          %get3A_258 = vector.shape_cast %get3A_257 : vector<1x16xf32> to vector<16xf32>
          %mul3A_259 = arith.mulf %get3A_258, %broadcast_in_dim3A : vector<16xf32>
          %swap3A = arith.index_cast %scan3A_214 : i32 to index
          %swap3A_260 = arith.constant 0 : index
          %swap3A_261 = tpu.vector_load %arg12[%swap3A, %swap3A_260] {strides = array<i32>} : memref<128x128xf32, #tpu.memory_space<vmem>>, vector<1x16xf32>,
          %swap3A_262 = vector.shape_cast %swap3A_261 : vector<1x16xf32> to vector<16xf32>
          %swap3A_263 = vector.shape_cast %mul3A_224 : vector<16xf32> to vector<1x16xf32>
          tpu.vector_store %arg12[%swap3A, %swap3A_260], %swap3A_263 {strides = array<i32>} : memref<128x128xf32, #tpu.memory_space<vmem>>, vector<1x16xf32>,
          %swap3A_264 = arith.index_cast %scan3A_214 : i32 to index
          %swap3A_265 = arith.constant 16 : index
          %swap3A_266 = tpu.vector_load %arg12[%swap3A_264, %swap3A_265] {strides = array<i32>} : memref<128x128xf32, #tpu.memory_space<vmem>>, vector<1x16xf32>,
          %swap3A_267 = vector.shape_cast %swap3A_266 : vector<1x16xf32> to vector<16xf32>
          %swap3A_268 = vector.shape_cast %mul3A_229 : vector<16xf32> to vector<1x16xf32>
          tpu.vector_store %arg12[%swap3A_264, %swap3A_265], %swap3A_268 {strides = array<i32>} : memref<128x128xf32, #tpu.memory_space<vmem>>, vector<1x16xf32>,
          %swap3A_269 = arith.index_cast %scan3A_214 : i32 to index
          %swap3A_270 = arith.constant 32 : index
          %swap3A_271 = tpu.vector_load %arg12[%swap3A_269, %swap3A_270] {strides = array<i32>} : memref<128x128xf32, #tpu.memory_space<vmem>>, vector<1x16xf32>,
          %swap3A_272 = vector.shape_cast %swap3A_271 : vector<1x16xf32> to vector<16xf32>
          %swap3A_273 = vector.shape_cast %mul3A_234 : vector<16xf32> to vector<1x16xf32>
          tpu.vector_store %arg12[%swap3A_269, %swap3A_270], %swap3A_273 {strides = array<i32>} : memref<128x128xf32, #tpu.memory_space<vmem>>, vector<1x16xf32>,
          %swap3A_274 = arith.index_cast %scan3A_214 : i32 to index
          %swap3A_275 = arith.constant 48 : index
          %swap3A_276 = tpu.vector_load %arg12[%swap3A_274, %swap3A_275] {strides = array<i32>} : memref<128x128xf32, #tpu.memory_space<vmem>>, vector<1x16xf32>,
          %swap3A_277 = vector.shape_cast %swap3A_276 : vector<1x16xf32> to vector<16xf32>
          %swap3A_278 = vector.shape_cast %mul3A_239 : vector<16xf32> to vector<1x16xf32>
          tpu.vector_store %arg12[%swap3A_274, %swap3A_275], %swap3A_278 {strides = array<i32>} : memref<128x128xf32, #tpu.memory_space<vmem>>, vector<1x16xf32>,
          %swap3A_279 = arith.index_cast %scan3A_214 : i32 to index
          %swap3A_280 = arith.constant 64 : index
          %swap3A_281 = tpu.vector_load %arg12[%swap3A_279, %swap3A_280] {strides = array<i32>} : memref<128x128xf32, #tpu.memory_space<vmem>>, vector<1x16xf32>,
          %swap3A_282 = vector.shape_cast %swap3A_281 : vector<1x16xf32> to vector<16xf32>
          %swap3A_283 = vector.shape_cast %mul3A_244 : vector<16xf32> to vector<1x16xf32>
          tpu.vector_store %arg12[%swap3A_279, %swap3A_280], %swap3A_283 {strides = array<i32>} : memref<128x128xf32, #tpu.memory_space<vmem>>, vector<1x16xf32>,
          %swap3A_284 = arith.index_cast %scan3A_214 : i32 to index
          %swap3A_285 = arith.constant 80 : index
          %swap3A_286 = tpu.vector_load %arg12[%swap3A_284, %swap3A_285] {strides = array<i32>} : memref<128x128xf32, #tpu.memory_space<vmem>>, vector<1x16xf32>,
          %swap3A_287 = vector.shape_cast %swap3A_286 : vector<1x16xf32> to vector<16xf32>
          %swap3A_288 = vector.shape_cast %mul3A_249 : vector<16xf32> to vector<1x16xf32>
          tpu.vector_store %arg12[%swap3A_284, %swap3A_285], %swap3A_288 {strides = array<i32>} : memref<128x128xf32, #tpu.memory_space<vmem>>, vector<1x16xf32>,
          %swap3A_289 = arith.index_cast %scan3A_214 : i32 to index
          %swap3A_290 = arith.constant 96 : index
          %swap3A_291 = tpu.vector_load %arg12[%swap3A_289, %swap3A_290] {strides = array<i32>} : memref<128x128xf32, #tpu.memory_space<vmem>>, vector<1x16xf32>,
          %swap3A_292 = vector.shape_cast %swap3A_291 : vector<1x16xf32> to vector<16xf32>
          %swap3A_293 = vector.shape_cast %mul3A_254 : vector<16xf32> to vector<1x16xf32>
          tpu.vector_store %arg12[%swap3A_289, %swap3A_290], %swap3A_293 {strides = array<i32>} : memref<128x128xf32, #tpu.memory_space<vmem>>, vector<1x16xf32>,
          %swap3A_294 = arith.index_cast %scan3A_214 : i32 to index
          %swap3A_295 = arith.constant 112 : index
          %swap3A_296 = tpu.vector_load %arg12[%swap3A_294, %swap3A_295] {strides = array<i32>} : memref<128x128xf32, #tpu.memory_space<vmem>>, vector<1x16xf32>,
          %swap3A_297 = vector.shape_cast %swap3A_296 : vector<1x16xf32> to vector<16xf32>
          %swap3A_298 = vector.shape_cast %mul3A_259 : vector<16xf32> to vector<1x16xf32>
          tpu.vector_store %arg12[%swap3A_294, %swap3A_295], %swap3A_298 {strides = array<i32>} : memref<128x128xf32, #tpu.memory_space<vmem>>, vector<1x16xf32>,
        }
        %scan3A_203 = arith.constant 128 : i32
        "tpu.region"() ({
          %run_scoped3A = tpu.sem_alloc : memref<!tpu.dma_semaphore, #tpu.memory_space<semaphore_mem>>
          %dma_start3A_214 = arith.constant 0 : i32
          %dma_start3A_215 = tpu.memref_slice %arg10[%add3A_187, %dma_start3A_214] : memref<32x128xi32, #tpu.memory_space<vmem>> -> memref<1x128xi32, #tpu.memory_space<vmem>>
          %dma_start3A_216 = tpu.memref_squeeze %dma_start3A_215 : memref<1x128xi32, #tpu.memory_space<vmem>> -> memref<128xi32, #tpu.memory_space<vmem>>
          %dma_start3A_217 = arith.constant 0 : i32
          %dma_start3A_218 = arith.constant 0 : i32
          %dma_start3A_219 = tpu.memref_slice %arg8[%dma_start3A_217, %dma_start3A_218] : memref<10240x128xf32, #tpu.memory_space<vmem_shared>> -> memref<10240x128xf32, #tpu.memory_space<vmem_shared>>
          tpu.enqueue_indirect_dma source(%arg12 : memref<128x128xf32, #tpu.memory_space<vmem>>) target(%dma_start3A_219 : memref<10240x128xf32, #tpu.memory_space<vmem_shared>>) offsets(%dma_start3A_216 : memref<128xi32, #tpu.memory_space<vmem>>) semaphore(%run_scoped3A : memref<!tpu.dma_semaphore, #tpu.memory_space<semaphore_mem>>) {add = true}
          %dma_wait3A_220 = arith.constant 0 : i32
          %dma_wait3A_221 = tpu.memref_slice %arg10[%add3A_187, %dma_wait3A_220] : memref<32x128xi32, #tpu.memory_space<vmem>> -> memref<1x128xi32, #tpu.memory_space<vmem>>
          %dma_wait3A_222 = tpu.memref_squeeze %dma_wait3A_221 : memref<1x128xi32, #tpu.memory_space<vmem>> -> memref<128xi32, #tpu.memory_space<vmem>>
          %dma_wait3A_223 = arith.constant 0 : i32
          %dma_wait3A_224 = arith.constant 0 : i32
          %dma_wait3A_225 = tpu.memref_slice %arg8[%dma_wait3A_223, %dma_wait3A_224] : memref<10240x128xf32, #tpu.memory_space<vmem_shared>> -> memref<10240x128xf32, #tpu.memory_space<vmem_shared>>
          tpu.wait_indirect_dma semaphore(%run_scoped3A : memref<!tpu.dma_semaphore, #tpu.memory_space<semaphore_mem>>) src(%arg12 : memref<128x128xf32, #tpu.memory_space<vmem>>) dst(%dma_wait3A_225 : memref<10240x128xf32, #tpu.memory_space<vmem_shared>>)
          tpu.yield
        }) : () -> ()
        %add3A_204 = arith.constant 2 : i32
        %add3A_205 = arith.addi %add3A_187, %add3A_204 : i32
        %lt3A_206 = arith.cmpi slt, %add3A_205, %min3A_127 : i32
        %convert_element_type3A_207 = arith.extui %lt3A_206 : i1 to i32
        %cond3A_208 = arith.constant 0 : i32
        %cond3A_209 = arith.cmpi ne, %convert_element_type3A_207, %cond3A_208 : i32
        scf.if %cond3A_209 {
          %add3A_214 = arith.constant 2 : i32
          %add3A_215 = arith.addi %add3A_187, %add3A_214 : i32
          %mul3A_216 = arith.constant 128 : i32
          %mul3A_217 = arith.muli %add3A_215, %mul3A_216 : i32
          %dma_start3A_218 = tpu.memref_slice %arg9[%mul3A_217] : memref<4096xi32, #tpu.memory_space<vmem>> -> memref<128xi32, #tpu.memory_space<vmem>>
          %dma_start3A_219 = arith.constant 0 : i32
          %dma_start3A_220 = arith.constant 0 : i32
          %dma_start3A_221 = tpu.memref_slice %arg2[%dma_start3A_219, %dma_start3A_220] : memref<10240x128xf32, #tpu.memory_space<hbm>> -> memref<10240x128xf32, #tpu.memory_space<hbm>>
          tpu.enqueue_indirect_dma source(%dma_start3A_221 : memref<10240x128xf32, #tpu.memory_space<hbm>>) target(%arg12 : memref<128x128xf32, #tpu.memory_space<vmem>>) offsets(%dma_start3A_218 : memref<128xi32, #tpu.memory_space<vmem>>) semaphore(%arg15 : memref<!tpu.dma_semaphore, #tpu.memory_space<semaphore_mem>>)
        } else {
        }
        %lt3A_210 = arith.cmpi slt, %add3A_189, %min3A_127 : i32
        %convert_element_type3A_211 = arith.extui %lt3A_210 : i1 to i32
        %cond3A_212 = arith.constant 0 : i32
        %cond3A_213 = arith.cmpi ne, %convert_element_type3A_211, %cond3A_212 : i32
        scf.if %cond3A_213 {
          %dma_wait3A_214 = arith.constant 0 : i32
          %dma_wait3A_215 = tpu.memref_slice %arg9[%dma_wait3A_214] : memref<4096xi32, #tpu.memory_space<vmem>> -> memref<128xi32, #tpu.memory_space<vmem>>
          %dma_wait3A_216 = arith.constant 0 : i32
          %dma_wait3A_217 = arith.constant 0 : i32
          %dma_wait3A_218 = tpu.memref_slice %arg2[%dma_wait3A_216, %dma_wait3A_217] : memref<10240x128xf32, #tpu.memory_space<hbm>> -> memref<10240x128xf32, #tpu.memory_space<hbm>>
          tpu.wait_indirect_dma semaphore(%arg16 : memref<!tpu.dma_semaphore, #tpu.memory_space<semaphore_mem>>) src(%dma_wait3A_218 : memref<10240x128xf32, #tpu.memory_space<hbm>>) dst(%arg13 : memref<128x128xf32, #tpu.memory_space<vmem>>)
          %scan3A_219 = arith.constant 0 : i32
          %scan3A_220 = arith.constant 0 : i32
          %scan3A_221 = arith.constant 128 : i32
          %scan3A_222 = arith.addi %scan3A_220, %scan3A_221 : i32
          %scan3A_223 = arith.constant 1 : i32
          scf.for %scan3A_225 = %scan3A_220 to %scan3A_222 step %scan3A_223  : i32 {
            %mul3A_226 = arith.constant 128 : i32
            %mul3A_227 = arith.muli %add3A_189, %mul3A_226 : i32
            %add3A_228 = arith.addi %mul3A_227, %scan3A_225 : i32
            %get3A = arith.index_cast %add3A_228 : i32 to index
            %get3A_229 = tpu.vector_load %arg11[%get3A] {strides = array<i32>} : memref<4096xf32, #tpu.memory_space<vmem>>, vector<16xf32>,
            %get3A_230 = vector.shape_cast %get3A_229 : vector<16xf32> to vector<16xf32>
            %slice3A = vector.extract_strided_slice %get3A_230 {offsets = [0], sizes = [1], strides = [1]} : vector<16xf32> to vector<1xf32>
            %squeeze3A = vector.extract %slice3A[0] : f32 from vector<1xf32>
            %broadcast_in_dim3A = vector.broadcast %squeeze3A : f32 to vector<16xf32>
            %get3A_231 = arith.index_cast %scan3A_225 : i32 to index
            %get3A_232 = arith.constant 0 : index
            %get3A_233 = tpu.vector_load %arg13[%get3A_231, %get3A_232] {strides = array<i32>} : memref<128x128xf32, #tpu.memory_space<vmem>>, vector<1x16xf32>,
            %get3A_234 = vector.shape_cast %get3A_233 : vector<1x16xf32> to vector<16xf32>
            %mul3A_235 = arith.mulf %get3A_234, %broadcast_in_dim3A : vector<16xf32>
            %get3A_236 = arith.index_cast %scan3A_225 : i32 to index
            %get3A_237 = arith.constant 16 : index
            %get3A_238 = tpu.vector_load %arg13[%get3A_236, %get3A_237] {strides = array<i32>} : memref<128x128xf32, #tpu.memory_space<vmem>>, vector<1x16xf32>,
            %get3A_239 = vector.shape_cast %get3A_238 : vector<1x16xf32> to vector<16xf32>
            %mul3A_240 = arith.mulf %get3A_239, %broadcast_in_dim3A : vector<16xf32>
            %get3A_241 = arith.index_cast %scan3A_225 : i32 to index
            %get3A_242 = arith.constant 32 : index
            %get3A_243 = tpu.vector_load %arg13[%get3A_241, %get3A_242] {strides = array<i32>} : memref<128x128xf32, #tpu.memory_space<vmem>>, vector<1x16xf32>,
            %get3A_244 = vector.shape_cast %get3A_243 : vector<1x16xf32> to vector<16xf32>
            %mul3A_245 = arith.mulf %get3A_244, %broadcast_in_dim3A : vector<16xf32>
            %get3A_246 = arith.index_cast %scan3A_225 : i32 to index
            %get3A_247 = arith.constant 48 : index
            %get3A_248 = tpu.vector_load %arg13[%get3A_246, %get3A_247] {strides = array<i32>} : memref<128x128xf32, #tpu.memory_space<vmem>>, vector<1x16xf32>,
            %get3A_249 = vector.shape_cast %get3A_248 : vector<1x16xf32> to vector<16xf32>
            %mul3A_250 = arith.mulf %get3A_249, %broadcast_in_dim3A : vector<16xf32>
            %get3A_251 = arith.index_cast %scan3A_225 : i32 to index
            %get3A_252 = arith.constant 64 : index
            %get3A_253 = tpu.vector_load %arg13[%get3A_251, %get3A_252] {strides = array<i32>} : memref<128x128xf32, #tpu.memory_space<vmem>>, vector<1x16xf32>,
            %get3A_254 = vector.shape_cast %get3A_253 : vector<1x16xf32> to vector<16xf32>
            %mul3A_255 = arith.mulf %get3A_254, %broadcast_in_dim3A : vector<16xf32>
            %get3A_256 = arith.index_cast %scan3A_225 : i32 to index
            %get3A_257 = arith.constant 80 : index
            %get3A_258 = tpu.vector_load %arg13[%get3A_256, %get3A_257] {strides = array<i32>} : memref<128x128xf32, #tpu.memory_space<vmem>>, vector<1x16xf32>,
            %get3A_259 = vector.shape_cast %get3A_258 : vector<1x16xf32> to vector<16xf32>
            %mul3A_260 = arith.mulf %get3A_259, %broadcast_in_dim3A : vector<16xf32>
            %get3A_261 = arith.index_cast %scan3A_225 : i32 to index
            %get3A_262 = arith.constant 96 : index
            %get3A_263 = tpu.vector_load %arg13[%get3A_261, %get3A_262] {strides = array<i32>} : memref<128x128xf32, #tpu.memory_space<vmem>>, vector<1x16xf32>,
            %get3A_264 = vector.shape_cast %get3A_263 : vector<1x16xf32> to vector<16xf32>
            %mul3A_265 = arith.mulf %get3A_264, %broadcast_in_dim3A : vector<16xf32>
            %get3A_266 = arith.index_cast %scan3A_225 : i32 to index
            %get3A_267 = arith.constant 112 : index
            %get3A_268 = tpu.vector_load %arg13[%get3A_266, %get3A_267] {strides = array<i32>} : memref<128x128xf32, #tpu.memory_space<vmem>>, vector<1x16xf32>,
            %get3A_269 = vector.shape_cast %get3A_268 : vector<1x16xf32> to vector<16xf32>
            %mul3A_270 = arith.mulf %get3A_269, %broadcast_in_dim3A : vector<16xf32>
            %swap3A = arith.index_cast %scan3A_225 : i32 to index
            %swap3A_271 = arith.constant 0 : index
            %swap3A_272 = tpu.vector_load %arg13[%swap3A, %swap3A_271] {strides = array<i32>} : memref<128x128xf32, #tpu.memory_space<vmem>>, vector<1x16xf32>,
            %swap3A_273 = vector.shape_cast %swap3A_272 : vector<1x16xf32> to vector<16xf32>
            %swap3A_274 = vector.shape_cast %mul3A_235 : vector<16xf32> to vector<1x16xf32>
            tpu.vector_store %arg13[%swap3A, %swap3A_271], %swap3A_274 {strides = array<i32>} : memref<128x128xf32, #tpu.memory_space<vmem>>, vector<1x16xf32>,
            %swap3A_275 = arith.index_cast %scan3A_225 : i32 to index
            %swap3A_276 = arith.constant 16 : index
            %swap3A_277 = tpu.vector_load %arg13[%swap3A_275, %swap3A_276] {strides = array<i32>} : memref<128x128xf32, #tpu.memory_space<vmem>>, vector<1x16xf32>,
            %swap3A_278 = vector.shape_cast %swap3A_277 : vector<1x16xf32> to vector<16xf32>
            %swap3A_279 = vector.shape_cast %mul3A_240 : vector<16xf32> to vector<1x16xf32>
            tpu.vector_store %arg13[%swap3A_275, %swap3A_276], %swap3A_279 {strides = array<i32>} : memref<128x128xf32, #tpu.memory_space<vmem>>, vector<1x16xf32>,
            %swap3A_280 = arith.index_cast %scan3A_225 : i32 to index
            %swap3A_281 = arith.constant 32 : index
            %swap3A_282 = tpu.vector_load %arg13[%swap3A_280, %swap3A_281] {strides = array<i32>} : memref<128x128xf32, #tpu.memory_space<vmem>>, vector<1x16xf32>,
            %swap3A_283 = vector.shape_cast %swap3A_282 : vector<1x16xf32> to vector<16xf32>
            %swap3A_284 = vector.shape_cast %mul3A_245 : vector<16xf32> to vector<1x16xf32>
            tpu.vector_store %arg13[%swap3A_280, %swap3A_281], %swap3A_284 {strides = array<i32>} : memref<128x128xf32, #tpu.memory_space<vmem>>, vector<1x16xf32>,
            %swap3A_285 = arith.index_cast %scan3A_225 : i32 to index
            %swap3A_286 = arith.constant 48 : index
            %swap3A_287 = tpu.vector_load %arg13[%swap3A_285, %swap3A_286] {strides = array<i32>} : memref<128x128xf32, #tpu.memory_space<vmem>>, vector<1x16xf32>,
            %swap3A_288 = vector.shape_cast %swap3A_287 : vector<1x16xf32> to vector<16xf32>
            %swap3A_289 = vector.shape_cast %mul3A_250 : vector<16xf32> to vector<1x16xf32>
            tpu.vector_store %arg13[%swap3A_285, %swap3A_286], %swap3A_289 {strides = array<i32>} : memref<128x128xf32, #tpu.memory_space<vmem>>, vector<1x16xf32>,
            %swap3A_290 = arith.index_cast %scan3A_225 : i32 to index
            %swap3A_291 = arith.constant 64 : index
            %swap3A_292 = tpu.vector_load %arg13[%swap3A_290, %swap3A_291] {strides = array<i32>} : memref<128x128xf32, #tpu.memory_space<vmem>>, vector<1x16xf32>,
            %swap3A_293 = vector.shape_cast %swap3A_292 : vector<1x16xf32> to vector<16xf32>
            %swap3A_294 = vector.shape_cast %mul3A_255 : vector<16xf32> to vector<1x16xf32>
            tpu.vector_store %arg13[%swap3A_290, %swap3A_291], %swap3A_294 {strides = array<i32>} : memref<128x128xf32, #tpu.memory_space<vmem>>, vector<1x16xf32>,
            %swap3A_295 = arith.index_cast %scan3A_225 : i32 to index
            %swap3A_296 = arith.constant 80 : index
            %swap3A_297 = tpu.vector_load %arg13[%swap3A_295, %swap3A_296] {strides = array<i32>} : memref<128x128xf32, #tpu.memory_space<vmem>>, vector<1x16xf32>,
            %swap3A_298 = vector.shape_cast %swap3A_297 : vector<1x16xf32> to vector<16xf32>
            %swap3A_299 = vector.shape_cast %mul3A_260 : vector<16xf32> to vector<1x16xf32>
            tpu.vector_store %arg13[%swap3A_295, %swap3A_296], %swap3A_299 {strides = array<i32>} : memref<128x128xf32, #tpu.memory_space<vmem>>, vector<1x16xf32>,
            %swap3A_300 = arith.index_cast %scan3A_225 : i32 to index
            %swap3A_301 = arith.constant 96 : index
            %swap3A_302 = tpu.vector_load %arg13[%swap3A_300, %swap3A_301] {strides = array<i32>} : memref<128x128xf32, #tpu.memory_space<vmem>>, vector<1x16xf32>,
            %swap3A_303 = vector.shape_cast %swap3A_302 : vector<1x16xf32> to vector<16xf32>
            %swap3A_304 = vector.shape_cast %mul3A_265 : vector<16xf32> to vector<1x16xf32>
            tpu.vector_store %arg13[%swap3A_300, %swap3A_301], %swap3A_304 {strides = array<i32>} : memref<128x128xf32, #tpu.memory_space<vmem>>, vector<1x16xf32>,
            %swap3A_305 = arith.index_cast %scan3A_225 : i32 to index
            %swap3A_306 = arith.constant 112 : index
            %swap3A_307 = tpu.vector_load %arg13[%swap3A_305, %swap3A_306] {strides = array<i32>} : memref<128x128xf32, #tpu.memory_space<vmem>>, vector<1x16xf32>,
            %swap3A_308 = vector.shape_cast %swap3A_307 : vector<1x16xf32> to vector<16xf32>
            %swap3A_309 = vector.shape_cast %mul3A_270 : vector<16xf32> to vector<1x16xf32>
            tpu.vector_store %arg13[%swap3A_305, %swap3A_306], %swap3A_309 {strides = array<i32>} : memref<128x128xf32, #tpu.memory_space<vmem>>, vector<1x16xf32>,
          }
          %scan3A_224 = arith.constant 128 : i32
          "tpu.region"() ({
            %run_scoped3A = tpu.sem_alloc : memref<!tpu.dma_semaphore, #tpu.memory_space<semaphore_mem>>
            %dma_start3A_225 = arith.constant 0 : i32
            %dma_start3A_226 = tpu.memref_slice %arg10[%add3A_189, %dma_start3A_225] : memref<32x128xi32, #tpu.memory_space<vmem>> -> memref<1x128xi32, #tpu.memory_space<vmem>>
            %dma_start3A_227 = tpu.memref_squeeze %dma_start3A_226 : memref<1x128xi32, #tpu.memory_space<vmem>> -> memref<128xi32, #tpu.memory_space<vmem>>
            %dma_start3A_228 = arith.constant 0 : i32
            %dma_start3A_229 = arith.constant 0 : i32
            %dma_start3A_230 = tpu.memref_slice %arg8[%dma_start3A_228, %dma_start3A_229] : memref<10240x128xf32, #tpu.memory_space<vmem_shared>> -> memref<10240x128xf32, #tpu.memory_space<vmem_shared>>
            tpu.enqueue_indirect_dma source(%arg13 : memref<128x128xf32, #tpu.memory_space<vmem>>) target(%dma_start3A_230 : memref<10240x128xf32, #tpu.memory_space<vmem_shared>>) offsets(%dma_start3A_227 : memref<128xi32, #tpu.memory_space<vmem>>) semaphore(%run_scoped3A : memref<!tpu.dma_semaphore, #tpu.memory_space<semaphore_mem>>) {add = true}
            %dma_wait3A_231 = arith.constant 0 : i32
            %dma_wait3A_232 = tpu.memref_slice %arg10[%add3A_189, %dma_wait3A_231] : memref<32x128xi32, #tpu.memory_space<vmem>> -> memref<1x128xi32, #tpu.memory_space<vmem>>
            %dma_wait3A_233 = tpu.memref_squeeze %dma_wait3A_232 : memref<1x128xi32, #tpu.memory_space<vmem>> -> memref<128xi32, #tpu.memory_space<vmem>>
            %dma_wait3A_234 = arith.constant 0 : i32
            %dma_wait3A_235 = arith.constant 0 : i32
            %dma_wait3A_236 = tpu.memref_slice %arg8[%dma_wait3A_234, %dma_wait3A_235] : memref<10240x128xf32, #tpu.memory_space<vmem_shared>> -> memref<10240x128xf32, #tpu.memory_space<vmem_shared>>
            tpu.wait_indirect_dma semaphore(%run_scoped3A : memref<!tpu.dma_semaphore, #tpu.memory_space<semaphore_mem>>) src(%arg13 : memref<128x128xf32, #tpu.memory_space<vmem>>) dst(%dma_wait3A_236 : memref<10240x128xf32, #tpu.memory_space<vmem_shared>>)
            tpu.yield
          }) : () -> ()
        } else {
        }
      }
      %while3A_183 = arith.constant 1 : i32
      scf.for %while3A_184 = %while3A_181 to %while3A_177 step %while3A_183  : i32 {
        %mul3A_185 = arith.constant 2 : i32
        %mul3A_186 = arith.muli %mul3A_185, %while3A_184 : i32
        %add3A_187 = arith.addi %max3A_125, %mul3A_186 : i32
        %add3A_188 = arith.constant 1 : i32
        %add3A_189 = arith.addi %add3A_187, %add3A_188 : i32
        %lt3A_190 = arith.cmpi slt, %add3A_189, %min3A_127 : i32
        %convert_element_type3A_191 = arith.extui %lt3A_190 : i1 to i32
        %cond3A_192 = arith.constant 0 : i32
        %cond3A_193 = arith.cmpi ne, %convert_element_type3A_191, %cond3A_192 : i32
        scf.if %cond3A_193 {
          %mul3A_214 = arith.constant 128 : i32
          %mul3A_215 = arith.muli %add3A_189, %mul3A_214 : i32
          %dma_start3A_216 = tpu.memref_slice %arg9[%mul3A_215] : memref<4096xi32, #tpu.memory_space<vmem>> -> memref<128xi32, #tpu.memory_space<vmem>>
          %dma_start3A_217 = arith.constant 0 : i32
          %dma_start3A_218 = arith.constant 0 : i32
          %dma_start3A_219 = tpu.memref_slice %arg2[%dma_start3A_217, %dma_start3A_218] : memref<10240x128xf32, #tpu.memory_space<hbm>> -> memref<10240x128xf32, #tpu.memory_space<hbm>>
          tpu.enqueue_indirect_dma source(%dma_start3A_219 : memref<10240x128xf32, #tpu.memory_space<hbm>>) target(%arg13 : memref<128x128xf32, #tpu.memory_space<vmem>>) offsets(%dma_start3A_216 : memref<128xi32, #tpu.memory_space<vmem>>) semaphore(%arg16 : memref<!tpu.dma_semaphore, #tpu.memory_space<semaphore_mem>>)
        } else {
        }
        %dma_wait3A_194 = arith.constant 0 : i32
        %dma_wait3A_195 = tpu.memref_slice %arg9[%dma_wait3A_194] : memref<4096xi32, #tpu.memory_space<vmem>> -> memref<128xi32, #tpu.memory_space<vmem>>
        %dma_wait3A_196 = arith.constant 0 : i32
        %dma_wait3A_197 = arith.constant 0 : i32
        %dma_wait3A_198 = tpu.memref_slice %arg2[%dma_wait3A_196, %dma_wait3A_197] : memref<10240x128xf32, #tpu.memory_space<hbm>> -> memref<10240x128xf32, #tpu.memory_space<hbm>>
        tpu.wait_indirect_dma semaphore(%arg15 : memref<!tpu.dma_semaphore, #tpu.memory_space<semaphore_mem>>) src(%dma_wait3A_198 : memref<10240x128xf32, #tpu.memory_space<hbm>>) dst(%arg12 : memref<128x128xf32, #tpu.memory_space<vmem>>)
        %scan3A = arith.constant 0 : i32
        %scan3A_199 = arith.constant 0 : i32
        %scan3A_200 = arith.constant 128 : i32
        %scan3A_201 = arith.addi %scan3A_199, %scan3A_200 : i32
        %scan3A_202 = arith.constant 1 : i32
        scf.for %scan3A_214 = %scan3A_199 to %scan3A_201 step %scan3A_202  : i32 {
          %mul3A_215 = arith.constant 128 : i32
          %mul3A_216 = arith.muli %add3A_187, %mul3A_215 : i32
          %add3A_217 = arith.addi %mul3A_216, %scan3A_214 : i32
          %get3A = arith.index_cast %add3A_217 : i32 to index
          %get3A_218 = tpu.vector_load %arg11[%get3A] {strides = array<i32>} : memref<4096xf32, #tpu.memory_space<vmem>>, vector<16xf32>,
          %get3A_219 = vector.shape_cast %get3A_218 : vector<16xf32> to vector<16xf32>
          %slice3A = vector.extract_strided_slice %get3A_219 {offsets = [0], sizes = [1], strides = [1]} : vector<16xf32> to vector<1xf32>
          %squeeze3A = vector.extract %slice3A[0] : f32 from vector<1xf32>
          %broadcast_in_dim3A = vector.broadcast %squeeze3A : f32 to vector<16xf32>
          %get3A_220 = arith.index_cast %scan3A_214 : i32 to index
          %get3A_221 = arith.constant 0 : index
          %get3A_222 = tpu.vector_load %arg12[%get3A_220, %get3A_221] {strides = array<i32>} : memref<128x128xf32, #tpu.memory_space<vmem>>, vector<1x16xf32>,
          %get3A_223 = vector.shape_cast %get3A_222 : vector<1x16xf32> to vector<16xf32>
          %mul3A_224 = arith.mulf %get3A_223, %broadcast_in_dim3A : vector<16xf32>
          %get3A_225 = arith.index_cast %scan3A_214 : i32 to index
          %get3A_226 = arith.constant 16 : index
          %get3A_227 = tpu.vector_load %arg12[%get3A_225, %get3A_226] {strides = array<i32>} : memref<128x128xf32, #tpu.memory_space<vmem>>, vector<1x16xf32>,
          %get3A_228 = vector.shape_cast %get3A_227 : vector<1x16xf32> to vector<16xf32>
          %mul3A_229 = arith.mulf %get3A_228, %broadcast_in_dim3A : vector<16xf32>
          %get3A_230 = arith.index_cast %scan3A_214 : i32 to index
          %get3A_231 = arith.constant 32 : index
          %get3A_232 = tpu.vector_load %arg12[%get3A_230, %get3A_231] {strides = array<i32>} : memref<128x128xf32, #tpu.memory_space<vmem>>, vector<1x16xf32>,
          %get3A_233 = vector.shape_cast %get3A_232 : vector<1x16xf32> to vector<16xf32>
          %mul3A_234 = arith.mulf %get3A_233, %broadcast_in_dim3A : vector<16xf32>
          %get3A_235 = arith.index_cast %scan3A_214 : i32 to index
          %get3A_236 = arith.constant 48 : index
          %get3A_237 = tpu.vector_load %arg12[%get3A_235, %get3A_236] {strides = array<i32>} : memref<128x128xf32, #tpu.memory_space<vmem>>, vector<1x16xf32>,
          %get3A_238 = vector.shape_cast %get3A_237 : vector<1x16xf32> to vector<16xf32>
          %mul3A_239 = arith.mulf %get3A_238, %broadcast_in_dim3A : vector<16xf32>
          %get3A_240 = arith.index_cast %scan3A_214 : i32 to index
          %get3A_241 = arith.constant 64 : index
          %get3A_242 = tpu.vector_load %arg12[%get3A_240, %get3A_241] {strides = array<i32>} : memref<128x128xf32, #tpu.memory_space<vmem>>, vector<1x16xf32>,
          %get3A_243 = vector.shape_cast %get3A_242 : vector<1x16xf32> to vector<16xf32>
          %mul3A_244 = arith.mulf %get3A_243, %broadcast_in_dim3A : vector<16xf32>
          %get3A_245 = arith.index_cast %scan3A_214 : i32 to index
          %get3A_246 = arith.constant 80 : index
          %get3A_247 = tpu.vector_load %arg12[%get3A_245, %get3A_246] {strides = array<i32>} : memref<128x128xf32, #tpu.memory_space<vmem>>, vector<1x16xf32>,
          %get3A_248 = vector.shape_cast %get3A_247 : vector<1x16xf32> to vector<16xf32>
          %mul3A_249 = arith.mulf %get3A_248, %broadcast_in_dim3A : vector<16xf32>
          %get3A_250 = arith.index_cast %scan3A_214 : i32 to index
          %get3A_251 = arith.constant 96 : index
          %get3A_252 = tpu.vector_load %arg12[%get3A_250, %get3A_251] {strides = array<i32>} : memref<128x128xf32, #tpu.memory_space<vmem>>, vector<1x16xf32>,
          %get3A_253 = vector.shape_cast %get3A_252 : vector<1x16xf32> to vector<16xf32>
          %mul3A_254 = arith.mulf %get3A_253, %broadcast_in_dim3A : vector<16xf32>
          %get3A_255 = arith.index_cast %scan3A_214 : i32 to index
          %get3A_256 = arith.constant 112 : index
          %get3A_257 = tpu.vector_load %arg12[%get3A_255, %get3A_256] {strides = array<i32>} : memref<128x128xf32, #tpu.memory_space<vmem>>, vector<1x16xf32>,
          %get3A_258 = vector.shape_cast %get3A_257 : vector<1x16xf32> to vector<16xf32>
          %mul3A_259 = arith.mulf %get3A_258, %broadcast_in_dim3A : vector<16xf32>
          %swap3A = arith.index_cast %scan3A_214 : i32 to index
          %swap3A_260 = arith.constant 0 : index
          %swap3A_261 = tpu.vector_load %arg12[%swap3A, %swap3A_260] {strides = array<i32>} : memref<128x128xf32, #tpu.memory_space<vmem>>, vector<1x16xf32>,
          %swap3A_262 = vector.shape_cast %swap3A_261 : vector<1x16xf32> to vector<16xf32>
          %swap3A_263 = vector.shape_cast %mul3A_224 : vector<16xf32> to vector<1x16xf32>
          tpu.vector_store %arg12[%swap3A, %swap3A_260], %swap3A_263 {strides = array<i32>} : memref<128x128xf32, #tpu.memory_space<vmem>>, vector<1x16xf32>,
          %swap3A_264 = arith.index_cast %scan3A_214 : i32 to index
          %swap3A_265 = arith.constant 16 : index
          %swap3A_266 = tpu.vector_load %arg12[%swap3A_264, %swap3A_265] {strides = array<i32>} : memref<128x128xf32, #tpu.memory_space<vmem>>, vector<1x16xf32>,
          %swap3A_267 = vector.shape_cast %swap3A_266 : vector<1x16xf32> to vector<16xf32>
          %swap3A_268 = vector.shape_cast %mul3A_229 : vector<16xf32> to vector<1x16xf32>
          tpu.vector_store %arg12[%swap3A_264, %swap3A_265], %swap3A_268 {strides = array<i32>} : memref<128x128xf32, #tpu.memory_space<vmem>>, vector<1x16xf32>,
          %swap3A_269 = arith.index_cast %scan3A_214 : i32 to index
          %swap3A_270 = arith.constant 32 : index
          %swap3A_271 = tpu.vector_load %arg12[%swap3A_269, %swap3A_270] {strides = array<i32>} : memref<128x128xf32, #tpu.memory_space<vmem>>, vector<1x16xf32>,
          %swap3A_272 = vector.shape_cast %swap3A_271 : vector<1x16xf32> to vector<16xf32>
          %swap3A_273 = vector.shape_cast %mul3A_234 : vector<16xf32> to vector<1x16xf32>
          tpu.vector_store %arg12[%swap3A_269, %swap3A_270], %swap3A_273 {strides = array<i32>} : memref<128x128xf32, #tpu.memory_space<vmem>>, vector<1x16xf32>,
          %swap3A_274 = arith.index_cast %scan3A_214 : i32 to index
          %swap3A_275 = arith.constant 48 : index
          %swap3A_276 = tpu.vector_load %arg12[%swap3A_274, %swap3A_275] {strides = array<i32>} : memref<128x128xf32, #tpu.memory_space<vmem>>, vector<1x16xf32>,
          %swap3A_277 = vector.shape_cast %swap3A_276 : vector<1x16xf32> to vector<16xf32>
          %swap3A_278 = vector.shape_cast %mul3A_239 : vector<16xf32> to vector<1x16xf32>
          tpu.vector_store %arg12[%swap3A_274, %swap3A_275], %swap3A_278 {strides = array<i32>} : memref<128x128xf32, #tpu.memory_space<vmem>>, vector<1x16xf32>,
          %swap3A_279 = arith.index_cast %scan3A_214 : i32 to index
          %swap3A_280 = arith.constant 64 : index
          %swap3A_281 = tpu.vector_load %arg12[%swap3A_279, %swap3A_280] {strides = array<i32>} : memref<128x128xf32, #tpu.memory_space<vmem>>, vector<1x16xf32>,
          %swap3A_282 = vector.shape_cast %swap3A_281 : vector<1x16xf32> to vector<16xf32>
          %swap3A_283 = vector.shape_cast %mul3A_244 : vector<16xf32> to vector<1x16xf32>
          tpu.vector_store %arg12[%swap3A_279, %swap3A_280], %swap3A_283 {strides = array<i32>} : memref<128x128xf32, #tpu.memory_space<vmem>>, vector<1x16xf32>,
          %swap3A_284 = arith.index_cast %scan3A_214 : i32 to index
          %swap3A_285 = arith.constant 80 : index
          %swap3A_286 = tpu.vector_load %arg12[%swap3A_284, %swap3A_285] {strides = array<i32>} : memref<128x128xf32, #tpu.memory_space<vmem>>, vector<1x16xf32>,
          %swap3A_287 = vector.shape_cast %swap3A_286 : vector<1x16xf32> to vector<16xf32>
          %swap3A_288 = vector.shape_cast %mul3A_249 : vector<16xf32> to vector<1x16xf32>
          tpu.vector_store %arg12[%swap3A_284, %swap3A_285], %swap3A_288 {strides = array<i32>} : memref<128x128xf32, #tpu.memory_space<vmem>>, vector<1x16xf32>,
          %swap3A_289 = arith.index_cast %scan3A_214 : i32 to index
          %swap3A_290 = arith.constant 96 : index
          %swap3A_291 = tpu.vector_load %arg12[%swap3A_289, %swap3A_290] {strides = array<i32>} : memref<128x128xf32, #tpu.memory_space<vmem>>, vector<1x16xf32>,
          %swap3A_292 = vector.shape_cast %swap3A_291 : vector<1x16xf32> to vector<16xf32>
          %swap3A_293 = vector.shape_cast %mul3A_254 : vector<16xf32> to vector<1x16xf32>
          tpu.vector_store %arg12[%swap3A_289, %swap3A_290], %swap3A_293 {strides = array<i32>} : memref<128x128xf32, #tpu.memory_space<vmem>>, vector<1x16xf32>,
          %swap3A_294 = arith.index_cast %scan3A_214 : i32 to index
          %swap3A_295 = arith.constant 112 : index
          %swap3A_296 = tpu.vector_load %arg12[%swap3A_294, %swap3A_295] {strides = array<i32>} : memref<128x128xf32, #tpu.memory_space<vmem>>, vector<1x16xf32>,
          %swap3A_297 = vector.shape_cast %swap3A_296 : vector<1x16xf32> to vector<16xf32>
          %swap3A_298 = vector.shape_cast %mul3A_259 : vector<16xf32> to vector<1x16xf32>
          tpu.vector_store %arg12[%swap3A_294, %swap3A_295], %swap3A_298 {strides = array<i32>} : memref<128x128xf32, #tpu.memory_space<vmem>>, vector<1x16xf32>,
        }
        %scan3A_203 = arith.constant 128 : i32
        "tpu.region"() ({
          %run_scoped3A = tpu.sem_alloc : memref<!tpu.dma_semaphore, #tpu.memory_space<semaphore_mem>>
          %dma_start3A_214 = arith.constant 0 : i32
          %dma_start3A_215 = tpu.memref_slice %arg10[%add3A_187, %dma_start3A_214] : memref<32x128xi32, #tpu.memory_space<vmem>> -> memref<1x128xi32, #tpu.memory_space<vmem>>
          %dma_start3A_216 = tpu.memref_squeeze %dma_start3A_215 : memref<1x128xi32, #tpu.memory_space<vmem>> -> memref<128xi32, #tpu.memory_space<vmem>>
          %dma_start3A_217 = arith.constant 0 : i32
          %dma_start3A_218 = arith.constant 0 : i32
          %dma_start3A_219 = tpu.memref_slice %arg8[%dma_start3A_217, %dma_start3A_218] : memref<10240x128xf32, #tpu.memory_space<vmem_shared>> -> memref<10240x128xf32, #tpu.memory_space<vmem_shared>>
          tpu.enqueue_indirect_dma source(%arg12 : memref<128x128xf32, #tpu.memory_space<vmem>>) target(%dma_start3A_219 : memref<10240x128xf32, #tpu.memory_space<vmem_shared>>) offsets(%dma_start3A_216 : memref<128xi32, #tpu.memory_space<vmem>>) semaphore(%run_scoped3A : memref<!tpu.dma_semaphore, #tpu.memory_space<semaphore_mem>>) {add = true}
          %dma_wait3A_220 = arith.constant 0 : i32
          %dma_wait3A_221 = tpu.memref_slice %arg10[%add3A_187, %dma_wait3A_220] : memref<32x128xi32, #tpu.memory_space<vmem>> -> memref<1x128xi32, #tpu.memory_space<vmem>>
          %dma_wait3A_222 = tpu.memref_squeeze %dma_wait3A_221 : memref<1x128xi32, #tpu.memory_space<vmem>> -> memref<128xi32, #tpu.memory_space<vmem>>
          %dma_wait3A_223 = arith.constant 0 : i32
          %dma_wait3A_224 = arith.constant 0 : i32
          %dma_wait3A_225 = tpu.memref_slice %arg8[%dma_wait3A_223, %dma_wait3A_224] : memref<10240x128xf32, #tpu.memory_space<vmem_shared>> -> memref<10240x128xf32, #tpu.memory_space<vmem_shared>>
          tpu.wait_indirect_dma semaphore(%run_scoped3A : memref<!tpu.dma_semaphore, #tpu.memory_space<semaphore_mem>>) src(%arg12 : memref<128x128xf32, #tpu.memory_space<vmem>>) dst(%dma_wait3A_225 : memref<10240x128xf32, #tpu.memory_space<vmem_shared>>)
          tpu.yield
        }) : () -> ()
        %add3A_204 = arith.constant 2 : i32
        %add3A_205 = arith.addi %add3A_187, %add3A_204 : i32
        %lt3A_206 = arith.cmpi slt, %add3A_205, %min3A_127 : i32
        %convert_element_type3A_207 = arith.extui %lt3A_206 : i1 to i32
        %cond3A_208 = arith.constant 0 : i32
        %cond3A_209 = arith.cmpi ne, %convert_element_type3A_207, %cond3A_208 : i32
        scf.if %cond3A_209 {
          %add3A_214 = arith.constant 2 : i32
          %add3A_215 = arith.addi %add3A_187, %add3A_214 : i32
          %mul3A_216 = arith.constant 128 : i32
          %mul3A_217 = arith.muli %add3A_215, %mul3A_216 : i32
          %dma_start3A_218 = tpu.memref_slice %arg9[%mul3A_217] : memref<4096xi32, #tpu.memory_space<vmem>> -> memref<128xi32, #tpu.memory_space<vmem>>
          %dma_start3A_219 = arith.constant 0 : i32
          %dma_start3A_220 = arith.constant 0 : i32
          %dma_start3A_221 = tpu.memref_slice %arg2[%dma_start3A_219, %dma_start3A_220] : memref<10240x128xf32, #tpu.memory_space<hbm>> -> memref<10240x128xf32, #tpu.memory_space<hbm>>
          tpu.enqueue_indirect_dma source(%dma_start3A_221 : memref<10240x128xf32, #tpu.memory_space<hbm>>) target(%arg12 : memref<128x128xf32, #tpu.memory_space<vmem>>) offsets(%dma_start3A_218 : memref<128xi32, #tpu.memory_space<vmem>>) semaphore(%arg15 : memref<!tpu.dma_semaphore, #tpu.memory_space<semaphore_mem>>)
        } else {
        }
        %lt3A_210 = arith.cmpi slt, %add3A_189, %min3A_127 : i32
        %convert_element_type3A_211 = arith.extui %lt3A_210 : i1 to i32
        %cond3A_212 = arith.constant 0 : i32
        %cond3A_213 = arith.cmpi ne, %convert_element_type3A_211, %cond3A_212 : i32
        scf.if %cond3A_213 {
          %dma_wait3A_214 = arith.constant 0 : i32
          %dma_wait3A_215 = tpu.memref_slice %arg9[%dma_wait3A_214] : memref<4096xi32, #tpu.memory_space<vmem>> -> memref<128xi32, #tpu.memory_space<vmem>>
          %dma_wait3A_216 = arith.constant 0 : i32
          %dma_wait3A_217 = arith.constant 0 : i32
          %dma_wait3A_218 = tpu.memref_slice %arg2[%dma_wait3A_216, %dma_wait3A_217] : memref<10240x128xf32, #tpu.memory_space<hbm>> -> memref<10240x128xf32, #tpu.memory_space<hbm>>
          tpu.wait_indirect_dma semaphore(%arg16 : memref<!tpu.dma_semaphore, #tpu.memory_space<semaphore_mem>>) src(%dma_wait3A_218 : memref<10240x128xf32, #tpu.memory_space<hbm>>) dst(%arg13 : memref<128x128xf32, #tpu.memory_space<vmem>>)
          %scan3A_219 = arith.constant 0 : i32
          %scan3A_220 = arith.constant 0 : i32
          %scan3A_221 = arith.constant 128 : i32
          %scan3A_222 = arith.addi %scan3A_220, %scan3A_221 : i32
          %scan3A_223 = arith.constant 1 : i32
          scf.for %scan3A_225 = %scan3A_220 to %scan3A_222 step %scan3A_223  : i32 {
            %mul3A_226 = arith.constant 128 : i32
            %mul3A_227 = arith.muli %add3A_189, %mul3A_226 : i32
            %add3A_228 = arith.addi %mul3A_227, %scan3A_225 : i32
            %get3A = arith.index_cast %add3A_228 : i32 to index
            %get3A_229 = tpu.vector_load %arg11[%get3A] {strides = array<i32>} : memref<4096xf32, #tpu.memory_space<vmem>>, vector<16xf32>,
            %get3A_230 = vector.shape_cast %get3A_229 : vector<16xf32> to vector<16xf32>
            %slice3A = vector.extract_strided_slice %get3A_230 {offsets = [0], sizes = [1], strides = [1]} : vector<16xf32> to vector<1xf32>
            %squeeze3A = vector.extract %slice3A[0] : f32 from vector<1xf32>
            %broadcast_in_dim3A = vector.broadcast %squeeze3A : f32 to vector<16xf32>
            %get3A_231 = arith.index_cast %scan3A_225 : i32 to index
            %get3A_232 = arith.constant 0 : index
            %get3A_233 = tpu.vector_load %arg13[%get3A_231, %get3A_232] {strides = array<i32>} : memref<128x128xf32, #tpu.memory_space<vmem>>, vector<1x16xf32>,
            %get3A_234 = vector.shape_cast %get3A_233 : vector<1x16xf32> to vector<16xf32>
            %mul3A_235 = arith.mulf %get3A_234, %broadcast_in_dim3A : vector<16xf32>
            %get3A_236 = arith.index_cast %scan3A_225 : i32 to index
            %get3A_237 = arith.constant 16 : index
            %get3A_238 = tpu.vector_load %arg13[%get3A_236, %get3A_237] {strides = array<i32>} : memref<128x128xf32, #tpu.memory_space<vmem>>, vector<1x16xf32>,
            %get3A_239 = vector.shape_cast %get3A_238 : vector<1x16xf32> to vector<16xf32>
            %mul3A_240 = arith.mulf %get3A_239, %broadcast_in_dim3A : vector<16xf32>
            %get3A_241 = arith.index_cast %scan3A_225 : i32 to index
            %get3A_242 = arith.constant 32 : index
            %get3A_243 = tpu.vector_load %arg13[%get3A_241, %get3A_242] {strides = array<i32>} : memref<128x128xf32, #tpu.memory_space<vmem>>, vector<1x16xf32>,
            %get3A_244 = vector.shape_cast %get3A_243 : vector<1x16xf32> to vector<16xf32>
            %mul3A_245 = arith.mulf %get3A_244, %broadcast_in_dim3A : vector<16xf32>
            %get3A_246 = arith.index_cast %scan3A_225 : i32 to index
            %get3A_247 = arith.constant 48 : index
            %get3A_248 = tpu.vector_load %arg13[%get3A_246, %get3A_247] {strides = array<i32>} : memref<128x128xf32, #tpu.memory_space<vmem>>, vector<1x16xf32>,
            %get3A_249 = vector.shape_cast %get3A_248 : vector<1x16xf32> to vector<16xf32>
            %mul3A_250 = arith.mulf %get3A_249, %broadcast_in_dim3A : vector<16xf32>
            %get3A_251 = arith.index_cast %scan3A_225 : i32 to index
            %get3A_252 = arith.constant 64 : index
            %get3A_253 = tpu.vector_load %arg13[%get3A_251, %get3A_252] {strides = array<i32>} : memref<128x128xf32, #tpu.memory_space<vmem>>, vector<1x16xf32>,
            %get3A_254 = vector.shape_cast %get3A_253 : vector<1x16xf32> to vector<16xf32>
            %mul3A_255 = arith.mulf %get3A_254, %broadcast_in_dim3A : vector<16xf32>
            %get3A_256 = arith.index_cast %scan3A_225 : i32 to index
            %get3A_257 = arith.constant 80 : index
            %get3A_258 = tpu.vector_load %arg13[%get3A_256, %get3A_257] {strides = array<i32>} : memref<128x128xf32, #tpu.memory_space<vmem>>, vector<1x16xf32>,
            %get3A_259 = vector.shape_cast %get3A_258 : vector<1x16xf32> to vector<16xf32>
            %mul3A_260 = arith.mulf %get3A_259, %broadcast_in_dim3A : vector<16xf32>
            %get3A_261 = arith.index_cast %scan3A_225 : i32 to index
            %get3A_262 = arith.constant 96 : index
            %get3A_263 = tpu.vector_load %arg13[%get3A_261, %get3A_262] {strides = array<i32>} : memref<128x128xf32, #tpu.memory_space<vmem>>, vector<1x16xf32>,
            %get3A_264 = vector.shape_cast %get3A_263 : vector<1x16xf32> to vector<16xf32>
            %mul3A_265 = arith.mulf %get3A_264, %broadcast_in_dim3A : vector<16xf32>
            %get3A_266 = arith.index_cast %scan3A_225 : i32 to index
            %get3A_267 = arith.constant 112 : index
            %get3A_268 = tpu.vector_load %arg13[%get3A_266, %get3A_267] {strides = array<i32>} : memref<128x128xf32, #tpu.memory_space<vmem>>, vector<1x16xf32>,
            %get3A_269 = vector.shape_cast %get3A_268 : vector<1x16xf32> to vector<16xf32>
            %mul3A_270 = arith.mulf %get3A_269, %broadcast_in_dim3A : vector<16xf32>
            %swap3A = arith.index_cast %scan3A_225 : i32 to index
            %swap3A_271 = arith.constant 0 : index
            %swap3A_272 = tpu.vector_load %arg13[%swap3A, %swap3A_271] {strides = array<i32>} : memref<128x128xf32, #tpu.memory_space<vmem>>, vector<1x16xf32>,
            %swap3A_273 = vector.shape_cast %swap3A_272 : vector<1x16xf32> to vector<16xf32>
            %swap3A_274 = vector.shape_cast %mul3A_235 : vector<16xf32> to vector<1x16xf32>
            tpu.vector_store %arg13[%swap3A, %swap3A_271], %swap3A_274 {strides = array<i32>} : memref<128x128xf32, #tpu.memory_space<vmem>>, vector<1x16xf32>,
            %swap3A_275 = arith.index_cast %scan3A_225 : i32 to index
            %swap3A_276 = arith.constant 16 : index
            %swap3A_277 = tpu.vector_load %arg13[%swap3A_275, %swap3A_276] {strides = array<i32>} : memref<128x128xf32, #tpu.memory_space<vmem>>, vector<1x16xf32>,
            %swap3A_278 = vector.shape_cast %swap3A_277 : vector<1x16xf32> to vector<16xf32>
            %swap3A_279 = vector.shape_cast %mul3A_240 : vector<16xf32> to vector<1x16xf32>
            tpu.vector_store %arg13[%swap3A_275, %swap3A_276], %swap3A_279 {strides = array<i32>} : memref<128x128xf32, #tpu.memory_space<vmem>>, vector<1x16xf32>,
            %swap3A_280 = arith.index_cast %scan3A_225 : i32 to index
            %swap3A_281 = arith.constant 32 : index
            %swap3A_282 = tpu.vector_load %arg13[%swap3A_280, %swap3A_281] {strides = array<i32>} : memref<128x128xf32, #tpu.memory_space<vmem>>, vector<1x16xf32>,
            %swap3A_283 = vector.shape_cast %swap3A_282 : vector<1x16xf32> to vector<16xf32>
            %swap3A_284 = vector.shape_cast %mul3A_245 : vector<16xf32> to vector<1x16xf32>
            tpu.vector_store %arg13[%swap3A_280, %swap3A_281], %swap3A_284 {strides = array<i32>} : memref<128x128xf32, #tpu.memory_space<vmem>>, vector<1x16xf32>,
            %swap3A_285 = arith.index_cast %scan3A_225 : i32 to index
            %swap3A_286 = arith.constant 48 : index
            %swap3A_287 = tpu.vector_load %arg13[%swap3A_285, %swap3A_286] {strides = array<i32>} : memref<128x128xf32, #tpu.memory_space<vmem>>, vector<1x16xf32>,
            %swap3A_288 = vector.shape_cast %swap3A_287 : vector<1x16xf32> to vector<16xf32>
            %swap3A_289 = vector.shape_cast %mul3A_250 : vector<16xf32> to vector<1x16xf32>
            tpu.vector_store %arg13[%swap3A_285, %swap3A_286], %swap3A_289 {strides = array<i32>} : memref<128x128xf32, #tpu.memory_space<vmem>>, vector<1x16xf32>,
            %swap3A_290 = arith.index_cast %scan3A_225 : i32 to index
            %swap3A_291 = arith.constant 64 : index
            %swap3A_292 = tpu.vector_load %arg13[%swap3A_290, %swap3A_291] {strides = array<i32>} : memref<128x128xf32, #tpu.memory_space<vmem>>, vector<1x16xf32>,
            %swap3A_293 = vector.shape_cast %swap3A_292 : vector<1x16xf32> to vector<16xf32>
            %swap3A_294 = vector.shape_cast %mul3A_255 : vector<16xf32> to vector<1x16xf32>
            tpu.vector_store %arg13[%swap3A_290, %swap3A_291], %swap3A_294 {strides = array<i32>} : memref<128x128xf32, #tpu.memory_space<vmem>>, vector<1x16xf32>,
            %swap3A_295 = arith.index_cast %scan3A_225 : i32 to index
            %swap3A_296 = arith.constant 80 : index
            %swap3A_297 = tpu.vector_load %arg13[%swap3A_295, %swap3A_296] {strides = array<i32>} : memref<128x128xf32, #tpu.memory_space<vmem>>, vector<1x16xf32>,
            %swap3A_298 = vector.shape_cast %swap3A_297 : vector<1x16xf32> to vector<16xf32>
            %swap3A_299 = vector.shape_cast %mul3A_260 : vector<16xf32> to vector<1x16xf32>
            tpu.vector_store %arg13[%swap3A_295, %swap3A_296], %swap3A_299 {strides = array<i32>} : memref<128x128xf32, #tpu.memory_space<vmem>>, vector<1x16xf32>,
            %swap3A_300 = arith.index_cast %scan3A_225 : i32 to index
            %swap3A_301 = arith.constant 96 : index
            %swap3A_302 = tpu.vector_load %arg13[%swap3A_300, %swap3A_301] {strides = array<i32>} : memref<128x128xf32, #tpu.memory_space<vmem>>, vector<1x16xf32>,
            %swap3A_303 = vector.shape_cast %swap3A_302 : vector<1x16xf32> to vector<16xf32>
            %swap3A_304 = vector.shape_cast %mul3A_265 : vector<16xf32> to vector<1x16xf32>
            tpu.vector_store %arg13[%swap3A_300, %swap3A_301], %swap3A_304 {strides = array<i32>} : memref<128x128xf32, #tpu.memory_space<vmem>>, vector<1x16xf32>,
            %swap3A_305 = arith.index_cast %scan3A_225 : i32 to index
            %swap3A_306 = arith.constant 112 : index
            %swap3A_307 = tpu.vector_load %arg13[%swap3A_305, %swap3A_306] {strides = array<i32>} : memref<128x128xf32, #tpu.memory_space<vmem>>, vector<1x16xf32>,
            %swap3A_308 = vector.shape_cast %swap3A_307 : vector<1x16xf32> to vector<16xf32>
            %swap3A_309 = vector.shape_cast %mul3A_270 : vector<16xf32> to vector<1x16xf32>
            tpu.vector_store %arg13[%swap3A_305, %swap3A_306], %swap3A_309 {strides = array<i32>} : memref<128x128xf32, #tpu.memory_space<vmem>>, vector<1x16xf32>,
          }
          %scan3A_224 = arith.constant 128 : i32
          "tpu.region"() ({
            %run_scoped3A = tpu.sem_alloc : memref<!tpu.dma_semaphore, #tpu.memory_space<semaphore_mem>>
            %dma_start3A_225 = arith.constant 0 : i32
            %dma_start3A_226 = tpu.memref_slice %arg10[%add3A_189, %dma_start3A_225] : memref<32x128xi32, #tpu.memory_space<vmem>> -> memref<1x128xi32, #tpu.memory_space<vmem>>
            %dma_start3A_227 = tpu.memref_squeeze %dma_start3A_226 : memref<1x128xi32, #tpu.memory_space<vmem>> -> memref<128xi32, #tpu.memory_space<vmem>>
            %dma_start3A_228 = arith.constant 0 : i32
            %dma_start3A_229 = arith.constant 0 : i32
            %dma_start3A_230 = tpu.memref_slice %arg8[%dma_start3A_228, %dma_start3A_229] : memref<10240x128xf32, #tpu.memory_space<vmem_shared>> -> memref<10240x128xf32, #tpu.memory_space<vmem_shared>>
            tpu.enqueue_indirect_dma source(%arg13 : memref<128x128xf32, #tpu.memory_space<vmem>>) target(%dma_start3A_230 : memref<10240x128xf32, #tpu.memory_space<vmem_shared>>) offsets(%dma_start3A_227 : memref<128xi32, #tpu.memory_space<vmem>>) semaphore(%run_scoped3A : memref<!tpu.dma_semaphore, #tpu.memory_space<semaphore_mem>>) {add = true}
            %dma_wait3A_231 = arith.constant 0 : i32
            %dma_wait3A_232 = tpu.memref_slice %arg10[%add3A_189, %dma_wait3A_231] : memref<32x128xi32, #tpu.memory_space<vmem>> -> memref<1x128xi32, #tpu.memory_space<vmem>>
            %dma_wait3A_233 = tpu.memref_squeeze %dma_wait3A_232 : memref<1x128xi32, #tpu.memory_space<vmem>> -> memref<128xi32, #tpu.memory_space<vmem>>
            %dma_wait3A_234 = arith.constant 0 : i32
            %dma_wait3A_235 = arith.constant 0 : i32
            %dma_wait3A_236 = tpu.memref_slice %arg8[%dma_wait3A_234, %dma_wait3A_235] : memref<10240x128xf32, #tpu.memory_space<vmem_shared>> -> memref<10240x128xf32, #tpu.memory_space<vmem_shared>>
            tpu.wait_indirect_dma semaphore(%run_scoped3A : memref<!tpu.dma_semaphore, #tpu.memory_space<semaphore_mem>>) src(%arg13 : memref<128x128xf32, #tpu.memory_space<vmem>>) dst(%dma_wait3A_236 : memref<10240x128xf32, #tpu.memory_space<vmem_shared>>)
            tpu.yield
          }) : () -> ()
        } else {
        }
      }
    }
    %while3A_114 = arith.constant 1 : i32
    scf.for %while3A_120 = %while3A_112 to %while3A_108 step %while3A_114  : i32 {
      %mul3A_121 = arith.constant 32 : i32
      %mul3A_122 = arith.muli %while3A_120, %mul3A_121 : i32
      %add3A_123 = arith.addi %mul3A_76, %mul3A_122 : i32
      %sub3A_124 = arith.subi %select_n3A, %add3A_123 : i32
      %max3A = arith.constant 0 : i32
      %max3A_125 = arith.maxsi %sub3A_124, %max3A : i32
      %sub3A_126 = arith.subi %select_n3A_50, %add3A_123 : i32
      %min3A = arith.constant 32 : i32
      %min3A_127 = arith.minsi %sub3A_126, %min3A : i32
      %mul3A_128 = arith.constant 128 : i32
      %mul3A_129 = arith.muli %add3A_123, %mul3A_128 : i32
      %dma_start3A = tpu.memref_slice %arg3[%mul3A_129] : memref<324096xi32, #tpu.memory_space<hbm>> -> memref<4096xi32, #tpu.memory_space<hbm>>
      %dma_start3A_130 = tpu.memref_slice %arg3[%mul3A_129] : memref<324096xi32, #tpu.memory_space<hbm>> -> memref<4096xi32, #tpu.memory_space<hbm>>
      tpu.enqueue_dma source(%dma_start3A_130 : memref<4096xi32, #tpu.memory_space<hbm>>) target(%arg9 : memref<4096xi32, #tpu.memory_space<vmem>>) target_semaphore(%arg14 : memref<!tpu.dma_semaphore, #tpu.memory_space<semaphore_mem>>)
      %dma_wait3A = tpu.memref_slice %arg3[%mul3A_129] : memref<324096xi32, #tpu.memory_space<hbm>> -> memref<4096xi32, #tpu.memory_space<hbm>>
      %dma_wait3A_131 = tpu.memref_slice %arg3[%mul3A_129] : memref<324096xi32, #tpu.memory_space<hbm>> -> memref<4096xi32, #tpu.memory_space<hbm>>
      tpu.wait_dma2 semaphore(%arg14 : memref<!tpu.dma_semaphore, #tpu.memory_space<semaphore_mem>>) src(%dma_wait3A_131 : memref<4096xi32, #tpu.memory_space<hbm>>) dst(%arg9 : memref<4096xi32, #tpu.memory_space<vmem>>)
      %dma_start3A_132 = arith.constant 0 : i32
      %dma_start3A_133 = tpu.memref_slice %arg4[%add3A_123, %dma_start3A_132] : memref<2532x128xi32, #tpu.memory_space<hbm>> -> memref<32x128xi32, #tpu.memory_space<hbm>>
      %dma_start3A_134 = arith.constant 0 : i32
      %dma_start3A_135 = tpu.memref_slice %arg4[%add3A_123, %dma_start3A_134] : memref<2532x128xi32, #tpu.memory_space<hbm>> -> memref<32x128xi32, #tpu.memory_space<hbm>>
      tpu.enqueue_dma source(%dma_start3A_135 : memref<32x128xi32, #tpu.memory_space<hbm>>) target(%arg10 : memref<32x128xi32, #tpu.memory_space<vmem>>) target_semaphore(%arg14 : memref<!tpu.dma_semaphore, #tpu.memory_space<semaphore_mem>>)
      %dma_wait3A_136 = arith.constant 0 : i32
      %dma_wait3A_137 = tpu.memref_slice %arg4[%add3A_123, %dma_wait3A_136] : memref<2532x128xi32, #tpu.memory_space<hbm>> -> memref<32x128xi32, #tpu.memory_space<hbm>>
      %dma_wait3A_138 = arith.constant 0 : i32
      %dma_wait3A_139 = tpu.memref_slice %arg4[%add3A_123, %dma_wait3A_138] : memref<2532x128xi32, #tpu.memory_space<hbm>> -> memref<32x128xi32, #tpu.memory_space<hbm>>
      tpu.wait_dma2 semaphore(%arg14 : memref<!tpu.dma_semaphore, #tpu.memory_space<semaphore_mem>>) src(%dma_wait3A_139 : memref<32x128xi32, #tpu.memory_space<hbm>>) dst(%arg10 : memref<32x128xi32, #tpu.memory_space<vmem>>)
      %mul3A_140 = arith.constant 128 : i32
      %mul3A_141 = arith.muli %add3A_123, %mul3A_140 : i32
      %dma_start3A_142 = tpu.memref_slice %arg5[%mul3A_141] : memref<324096xf32, #tpu.memory_space<hbm>> -> memref<4096xf32, #tpu.memory_space<hbm>>
      %dma_start3A_143 = tpu.memref_slice %arg5[%mul3A_141] : memref<324096xf32, #tpu.memory_space<hbm>> -> memref<4096xf32, #tpu.memory_space<hbm>>
      tpu.enqueue_dma source(%dma_start3A_143 : memref<4096xf32, #tpu.memory_space<hbm>>) target(%arg11 : memref<4096xf32, #tpu.memory_space<vmem>>) target_semaphore(%arg14 : memref<!tpu.dma_semaphore, #tpu.memory_space<semaphore_mem>>)
      %dma_wait3A_144 = tpu.memref_slice %arg5[%mul3A_141] : memref<324096xf32, #tpu.memory_space<hbm>> -> memref<4096xf32, #tpu.memory_space<hbm>>
      %dma_wait3A_145 = tpu.memref_slice %arg5[%mul3A_141] : memref<324096xf32, #tpu.memory_space<hbm>> -> memref<4096xf32, #tpu.memory_space<hbm>>
      tpu.wait_dma2 semaphore(%arg14 : memref<!tpu.dma_semaphore, #tpu.memory_space<semaphore_mem>>) src(%dma_wait3A_145 : memref<4096xf32, #tpu.memory_space<hbm>>) dst(%arg11 : memref<4096xf32, #tpu.memory_space<vmem>>)
      %lt3A = arith.cmpi slt, %max3A_125, %min3A_127 : i32
      %convert_element_type3A = arith.extui %lt3A : i1 to i32
      %cond3A = arith.constant 0 : i32
      %cond3A_146 = arith.cmpi ne, %convert_element_type3A, %cond3A : i32
      scf.if %cond3A_146 {
        %mul3A_184 = arith.constant 128 : i32
        %mul3A_185 = arith.muli %max3A_125, %mul3A_184 : i32
        %dma_start3A_186 = tpu.memref_slice %arg9[%mul3A_185] : memref<4096xi32, #tpu.memory_space<vmem>> -> memref<128xi32, #tpu.memory_space<vmem>>
        %dma_start3A_187 = arith.constant 0 : i32
        %dma_start3A_188 = arith.constant 0 : i32
        %dma_start3A_189 = tpu.memref_slice %arg2[%dma_start3A_187, %dma_start3A_188] : memref<10240x128xf32, #tpu.memory_space<hbm>> -> memref<10240x128xf32, #tpu.memory_space<hbm>>
        tpu.enqueue_indirect_dma source(%dma_start3A_189 : memref<10240x128xf32, #tpu.memory_space<hbm>>) target(%arg12 : memref<128x128xf32, #tpu.memory_space<vmem>>) offsets(%dma_start3A_186 : memref<128xi32, #tpu.memory_space<vmem>>) semaphore(%arg15 : memref<!tpu.dma_semaphore, #tpu.memory_space<semaphore_mem>>)
      } else {
      }
      %sub3A_147 = arith.subi %min3A_127, %max3A_125 : i32
      %add3A_148 = arith.constant 1 : i32
      %add3A_149 = arith.addi %sub3A_147, %add3A_148 : i32
      %jit3A_150 = arith.constant 2 : i32
      %div3A_151 = arith.divsi %add3A_149, %jit3A_150 : i32
      %sign3A_152 = arith.constant 0 : i32
      %sign3A_153 = arith.cmpi sgt, %add3A_149, %sign3A_152 : i32
      %sign3A_154 = arith.extui %sign3A_153 : i1 to i32
      %sign3A_155 = arith.constant 0 : i32
      %sign3A_156 = arith.cmpi slt, %add3A_149, %sign3A_155 : i32
      %sign3A_157 = arith.extui %sign3A_156 : i1 to i32
      %sign3A_158 = arith.subi %sign3A_154, %sign3A_157 : i32
      %sign3A_159 = arith.constant 0 : i32
      %sign3A_160 = arith.cmpi sgt, %jit3A_150, %sign3A_159 : i32
      %sign3A_161 = arith.extui %sign3A_160 : i1 to i32
      %sign3A_162 = arith.constant 0 : i32
      %sign3A_163 = arith.cmpi slt, %jit3A_150, %sign3A_162 : i32
      %sign3A_164 = arith.extui %sign3A_163 : i1 to i32
      %sign3A_165 = arith.subi %sign3A_161, %sign3A_164 : i32
      %ne3A_166 = arith.cmpi ne, %sign3A_158, %sign3A_165 : i32
      %rem3A_167 = arith.remsi %add3A_149, %jit3A_150 : i32
      %ne3A_168 = arith.constant 0 : i32
      %ne3A_169 = arith.cmpi ne, %rem3A_167, %ne3A_168 : i32
      %and3A_170 = arith.andi %ne3A_166, %ne3A_169 : i1
      %sub3A_171 = arith.constant 1 : i32
      %sub3A_172 = arith.subi %div3A_151, %sub3A_171 : i32
      %select_n3A_173 = arith.select %and3A_170, %sub3A_172, %div3A_151 : i32
      %while3A_174 = arith.constant 0 : i32
      %while3A_175 = arith.constant 0 : i32
      %while3A_176 = arith.subi %select_n3A_173, %while3A_175 : i32
      %while3A_177 = arith.addi %while3A_175, %while3A_176 : i32
      %while3A_178 = arith.constant 1 : i32
      %while3A_179 = arith.divsi %while3A_176, %while3A_178 : i32
      %while3A_180 = arith.muli %while3A_179, %while3A_178 : i32
      %while3A_181 = arith.addi %while3A_175, %while3A_180 : i32
      %while3A_182 = arith.constant 1 : i32
      scf.for %while3A_184 = %while3A_175 to %while3A_181 step %while3A_182  : i32 {
        %mul3A_185 = arith.constant 2 : i32
        %mul3A_186 = arith.muli %mul3A_185, %while3A_184 : i32
        %add3A_187 = arith.addi %max3A_125, %mul3A_186 : i32
        %add3A_188 = arith.constant 1 : i32
        %add3A_189 = arith.addi %add3A_187, %add3A_188 : i32
        %lt3A_190 = arith.cmpi slt, %add3A_189, %min3A_127 : i32
        %convert_element_type3A_191 = arith.extui %lt3A_190 : i1 to i32
        %cond3A_192 = arith.constant 0 : i32
        %cond3A_193 = arith.cmpi ne, %convert_element_type3A_191, %cond3A_192 : i32
        scf.if %cond3A_193 {
          %mul3A_214 = arith.constant 128 : i32
          %mul3A_215 = arith.muli %add3A_189, %mul3A_214 : i32
          %dma_start3A_216 = tpu.memref_slice %arg9[%mul3A_215] : memref<4096xi32, #tpu.memory_space<vmem>> -> memref<128xi32, #tpu.memory_space<vmem>>
          %dma_start3A_217 = arith.constant 0 : i32
          %dma_start3A_218 = arith.constant 0 : i32
          %dma_start3A_219 = tpu.memref_slice %arg2[%dma_start3A_217, %dma_start3A_218] : memref<10240x128xf32, #tpu.memory_space<hbm>> -> memref<10240x128xf32, #tpu.memory_space<hbm>>
          tpu.enqueue_indirect_dma source(%dma_start3A_219 : memref<10240x128xf32, #tpu.memory_space<hbm>>) target(%arg13 : memref<128x128xf32, #tpu.memory_space<vmem>>) offsets(%dma_start3A_216 : memref<128xi32, #tpu.memory_space<vmem>>) semaphore(%arg16 : memref<!tpu.dma_semaphore, #tpu.memory_space<semaphore_mem>>)
        } else {
        }
        %dma_wait3A_194 = arith.constant 0 : i32
        %dma_wait3A_195 = tpu.memref_slice %arg9[%dma_wait3A_194] : memref<4096xi32, #tpu.memory_space<vmem>> -> memref<128xi32, #tpu.memory_space<vmem>>
        %dma_wait3A_196 = arith.constant 0 : i32
        %dma_wait3A_197 = arith.constant 0 : i32
        %dma_wait3A_198 = tpu.memref_slice %arg2[%dma_wait3A_196, %dma_wait3A_197] : memref<10240x128xf32, #tpu.memory_space<hbm>> -> memref<10240x128xf32, #tpu.memory_space<hbm>>
        tpu.wait_indirect_dma semaphore(%arg15 : memref<!tpu.dma_semaphore, #tpu.memory_space<semaphore_mem>>) src(%dma_wait3A_198 : memref<10240x128xf32, #tpu.memory_space<hbm>>) dst(%arg12 : memref<128x128xf32, #tpu.memory_space<vmem>>)
        %scan3A = arith.constant 0 : i32
        %scan3A_199 = arith.constant 0 : i32
        %scan3A_200 = arith.constant 128 : i32
        %scan3A_201 = arith.addi %scan3A_199, %scan3A_200 : i32
        %scan3A_202 = arith.constant 1 : i32
        scf.for %scan3A_214 = %scan3A_199 to %scan3A_201 step %scan3A_202  : i32 {
          %mul3A_215 = arith.constant 128 : i32
          %mul3A_216 = arith.muli %add3A_187, %mul3A_215 : i32
          %add3A_217 = arith.addi %mul3A_216, %scan3A_214 : i32
          %get3A = arith.index_cast %add3A_217 : i32 to index
          %get3A_218 = tpu.vector_load %arg11[%get3A] {strides = array<i32>} : memref<4096xf32, #tpu.memory_space<vmem>>, vector<16xf32>,
          %get3A_219 = vector.shape_cast %get3A_218 : vector<16xf32> to vector<16xf32>
          %slice3A = vector.extract_strided_slice %get3A_219 {offsets = [0], sizes = [1], strides = [1]} : vector<16xf32> to vector<1xf32>
          %squeeze3A = vector.extract %slice3A[0] : f32 from vector<1xf32>
          %broadcast_in_dim3A = vector.broadcast %squeeze3A : f32 to vector<16xf32>
          %get3A_220 = arith.index_cast %scan3A_214 : i32 to index
          %get3A_221 = arith.constant 0 : index
          %get3A_222 = tpu.vector_load %arg12[%get3A_220, %get3A_221] {strides = array<i32>} : memref<128x128xf32, #tpu.memory_space<vmem>>, vector<1x16xf32>,
          %get3A_223 = vector.shape_cast %get3A_222 : vector<1x16xf32> to vector<16xf32>
          %mul3A_224 = arith.mulf %get3A_223, %broadcast_in_dim3A : vector<16xf32>
          %get3A_225 = arith.index_cast %scan3A_214 : i32 to index
          %get3A_226 = arith.constant 16 : index
          %get3A_227 = tpu.vector_load %arg12[%get3A_225, %get3A_226] {strides = array<i32>} : memref<128x128xf32, #tpu.memory_space<vmem>>, vector<1x16xf32>,
          %get3A_228 = vector.shape_cast %get3A_227 : vector<1x16xf32> to vector<16xf32>
          %mul3A_229 = arith.mulf %get3A_228, %broadcast_in_dim3A : vector<16xf32>
          %get3A_230 = arith.index_cast %scan3A_214 : i32 to index
          %get3A_231 = arith.constant 32 : index
          %get3A_232 = tpu.vector_load %arg12[%get3A_230, %get3A_231] {strides = array<i32>} : memref<128x128xf32, #tpu.memory_space<vmem>>, vector<1x16xf32>,
          %get3A_233 = vector.shape_cast %get3A_232 : vector<1x16xf32> to vector<16xf32>
          %mul3A_234 = arith.mulf %get3A_233, %broadcast_in_dim3A : vector<16xf32>
          %get3A_235 = arith.index_cast %scan3A_214 : i32 to index
          %get3A_236 = arith.constant 48 : index
          %get3A_237 = tpu.vector_load %arg12[%get3A_235, %get3A_236] {strides = array<i32>} : memref<128x128xf32, #tpu.memory_space<vmem>>, vector<1x16xf32>,
          %get3A_238 = vector.shape_cast %get3A_237 : vector<1x16xf32> to vector<16xf32>
          %mul3A_239 = arith.mulf %get3A_238, %broadcast_in_dim3A : vector<16xf32>
          %get3A_240 = arith.index_cast %scan3A_214 : i32 to index
          %get3A_241 = arith.constant 64 : index
          %get3A_242 = tpu.vector_load %arg12[%get3A_240, %get3A_241] {strides = array<i32>} : memref<128x128xf32, #tpu.memory_space<vmem>>, vector<1x16xf32>,
          %get3A_243 = vector.shape_cast %get3A_242 : vector<1x16xf32> to vector<16xf32>
          %mul3A_244 = arith.mulf %get3A_243, %broadcast_in_dim3A : vector<16xf32>
          %get3A_245 = arith.index_cast %scan3A_214 : i32 to index
          %get3A_246 = arith.constant 80 : index
          %get3A_247 = tpu.vector_load %arg12[%get3A_245, %get3A_246] {strides = array<i32>} : memref<128x128xf32, #tpu.memory_space<vmem>>, vector<1x16xf32>,
          %get3A_248 = vector.shape_cast %get3A_247 : vector<1x16xf32> to vector<16xf32>
          %mul3A_249 = arith.mulf %get3A_248, %broadcast_in_dim3A : vector<16xf32>
          %get3A_250 = arith.index_cast %scan3A_214 : i32 to index
          %get3A_251 = arith.constant 96 : index
          %get3A_252 = tpu.vector_load %arg12[%get3A_250, %get3A_251] {strides = array<i32>} : memref<128x128xf32, #tpu.memory_space<vmem>>, vector<1x16xf32>,
          %get3A_253 = vector.shape_cast %get3A_252 : vector<1x16xf32> to vector<16xf32>
          %mul3A_254 = arith.mulf %get3A_253, %broadcast_in_dim3A : vector<16xf32>
          %get3A_255 = arith.index_cast %scan3A_214 : i32 to index
          %get3A_256 = arith.constant 112 : index
          %get3A_257 = tpu.vector_load %arg12[%get3A_255, %get3A_256] {strides = array<i32>} : memref<128x128xf32, #tpu.memory_space<vmem>>, vector<1x16xf32>,
          %get3A_258 = vector.shape_cast %get3A_257 : vector<1x16xf32> to vector<16xf32>
          %mul3A_259 = arith.mulf %get3A_258, %broadcast_in_dim3A : vector<16xf32>
          %swap3A = arith.index_cast %scan3A_214 : i32 to index
          %swap3A_260 = arith.constant 0 : index
          %swap3A_261 = tpu.vector_load %arg12[%swap3A, %swap3A_260] {strides = array<i32>} : memref<128x128xf32, #tpu.memory_space<vmem>>, vector<1x16xf32>,
          %swap3A_262 = vector.shape_cast %swap3A_261 : vector<1x16xf32> to vector<16xf32>
          %swap3A_263 = vector.shape_cast %mul3A_224 : vector<16xf32> to vector<1x16xf32>
          tpu.vector_store %arg12[%swap3A, %swap3A_260], %swap3A_263 {strides = array<i32>} : memref<128x128xf32, #tpu.memory_space<vmem>>, vector<1x16xf32>,
          %swap3A_264 = arith.index_cast %scan3A_214 : i32 to index
          %swap3A_265 = arith.constant 16 : index
          %swap3A_266 = tpu.vector_load %arg12[%swap3A_264, %swap3A_265] {strides = array<i32>} : memref<128x128xf32, #tpu.memory_space<vmem>>, vector<1x16xf32>,
          %swap3A_267 = vector.shape_cast %swap3A_266 : vector<1x16xf32> to vector<16xf32>
          %swap3A_268 = vector.shape_cast %mul3A_229 : vector<16xf32> to vector<1x16xf32>
          tpu.vector_store %arg12[%swap3A_264, %swap3A_265], %swap3A_268 {strides = array<i32>} : memref<128x128xf32, #tpu.memory_space<vmem>>, vector<1x16xf32>,
          %swap3A_269 = arith.index_cast %scan3A_214 : i32 to index
          %swap3A_270 = arith.constant 32 : index
          %swap3A_271 = tpu.vector_load %arg12[%swap3A_269, %swap3A_270] {strides = array<i32>} : memref<128x128xf32, #tpu.memory_space<vmem>>, vector<1x16xf32>,
          %swap3A_272 = vector.shape_cast %swap3A_271 : vector<1x16xf32> to vector<16xf32>
          %swap3A_273 = vector.shape_cast %mul3A_234 : vector<16xf32> to vector<1x16xf32>
          tpu.vector_store %arg12[%swap3A_269, %swap3A_270], %swap3A_273 {strides = array<i32>} : memref<128x128xf32, #tpu.memory_space<vmem>>, vector<1x16xf32>,
          %swap3A_274 = arith.index_cast %scan3A_214 : i32 to index
          %swap3A_275 = arith.constant 48 : index
          %swap3A_276 = tpu.vector_load %arg12[%swap3A_274, %swap3A_275] {strides = array<i32>} : memref<128x128xf32, #tpu.memory_space<vmem>>, vector<1x16xf32>,
          %swap3A_277 = vector.shape_cast %swap3A_276 : vector<1x16xf32> to vector<16xf32>
          %swap3A_278 = vector.shape_cast %mul3A_239 : vector<16xf32> to vector<1x16xf32>
          tpu.vector_store %arg12[%swap3A_274, %swap3A_275], %swap3A_278 {strides = array<i32>} : memref<128x128xf32, #tpu.memory_space<vmem>>, vector<1x16xf32>,
          %swap3A_279 = arith.index_cast %scan3A_214 : i32 to index
          %swap3A_280 = arith.constant 64 : index
          %swap3A_281 = tpu.vector_load %arg12[%swap3A_279, %swap3A_280] {strides = array<i32>} : memref<128x128xf32, #tpu.memory_space<vmem>>, vector<1x16xf32>,
          %swap3A_282 = vector.shape_cast %swap3A_281 : vector<1x16xf32> to vector<16xf32>
          %swap3A_283 = vector.shape_cast %mul3A_244 : vector<16xf32> to vector<1x16xf32>
          tpu.vector_store %arg12[%swap3A_279, %swap3A_280], %swap3A_283 {strides = array<i32>} : memref<128x128xf32, #tpu.memory_space<vmem>>, vector<1x16xf32>,
          %swap3A_284 = arith.index_cast %scan3A_214 : i32 to index
          %swap3A_285 = arith.constant 80 : index
          %swap3A_286 = tpu.vector_load %arg12[%swap3A_284, %swap3A_285] {strides = array<i32>} : memref<128x128xf32, #tpu.memory_space<vmem>>, vector<1x16xf32>,
          %swap3A_287 = vector.shape_cast %swap3A_286 : vector<1x16xf32> to vector<16xf32>
          %swap3A_288 = vector.shape_cast %mul3A_249 : vector<16xf32> to vector<1x16xf32>
          tpu.vector_store %arg12[%swap3A_284, %swap3A_285], %swap3A_288 {strides = array<i32>} : memref<128x128xf32, #tpu.memory_space<vmem>>, vector<1x16xf32>,
          %swap3A_289 = arith.index_cast %scan3A_214 : i32 to index
          %swap3A_290 = arith.constant 96 : index
          %swap3A_291 = tpu.vector_load %arg12[%swap3A_289, %swap3A_290] {strides = array<i32>} : memref<128x128xf32, #tpu.memory_space<vmem>>, vector<1x16xf32>,
          %swap3A_292 = vector.shape_cast %swap3A_291 : vector<1x16xf32> to vector<16xf32>
          %swap3A_293 = vector.shape_cast %mul3A_254 : vector<16xf32> to vector<1x16xf32>
          tpu.vector_store %arg12[%swap3A_289, %swap3A_290], %swap3A_293 {strides = array<i32>} : memref<128x128xf32, #tpu.memory_space<vmem>>, vector<1x16xf32>,
          %swap3A_294 = arith.index_cast %scan3A_214 : i32 to index
          %swap3A_295 = arith.constant 112 : index
          %swap3A_296 = tpu.vector_load %arg12[%swap3A_294, %swap3A_295] {strides = array<i32>} : memref<128x128xf32, #tpu.memory_space<vmem>>, vector<1x16xf32>,
          %swap3A_297 = vector.shape_cast %swap3A_296 : vector<1x16xf32> to vector<16xf32>
          %swap3A_298 = vector.shape_cast %mul3A_259 : vector<16xf32> to vector<1x16xf32>
          tpu.vector_store %arg12[%swap3A_294, %swap3A_295], %swap3A_298 {strides = array<i32>} : memref<128x128xf32, #tpu.memory_space<vmem>>, vector<1x16xf32>,
        }
        %scan3A_203 = arith.constant 128 : i32
        "tpu.region"() ({
          %run_scoped3A = tpu.sem_alloc : memref<!tpu.dma_semaphore, #tpu.memory_space<semaphore_mem>>
          %dma_start3A_214 = arith.constant 0 : i32
          %dma_start3A_215 = tpu.memref_slice %arg10[%add3A_187, %dma_start3A_214] : memref<32x128xi32, #tpu.memory_space<vmem>> -> memref<1x128xi32, #tpu.memory_space<vmem>>
          %dma_start3A_216 = tpu.memref_squeeze %dma_start3A_215 : memref<1x128xi32, #tpu.memory_space<vmem>> -> memref<128xi32, #tpu.memory_space<vmem>>
          %dma_start3A_217 = arith.constant 0 : i32
          %dma_start3A_218 = arith.constant 0 : i32
          %dma_start3A_219 = tpu.memref_slice %arg8[%dma_start3A_217, %dma_start3A_218] : memref<10240x128xf32, #tpu.memory_space<vmem_shared>> -> memref<10240x128xf32, #tpu.memory_space<vmem_shared>>
          tpu.enqueue_indirect_dma source(%arg12 : memref<128x128xf32, #tpu.memory_space<vmem>>) target(%dma_start3A_219 : memref<10240x128xf32, #tpu.memory_space<vmem_shared>>) offsets(%dma_start3A_216 : memref<128xi32, #tpu.memory_space<vmem>>) semaphore(%run_scoped3A : memref<!tpu.dma_semaphore, #tpu.memory_space<semaphore_mem>>) {add = true}
          %dma_wait3A_220 = arith.constant 0 : i32
          %dma_wait3A_221 = tpu.memref_slice %arg10[%add3A_187, %dma_wait3A_220] : memref<32x128xi32, #tpu.memory_space<vmem>> -> memref<1x128xi32, #tpu.memory_space<vmem>>
          %dma_wait3A_222 = tpu.memref_squeeze %dma_wait3A_221 : memref<1x128xi32, #tpu.memory_space<vmem>> -> memref<128xi32, #tpu.memory_space<vmem>>
          %dma_wait3A_223 = arith.constant 0 : i32
          %dma_wait3A_224 = arith.constant 0 : i32
          %dma_wait3A_225 = tpu.memref_slice %arg8[%dma_wait3A_223, %dma_wait3A_224] : memref<10240x128xf32, #tpu.memory_space<vmem_shared>> -> memref<10240x128xf32, #tpu.memory_space<vmem_shared>>
          tpu.wait_indirect_dma semaphore(%run_scoped3A : memref<!tpu.dma_semaphore, #tpu.memory_space<semaphore_mem>>) src(%arg12 : memref<128x128xf32, #tpu.memory_space<vmem>>) dst(%dma_wait3A_225 : memref<10240x128xf32, #tpu.memory_space<vmem_shared>>)
          tpu.yield
        }) : () -> ()
        %add3A_204 = arith.constant 2 : i32
        %add3A_205 = arith.addi %add3A_187, %add3A_204 : i32
        %lt3A_206 = arith.cmpi slt, %add3A_205, %min3A_127 : i32
        %convert_element_type3A_207 = arith.extui %lt3A_206 : i1 to i32
        %cond3A_208 = arith.constant 0 : i32
        %cond3A_209 = arith.cmpi ne, %convert_element_type3A_207, %cond3A_208 : i32
        scf.if %cond3A_209 {
          %add3A_214 = arith.constant 2 : i32
          %add3A_215 = arith.addi %add3A_187, %add3A_214 : i32
          %mul3A_216 = arith.constant 128 : i32
          %mul3A_217 = arith.muli %add3A_215, %mul3A_216 : i32
          %dma_start3A_218 = tpu.memref_slice %arg9[%mul3A_217] : memref<4096xi32, #tpu.memory_space<vmem>> -> memref<128xi32, #tpu.memory_space<vmem>>
          %dma_start3A_219 = arith.constant 0 : i32
          %dma_start3A_220 = arith.constant 0 : i32
          %dma_start3A_221 = tpu.memref_slice %arg2[%dma_start3A_219, %dma_start3A_220] : memref<10240x128xf32, #tpu.memory_space<hbm>> -> memref<10240x128xf32, #tpu.memory_space<hbm>>
          tpu.enqueue_indirect_dma source(%dma_start3A_221 : memref<10240x128xf32, #tpu.memory_space<hbm>>) target(%arg12 : memref<128x128xf32, #tpu.memory_space<vmem>>) offsets(%dma_start3A_218 : memref<128xi32, #tpu.memory_space<vmem>>) semaphore(%arg15 : memref<!tpu.dma_semaphore, #tpu.memory_space<semaphore_mem>>)
        } else {
        }
        %lt3A_210 = arith.cmpi slt, %add3A_189, %min3A_127 : i32
        %convert_element_type3A_211 = arith.extui %lt3A_210 : i1 to i32
        %cond3A_212 = arith.constant 0 : i32
        %cond3A_213 = arith.cmpi ne, %convert_element_type3A_211, %cond3A_212 : i32
        scf.if %cond3A_213 {
          %dma_wait3A_214 = arith.constant 0 : i32
          %dma_wait3A_215 = tpu.memref_slice %arg9[%dma_wait3A_214] : memref<4096xi32, #tpu.memory_space<vmem>> -> memref<128xi32, #tpu.memory_space<vmem>>
          %dma_wait3A_216 = arith.constant 0 : i32
          %dma_wait3A_217 = arith.constant 0 : i32
          %dma_wait3A_218 = tpu.memref_slice %arg2[%dma_wait3A_216, %dma_wait3A_217] : memref<10240x128xf32, #tpu.memory_space<hbm>> -> memref<10240x128xf32, #tpu.memory_space<hbm>>
          tpu.wait_indirect_dma semaphore(%arg16 : memref<!tpu.dma_semaphore, #tpu.memory_space<semaphore_mem>>) src(%dma_wait3A_218 : memref<10240x128xf32, #tpu.memory_space<hbm>>) dst(%arg13 : memref<128x128xf32, #tpu.memory_space<vmem>>)
          %scan3A_219 = arith.constant 0 : i32
          %scan3A_220 = arith.constant 0 : i32
          %scan3A_221 = arith.constant 128 : i32
          %scan3A_222 = arith.addi %scan3A_220, %scan3A_221 : i32
          %scan3A_223 = arith.constant 1 : i32
          scf.for %scan3A_225 = %scan3A_220 to %scan3A_222 step %scan3A_223  : i32 {
            %mul3A_226 = arith.constant 128 : i32
            %mul3A_227 = arith.muli %add3A_189, %mul3A_226 : i32
            %add3A_228 = arith.addi %mul3A_227, %scan3A_225 : i32
            %get3A = arith.index_cast %add3A_228 : i32 to index
            %get3A_229 = tpu.vector_load %arg11[%get3A] {strides = array<i32>} : memref<4096xf32, #tpu.memory_space<vmem>>, vector<16xf32>,
            %get3A_230 = vector.shape_cast %get3A_229 : vector<16xf32> to vector<16xf32>
            %slice3A = vector.extract_strided_slice %get3A_230 {offsets = [0], sizes = [1], strides = [1]} : vector<16xf32> to vector<1xf32>
            %squeeze3A = vector.extract %slice3A[0] : f32 from vector<1xf32>
            %broadcast_in_dim3A = vector.broadcast %squeeze3A : f32 to vector<16xf32>
            %get3A_231 = arith.index_cast %scan3A_225 : i32 to index
            %get3A_232 = arith.constant 0 : index
            %get3A_233 = tpu.vector_load %arg13[%get3A_231, %get3A_232] {strides = array<i32>} : memref<128x128xf32, #tpu.memory_space<vmem>>, vector<1x16xf32>,
            %get3A_234 = vector.shape_cast %get3A_233 : vector<1x16xf32> to vector<16xf32>
            %mul3A_235 = arith.mulf %get3A_234, %broadcast_in_dim3A : vector<16xf32>
            %get3A_236 = arith.index_cast %scan3A_225 : i32 to index
            %get3A_237 = arith.constant 16 : index
            %get3A_238 = tpu.vector_load %arg13[%get3A_236, %get3A_237] {strides = array<i32>} : memref<128x128xf32, #tpu.memory_space<vmem>>, vector<1x16xf32>,
            %get3A_239 = vector.shape_cast %get3A_238 : vector<1x16xf32> to vector<16xf32>
            %mul3A_240 = arith.mulf %get3A_239, %broadcast_in_dim3A : vector<16xf32>
            %get3A_241 = arith.index_cast %scan3A_225 : i32 to index
            %get3A_242 = arith.constant 32 : index
            %get3A_243 = tpu.vector_load %arg13[%get3A_241, %get3A_242] {strides = array<i32>} : memref<128x128xf32, #tpu.memory_space<vmem>>, vector<1x16xf32>,
            %get3A_244 = vector.shape_cast %get3A_243 : vector<1x16xf32> to vector<16xf32>
            %mul3A_245 = arith.mulf %get3A_244, %broadcast_in_dim3A : vector<16xf32>
            %get3A_246 = arith.index_cast %scan3A_225 : i32 to index
            %get3A_247 = arith.constant 48 : index
            %get3A_248 = tpu.vector_load %arg13[%get3A_246, %get3A_247] {strides = array<i32>} : memref<128x128xf32, #tpu.memory_space<vmem>>, vector<1x16xf32>,
            %get3A_249 = vector.shape_cast %get3A_248 : vector<1x16xf32> to vector<16xf32>
            %mul3A_250 = arith.mulf %get3A_249, %broadcast_in_dim3A : vector<16xf32>
            %get3A_251 = arith.index_cast %scan3A_225 : i32 to index
            %get3A_252 = arith.constant 64 : index
            %get3A_253 = tpu.vector_load %arg13[%get3A_251, %get3A_252] {strides = array<i32>} : memref<128x128xf32, #tpu.memory_space<vmem>>, vector<1x16xf32>,
            %get3A_254 = vector.shape_cast %get3A_253 : vector<1x16xf32> to vector<16xf32>
            %mul3A_255 = arith.mulf %get3A_254, %broadcast_in_dim3A : vector<16xf32>
            %get3A_256 = arith.index_cast %scan3A_225 : i32 to index
            %get3A_257 = arith.constant 80 : index
            %get3A_258 = tpu.vector_load %arg13[%get3A_256, %get3A_257] {strides = array<i32>} : memref<128x128xf32, #tpu.memory_space<vmem>>, vector<1x16xf32>,
            %get3A_259 = vector.shape_cast %get3A_258 : vector<1x16xf32> to vector<16xf32>
            %mul3A_260 = arith.mulf %get3A_259, %broadcast_in_dim3A : vector<16xf32>
            %get3A_261 = arith.index_cast %scan3A_225 : i32 to index
            %get3A_262 = arith.constant 96 : index
            %get3A_263 = tpu.vector_load %arg13[%get3A_261, %get3A_262] {strides = array<i32>} : memref<128x128xf32, #tpu.memory_space<vmem>>, vector<1x16xf32>,
            %get3A_264 = vector.shape_cast %get3A_263 : vector<1x16xf32> to vector<16xf32>
            %mul3A_265 = arith.mulf %get3A_264, %broadcast_in_dim3A : vector<16xf32>
            %get3A_266 = arith.index_cast %scan3A_225 : i32 to index
            %get3A_267 = arith.constant 112 : index
            %get3A_268 = tpu.vector_load %arg13[%get3A_266, %get3A_267] {strides = array<i32>} : memref<128x128xf32, #tpu.memory_space<vmem>>, vector<1x16xf32>,
            %get3A_269 = vector.shape_cast %get3A_268 : vector<1x16xf32> to vector<16xf32>
            %mul3A_270 = arith.mulf %get3A_269, %broadcast_in_dim3A : vector<16xf32>
            %swap3A = arith.index_cast %scan3A_225 : i32 to index
            %swap3A_271 = arith.constant 0 : index
            %swap3A_272 = tpu.vector_load %arg13[%swap3A, %swap3A_271] {strides = array<i32>} : memref<128x128xf32, #tpu.memory_space<vmem>>, vector<1x16xf32>,
            %swap3A_273 = vector.shape_cast %swap3A_272 : vector<1x16xf32> to vector<16xf32>
            %swap3A_274 = vector.shape_cast %mul3A_235 : vector<16xf32> to vector<1x16xf32>
            tpu.vector_store %arg13[%swap3A, %swap3A_271], %swap3A_274 {strides = array<i32>} : memref<128x128xf32, #tpu.memory_space<vmem>>, vector<1x16xf32>,
            %swap3A_275 = arith.index_cast %scan3A_225 : i32 to index
            %swap3A_276 = arith.constant 16 : index
            %swap3A_277 = tpu.vector_load %arg13[%swap3A_275, %swap3A_276] {strides = array<i32>} : memref<128x128xf32, #tpu.memory_space<vmem>>, vector<1x16xf32>,
            %swap3A_278 = vector.shape_cast %swap3A_277 : vector<1x16xf32> to vector<16xf32>
            %swap3A_279 = vector.shape_cast %mul3A_240 : vector<16xf32> to vector<1x16xf32>
            tpu.vector_store %arg13[%swap3A_275, %swap3A_276], %swap3A_279 {strides = array<i32>} : memref<128x128xf32, #tpu.memory_space<vmem>>, vector<1x16xf32>,
            %swap3A_280 = arith.index_cast %scan3A_225 : i32 to index
            %swap3A_281 = arith.constant 32 : index
            %swap3A_282 = tpu.vector_load %arg13[%swap3A_280, %swap3A_281] {strides = array<i32>} : memref<128x128xf32, #tpu.memory_space<vmem>>, vector<1x16xf32>,
            %swap3A_283 = vector.shape_cast %swap3A_282 : vector<1x16xf32> to vector<16xf32>
            %swap3A_284 = vector.shape_cast %mul3A_245 : vector<16xf32> to vector<1x16xf32>
            tpu.vector_store %arg13[%swap3A_280, %swap3A_281], %swap3A_284 {strides = array<i32>} : memref<128x128xf32, #tpu.memory_space<vmem>>, vector<1x16xf32>,
            %swap3A_285 = arith.index_cast %scan3A_225 : i32 to index
            %swap3A_286 = arith.constant 48 : index
            %swap3A_287 = tpu.vector_load %arg13[%swap3A_285, %swap3A_286] {strides = array<i32>} : memref<128x128xf32, #tpu.memory_space<vmem>>, vector<1x16xf32>,
            %swap3A_288 = vector.shape_cast %swap3A_287 : vector<1x16xf32> to vector<16xf32>
            %swap3A_289 = vector.shape_cast %mul3A_250 : vector<16xf32> to vector<1x16xf32>
            tpu.vector_store %arg13[%swap3A_285, %swap3A_286], %swap3A_289 {strides = array<i32>} : memref<128x128xf32, #tpu.memory_space<vmem>>, vector<1x16xf32>,
            %swap3A_290 = arith.index_cast %scan3A_225 : i32 to index
            %swap3A_291 = arith.constant 64 : index
            %swap3A_292 = tpu.vector_load %arg13[%swap3A_290, %swap3A_291] {strides = array<i32>} : memref<128x128xf32, #tpu.memory_space<vmem>>, vector<1x16xf32>,
            %swap3A_293 = vector.shape_cast %swap3A_292 : vector<1x16xf32> to vector<16xf32>
            %swap3A_294 = vector.shape_cast %mul3A_255 : vector<16xf32> to vector<1x16xf32>
            tpu.vector_store %arg13[%swap3A_290, %swap3A_291], %swap3A_294 {strides = array<i32>} : memref<128x128xf32, #tpu.memory_space<vmem>>, vector<1x16xf32>,
            %swap3A_295 = arith.index_cast %scan3A_225 : i32 to index
            %swap3A_296 = arith.constant 80 : index
            %swap3A_297 = tpu.vector_load %arg13[%swap3A_295, %swap3A_296] {strides = array<i32>} : memref<128x128xf32, #tpu.memory_space<vmem>>, vector<1x16xf32>,
            %swap3A_298 = vector.shape_cast %swap3A_297 : vector<1x16xf32> to vector<16xf32>
            %swap3A_299 = vector.shape_cast %mul3A_260 : vector<16xf32> to vector<1x16xf32>
            tpu.vector_store %arg13[%swap3A_295, %swap3A_296], %swap3A_299 {strides = array<i32>} : memref<128x128xf32, #tpu.memory_space<vmem>>, vector<1x16xf32>,
            %swap3A_300 = arith.index_cast %scan3A_225 : i32 to index
            %swap3A_301 = arith.constant 96 : index
            %swap3A_302 = tpu.vector_load %arg13[%swap3A_300, %swap3A_301] {strides = array<i32>} : memref<128x128xf32, #tpu.memory_space<vmem>>, vector<1x16xf32>,
            %swap3A_303 = vector.shape_cast %swap3A_302 : vector<1x16xf32> to vector<16xf32>
            %swap3A_304 = vector.shape_cast %mul3A_265 : vector<16xf32> to vector<1x16xf32>
            tpu.vector_store %arg13[%swap3A_300, %swap3A_301], %swap3A_304 {strides = array<i32>} : memref<128x128xf32, #tpu.memory_space<vmem>>, vector<1x16xf32>,
            %swap3A_305 = arith.index_cast %scan3A_225 : i32 to index
            %swap3A_306 = arith.constant 112 : index
            %swap3A_307 = tpu.vector_load %arg13[%swap3A_305, %swap3A_306] {strides = array<i32>} : memref<128x128xf32, #tpu.memory_space<vmem>>, vector<1x16xf32>,
            %swap3A_308 = vector.shape_cast %swap3A_307 : vector<1x16xf32> to vector<16xf32>
            %swap3A_309 = vector.shape_cast %mul3A_270 : vector<16xf32> to vector<1x16xf32>
            tpu.vector_store %arg13[%swap3A_305, %swap3A_306], %swap3A_309 {strides = array<i32>} : memref<128x128xf32, #tpu.memory_space<vmem>>, vector<1x16xf32>,
          }
          %scan3A_224 = arith.constant 128 : i32
          "tpu.region"() ({
            %run_scoped3A = tpu.sem_alloc : memref<!tpu.dma_semaphore, #tpu.memory_space<semaphore_mem>>
            %dma_start3A_225 = arith.constant 0 : i32
            %dma_start3A_226 = tpu.memref_slice %arg10[%add3A_189, %dma_start3A_225] : memref<32x128xi32, #tpu.memory_space<vmem>> -> memref<1x128xi32, #tpu.memory_space<vmem>>
            %dma_start3A_227 = tpu.memref_squeeze %dma_start3A_226 : memref<1x128xi32, #tpu.memory_space<vmem>> -> memref<128xi32, #tpu.memory_space<vmem>>
            %dma_start3A_228 = arith.constant 0 : i32
            %dma_start3A_229 = arith.constant 0 : i32
            %dma_start3A_230 = tpu.memref_slice %arg8[%dma_start3A_228, %dma_start3A_229] : memref<10240x128xf32, #tpu.memory_space<vmem_shared>> -> memref<10240x128xf32, #tpu.memory_space<vmem_shared>>
            tpu.enqueue_indirect_dma source(%arg13 : memref<128x128xf32, #tpu.memory_space<vmem>>) target(%dma_start3A_230 : memref<10240x128xf32, #tpu.memory_space<vmem_shared>>) offsets(%dma_start3A_227 : memref<128xi32, #tpu.memory_space<vmem>>) semaphore(%run_scoped3A : memref<!tpu.dma_semaphore, #tpu.memory_space<semaphore_mem>>) {add = true}
            %dma_wait3A_231 = arith.constant 0 : i32
            %dma_wait3A_232 = tpu.memref_slice %arg10[%add3A_189, %dma_wait3A_231] : memref<32x128xi32, #tpu.memory_space<vmem>> -> memref<1x128xi32, #tpu.memory_space<vmem>>
            %dma_wait3A_233 = tpu.memref_squeeze %dma_wait3A_232 : memref<1x128xi32, #tpu.memory_space<vmem>> -> memref<128xi32, #tpu.memory_space<vmem>>
            %dma_wait3A_234 = arith.constant 0 : i32
            %dma_wait3A_235 = arith.constant 0 : i32
            %dma_wait3A_236 = tpu.memref_slice %arg8[%dma_wait3A_234, %dma_wait3A_235] : memref<10240x128xf32, #tpu.memory_space<vmem_shared>> -> memref<10240x128xf32, #tpu.memory_space<vmem_shared>>
            tpu.wait_indirect_dma semaphore(%run_scoped3A : memref<!tpu.dma_semaphore, #tpu.memory_space<semaphore_mem>>) src(%arg13 : memref<128x128xf32, #tpu.memory_space<vmem>>) dst(%dma_wait3A_236 : memref<10240x128xf32, #tpu.memory_space<vmem_shared>>)
            tpu.yield
          }) : () -> ()
        } else {
        }
      }
      %while3A_183 = arith.constant 1 : i32
      scf.for %while3A_184 = %while3A_181 to %while3A_177 step %while3A_183  : i32 {
        %mul3A_185 = arith.constant 2 : i32
        %mul3A_186 = arith.muli %mul3A_185, %while3A_184 : i32
        %add3A_187 = arith.addi %max3A_125, %mul3A_186 : i32
        %add3A_188 = arith.constant 1 : i32
        %add3A_189 = arith.addi %add3A_187, %add3A_188 : i32
        %lt3A_190 = arith.cmpi slt, %add3A_189, %min3A_127 : i32
        %convert_element_type3A_191 = arith.extui %lt3A_190 : i1 to i32
        %cond3A_192 = arith.constant 0 : i32
        %cond3A_193 = arith.cmpi ne, %convert_element_type3A_191, %cond3A_192 : i32
        scf.if %cond3A_193 {
          %mul3A_214 = arith.constant 128 : i32
          %mul3A_215 = arith.muli %add3A_189, %mul3A_214 : i32
          %dma_start3A_216 = tpu.memref_slice %arg9[%mul3A_215] : memref<4096xi32, #tpu.memory_space<vmem>> -> memref<128xi32, #tpu.memory_space<vmem>>
          %dma_start3A_217 = arith.constant 0 : i32
          %dma_start3A_218 = arith.constant 0 : i32
          %dma_start3A_219 = tpu.memref_slice %arg2[%dma_start3A_217, %dma_start3A_218] : memref<10240x128xf32, #tpu.memory_space<hbm>> -> memref<10240x128xf32, #tpu.memory_space<hbm>>
          tpu.enqueue_indirect_dma source(%dma_start3A_219 : memref<10240x128xf32, #tpu.memory_space<hbm>>) target(%arg13 : memref<128x128xf32, #tpu.memory_space<vmem>>) offsets(%dma_start3A_216 : memref<128xi32, #tpu.memory_space<vmem>>) semaphore(%arg16 : memref<!tpu.dma_semaphore, #tpu.memory_space<semaphore_mem>>)
        } else {
        }
        %dma_wait3A_194 = arith.constant 0 : i32
        %dma_wait3A_195 = tpu.memref_slice %arg9[%dma_wait3A_194] : memref<4096xi32, #tpu.memory_space<vmem>> -> memref<128xi32, #tpu.memory_space<vmem>>
        %dma_wait3A_196 = arith.constant 0 : i32
        %dma_wait3A_197 = arith.constant 0 : i32
        %dma_wait3A_198 = tpu.memref_slice %arg2[%dma_wait3A_196, %dma_wait3A_197] : memref<10240x128xf32, #tpu.memory_space<hbm>> -> memref<10240x128xf32, #tpu.memory_space<hbm>>
        tpu.wait_indirect_dma semaphore(%arg15 : memref<!tpu.dma_semaphore, #tpu.memory_space<semaphore_mem>>) src(%dma_wait3A_198 : memref<10240x128xf32, #tpu.memory_space<hbm>>) dst(%arg12 : memref<128x128xf32, #tpu.memory_space<vmem>>)
        %scan3A = arith.constant 0 : i32
        %scan3A_199 = arith.constant 0 : i32
        %scan3A_200 = arith.constant 128 : i32
        %scan3A_201 = arith.addi %scan3A_199, %scan3A_200 : i32
        %scan3A_202 = arith.constant 1 : i32
        scf.for %scan3A_214 = %scan3A_199 to %scan3A_201 step %scan3A_202  : i32 {
          %mul3A_215 = arith.constant 128 : i32
          %mul3A_216 = arith.muli %add3A_187, %mul3A_215 : i32
          %add3A_217 = arith.addi %mul3A_216, %scan3A_214 : i32
          %get3A = arith.index_cast %add3A_217 : i32 to index
          %get3A_218 = tpu.vector_load %arg11[%get3A] {strides = array<i32>} : memref<4096xf32, #tpu.memory_space<vmem>>, vector<16xf32>,
          %get3A_219 = vector.shape_cast %get3A_218 : vector<16xf32> to vector<16xf32>
          %slice3A = vector.extract_strided_slice %get3A_219 {offsets = [0], sizes = [1], strides = [1]} : vector<16xf32> to vector<1xf32>
          %squeeze3A = vector.extract %slice3A[0] : f32 from vector<1xf32>
          %broadcast_in_dim3A = vector.broadcast %squeeze3A : f32 to vector<16xf32>
          %get3A_220 = arith.index_cast %scan3A_214 : i32 to index
          %get3A_221 = arith.constant 0 : index
          %get3A_222 = tpu.vector_load %arg12[%get3A_220, %get3A_221] {strides = array<i32>} : memref<128x128xf32, #tpu.memory_space<vmem>>, vector<1x16xf32>,
          %get3A_223 = vector.shape_cast %get3A_222 : vector<1x16xf32> to vector<16xf32>
          %mul3A_224 = arith.mulf %get3A_223, %broadcast_in_dim3A : vector<16xf32>
          %get3A_225 = arith.index_cast %scan3A_214 : i32 to index
          %get3A_226 = arith.constant 16 : index
          %get3A_227 = tpu.vector_load %arg12[%get3A_225, %get3A_226] {strides = array<i32>} : memref<128x128xf32, #tpu.memory_space<vmem>>, vector<1x16xf32>,
          %get3A_228 = vector.shape_cast %get3A_227 : vector<1x16xf32> to vector<16xf32>
          %mul3A_229 = arith.mulf %get3A_228, %broadcast_in_dim3A : vector<16xf32>
          %get3A_230 = arith.index_cast %scan3A_214 : i32 to index
          %get3A_231 = arith.constant 32 : index
          %get3A_232 = tpu.vector_load %arg12[%get3A_230, %get3A_231] {strides = array<i32>} : memref<128x128xf32, #tpu.memory_space<vmem>>, vector<1x16xf32>,
          %get3A_233 = vector.shape_cast %get3A_232 : vector<1x16xf32> to vector<16xf32>
          %mul3A_234 = arith.mulf %get3A_233, %broadcast_in_dim3A : vector<16xf32>
          %get3A_235 = arith.index_cast %scan3A_214 : i32 to index
          %get3A_236 = arith.constant 48 : index
          %get3A_237 = tpu.vector_load %arg12[%get3A_235, %get3A_236] {strides = array<i32>} : memref<128x128xf32, #tpu.memory_space<vmem>>, vector<1x16xf32>,
          %get3A_238 = vector.shape_cast %get3A_237 : vector<1x16xf32> to vector<16xf32>
          %mul3A_239 = arith.mulf %get3A_238, %broadcast_in_dim3A : vector<16xf32>
          %get3A_240 = arith.index_cast %scan3A_214 : i32 to index
          %get3A_241 = arith.constant 64 : index
          %get3A_242 = tpu.vector_load %arg12[%get3A_240, %get3A_241] {strides = array<i32>} : memref<128x128xf32, #tpu.memory_space<vmem>>, vector<1x16xf32>,
          %get3A_243 = vector.shape_cast %get3A_242 : vector<1x16xf32> to vector<16xf32>
          %mul3A_244 = arith.mulf %get3A_243, %broadcast_in_dim3A : vector<16xf32>
          %get3A_245 = arith.index_cast %scan3A_214 : i32 to index
          %get3A_246 = arith.constant 80 : index
          %get3A_247 = tpu.vector_load %arg12[%get3A_245, %get3A_246] {strides = array<i32>} : memref<128x128xf32, #tpu.memory_space<vmem>>, vector<1x16xf32>,
          %get3A_248 = vector.shape_cast %get3A_247 : vector<1x16xf32> to vector<16xf32>
          %mul3A_249 = arith.mulf %get3A_248, %broadcast_in_dim3A : vector<16xf32>
          %get3A_250 = arith.index_cast %scan3A_214 : i32 to index
          %get3A_251 = arith.constant 96 : index
          %get3A_252 = tpu.vector_load %arg12[%get3A_250, %get3A_251] {strides = array<i32>} : memref<128x128xf32, #tpu.memory_space<vmem>>, vector<1x16xf32>,
          %get3A_253 = vector.shape_cast %get3A_252 : vector<1x16xf32> to vector<16xf32>
          %mul3A_254 = arith.mulf %get3A_253, %broadcast_in_dim3A : vector<16xf32>
          %get3A_255 = arith.index_cast %scan3A_214 : i32 to index
          %get3A_256 = arith.constant 112 : index
          %get3A_257 = tpu.vector_load %arg12[%get3A_255, %get3A_256] {strides = array<i32>} : memref<128x128xf32, #tpu.memory_space<vmem>>, vector<1x16xf32>,
          %get3A_258 = vector.shape_cast %get3A_257 : vector<1x16xf32> to vector<16xf32>
          %mul3A_259 = arith.mulf %get3A_258, %broadcast_in_dim3A : vector<16xf32>
          %swap3A = arith.index_cast %scan3A_214 : i32 to index
          %swap3A_260 = arith.constant 0 : index
          %swap3A_261 = tpu.vector_load %arg12[%swap3A, %swap3A_260] {strides = array<i32>} : memref<128x128xf32, #tpu.memory_space<vmem>>, vector<1x16xf32>,
          %swap3A_262 = vector.shape_cast %swap3A_261 : vector<1x16xf32> to vector<16xf32>
          %swap3A_263 = vector.shape_cast %mul3A_224 : vector<16xf32> to vector<1x16xf32>
          tpu.vector_store %arg12[%swap3A, %swap3A_260], %swap3A_263 {strides = array<i32>} : memref<128x128xf32, #tpu.memory_space<vmem>>, vector<1x16xf32>,
          %swap3A_264 = arith.index_cast %scan3A_214 : i32 to index
          %swap3A_265 = arith.constant 16 : index
          %swap3A_266 = tpu.vector_load %arg12[%swap3A_264, %swap3A_265] {strides = array<i32>} : memref<128x128xf32, #tpu.memory_space<vmem>>, vector<1x16xf32>,
          %swap3A_267 = vector.shape_cast %swap3A_266 : vector<1x16xf32> to vector<16xf32>
          %swap3A_268 = vector.shape_cast %mul3A_229 : vector<16xf32> to vector<1x16xf32>
          tpu.vector_store %arg12[%swap3A_264, %swap3A_265], %swap3A_268 {strides = array<i32>} : memref<128x128xf32, #tpu.memory_space<vmem>>, vector<1x16xf32>,
          %swap3A_269 = arith.index_cast %scan3A_214 : i32 to index
          %swap3A_270 = arith.constant 32 : index
          %swap3A_271 = tpu.vector_load %arg12[%swap3A_269, %swap3A_270] {strides = array<i32>} : memref<128x128xf32, #tpu.memory_space<vmem>>, vector<1x16xf32>,
          %swap3A_272 = vector.shape_cast %swap3A_271 : vector<1x16xf32> to vector<16xf32>
          %swap3A_273 = vector.shape_cast %mul3A_234 : vector<16xf32> to vector<1x16xf32>
          tpu.vector_store %arg12[%swap3A_269, %swap3A_270], %swap3A_273 {strides = array<i32>} : memref<128x128xf32, #tpu.memory_space<vmem>>, vector<1x16xf32>,
          %swap3A_274 = arith.index_cast %scan3A_214 : i32 to index
          %swap3A_275 = arith.constant 48 : index
          %swap3A_276 = tpu.vector_load %arg12[%swap3A_274, %swap3A_275] {strides = array<i32>} : memref<128x128xf32, #tpu.memory_space<vmem>>, vector<1x16xf32>,
          %swap3A_277 = vector.shape_cast %swap3A_276 : vector<1x16xf32> to vector<16xf32>
          %swap3A_278 = vector.shape_cast %mul3A_239 : vector<16xf32> to vector<1x16xf32>
          tpu.vector_store %arg12[%swap3A_274, %swap3A_275], %swap3A_278 {strides = array<i32>} : memref<128x128xf32, #tpu.memory_space<vmem>>, vector<1x16xf32>,
          %swap3A_279 = arith.index_cast %scan3A_214 : i32 to index
          %swap3A_280 = arith.constant 64 : index
          %swap3A_281 = tpu.vector_load %arg12[%swap3A_279, %swap3A_280] {strides = array<i32>} : memref<128x128xf32, #tpu.memory_space<vmem>>, vector<1x16xf32>,
          %swap3A_282 = vector.shape_cast %swap3A_281 : vector<1x16xf32> to vector<16xf32>
          %swap3A_283 = vector.shape_cast %mul3A_244 : vector<16xf32> to vector<1x16xf32>
          tpu.vector_store %arg12[%swap3A_279, %swap3A_280], %swap3A_283 {strides = array<i32>} : memref<128x128xf32, #tpu.memory_space<vmem>>, vector<1x16xf32>,
          %swap3A_284 = arith.index_cast %scan3A_214 : i32 to index
          %swap3A_285 = arith.constant 80 : index
          %swap3A_286 = tpu.vector_load %arg12[%swap3A_284, %swap3A_285] {strides = array<i32>} : memref<128x128xf32, #tpu.memory_space<vmem>>, vector<1x16xf32>,
          %swap3A_287 = vector.shape_cast %swap3A_286 : vector<1x16xf32> to vector<16xf32>
          %swap3A_288 = vector.shape_cast %mul3A_249 : vector<16xf32> to vector<1x16xf32>
          tpu.vector_store %arg12[%swap3A_284, %swap3A_285], %swap3A_288 {strides = array<i32>} : memref<128x128xf32, #tpu.memory_space<vmem>>, vector<1x16xf32>,
          %swap3A_289 = arith.index_cast %scan3A_214 : i32 to index
          %swap3A_290 = arith.constant 96 : index
          %swap3A_291 = tpu.vector_load %arg12[%swap3A_289, %swap3A_290] {strides = array<i32>} : memref<128x128xf32, #tpu.memory_space<vmem>>, vector<1x16xf32>,
          %swap3A_292 = vector.shape_cast %swap3A_291 : vector<1x16xf32> to vector<16xf32>
          %swap3A_293 = vector.shape_cast %mul3A_254 : vector<16xf32> to vector<1x16xf32>
          tpu.vector_store %arg12[%swap3A_289, %swap3A_290], %swap3A_293 {strides = array<i32>} : memref<128x128xf32, #tpu.memory_space<vmem>>, vector<1x16xf32>,
          %swap3A_294 = arith.index_cast %scan3A_214 : i32 to index
          %swap3A_295 = arith.constant 112 : index
          %swap3A_296 = tpu.vector_load %arg12[%swap3A_294, %swap3A_295] {strides = array<i32>} : memref<128x128xf32, #tpu.memory_space<vmem>>, vector<1x16xf32>,
          %swap3A_297 = vector.shape_cast %swap3A_296 : vector<1x16xf32> to vector<16xf32>
          %swap3A_298 = vector.shape_cast %mul3A_259 : vector<16xf32> to vector<1x16xf32>
          tpu.vector_store %arg12[%swap3A_294, %swap3A_295], %swap3A_298 {strides = array<i32>} : memref<128x128xf32, #tpu.memory_space<vmem>>, vector<1x16xf32>,
        }
        %scan3A_203 = arith.constant 128 : i32
        "tpu.region"() ({
          %run_scoped3A = tpu.sem_alloc : memref<!tpu.dma_semaphore, #tpu.memory_space<semaphore_mem>>
          %dma_start3A_214 = arith.constant 0 : i32
          %dma_start3A_215 = tpu.memref_slice %arg10[%add3A_187, %dma_start3A_214] : memref<32x128xi32, #tpu.memory_space<vmem>> -> memref<1x128xi32, #tpu.memory_space<vmem>>
          %dma_start3A_216 = tpu.memref_squeeze %dma_start3A_215 : memref<1x128xi32, #tpu.memory_space<vmem>> -> memref<128xi32, #tpu.memory_space<vmem>>
          %dma_start3A_217 = arith.constant 0 : i32
          %dma_start3A_218 = arith.constant 0 : i32
          %dma_start3A_219 = tpu.memref_slice %arg8[%dma_start3A_217, %dma_start3A_218] : memref<10240x128xf32, #tpu.memory_space<vmem_shared>> -> memref<10240x128xf32, #tpu.memory_space<vmem_shared>>
          tpu.enqueue_indirect_dma source(%arg12 : memref<128x128xf32, #tpu.memory_space<vmem>>) target(%dma_start3A_219 : memref<10240x128xf32, #tpu.memory_space<vmem_shared>>) offsets(%dma_start3A_216 : memref<128xi32, #tpu.memory_space<vmem>>) semaphore(%run_scoped3A : memref<!tpu.dma_semaphore, #tpu.memory_space<semaphore_mem>>) {add = true}
          %dma_wait3A_220 = arith.constant 0 : i32
          %dma_wait3A_221 = tpu.memref_slice %arg10[%add3A_187, %dma_wait3A_220] : memref<32x128xi32, #tpu.memory_space<vmem>> -> memref<1x128xi32, #tpu.memory_space<vmem>>
          %dma_wait3A_222 = tpu.memref_squeeze %dma_wait3A_221 : memref<1x128xi32, #tpu.memory_space<vmem>> -> memref<128xi32, #tpu.memory_space<vmem>>
          %dma_wait3A_223 = arith.constant 0 : i32
          %dma_wait3A_224 = arith.constant 0 : i32
          %dma_wait3A_225 = tpu.memref_slice %arg8[%dma_wait3A_223, %dma_wait3A_224] : memref<10240x128xf32, #tpu.memory_space<vmem_shared>> -> memref<10240x128xf32, #tpu.memory_space<vmem_shared>>
          tpu.wait_indirect_dma semaphore(%run_scoped3A : memref<!tpu.dma_semaphore, #tpu.memory_space<semaphore_mem>>) src(%arg12 : memref<128x128xf32, #tpu.memory_space<vmem>>) dst(%dma_wait3A_225 : memref<10240x128xf32, #tpu.memory_space<vmem_shared>>)
          tpu.yield
        }) : () -> ()
        %add3A_204 = arith.constant 2 : i32
        %add3A_205 = arith.addi %add3A_187, %add3A_204 : i32
        %lt3A_206 = arith.cmpi slt, %add3A_205, %min3A_127 : i32
        %convert_element_type3A_207 = arith.extui %lt3A_206 : i1 to i32
        %cond3A_208 = arith.constant 0 : i32
        %cond3A_209 = arith.cmpi ne, %convert_element_type3A_207, %cond3A_208 : i32
        scf.if %cond3A_209 {
          %add3A_214 = arith.constant 2 : i32
          %add3A_215 = arith.addi %add3A_187, %add3A_214 : i32
          %mul3A_216 = arith.constant 128 : i32
          %mul3A_217 = arith.muli %add3A_215, %mul3A_216 : i32
          %dma_start3A_218 = tpu.memref_slice %arg9[%mul3A_217] : memref<4096xi32, #tpu.memory_space<vmem>> -> memref<128xi32, #tpu.memory_space<vmem>>
          %dma_start3A_219 = arith.constant 0 : i32
          %dma_start3A_220 = arith.constant 0 : i32
          %dma_start3A_221 = tpu.memref_slice %arg2[%dma_start3A_219, %dma_start3A_220] : memref<10240x128xf32, #tpu.memory_space<hbm>> -> memref<10240x128xf32, #tpu.memory_space<hbm>>
          tpu.enqueue_indirect_dma source(%dma_start3A_221 : memref<10240x128xf32, #tpu.memory_space<hbm>>) target(%arg12 : memref<128x128xf32, #tpu.memory_space<vmem>>) offsets(%dma_start3A_218 : memref<128xi32, #tpu.memory_space<vmem>>) semaphore(%arg15 : memref<!tpu.dma_semaphore, #tpu.memory_space<semaphore_mem>>)
        } else {
        }
        %lt3A_210 = arith.cmpi slt, %add3A_189, %min3A_127 : i32
        %convert_element_type3A_211 = arith.extui %lt3A_210 : i1 to i32
        %cond3A_212 = arith.constant 0 : i32
        %cond3A_213 = arith.cmpi ne, %convert_element_type3A_211, %cond3A_212 : i32
        scf.if %cond3A_213 {
          %dma_wait3A_214 = arith.constant 0 : i32
          %dma_wait3A_215 = tpu.memref_slice %arg9[%dma_wait3A_214] : memref<4096xi32, #tpu.memory_space<vmem>> -> memref<128xi32, #tpu.memory_space<vmem>>
          %dma_wait3A_216 = arith.constant 0 : i32
          %dma_wait3A_217 = arith.constant 0 : i32
          %dma_wait3A_218 = tpu.memref_slice %arg2[%dma_wait3A_216, %dma_wait3A_217] : memref<10240x128xf32, #tpu.memory_space<hbm>> -> memref<10240x128xf32, #tpu.memory_space<hbm>>
          tpu.wait_indirect_dma semaphore(%arg16 : memref<!tpu.dma_semaphore, #tpu.memory_space<semaphore_mem>>) src(%dma_wait3A_218 : memref<10240x128xf32, #tpu.memory_space<hbm>>) dst(%arg13 : memref<128x128xf32, #tpu.memory_space<vmem>>)
          %scan3A_219 = arith.constant 0 : i32
          %scan3A_220 = arith.constant 0 : i32
          %scan3A_221 = arith.constant 128 : i32
          %scan3A_222 = arith.addi %scan3A_220, %scan3A_221 : i32
          %scan3A_223 = arith.constant 1 : i32
          scf.for %scan3A_225 = %scan3A_220 to %scan3A_222 step %scan3A_223  : i32 {
            %mul3A_226 = arith.constant 128 : i32
            %mul3A_227 = arith.muli %add3A_189, %mul3A_226 : i32
            %add3A_228 = arith.addi %mul3A_227, %scan3A_225 : i32
            %get3A = arith.index_cast %add3A_228 : i32 to index
            %get3A_229 = tpu.vector_load %arg11[%get3A] {strides = array<i32>} : memref<4096xf32, #tpu.memory_space<vmem>>, vector<16xf32>,
            %get3A_230 = vector.shape_cast %get3A_229 : vector<16xf32> to vector<16xf32>
            %slice3A = vector.extract_strided_slice %get3A_230 {offsets = [0], sizes = [1], strides = [1]} : vector<16xf32> to vector<1xf32>
            %squeeze3A = vector.extract %slice3A[0] : f32 from vector<1xf32>
            %broadcast_in_dim3A = vector.broadcast %squeeze3A : f32 to vector<16xf32>
            %get3A_231 = arith.index_cast %scan3A_225 : i32 to index
            %get3A_232 = arith.constant 0 : index
            %get3A_233 = tpu.vector_load %arg13[%get3A_231, %get3A_232] {strides = array<i32>} : memref<128x128xf32, #tpu.memory_space<vmem>>, vector<1x16xf32>,
            %get3A_234 = vector.shape_cast %get3A_233 : vector<1x16xf32> to vector<16xf32>
            %mul3A_235 = arith.mulf %get3A_234, %broadcast_in_dim3A : vector<16xf32>
            %get3A_236 = arith.index_cast %scan3A_225 : i32 to index
            %get3A_237 = arith.constant 16 : index
            %get3A_238 = tpu.vector_load %arg13[%get3A_236, %get3A_237] {strides = array<i32>} : memref<128x128xf32, #tpu.memory_space<vmem>>, vector<1x16xf32>,
            %get3A_239 = vector.shape_cast %get3A_238 : vector<1x16xf32> to vector<16xf32>
            %mul3A_240 = arith.mulf %get3A_239, %broadcast_in_dim3A : vector<16xf32>
            %get3A_241 = arith.index_cast %scan3A_225 : i32 to index
            %get3A_242 = arith.constant 32 : index
            %get3A_243 = tpu.vector_load %arg13[%get3A_241, %get3A_242] {strides = array<i32>} : memref<128x128xf32, #tpu.memory_space<vmem>>, vector<1x16xf32>,
            %get3A_244 = vector.shape_cast %get3A_243 : vector<1x16xf32> to vector<16xf32>
            %mul3A_245 = arith.mulf %get3A_244, %broadcast_in_dim3A : vector<16xf32>
            %get3A_246 = arith.index_cast %scan3A_225 : i32 to index
            %get3A_247 = arith.constant 48 : index
            %get3A_248 = tpu.vector_load %arg13[%get3A_246, %get3A_247] {strides = array<i32>} : memref<128x128xf32, #tpu.memory_space<vmem>>, vector<1x16xf32>,
            %get3A_249 = vector.shape_cast %get3A_248 : vector<1x16xf32> to vector<16xf32>
            %mul3A_250 = arith.mulf %get3A_249, %broadcast_in_dim3A : vector<16xf32>
            %get3A_251 = arith.index_cast %scan3A_225 : i32 to index
            %get3A_252 = arith.constant 64 : index
            %get3A_253 = tpu.vector_load %arg13[%get3A_251, %get3A_252] {strides = array<i32>} : memref<128x128xf32, #tpu.memory_space<vmem>>, vector<1x16xf32>,
            %get3A_254 = vector.shape_cast %get3A_253 : vector<1x16xf32> to vector<16xf32>
            %mul3A_255 = arith.mulf %get3A_254, %broadcast_in_dim3A : vector<16xf32>
            %get3A_256 = arith.index_cast %scan3A_225 : i32 to index
            %get3A_257 = arith.constant 80 : index
            %get3A_258 = tpu.vector_load %arg13[%get3A_256, %get3A_257] {strides = array<i32>} : memref<128x128xf32, #tpu.memory_space<vmem>>, vector<1x16xf32>,
            %get3A_259 = vector.shape_cast %get3A_258 : vector<1x16xf32> to vector<16xf32>
            %mul3A_260 = arith.mulf %get3A_259, %broadcast_in_dim3A : vector<16xf32>
            %get3A_261 = arith.index_cast %scan3A_225 : i32 to index
            %get3A_262 = arith.constant 96 : index
            %get3A_263 = tpu.vector_load %arg13[%get3A_261, %get3A_262] {strides = array<i32>} : memref<128x128xf32, #tpu.memory_space<vmem>>, vector<1x16xf32>,
            %get3A_264 = vector.shape_cast %get3A_263 : vector<1x16xf32> to vector<16xf32>
            %mul3A_265 = arith.mulf %get3A_264, %broadcast_in_dim3A : vector<16xf32>
            %get3A_266 = arith.index_cast %scan3A_225 : i32 to index
            %get3A_267 = arith.constant 112 : index
            %get3A_268 = tpu.vector_load %arg13[%get3A_266, %get3A_267] {strides = array<i32>} : memref<128x128xf32, #tpu.memory_space<vmem>>, vector<1x16xf32>,
            %get3A_269 = vector.shape_cast %get3A_268 : vector<1x16xf32> to vector<16xf32>
            %mul3A_270 = arith.mulf %get3A_269, %broadcast_in_dim3A : vector<16xf32>
            %swap3A = arith.index_cast %scan3A_225 : i32 to index
            %swap3A_271 = arith.constant 0 : index
            %swap3A_272 = tpu.vector_load %arg13[%swap3A, %swap3A_271] {strides = array<i32>} : memref<128x128xf32, #tpu.memory_space<vmem>>, vector<1x16xf32>,
            %swap3A_273 = vector.shape_cast %swap3A_272 : vector<1x16xf32> to vector<16xf32>
            %swap3A_274 = vector.shape_cast %mul3A_235 : vector<16xf32> to vector<1x16xf32>
            tpu.vector_store %arg13[%swap3A, %swap3A_271], %swap3A_274 {strides = array<i32>} : memref<128x128xf32, #tpu.memory_space<vmem>>, vector<1x16xf32>,
            %swap3A_275 = arith.index_cast %scan3A_225 : i32 to index
            %swap3A_276 = arith.constant 16 : index
            %swap3A_277 = tpu.vector_load %arg13[%swap3A_275, %swap3A_276] {strides = array<i32>} : memref<128x128xf32, #tpu.memory_space<vmem>>, vector<1x16xf32>,
            %swap3A_278 = vector.shape_cast %swap3A_277 : vector<1x16xf32> to vector<16xf32>
            %swap3A_279 = vector.shape_cast %mul3A_240 : vector<16xf32> to vector<1x16xf32>
            tpu.vector_store %arg13[%swap3A_275, %swap3A_276], %swap3A_279 {strides = array<i32>} : memref<128x128xf32, #tpu.memory_space<vmem>>, vector<1x16xf32>,
            %swap3A_280 = arith.index_cast %scan3A_225 : i32 to index
            %swap3A_281 = arith.constant 32 : index
            %swap3A_282 = tpu.vector_load %arg13[%swap3A_280, %swap3A_281] {strides = array<i32>} : memref<128x128xf32, #tpu.memory_space<vmem>>, vector<1x16xf32>,
            %swap3A_283 = vector.shape_cast %swap3A_282 : vector<1x16xf32> to vector<16xf32>
            %swap3A_284 = vector.shape_cast %mul3A_245 : vector<16xf32> to vector<1x16xf32>
            tpu.vector_store %arg13[%swap3A_280, %swap3A_281], %swap3A_284 {strides = array<i32>} : memref<128x128xf32, #tpu.memory_space<vmem>>, vector<1x16xf32>,
            %swap3A_285 = arith.index_cast %scan3A_225 : i32 to index
            %swap3A_286 = arith.constant 48 : index
            %swap3A_287 = tpu.vector_load %arg13[%swap3A_285, %swap3A_286] {strides = array<i32>} : memref<128x128xf32, #tpu.memory_space<vmem>>, vector<1x16xf32>,
            %swap3A_288 = vector.shape_cast %swap3A_287 : vector<1x16xf32> to vector<16xf32>
            %swap3A_289 = vector.shape_cast %mul3A_250 : vector<16xf32> to vector<1x16xf32>
            tpu.vector_store %arg13[%swap3A_285, %swap3A_286], %swap3A_289 {strides = array<i32>} : memref<128x128xf32, #tpu.memory_space<vmem>>, vector<1x16xf32>,
            %swap3A_290 = arith.index_cast %scan3A_225 : i32 to index
            %swap3A_291 = arith.constant 64 : index
            %swap3A_292 = tpu.vector_load %arg13[%swap3A_290, %swap3A_291] {strides = array<i32>} : memref<128x128xf32, #tpu.memory_space<vmem>>, vector<1x16xf32>,
            %swap3A_293 = vector.shape_cast %swap3A_292 : vector<1x16xf32> to vector<16xf32>
            %swap3A_294 = vector.shape_cast %mul3A_255 : vector<16xf32> to vector<1x16xf32>
            tpu.vector_store %arg13[%swap3A_290, %swap3A_291], %swap3A_294 {strides = array<i32>} : memref<128x128xf32, #tpu.memory_space<vmem>>, vector<1x16xf32>,
            %swap3A_295 = arith.index_cast %scan3A_225 : i32 to index
            %swap3A_296 = arith.constant 80 : index
            %swap3A_297 = tpu.vector_load %arg13[%swap3A_295, %swap3A_296] {strides = array<i32>} : memref<128x128xf32, #tpu.memory_space<vmem>>, vector<1x16xf32>,
            %swap3A_298 = vector.shape_cast %swap3A_297 : vector<1x16xf32> to vector<16xf32>
            %swap3A_299 = vector.shape_cast %mul3A_260 : vector<16xf32> to vector<1x16xf32>
            tpu.vector_store %arg13[%swap3A_295, %swap3A_296], %swap3A_299 {strides = array<i32>} : memref<128x128xf32, #tpu.memory_space<vmem>>, vector<1x16xf32>,
            %swap3A_300 = arith.index_cast %scan3A_225 : i32 to index
            %swap3A_301 = arith.constant 96 : index
            %swap3A_302 = tpu.vector_load %arg13[%swap3A_300, %swap3A_301] {strides = array<i32>} : memref<128x128xf32, #tpu.memory_space<vmem>>, vector<1x16xf32>,
            %swap3A_303 = vector.shape_cast %swap3A_302 : vector<1x16xf32> to vector<16xf32>
            %swap3A_304 = vector.shape_cast %mul3A_265 : vector<16xf32> to vector<1x16xf32>
            tpu.vector_store %arg13[%swap3A_300, %swap3A_301], %swap3A_304 {strides = array<i32>} : memref<128x128xf32, #tpu.memory_space<vmem>>, vector<1x16xf32>,
            %swap3A_305 = arith.index_cast %scan3A_225 : i32 to index
            %swap3A_306 = arith.constant 112 : index
            %swap3A_307 = tpu.vector_load %arg13[%swap3A_305, %swap3A_306] {strides = array<i32>} : memref<128x128xf32, #tpu.memory_space<vmem>>, vector<1x16xf32>,
            %swap3A_308 = vector.shape_cast %swap3A_307 : vector<1x16xf32> to vector<16xf32>
            %swap3A_309 = vector.shape_cast %mul3A_270 : vector<16xf32> to vector<1x16xf32>
            tpu.vector_store %arg13[%swap3A_305, %swap3A_306], %swap3A_309 {strides = array<i32>} : memref<128x128xf32, #tpu.memory_space<vmem>>, vector<1x16xf32>,
          }
          %scan3A_224 = arith.constant 128 : i32
          "tpu.region"() ({
            %run_scoped3A = tpu.sem_alloc : memref<!tpu.dma_semaphore, #tpu.memory_space<semaphore_mem>>
            %dma_start3A_225 = arith.constant 0 : i32
            %dma_start3A_226 = tpu.memref_slice %arg10[%add3A_189, %dma_start3A_225] : memref<32x128xi32, #tpu.memory_space<vmem>> -> memref<1x128xi32, #tpu.memory_space<vmem>>
            %dma_start3A_227 = tpu.memref_squeeze %dma_start3A_226 : memref<1x128xi32, #tpu.memory_space<vmem>> -> memref<128xi32, #tpu.memory_space<vmem>>
            %dma_start3A_228 = arith.constant 0 : i32
            %dma_start3A_229 = arith.constant 0 : i32
            %dma_start3A_230 = tpu.memref_slice %arg8[%dma_start3A_228, %dma_start3A_229] : memref<10240x128xf32, #tpu.memory_space<vmem_shared>> -> memref<10240x128xf32, #tpu.memory_space<vmem_shared>>
            tpu.enqueue_indirect_dma source(%arg13 : memref<128x128xf32, #tpu.memory_space<vmem>>) target(%dma_start3A_230 : memref<10240x128xf32, #tpu.memory_space<vmem_shared>>) offsets(%dma_start3A_227 : memref<128xi32, #tpu.memory_space<vmem>>) semaphore(%run_scoped3A : memref<!tpu.dma_semaphore, #tpu.memory_space<semaphore_mem>>) {add = true}
            %dma_wait3A_231 = arith.constant 0 : i32
            %dma_wait3A_232 = tpu.memref_slice %arg10[%add3A_189, %dma_wait3A_231] : memref<32x128xi32, #tpu.memory_space<vmem>> -> memref<1x128xi32, #tpu.memory_space<vmem>>
            %dma_wait3A_233 = tpu.memref_squeeze %dma_wait3A_232 : memref<1x128xi32, #tpu.memory_space<vmem>> -> memref<128xi32, #tpu.memory_space<vmem>>
            %dma_wait3A_234 = arith.constant 0 : i32
            %dma_wait3A_235 = arith.constant 0 : i32
            %dma_wait3A_236 = tpu.memref_slice %arg8[%dma_wait3A_234, %dma_wait3A_235] : memref<10240x128xf32, #tpu.memory_space<vmem_shared>> -> memref<10240x128xf32, #tpu.memory_space<vmem_shared>>
            tpu.wait_indirect_dma semaphore(%run_scoped3A : memref<!tpu.dma_semaphore, #tpu.memory_space<semaphore_mem>>) src(%arg13 : memref<128x128xf32, #tpu.memory_space<vmem>>) dst(%dma_wait3A_236 : memref<10240x128xf32, #tpu.memory_space<vmem_shared>>)
            tpu.yield
          }) : () -> ()
        } else {
        }
      }
    }
    %barrier3A_115 = arith.constant 0 : index
    tpu.barrier barrier_id(%barrier3A_115)
    %mul3A_116 = arith.constant 640 : i32
    %mul3A_117 = arith.muli %arg1, %mul3A_116 : i32
    %mul3A_118 = arith.constant 640 : i32
    %mul3A_119 = arith.muli %arg1, %mul3A_118 : i32
    "tpu.region"() ({
      %run_scoped3A = tpu.sem_alloc : memref<!tpu.dma_semaphore, #tpu.memory_space<semaphore_mem>>
      %dma_start3A = arith.constant 0 : i32
      %dma_start3A_120 = tpu.memref_slice %arg7[%arg0, %mul3A_119, %dma_start3A] : memref<2x10240x128xf32, #tpu.memory_space<hbm>> -> memref<1x640x128xf32, #tpu.memory_space<hbm>>
      %dma_start3A_121 = tpu.memref_squeeze %dma_start3A_120 : memref<1x640x128xf32, #tpu.memory_space<hbm>> -> memref<640x128xf32, #tpu.memory_space<hbm>>
      %dma_start3A_122 = arith.constant 0 : i32
      %dma_start3A_123 = tpu.memref_slice %arg8[%mul3A_117, %dma_start3A_122] : memref<10240x128xf32, #tpu.memory_space<vmem_shared>> -> memref<640x128xf32, #tpu.memory_space<vmem_shared>>
      tpu.enqueue_dma source(%dma_start3A_123 : memref<640x128xf32, #tpu.memory_space<vmem_shared>>) target(%dma_start3A_121 : memref<640x128xf32, #tpu.memory_space<hbm>>) target_semaphore(%run_scoped3A : memref<!tpu.dma_semaphore, #tpu.memory_space<semaphore_mem>>)
      %dma_wait3A = arith.constant 0 : i32
      %dma_wait3A_124 = tpu.memref_slice %arg7[%arg0, %mul3A_119, %dma_wait3A] : memref<2x10240x128xf32, #tpu.memory_space<hbm>> -> memref<1x640x128xf32, #tpu.memory_space<hbm>>
      %dma_wait3A_125 = tpu.memref_squeeze %dma_wait3A_124 : memref<1x640x128xf32, #tpu.memory_space<hbm>> -> memref<640x128xf32, #tpu.memory_space<hbm>>
      %dma_wait3A_126 = arith.constant 0 : i32
      %dma_wait3A_127 = tpu.memref_slice %arg8[%mul3A_117, %dma_wait3A_126] : memref<10240x128xf32, #tpu.memory_space<vmem_shared>> -> memref<640x128xf32, #tpu.memory_space<vmem_shared>>
      tpu.wait_dma2 semaphore(%run_scoped3A : memref<!tpu.dma_semaphore, #tpu.memory_space<semaphore_mem>>) src(%dma_wait3A_127 : memref<640x128xf32, #tpu.memory_space<vmem_shared>>) dst(%dma_wait3A_125 : memref<640x128xf32, #tpu.memory_space<hbm>>)
      tpu.yield
    }) : () -> ()
    return
  }
}

#map = affine_map<(d0, d1) -> (0, 0)>
#map1 = affine_map<(d0, d1) -> (0)>
#map2 = affine_map<(d0, d1) -> (0, 0, 0)>
module attributes {stable_mosaic.version = 14 : i64} {
  func.func @_sc_layer(%arg0: i32, %arg1: i32, %arg2: memref<10240x128xf32, #tpu.memory_space<hbm>>, %arg3: memref<324096xi32, #tpu.memory_space<hbm>>, %arg4: memref<2532x128xi32, #tpu.memory_space<hbm>>, %arg5: memref<324096xf32, #tpu.memory_space<hbm>>, %arg6: memref<10240x128xf32, #tpu.memory_space<hbm>>, %arg7: memref<2x10240x128xf32, #tpu.memory_space<hbm>>, %arg8: memref<10240x128xf32, #tpu.memory_space<vmem_shared>>, %arg9: memref<4096xi32, #tpu.memory_space<vmem>>, %arg10: memref<32x128xi32, #tpu.memory_space<vmem>>, %arg11: memref<4096xf32, #tpu.memory_space<vmem>>, %arg12: memref<128x128xf32, #tpu.memory_space<vmem>>, %arg13: memref<128x128xf32, #tpu.memory_space<vmem>>, %arg14: memref<!tpu.dma_semaphore, #tpu.memory_space<semaphore_mem>>, %arg15: memref<!tpu.dma_semaphore, #tpu.memory_space<semaphore_mem>>, %arg16: memref<!tpu.dma_semaphore, #tpu.memory_space<semaphore_mem>>) attributes {dimension_semantics = [#tpu.dimension_semantics<core_parallel>, #tpu.dimension_semantics<subcore_parallel>], iteration_bounds = array<i64: 2, 16>, scalar_prefetch = 0 : i64, scratch_operands = 9 : i64, tpu.core_type = #tpu.core_type<sc_vector_subcore>, window_params = [{transform_indices = #map}, {transform_indices = #map1}, {transform_indices = #map}, {transform_indices = #map1}, {transform_indices = #map}, {transform_indices = #map2}]} {
    %mul3A = arith.constant 2 : i32
    %mul3A_0 = arith.muli %arg1, %mul3A : i32
    %add3A = arith.addi %mul3A_0, %arg0 : i32
    %mul3A_1 = arith.constant 640 : i32
    %mul3A_2 = arith.muli %arg1, %mul3A_1 : i32
    %mul3A_3 = arith.constant 640 : i32
    %mul3A_4 = arith.muli %arg1, %mul3A_3 : i32
    "tpu.region"() ({
      %run_scoped3A = tpu.sem_alloc : memref<!tpu.dma_semaphore, #tpu.memory_space<semaphore_mem>>
      %dma_start3A = arith.constant 0 : i32
      %dma_start3A_120 = tpu.memref_slice %arg8[%mul3A_4, %dma_start3A] : memref<10240x128xf32, #tpu.memory_space<vmem_shared>> -> memref<640x128xf32, #tpu.memory_space<vmem_shared>>
      %dma_start3A_121 = arith.constant 0 : i32
      %dma_start3A_122 = tpu.memref_slice %arg6[%mul3A_2, %dma_start3A_121] : memref<10240x128xf32, #tpu.memory_space<hbm>> -> memref<640x128xf32, #tpu.memory_space<hbm>>
      tpu.enqueue_dma source(%dma_start3A_122 : memref<640x128xf32, #tpu.memory_space<hbm>>) target(%dma_start3A_120 : memref<640x128xf32, #tpu.memory_space<vmem_shared>>) target_semaphore(%run_scoped3A : memref<!tpu.dma_semaphore, #tpu.memory_space<semaphore_mem>>)
      %dma_wait3A = arith.constant 0 : i32
      %dma_wait3A_123 = tpu.memref_slice %arg8[%mul3A_4, %dma_wait3A] : memref<10240x128xf32, #tpu.memory_space<vmem_shared>> -> memref<640x128xf32, #tpu.memory_space<vmem_shared>>
      %dma_wait3A_124 = arith.constant 0 : i32
      %dma_wait3A_125 = tpu.memref_slice %arg6[%mul3A_2, %dma_wait3A_124] : memref<10240x128xf32, #tpu.memory_space<hbm>> -> memref<640x128xf32, #tpu.memory_space<hbm>>
      tpu.wait_dma2 semaphore(%run_scoped3A : memref<!tpu.dma_semaphore, #tpu.memory_space<semaphore_mem>>) src(%dma_wait3A_125 : memref<640x128xf32, #tpu.memory_space<hbm>>) dst(%dma_wait3A_123 : memref<640x128xf32, #tpu.memory_space<vmem_shared>>)
      tpu.yield
    }) : () -> ()
    %barrier3A = arith.constant 0 : index
    tpu.barrier barrier_id(%barrier3A)
    %mul3A_5 = arith.constant 2500 : i32
    %mul3A_6 = arith.muli %mul3A_5, %add3A : i32
    %jit3A = arith.constant 32 : i32
    %div3A = arith.divsi %mul3A_6, %jit3A : i32
    %sign3A = arith.constant 0 : i32
    %sign3A_7 = arith.cmpi sgt, %mul3A_6, %sign3A : i32
    %sign3A_8 = arith.extui %sign3A_7 : i1 to i32
    %sign3A_9 = arith.constant 0 : i32
    %sign3A_10 = arith.cmpi slt, %mul3A_6, %sign3A_9 : i32
    %sign3A_11 = arith.extui %sign3A_10 : i1 to i32
    %sign3A_12 = arith.subi %sign3A_8, %sign3A_11 : i32
    %sign3A_13 = arith.constant 0 : i32
    %sign3A_14 = arith.cmpi sgt, %jit3A, %sign3A_13 : i32
    %sign3A_15 = arith.extui %sign3A_14 : i1 to i32
    %sign3A_16 = arith.constant 0 : i32
    %sign3A_17 = arith.cmpi slt, %jit3A, %sign3A_16 : i32
    %sign3A_18 = arith.extui %sign3A_17 : i1 to i32
    %sign3A_19 = arith.subi %sign3A_15, %sign3A_18 : i32
    %ne3A = arith.cmpi ne, %sign3A_12, %sign3A_19 : i32
    %rem3A = arith.remsi %mul3A_6, %jit3A : i32
    %ne3A_20 = arith.constant 0 : i32
    %ne3A_21 = arith.cmpi ne, %rem3A, %ne3A_20 : i32
    %and3A = arith.andi %ne3A, %ne3A_21 : i1
    %sub3A = arith.constant 1 : i32
    %sub3A_22 = arith.subi %div3A, %sub3A : i32
    %select_n3A = arith.select %and3A, %sub3A_22, %div3A : i32
    %add3A_23 = arith.constant 1 : i32
    %add3A_24 = arith.addi %add3A, %add3A_23 : i32
    %mul3A_25 = arith.constant 2500 : i32
    %mul3A_26 = arith.muli %mul3A_25, %add3A_24 : i32
    %jit3A_27 = arith.constant 32 : i32
    %div3A_28 = arith.divsi %mul3A_26, %jit3A_27 : i32
    %sign3A_29 = arith.constant 0 : i32
    %sign3A_30 = arith.cmpi sgt, %mul3A_26, %sign3A_29 : i32
    %sign3A_31 = arith.extui %sign3A_30 : i1 to i32
    %sign3A_32 = arith.constant 0 : i32
    %sign3A_33 = arith.cmpi slt, %mul3A_26, %sign3A_32 : i32
    %sign3A_34 = arith.extui %sign3A_33 : i1 to i32
    %sign3A_35 = arith.subi %sign3A_31, %sign3A_34 : i32
    %sign3A_36 = arith.constant 0 : i32
    %sign3A_37 = arith.cmpi sgt, %jit3A_27, %sign3A_36 : i32
    %sign3A_38 = arith.extui %sign3A_37 : i1 to i32
    %sign3A_39 = arith.constant 0 : i32
    %sign3A_40 = arith.cmpi slt, %jit3A_27, %sign3A_39 : i32
    %sign3A_41 = arith.extui %sign3A_40 : i1 to i32
    %sign3A_42 = arith.subi %sign3A_38, %sign3A_41 : i32
    %ne3A_43 = arith.cmpi ne, %sign3A_35, %sign3A_42 : i32
    %rem3A_44 = arith.remsi %mul3A_26, %jit3A_27 : i32
    %ne3A_45 = arith.constant 0 : i32
    %ne3A_46 = arith.cmpi ne, %rem3A_44, %ne3A_45 : i32
    %and3A_47 = arith.andi %ne3A_43, %ne3A_46 : i1
    %sub3A_48 = arith.constant 1 : i32
    %sub3A_49 = arith.subi %div3A_28, %sub3A_48 : i32
    %select_n3A_50 = arith.select %and3A_47, %sub3A_49, %div3A_28 : i32
    %jit3A_51 = arith.constant 32 : i32
    %div3A_52 = arith.divsi %select_n3A, %jit3A_51 : i32
    %sign3A_53 = arith.constant 0 : i32
    %sign3A_54 = arith.cmpi sgt, %select_n3A, %sign3A_53 : i32
    %sign3A_55 = arith.extui %sign3A_54 : i1 to i32
    %sign3A_56 = arith.constant 0 : i32
    %sign3A_57 = arith.cmpi slt, %select_n3A, %sign3A_56 : i32
    %sign3A_58 = arith.extui %sign3A_57 : i1 to i32
    %sign3A_59 = arith.subi %sign3A_55, %sign3A_58 : i32
    %sign3A_60 = arith.constant 0 : i32
    %sign3A_61 = arith.cmpi sgt, %jit3A_51, %sign3A_60 : i32
    %sign3A_62 = arith.extui %sign3A_61 : i1 to i32
    %sign3A_63 = arith.constant 0 : i32
    %sign3A_64 = arith.cmpi slt, %jit3A_51, %sign3A_63 : i32
    %sign3A_65 = arith.extui %sign3A_64 : i1 to i32
    %sign3A_66 = arith.subi %sign3A_62, %sign3A_65 : i32
    %ne3A_67 = arith.cmpi ne, %sign3A_59, %sign3A_66 : i32
    %rem3A_68 = arith.remsi %select_n3A, %jit3A_51 : i32
    %ne3A_69 = arith.constant 0 : i32
    %ne3A_70 = arith.cmpi ne, %rem3A_68, %ne3A_69 : i32
    %and3A_71 = arith.andi %ne3A_67, %ne3A_70 : i1
    %sub3A_72 = arith.constant 1 : i32
    %sub3A_73 = arith.subi %div3A_52, %sub3A_72 : i32
    %select_n3A_74 = arith.select %and3A_71, %sub3A_73, %div3A_52 : i32
    %mul3A_75 = arith.constant 32 : i32
    %mul3A_76 = arith.muli %select_n3A_74, %mul3A_75 : i32
    %sub3A_77 = arith.subi %select_n3A_50, %mul3A_76 : i32
    %add3A_78 = arith.constant 32 : i32
    %add3A_79 = arith.addi %sub3A_77, %add3A_78 : i32
    %sub3A_80 = arith.constant 1 : i32
    %sub3A_81 = arith.subi %add3A_79, %sub3A_80 : i32
    %jit3A_82 = arith.constant 32 : i32
    %div3A_83 = arith.divsi %sub3A_81, %jit3A_82 : i32
    %sign3A_84 = arith.constant 0 : i32
    %sign3A_85 = arith.cmpi sgt, %sub3A_81, %sign3A_84 : i32
    %sign3A_86 = arith.extui %sign3A_85 : i1 to i32
    %sign3A_87 = arith.constant 0 : i32
    %sign3A_88 = arith.cmpi slt, %sub3A_81, %sign3A_87 : i32
    %sign3A_89 = arith.extui %sign3A_88 : i1 to i32
    %sign3A_90 = arith.subi %sign3A_86, %sign3A_89 : i32
    %sign3A_91 = arith.constant 0 : i32
    %sign3A_92 = arith.cmpi sgt, %jit3A_82, %sign3A_91 : i32
    %sign3A_93 = arith.extui %sign3A_92 : i1 to i32
    %sign3A_94 = arith.constant 0 : i32
    %sign3A_95 = arith.cmpi slt, %jit3A_82, %sign3A_94 : i32
    %sign3A_96 = arith.extui %sign3A_95 : i1 to i32
    %sign3A_97 = arith.subi %sign3A_93, %sign3A_96 : i32
    %ne3A_98 = arith.cmpi ne, %sign3A_90, %sign3A_97 : i32
    %rem3A_99 = arith.remsi %sub3A_81, %jit3A_82 : i32
    %ne3A_100 = arith.constant 0 : i32
    %ne3A_101 = arith.cmpi ne, %rem3A_99, %ne3A_100 : i32
    %and3A_102 = arith.andi %ne3A_98, %ne3A_101 : i1
    %sub3A_103 = arith.constant 1 : i32
    %sub3A_104 = arith.subi %div3A_83, %sub3A_103 : i32
    %select_n3A_105 = arith.select %and3A_102, %sub3A_104, %div3A_83 : i32
    %while3A = arith.constant 0 : i32
    %while3A_106 = arith.constant 0 : i32
    %while3A_107 = arith.subi %select_n3A_105, %while3A_106 : i32
    %while3A_108 = arith.addi %while3A_106, %while3A_107 : i32
    %while3A_109 = arith.constant 1 : i32
    %while3A_110 = arith.divsi %while3A_107, %while3A_109 : i32
    %while3A_111 = arith.muli %while3A_110, %while3A_109 : i32
    %while3A_112 = arith.addi %while3A_106, %while3A_111 : i32
    %while3A_113 = arith.constant 1 : i32
    scf.for %while3A_120 = %while3A_106 to %while3A_112 step %while3A_113  : i32 {
      %mul3A_121 = arith.constant 32 : i32
      %mul3A_122 = arith.muli %while3A_120, %mul3A_121 : i32
      %add3A_123 = arith.addi %mul3A_76, %mul3A_122 : i32
      %sub3A_124 = arith.subi %select_n3A, %add3A_123 : i32
      %max3A = arith.constant 0 : i32
      %max3A_125 = arith.maxsi %sub3A_124, %max3A : i32
      %sub3A_126 = arith.subi %select_n3A_50, %add3A_123 : i32
      %min3A = arith.constant 32 : i32
      %min3A_127 = arith.minsi %sub3A_126, %min3A : i32
      %mul3A_128 = arith.constant 128 : i32
      %mul3A_129 = arith.muli %add3A_123, %mul3A_128 : i32
      %dma_start3A = tpu.memref_slice %arg3[%mul3A_129] : memref<324096xi32, #tpu.memory_space<hbm>> -> memref<4096xi32, #tpu.memory_space<hbm>>
      %dma_start3A_130 = tpu.memref_slice %arg3[%mul3A_129] : memref<324096xi32, #tpu.memory_space<hbm>> -> memref<4096xi32, #tpu.memory_space<hbm>>
      tpu.enqueue_dma source(%dma_start3A_130 : memref<4096xi32, #tpu.memory_space<hbm>>) target(%arg9 : memref<4096xi32, #tpu.memory_space<vmem>>) target_semaphore(%arg14 : memref<!tpu.dma_semaphore, #tpu.memory_space<semaphore_mem>>)
      %dma_wait3A = tpu.memref_slice %arg3[%mul3A_129] : memref<324096xi32, #tpu.memory_space<hbm>> -> memref<4096xi32, #tpu.memory_space<hbm>>
      %dma_wait3A_131 = tpu.memref_slice %arg3[%mul3A_129] : memref<324096xi32, #tpu.memory_space<hbm>> -> memref<4096xi32, #tpu.memory_space<hbm>>
      tpu.wait_dma2 semaphore(%arg14 : memref<!tpu.dma_semaphore, #tpu.memory_space<semaphore_mem>>) src(%dma_wait3A_131 : memref<4096xi32, #tpu.memory_space<hbm>>) dst(%arg9 : memref<4096xi32, #tpu.memory_space<vmem>>)
      %dma_start3A_132 = arith.constant 0 : i32
      %dma_start3A_133 = tpu.memref_slice %arg4[%add3A_123, %dma_start3A_132] : memref<2532x128xi32, #tpu.memory_space<hbm>> -> memref<32x128xi32, #tpu.memory_space<hbm>>
      %dma_start3A_134 = arith.constant 0 : i32
      %dma_start3A_135 = tpu.memref_slice %arg4[%add3A_123, %dma_start3A_134] : memref<2532x128xi32, #tpu.memory_space<hbm>> -> memref<32x128xi32, #tpu.memory_space<hbm>>
      tpu.enqueue_dma source(%dma_start3A_135 : memref<32x128xi32, #tpu.memory_space<hbm>>) target(%arg10 : memref<32x128xi32, #tpu.memory_space<vmem>>) target_semaphore(%arg14 : memref<!tpu.dma_semaphore, #tpu.memory_space<semaphore_mem>>)
      %dma_wait3A_136 = arith.constant 0 : i32
      %dma_wait3A_137 = tpu.memref_slice %arg4[%add3A_123, %dma_wait3A_136] : memref<2532x128xi32, #tpu.memory_space<hbm>> -> memref<32x128xi32, #tpu.memory_space<hbm>>
      %dma_wait3A_138 = arith.constant 0 : i32
      %dma_wait3A_139 = tpu.memref_slice %arg4[%add3A_123, %dma_wait3A_138] : memref<2532x128xi32, #tpu.memory_space<hbm>> -> memref<32x128xi32, #tpu.memory_space<hbm>>
      tpu.wait_dma2 semaphore(%arg14 : memref<!tpu.dma_semaphore, #tpu.memory_space<semaphore_mem>>) src(%dma_wait3A_139 : memref<32x128xi32, #tpu.memory_space<hbm>>) dst(%arg10 : memref<32x128xi32, #tpu.memory_space<vmem>>)
      %mul3A_140 = arith.constant 128 : i32
      %mul3A_141 = arith.muli %add3A_123, %mul3A_140 : i32
      %dma_start3A_142 = tpu.memref_slice %arg5[%mul3A_141] : memref<324096xf32, #tpu.memory_space<hbm>> -> memref<4096xf32, #tpu.memory_space<hbm>>
      %dma_start3A_143 = tpu.memref_slice %arg5[%mul3A_141] : memref<324096xf32, #tpu.memory_space<hbm>> -> memref<4096xf32, #tpu.memory_space<hbm>>
      tpu.enqueue_dma source(%dma_start3A_143 : memref<4096xf32, #tpu.memory_space<hbm>>) target(%arg11 : memref<4096xf32, #tpu.memory_space<vmem>>) target_semaphore(%arg14 : memref<!tpu.dma_semaphore, #tpu.memory_space<semaphore_mem>>)
      %dma_wait3A_144 = tpu.memref_slice %arg5[%mul3A_141] : memref<324096xf32, #tpu.memory_space<hbm>> -> memref<4096xf32, #tpu.memory_space<hbm>>
      %dma_wait3A_145 = tpu.memref_slice %arg5[%mul3A_141] : memref<324096xf32, #tpu.memory_space<hbm>> -> memref<4096xf32, #tpu.memory_space<hbm>>
      tpu.wait_dma2 semaphore(%arg14 : memref<!tpu.dma_semaphore, #tpu.memory_space<semaphore_mem>>) src(%dma_wait3A_145 : memref<4096xf32, #tpu.memory_space<hbm>>) dst(%arg11 : memref<4096xf32, #tpu.memory_space<vmem>>)
      %lt3A = arith.cmpi slt, %max3A_125, %min3A_127 : i32
      %convert_element_type3A = arith.extui %lt3A : i1 to i32
      %cond3A = arith.constant 0 : i32
      %cond3A_146 = arith.cmpi ne, %convert_element_type3A, %cond3A : i32
      scf.if %cond3A_146 {
        %mul3A_184 = arith.constant 128 : i32
        %mul3A_185 = arith.muli %max3A_125, %mul3A_184 : i32
        %dma_start3A_186 = tpu.memref_slice %arg9[%mul3A_185] : memref<4096xi32, #tpu.memory_space<vmem>> -> memref<128xi32, #tpu.memory_space<vmem>>
        %dma_start3A_187 = arith.constant 0 : i32
        %dma_start3A_188 = arith.constant 0 : i32
        %dma_start3A_189 = tpu.memref_slice %arg2[%dma_start3A_187, %dma_start3A_188] : memref<10240x128xf32, #tpu.memory_space<hbm>> -> memref<10240x128xf32, #tpu.memory_space<hbm>>
        tpu.enqueue_indirect_dma source(%dma_start3A_189 : memref<10240x128xf32, #tpu.memory_space<hbm>>) target(%arg12 : memref<128x128xf32, #tpu.memory_space<vmem>>) offsets(%dma_start3A_186 : memref<128xi32, #tpu.memory_space<vmem>>) semaphore(%arg15 : memref<!tpu.dma_semaphore, #tpu.memory_space<semaphore_mem>>)
      } else {
      }
      %sub3A_147 = arith.subi %min3A_127, %max3A_125 : i32
      %add3A_148 = arith.constant 1 : i32
      %add3A_149 = arith.addi %sub3A_147, %add3A_148 : i32
      %jit3A_150 = arith.constant 2 : i32
      %div3A_151 = arith.divsi %add3A_149, %jit3A_150 : i32
      %sign3A_152 = arith.constant 0 : i32
      %sign3A_153 = arith.cmpi sgt, %add3A_149, %sign3A_152 : i32
      %sign3A_154 = arith.extui %sign3A_153 : i1 to i32
      %sign3A_155 = arith.constant 0 : i32
      %sign3A_156 = arith.cmpi slt, %add3A_149, %sign3A_155 : i32
      %sign3A_157 = arith.extui %sign3A_156 : i1 to i32
      %sign3A_158 = arith.subi %sign3A_154, %sign3A_157 : i32
      %sign3A_159 = arith.constant 0 : i32
      %sign3A_160 = arith.cmpi sgt, %jit3A_150, %sign3A_159 : i32
      %sign3A_161 = arith.extui %sign3A_160 : i1 to i32
      %sign3A_162 = arith.constant 0 : i32
      %sign3A_163 = arith.cmpi slt, %jit3A_150, %sign3A_162 : i32
      %sign3A_164 = arith.extui %sign3A_163 : i1 to i32
      %sign3A_165 = arith.subi %sign3A_161, %sign3A_164 : i32
      %ne3A_166 = arith.cmpi ne, %sign3A_158, %sign3A_165 : i32
      %rem3A_167 = arith.remsi %add3A_149, %jit3A_150 : i32
      %ne3A_168 = arith.constant 0 : i32
      %ne3A_169 = arith.cmpi ne, %rem3A_167, %ne3A_168 : i32
      %and3A_170 = arith.andi %ne3A_166, %ne3A_169 : i1
      %sub3A_171 = arith.constant 1 : i32
      %sub3A_172 = arith.subi %div3A_151, %sub3A_171 : i32
      %select_n3A_173 = arith.select %and3A_170, %sub3A_172, %div3A_151 : i32
      %while3A_174 = arith.constant 0 : i32
      %while3A_175 = arith.constant 0 : i32
      %while3A_176 = arith.subi %select_n3A_173, %while3A_175 : i32
      %while3A_177 = arith.addi %while3A_175, %while3A_176 : i32
      %while3A_178 = arith.constant 1 : i32
      %while3A_179 = arith.divsi %while3A_176, %while3A_178 : i32
      %while3A_180 = arith.muli %while3A_179, %while3A_178 : i32
      %while3A_181 = arith.addi %while3A_175, %while3A_180 : i32
      %while3A_182 = arith.constant 1 : i32
      scf.for %while3A_184 = %while3A_175 to %while3A_181 step %while3A_182  : i32 {
        %mul3A_185 = arith.constant 2 : i32
        %mul3A_186 = arith.muli %mul3A_185, %while3A_184 : i32
        %add3A_187 = arith.addi %max3A_125, %mul3A_186 : i32
        %add3A_188 = arith.constant 1 : i32
        %add3A_189 = arith.addi %add3A_187, %add3A_188 : i32
        %lt3A_190 = arith.cmpi slt, %add3A_189, %min3A_127 : i32
        %convert_element_type3A_191 = arith.extui %lt3A_190 : i1 to i32
        %cond3A_192 = arith.constant 0 : i32
        %cond3A_193 = arith.cmpi ne, %convert_element_type3A_191, %cond3A_192 : i32
        scf.if %cond3A_193 {
          %mul3A_214 = arith.constant 128 : i32
          %mul3A_215 = arith.muli %add3A_189, %mul3A_214 : i32
          %dma_start3A_216 = tpu.memref_slice %arg9[%mul3A_215] : memref<4096xi32, #tpu.memory_space<vmem>> -> memref<128xi32, #tpu.memory_space<vmem>>
          %dma_start3A_217 = arith.constant 0 : i32
          %dma_start3A_218 = arith.constant 0 : i32
          %dma_start3A_219 = tpu.memref_slice %arg2[%dma_start3A_217, %dma_start3A_218] : memref<10240x128xf32, #tpu.memory_space<hbm>> -> memref<10240x128xf32, #tpu.memory_space<hbm>>
          tpu.enqueue_indirect_dma source(%dma_start3A_219 : memref<10240x128xf32, #tpu.memory_space<hbm>>) target(%arg13 : memref<128x128xf32, #tpu.memory_space<vmem>>) offsets(%dma_start3A_216 : memref<128xi32, #tpu.memory_space<vmem>>) semaphore(%arg16 : memref<!tpu.dma_semaphore, #tpu.memory_space<semaphore_mem>>)
        } else {
        }
        %dma_wait3A_194 = arith.constant 0 : i32
        %dma_wait3A_195 = tpu.memref_slice %arg9[%dma_wait3A_194] : memref<4096xi32, #tpu.memory_space<vmem>> -> memref<128xi32, #tpu.memory_space<vmem>>
        %dma_wait3A_196 = arith.constant 0 : i32
        %dma_wait3A_197 = arith.constant 0 : i32
        %dma_wait3A_198 = tpu.memref_slice %arg2[%dma_wait3A_196, %dma_wait3A_197] : memref<10240x128xf32, #tpu.memory_space<hbm>> -> memref<10240x128xf32, #tpu.memory_space<hbm>>
        tpu.wait_indirect_dma semaphore(%arg15 : memref<!tpu.dma_semaphore, #tpu.memory_space<semaphore_mem>>) src(%dma_wait3A_198 : memref<10240x128xf32, #tpu.memory_space<hbm>>) dst(%arg12 : memref<128x128xf32, #tpu.memory_space<vmem>>)
        %scan3A = arith.constant 0 : i32
        %scan3A_199 = arith.constant 0 : i32
        %scan3A_200 = arith.constant 128 : i32
        %scan3A_201 = arith.addi %scan3A_199, %scan3A_200 : i32
        %scan3A_202 = arith.constant 1 : i32
        scf.for %scan3A_214 = %scan3A_199 to %scan3A_201 step %scan3A_202  : i32 {
          %mul3A_215 = arith.constant 128 : i32
          %mul3A_216 = arith.muli %add3A_187, %mul3A_215 : i32
          %add3A_217 = arith.addi %mul3A_216, %scan3A_214 : i32
          %get3A = arith.index_cast %add3A_217 : i32 to index
          %get3A_218 = tpu.vector_load %arg11[%get3A] {strides = array<i32>} : memref<4096xf32, #tpu.memory_space<vmem>>, vector<16xf32>,
          %get3A_219 = vector.shape_cast %get3A_218 : vector<16xf32> to vector<16xf32>
          %slice3A = vector.extract_strided_slice %get3A_219 {offsets = [0], sizes = [1], strides = [1]} : vector<16xf32> to vector<1xf32>
          %squeeze3A = vector.extract %slice3A[0] : f32 from vector<1xf32>
          %broadcast_in_dim3A = vector.broadcast %squeeze3A : f32 to vector<16xf32>
          %get3A_220 = arith.index_cast %scan3A_214 : i32 to index
          %get3A_221 = arith.constant 0 : index
          %get3A_222 = tpu.vector_load %arg12[%get3A_220, %get3A_221] {strides = array<i32>} : memref<128x128xf32, #tpu.memory_space<vmem>>, vector<1x16xf32>,
          %get3A_223 = vector.shape_cast %get3A_222 : vector<1x16xf32> to vector<16xf32>
          %mul3A_224 = arith.mulf %get3A_223, %broadcast_in_dim3A : vector<16xf32>
          %get3A_225 = arith.index_cast %scan3A_214 : i32 to index
          %get3A_226 = arith.constant 16 : index
          %get3A_227 = tpu.vector_load %arg12[%get3A_225, %get3A_226] {strides = array<i32>} : memref<128x128xf32, #tpu.memory_space<vmem>>, vector<1x16xf32>,
          %get3A_228 = vector.shape_cast %get3A_227 : vector<1x16xf32> to vector<16xf32>
          %mul3A_229 = arith.mulf %get3A_228, %broadcast_in_dim3A : vector<16xf32>
          %get3A_230 = arith.index_cast %scan3A_214 : i32 to index
          %get3A_231 = arith.constant 32 : index
          %get3A_232 = tpu.vector_load %arg12[%get3A_230, %get3A_231] {strides = array<i32>} : memref<128x128xf32, #tpu.memory_space<vmem>>, vector<1x16xf32>,
          %get3A_233 = vector.shape_cast %get3A_232 : vector<1x16xf32> to vector<16xf32>
          %mul3A_234 = arith.mulf %get3A_233, %broadcast_in_dim3A : vector<16xf32>
          %get3A_235 = arith.index_cast %scan3A_214 : i32 to index
          %get3A_236 = arith.constant 48 : index
          %get3A_237 = tpu.vector_load %arg12[%get3A_235, %get3A_236] {strides = array<i32>} : memref<128x128xf32, #tpu.memory_space<vmem>>, vector<1x16xf32>,
          %get3A_238 = vector.shape_cast %get3A_237 : vector<1x16xf32> to vector<16xf32>
          %mul3A_239 = arith.mulf %get3A_238, %broadcast_in_dim3A : vector<16xf32>
          %get3A_240 = arith.index_cast %scan3A_214 : i32 to index
          %get3A_241 = arith.constant 64 : index
          %get3A_242 = tpu.vector_load %arg12[%get3A_240, %get3A_241] {strides = array<i32>} : memref<128x128xf32, #tpu.memory_space<vmem>>, vector<1x16xf32>,
          %get3A_243 = vector.shape_cast %get3A_242 : vector<1x16xf32> to vector<16xf32>
          %mul3A_244 = arith.mulf %get3A_243, %broadcast_in_dim3A : vector<16xf32>
          %get3A_245 = arith.index_cast %scan3A_214 : i32 to index
          %get3A_246 = arith.constant 80 : index
          %get3A_247 = tpu.vector_load %arg12[%get3A_245, %get3A_246] {strides = array<i32>} : memref<128x128xf32, #tpu.memory_space<vmem>>, vector<1x16xf32>,
          %get3A_248 = vector.shape_cast %get3A_247 : vector<1x16xf32> to vector<16xf32>
          %mul3A_249 = arith.mulf %get3A_248, %broadcast_in_dim3A : vector<16xf32>
          %get3A_250 = arith.index_cast %scan3A_214 : i32 to index
          %get3A_251 = arith.constant 96 : index
          %get3A_252 = tpu.vector_load %arg12[%get3A_250, %get3A_251] {strides = array<i32>} : memref<128x128xf32, #tpu.memory_space<vmem>>, vector<1x16xf32>,
          %get3A_253 = vector.shape_cast %get3A_252 : vector<1x16xf32> to vector<16xf32>
          %mul3A_254 = arith.mulf %get3A_253, %broadcast_in_dim3A : vector<16xf32>
          %get3A_255 = arith.index_cast %scan3A_214 : i32 to index
          %get3A_256 = arith.constant 112 : index
          %get3A_257 = tpu.vector_load %arg12[%get3A_255, %get3A_256] {strides = array<i32>} : memref<128x128xf32, #tpu.memory_space<vmem>>, vector<1x16xf32>,
          %get3A_258 = vector.shape_cast %get3A_257 : vector<1x16xf32> to vector<16xf32>
          %mul3A_259 = arith.mulf %get3A_258, %broadcast_in_dim3A : vector<16xf32>
          %swap3A = arith.index_cast %scan3A_214 : i32 to index
          %swap3A_260 = arith.constant 0 : index
          %swap3A_261 = tpu.vector_load %arg12[%swap3A, %swap3A_260] {strides = array<i32>} : memref<128x128xf32, #tpu.memory_space<vmem>>, vector<1x16xf32>,
          %swap3A_262 = vector.shape_cast %swap3A_261 : vector<1x16xf32> to vector<16xf32>
          %swap3A_263 = vector.shape_cast %mul3A_224 : vector<16xf32> to vector<1x16xf32>
          tpu.vector_store %arg12[%swap3A, %swap3A_260], %swap3A_263 {strides = array<i32>} : memref<128x128xf32, #tpu.memory_space<vmem>>, vector<1x16xf32>,
          %swap3A_264 = arith.index_cast %scan3A_214 : i32 to index
          %swap3A_265 = arith.constant 16 : index
          %swap3A_266 = tpu.vector_load %arg12[%swap3A_264, %swap3A_265] {strides = array<i32>} : memref<128x128xf32, #tpu.memory_space<vmem>>, vector<1x16xf32>,
          %swap3A_267 = vector.shape_cast %swap3A_266 : vector<1x16xf32> to vector<16xf32>
          %swap3A_268 = vector.shape_cast %mul3A_229 : vector<16xf32> to vector<1x16xf32>
          tpu.vector_store %arg12[%swap3A_264, %swap3A_265], %swap3A_268 {strides = array<i32>} : memref<128x128xf32, #tpu.memory_space<vmem>>, vector<1x16xf32>,
          %swap3A_269 = arith.index_cast %scan3A_214 : i32 to index
          %swap3A_270 = arith.constant 32 : index
          %swap3A_271 = tpu.vector_load %arg12[%swap3A_269, %swap3A_270] {strides = array<i32>} : memref<128x128xf32, #tpu.memory_space<vmem>>, vector<1x16xf32>,
          %swap3A_272 = vector.shape_cast %swap3A_271 : vector<1x16xf32> to vector<16xf32>
          %swap3A_273 = vector.shape_cast %mul3A_234 : vector<16xf32> to vector<1x16xf32>
          tpu.vector_store %arg12[%swap3A_269, %swap3A_270], %swap3A_273 {strides = array<i32>} : memref<128x128xf32, #tpu.memory_space<vmem>>, vector<1x16xf32>,
          %swap3A_274 = arith.index_cast %scan3A_214 : i32 to index
          %swap3A_275 = arith.constant 48 : index
          %swap3A_276 = tpu.vector_load %arg12[%swap3A_274, %swap3A_275] {strides = array<i32>} : memref<128x128xf32, #tpu.memory_space<vmem>>, vector<1x16xf32>,
          %swap3A_277 = vector.shape_cast %swap3A_276 : vector<1x16xf32> to vector<16xf32>
          %swap3A_278 = vector.shape_cast %mul3A_239 : vector<16xf32> to vector<1x16xf32>
          tpu.vector_store %arg12[%swap3A_274, %swap3A_275], %swap3A_278 {strides = array<i32>} : memref<128x128xf32, #tpu.memory_space<vmem>>, vector<1x16xf32>,
          %swap3A_279 = arith.index_cast %scan3A_214 : i32 to index
          %swap3A_280 = arith.constant 64 : index
          %swap3A_281 = tpu.vector_load %arg12[%swap3A_279, %swap3A_280] {strides = array<i32>} : memref<128x128xf32, #tpu.memory_space<vmem>>, vector<1x16xf32>,
          %swap3A_282 = vector.shape_cast %swap3A_281 : vector<1x16xf32> to vector<16xf32>
          %swap3A_283 = vector.shape_cast %mul3A_244 : vector<16xf32> to vector<1x16xf32>
          tpu.vector_store %arg12[%swap3A_279, %swap3A_280], %swap3A_283 {strides = array<i32>} : memref<128x128xf32, #tpu.memory_space<vmem>>, vector<1x16xf32>,
          %swap3A_284 = arith.index_cast %scan3A_214 : i32 to index
          %swap3A_285 = arith.constant 80 : index
          %swap3A_286 = tpu.vector_load %arg12[%swap3A_284, %swap3A_285] {strides = array<i32>} : memref<128x128xf32, #tpu.memory_space<vmem>>, vector<1x16xf32>,
          %swap3A_287 = vector.shape_cast %swap3A_286 : vector<1x16xf32> to vector<16xf32>
          %swap3A_288 = vector.shape_cast %mul3A_249 : vector<16xf32> to vector<1x16xf32>
          tpu.vector_store %arg12[%swap3A_284, %swap3A_285], %swap3A_288 {strides = array<i32>} : memref<128x128xf32, #tpu.memory_space<vmem>>, vector<1x16xf32>,
          %swap3A_289 = arith.index_cast %scan3A_214 : i32 to index
          %swap3A_290 = arith.constant 96 : index
          %swap3A_291 = tpu.vector_load %arg12[%swap3A_289, %swap3A_290] {strides = array<i32>} : memref<128x128xf32, #tpu.memory_space<vmem>>, vector<1x16xf32>,
          %swap3A_292 = vector.shape_cast %swap3A_291 : vector<1x16xf32> to vector<16xf32>
          %swap3A_293 = vector.shape_cast %mul3A_254 : vector<16xf32> to vector<1x16xf32>
          tpu.vector_store %arg12[%swap3A_289, %swap3A_290], %swap3A_293 {strides = array<i32>} : memref<128x128xf32, #tpu.memory_space<vmem>>, vector<1x16xf32>,
          %swap3A_294 = arith.index_cast %scan3A_214 : i32 to index
          %swap3A_295 = arith.constant 112 : index
          %swap3A_296 = tpu.vector_load %arg12[%swap3A_294, %swap3A_295] {strides = array<i32>} : memref<128x128xf32, #tpu.memory_space<vmem>>, vector<1x16xf32>,
          %swap3A_297 = vector.shape_cast %swap3A_296 : vector<1x16xf32> to vector<16xf32>
          %swap3A_298 = vector.shape_cast %mul3A_259 : vector<16xf32> to vector<1x16xf32>
          tpu.vector_store %arg12[%swap3A_294, %swap3A_295], %swap3A_298 {strides = array<i32>} : memref<128x128xf32, #tpu.memory_space<vmem>>, vector<1x16xf32>,
        }
        %scan3A_203 = arith.constant 128 : i32
        "tpu.region"() ({
          %run_scoped3A = tpu.sem_alloc : memref<!tpu.dma_semaphore, #tpu.memory_space<semaphore_mem>>
          %dma_start3A_214 = arith.constant 0 : i32
          %dma_start3A_215 = tpu.memref_slice %arg10[%add3A_187, %dma_start3A_214] : memref<32x128xi32, #tpu.memory_space<vmem>> -> memref<1x128xi32, #tpu.memory_space<vmem>>
          %dma_start3A_216 = tpu.memref_squeeze %dma_start3A_215 : memref<1x128xi32, #tpu.memory_space<vmem>> -> memref<128xi32, #tpu.memory_space<vmem>>
          %dma_start3A_217 = arith.constant 0 : i32
          %dma_start3A_218 = arith.constant 0 : i32
          %dma_start3A_219 = tpu.memref_slice %arg8[%dma_start3A_217, %dma_start3A_218] : memref<10240x128xf32, #tpu.memory_space<vmem_shared>> -> memref<10240x128xf32, #tpu.memory_space<vmem_shared>>
          tpu.enqueue_indirect_dma source(%arg12 : memref<128x128xf32, #tpu.memory_space<vmem>>) target(%dma_start3A_219 : memref<10240x128xf32, #tpu.memory_space<vmem_shared>>) offsets(%dma_start3A_216 : memref<128xi32, #tpu.memory_space<vmem>>) semaphore(%run_scoped3A : memref<!tpu.dma_semaphore, #tpu.memory_space<semaphore_mem>>) {add = true}
          %dma_wait3A_220 = arith.constant 0 : i32
          %dma_wait3A_221 = tpu.memref_slice %arg10[%add3A_187, %dma_wait3A_220] : memref<32x128xi32, #tpu.memory_space<vmem>> -> memref<1x128xi32, #tpu.memory_space<vmem>>
          %dma_wait3A_222 = tpu.memref_squeeze %dma_wait3A_221 : memref<1x128xi32, #tpu.memory_space<vmem>> -> memref<128xi32, #tpu.memory_space<vmem>>
          %dma_wait3A_223 = arith.constant 0 : i32
          %dma_wait3A_224 = arith.constant 0 : i32
          %dma_wait3A_225 = tpu.memref_slice %arg8[%dma_wait3A_223, %dma_wait3A_224] : memref<10240x128xf32, #tpu.memory_space<vmem_shared>> -> memref<10240x128xf32, #tpu.memory_space<vmem_shared>>
          tpu.wait_indirect_dma semaphore(%run_scoped3A : memref<!tpu.dma_semaphore, #tpu.memory_space<semaphore_mem>>) src(%arg12 : memref<128x128xf32, #tpu.memory_space<vmem>>) dst(%dma_wait3A_225 : memref<10240x128xf32, #tpu.memory_space<vmem_shared>>)
          tpu.yield
        }) : () -> ()
        %add3A_204 = arith.constant 2 : i32
        %add3A_205 = arith.addi %add3A_187, %add3A_204 : i32
        %lt3A_206 = arith.cmpi slt, %add3A_205, %min3A_127 : i32
        %convert_element_type3A_207 = arith.extui %lt3A_206 : i1 to i32
        %cond3A_208 = arith.constant 0 : i32
        %cond3A_209 = arith.cmpi ne, %convert_element_type3A_207, %cond3A_208 : i32
        scf.if %cond3A_209 {
          %add3A_214 = arith.constant 2 : i32
          %add3A_215 = arith.addi %add3A_187, %add3A_214 : i32
          %mul3A_216 = arith.constant 128 : i32
          %mul3A_217 = arith.muli %add3A_215, %mul3A_216 : i32
          %dma_start3A_218 = tpu.memref_slice %arg9[%mul3A_217] : memref<4096xi32, #tpu.memory_space<vmem>> -> memref<128xi32, #tpu.memory_space<vmem>>
          %dma_start3A_219 = arith.constant 0 : i32
          %dma_start3A_220 = arith.constant 0 : i32
          %dma_start3A_221 = tpu.memref_slice %arg2[%dma_start3A_219, %dma_start3A_220] : memref<10240x128xf32, #tpu.memory_space<hbm>> -> memref<10240x128xf32, #tpu.memory_space<hbm>>
          tpu.enqueue_indirect_dma source(%dma_start3A_221 : memref<10240x128xf32, #tpu.memory_space<hbm>>) target(%arg12 : memref<128x128xf32, #tpu.memory_space<vmem>>) offsets(%dma_start3A_218 : memref<128xi32, #tpu.memory_space<vmem>>) semaphore(%arg15 : memref<!tpu.dma_semaphore, #tpu.memory_space<semaphore_mem>>)
        } else {
        }
        %lt3A_210 = arith.cmpi slt, %add3A_189, %min3A_127 : i32
        %convert_element_type3A_211 = arith.extui %lt3A_210 : i1 to i32
        %cond3A_212 = arith.constant 0 : i32
        %cond3A_213 = arith.cmpi ne, %convert_element_type3A_211, %cond3A_212 : i32
        scf.if %cond3A_213 {
          %dma_wait3A_214 = arith.constant 0 : i32
          %dma_wait3A_215 = tpu.memref_slice %arg9[%dma_wait3A_214] : memref<4096xi32, #tpu.memory_space<vmem>> -> memref<128xi32, #tpu.memory_space<vmem>>
          %dma_wait3A_216 = arith.constant 0 : i32
          %dma_wait3A_217 = arith.constant 0 : i32
          %dma_wait3A_218 = tpu.memref_slice %arg2[%dma_wait3A_216, %dma_wait3A_217] : memref<10240x128xf32, #tpu.memory_space<hbm>> -> memref<10240x128xf32, #tpu.memory_space<hbm>>
          tpu.wait_indirect_dma semaphore(%arg16 : memref<!tpu.dma_semaphore, #tpu.memory_space<semaphore_mem>>) src(%dma_wait3A_218 : memref<10240x128xf32, #tpu.memory_space<hbm>>) dst(%arg13 : memref<128x128xf32, #tpu.memory_space<vmem>>)
          %scan3A_219 = arith.constant 0 : i32
          %scan3A_220 = arith.constant 0 : i32
          %scan3A_221 = arith.constant 128 : i32
          %scan3A_222 = arith.addi %scan3A_220, %scan3A_221 : i32
          %scan3A_223 = arith.constant 1 : i32
          scf.for %scan3A_225 = %scan3A_220 to %scan3A_222 step %scan3A_223  : i32 {
            %mul3A_226 = arith.constant 128 : i32
            %mul3A_227 = arith.muli %add3A_189, %mul3A_226 : i32
            %add3A_228 = arith.addi %mul3A_227, %scan3A_225 : i32
            %get3A = arith.index_cast %add3A_228 : i32 to index
            %get3A_229 = tpu.vector_load %arg11[%get3A] {strides = array<i32>} : memref<4096xf32, #tpu.memory_space<vmem>>, vector<16xf32>,
            %get3A_230 = vector.shape_cast %get3A_229 : vector<16xf32> to vector<16xf32>
            %slice3A = vector.extract_strided_slice %get3A_230 {offsets = [0], sizes = [1], strides = [1]} : vector<16xf32> to vector<1xf32>
            %squeeze3A = vector.extract %slice3A[0] : f32 from vector<1xf32>
            %broadcast_in_dim3A = vector.broadcast %squeeze3A : f32 to vector<16xf32>
            %get3A_231 = arith.index_cast %scan3A_225 : i32 to index
            %get3A_232 = arith.constant 0 : index
            %get3A_233 = tpu.vector_load %arg13[%get3A_231, %get3A_232] {strides = array<i32>} : memref<128x128xf32, #tpu.memory_space<vmem>>, vector<1x16xf32>,
            %get3A_234 = vector.shape_cast %get3A_233 : vector<1x16xf32> to vector<16xf32>
            %mul3A_235 = arith.mulf %get3A_234, %broadcast_in_dim3A : vector<16xf32>
            %get3A_236 = arith.index_cast %scan3A_225 : i32 to index
            %get3A_237 = arith.constant 16 : index
            %get3A_238 = tpu.vector_load %arg13[%get3A_236, %get3A_237] {strides = array<i32>} : memref<128x128xf32, #tpu.memory_space<vmem>>, vector<1x16xf32>,
            %get3A_239 = vector.shape_cast %get3A_238 : vector<1x16xf32> to vector<16xf32>
            %mul3A_240 = arith.mulf %get3A_239, %broadcast_in_dim3A : vector<16xf32>
            %get3A_241 = arith.index_cast %scan3A_225 : i32 to index
            %get3A_242 = arith.constant 32 : index
            %get3A_243 = tpu.vector_load %arg13[%get3A_241, %get3A_242] {strides = array<i32>} : memref<128x128xf32, #tpu.memory_space<vmem>>, vector<1x16xf32>,
            %get3A_244 = vector.shape_cast %get3A_243 : vector<1x16xf32> to vector<16xf32>
            %mul3A_245 = arith.mulf %get3A_244, %broadcast_in_dim3A : vector<16xf32>
            %get3A_246 = arith.index_cast %scan3A_225 : i32 to index
            %get3A_247 = arith.constant 48 : index
            %get3A_248 = tpu.vector_load %arg13[%get3A_246, %get3A_247] {strides = array<i32>} : memref<128x128xf32, #tpu.memory_space<vmem>>, vector<1x16xf32>,
            %get3A_249 = vector.shape_cast %get3A_248 : vector<1x16xf32> to vector<16xf32>
            %mul3A_250 = arith.mulf %get3A_249, %broadcast_in_dim3A : vector<16xf32>
            %get3A_251 = arith.index_cast %scan3A_225 : i32 to index
            %get3A_252 = arith.constant 64 : index
            %get3A_253 = tpu.vector_load %arg13[%get3A_251, %get3A_252] {strides = array<i32>} : memref<128x128xf32, #tpu.memory_space<vmem>>, vector<1x16xf32>,
            %get3A_254 = vector.shape_cast %get3A_253 : vector<1x16xf32> to vector<16xf32>
            %mul3A_255 = arith.mulf %get3A_254, %broadcast_in_dim3A : vector<16xf32>
            %get3A_256 = arith.index_cast %scan3A_225 : i32 to index
            %get3A_257 = arith.constant 80 : index
            %get3A_258 = tpu.vector_load %arg13[%get3A_256, %get3A_257] {strides = array<i32>} : memref<128x128xf32, #tpu.memory_space<vmem>>, vector<1x16xf32>,
            %get3A_259 = vector.shape_cast %get3A_258 : vector<1x16xf32> to vector<16xf32>
            %mul3A_260 = arith.mulf %get3A_259, %broadcast_in_dim3A : vector<16xf32>
            %get3A_261 = arith.index_cast %scan3A_225 : i32 to index
            %get3A_262 = arith.constant 96 : index
            %get3A_263 = tpu.vector_load %arg13[%get3A_261, %get3A_262] {strides = array<i32>} : memref<128x128xf32, #tpu.memory_space<vmem>>, vector<1x16xf32>,
            %get3A_264 = vector.shape_cast %get3A_263 : vector<1x16xf32> to vector<16xf32>
            %mul3A_265 = arith.mulf %get3A_264, %broadcast_in_dim3A : vector<16xf32>
            %get3A_266 = arith.index_cast %scan3A_225 : i32 to index
            %get3A_267 = arith.constant 112 : index
            %get3A_268 = tpu.vector_load %arg13[%get3A_266, %get3A_267] {strides = array<i32>} : memref<128x128xf32, #tpu.memory_space<vmem>>, vector<1x16xf32>,
            %get3A_269 = vector.shape_cast %get3A_268 : vector<1x16xf32> to vector<16xf32>
            %mul3A_270 = arith.mulf %get3A_269, %broadcast_in_dim3A : vector<16xf32>
            %swap3A = arith.index_cast %scan3A_225 : i32 to index
            %swap3A_271 = arith.constant 0 : index
            %swap3A_272 = tpu.vector_load %arg13[%swap3A, %swap3A_271] {strides = array<i32>} : memref<128x128xf32, #tpu.memory_space<vmem>>, vector<1x16xf32>,
            %swap3A_273 = vector.shape_cast %swap3A_272 : vector<1x16xf32> to vector<16xf32>
            %swap3A_274 = vector.shape_cast %mul3A_235 : vector<16xf32> to vector<1x16xf32>
            tpu.vector_store %arg13[%swap3A, %swap3A_271], %swap3A_274 {strides = array<i32>} : memref<128x128xf32, #tpu.memory_space<vmem>>, vector<1x16xf32>,
            %swap3A_275 = arith.index_cast %scan3A_225 : i32 to index
            %swap3A_276 = arith.constant 16 : index
            %swap3A_277 = tpu.vector_load %arg13[%swap3A_275, %swap3A_276] {strides = array<i32>} : memref<128x128xf32, #tpu.memory_space<vmem>>, vector<1x16xf32>,
            %swap3A_278 = vector.shape_cast %swap3A_277 : vector<1x16xf32> to vector<16xf32>
            %swap3A_279 = vector.shape_cast %mul3A_240 : vector<16xf32> to vector<1x16xf32>
            tpu.vector_store %arg13[%swap3A_275, %swap3A_276], %swap3A_279 {strides = array<i32>} : memref<128x128xf32, #tpu.memory_space<vmem>>, vector<1x16xf32>,
            %swap3A_280 = arith.index_cast %scan3A_225 : i32 to index
            %swap3A_281 = arith.constant 32 : index
            %swap3A_282 = tpu.vector_load %arg13[%swap3A_280, %swap3A_281] {strides = array<i32>} : memref<128x128xf32, #tpu.memory_space<vmem>>, vector<1x16xf32>,
            %swap3A_283 = vector.shape_cast %swap3A_282 : vector<1x16xf32> to vector<16xf32>
            %swap3A_284 = vector.shape_cast %mul3A_245 : vector<16xf32> to vector<1x16xf32>
            tpu.vector_store %arg13[%swap3A_280, %swap3A_281], %swap3A_284 {strides = array<i32>} : memref<128x128xf32, #tpu.memory_space<vmem>>, vector<1x16xf32>,
            %swap3A_285 = arith.index_cast %scan3A_225 : i32 to index
            %swap3A_286 = arith.constant 48 : index
            %swap3A_287 = tpu.vector_load %arg13[%swap3A_285, %swap3A_286] {strides = array<i32>} : memref<128x128xf32, #tpu.memory_space<vmem>>, vector<1x16xf32>,
            %swap3A_288 = vector.shape_cast %swap3A_287 : vector<1x16xf32> to vector<16xf32>
            %swap3A_289 = vector.shape_cast %mul3A_250 : vector<16xf32> to vector<1x16xf32>
            tpu.vector_store %arg13[%swap3A_285, %swap3A_286], %swap3A_289 {strides = array<i32>} : memref<128x128xf32, #tpu.memory_space<vmem>>, vector<1x16xf32>,
            %swap3A_290 = arith.index_cast %scan3A_225 : i32 to index
            %swap3A_291 = arith.constant 64 : index
            %swap3A_292 = tpu.vector_load %arg13[%swap3A_290, %swap3A_291] {strides = array<i32>} : memref<128x128xf32, #tpu.memory_space<vmem>>, vector<1x16xf32>,
            %swap3A_293 = vector.shape_cast %swap3A_292 : vector<1x16xf32> to vector<16xf32>
            %swap3A_294 = vector.shape_cast %mul3A_255 : vector<16xf32> to vector<1x16xf32>
            tpu.vector_store %arg13[%swap3A_290, %swap3A_291], %swap3A_294 {strides = array<i32>} : memref<128x128xf32, #tpu.memory_space<vmem>>, vector<1x16xf32>,
            %swap3A_295 = arith.index_cast %scan3A_225 : i32 to index
            %swap3A_296 = arith.constant 80 : index
            %swap3A_297 = tpu.vector_load %arg13[%swap3A_295, %swap3A_296] {strides = array<i32>} : memref<128x128xf32, #tpu.memory_space<vmem>>, vector<1x16xf32>,
            %swap3A_298 = vector.shape_cast %swap3A_297 : vector<1x16xf32> to vector<16xf32>
            %swap3A_299 = vector.shape_cast %mul3A_260 : vector<16xf32> to vector<1x16xf32>
            tpu.vector_store %arg13[%swap3A_295, %swap3A_296], %swap3A_299 {strides = array<i32>} : memref<128x128xf32, #tpu.memory_space<vmem>>, vector<1x16xf32>,
            %swap3A_300 = arith.index_cast %scan3A_225 : i32 to index
            %swap3A_301 = arith.constant 96 : index
            %swap3A_302 = tpu.vector_load %arg13[%swap3A_300, %swap3A_301] {strides = array<i32>} : memref<128x128xf32, #tpu.memory_space<vmem>>, vector<1x16xf32>,
            %swap3A_303 = vector.shape_cast %swap3A_302 : vector<1x16xf32> to vector<16xf32>
            %swap3A_304 = vector.shape_cast %mul3A_265 : vector<16xf32> to vector<1x16xf32>
            tpu.vector_store %arg13[%swap3A_300, %swap3A_301], %swap3A_304 {strides = array<i32>} : memref<128x128xf32, #tpu.memory_space<vmem>>, vector<1x16xf32>,
            %swap3A_305 = arith.index_cast %scan3A_225 : i32 to index
            %swap3A_306 = arith.constant 112 : index
            %swap3A_307 = tpu.vector_load %arg13[%swap3A_305, %swap3A_306] {strides = array<i32>} : memref<128x128xf32, #tpu.memory_space<vmem>>, vector<1x16xf32>,
            %swap3A_308 = vector.shape_cast %swap3A_307 : vector<1x16xf32> to vector<16xf32>
            %swap3A_309 = vector.shape_cast %mul3A_270 : vector<16xf32> to vector<1x16xf32>
            tpu.vector_store %arg13[%swap3A_305, %swap3A_306], %swap3A_309 {strides = array<i32>} : memref<128x128xf32, #tpu.memory_space<vmem>>, vector<1x16xf32>,
          }
          %scan3A_224 = arith.constant 128 : i32
          "tpu.region"() ({
            %run_scoped3A = tpu.sem_alloc : memref<!tpu.dma_semaphore, #tpu.memory_space<semaphore_mem>>
            %dma_start3A_225 = arith.constant 0 : i32
            %dma_start3A_226 = tpu.memref_slice %arg10[%add3A_189, %dma_start3A_225] : memref<32x128xi32, #tpu.memory_space<vmem>> -> memref<1x128xi32, #tpu.memory_space<vmem>>
            %dma_start3A_227 = tpu.memref_squeeze %dma_start3A_226 : memref<1x128xi32, #tpu.memory_space<vmem>> -> memref<128xi32, #tpu.memory_space<vmem>>
            %dma_start3A_228 = arith.constant 0 : i32
            %dma_start3A_229 = arith.constant 0 : i32
            %dma_start3A_230 = tpu.memref_slice %arg8[%dma_start3A_228, %dma_start3A_229] : memref<10240x128xf32, #tpu.memory_space<vmem_shared>> -> memref<10240x128xf32, #tpu.memory_space<vmem_shared>>
            tpu.enqueue_indirect_dma source(%arg13 : memref<128x128xf32, #tpu.memory_space<vmem>>) target(%dma_start3A_230 : memref<10240x128xf32, #tpu.memory_space<vmem_shared>>) offsets(%dma_start3A_227 : memref<128xi32, #tpu.memory_space<vmem>>) semaphore(%run_scoped3A : memref<!tpu.dma_semaphore, #tpu.memory_space<semaphore_mem>>) {add = true}
            %dma_wait3A_231 = arith.constant 0 : i32
            %dma_wait3A_232 = tpu.memref_slice %arg10[%add3A_189, %dma_wait3A_231] : memref<32x128xi32, #tpu.memory_space<vmem>> -> memref<1x128xi32, #tpu.memory_space<vmem>>
            %dma_wait3A_233 = tpu.memref_squeeze %dma_wait3A_232 : memref<1x128xi32, #tpu.memory_space<vmem>> -> memref<128xi32, #tpu.memory_space<vmem>>
            %dma_wait3A_234 = arith.constant 0 : i32
            %dma_wait3A_235 = arith.constant 0 : i32
            %dma_wait3A_236 = tpu.memref_slice %arg8[%dma_wait3A_234, %dma_wait3A_235] : memref<10240x128xf32, #tpu.memory_space<vmem_shared>> -> memref<10240x128xf32, #tpu.memory_space<vmem_shared>>
            tpu.wait_indirect_dma semaphore(%run_scoped3A : memref<!tpu.dma_semaphore, #tpu.memory_space<semaphore_mem>>) src(%arg13 : memref<128x128xf32, #tpu.memory_space<vmem>>) dst(%dma_wait3A_236 : memref<10240x128xf32, #tpu.memory_space<vmem_shared>>)
            tpu.yield
          }) : () -> ()
        } else {
        }
      }
      %while3A_183 = arith.constant 1 : i32
      scf.for %while3A_184 = %while3A_181 to %while3A_177 step %while3A_183  : i32 {
        %mul3A_185 = arith.constant 2 : i32
        %mul3A_186 = arith.muli %mul3A_185, %while3A_184 : i32
        %add3A_187 = arith.addi %max3A_125, %mul3A_186 : i32
        %add3A_188 = arith.constant 1 : i32
        %add3A_189 = arith.addi %add3A_187, %add3A_188 : i32
        %lt3A_190 = arith.cmpi slt, %add3A_189, %min3A_127 : i32
        %convert_element_type3A_191 = arith.extui %lt3A_190 : i1 to i32
        %cond3A_192 = arith.constant 0 : i32
        %cond3A_193 = arith.cmpi ne, %convert_element_type3A_191, %cond3A_192 : i32
        scf.if %cond3A_193 {
          %mul3A_214 = arith.constant 128 : i32
          %mul3A_215 = arith.muli %add3A_189, %mul3A_214 : i32
          %dma_start3A_216 = tpu.memref_slice %arg9[%mul3A_215] : memref<4096xi32, #tpu.memory_space<vmem>> -> memref<128xi32, #tpu.memory_space<vmem>>
          %dma_start3A_217 = arith.constant 0 : i32
          %dma_start3A_218 = arith.constant 0 : i32
          %dma_start3A_219 = tpu.memref_slice %arg2[%dma_start3A_217, %dma_start3A_218] : memref<10240x128xf32, #tpu.memory_space<hbm>> -> memref<10240x128xf32, #tpu.memory_space<hbm>>
          tpu.enqueue_indirect_dma source(%dma_start3A_219 : memref<10240x128xf32, #tpu.memory_space<hbm>>) target(%arg13 : memref<128x128xf32, #tpu.memory_space<vmem>>) offsets(%dma_start3A_216 : memref<128xi32, #tpu.memory_space<vmem>>) semaphore(%arg16 : memref<!tpu.dma_semaphore, #tpu.memory_space<semaphore_mem>>)
        } else {
        }
        %dma_wait3A_194 = arith.constant 0 : i32
        %dma_wait3A_195 = tpu.memref_slice %arg9[%dma_wait3A_194] : memref<4096xi32, #tpu.memory_space<vmem>> -> memref<128xi32, #tpu.memory_space<vmem>>
        %dma_wait3A_196 = arith.constant 0 : i32
        %dma_wait3A_197 = arith.constant 0 : i32
        %dma_wait3A_198 = tpu.memref_slice %arg2[%dma_wait3A_196, %dma_wait3A_197] : memref<10240x128xf32, #tpu.memory_space<hbm>> -> memref<10240x128xf32, #tpu.memory_space<hbm>>
        tpu.wait_indirect_dma semaphore(%arg15 : memref<!tpu.dma_semaphore, #tpu.memory_space<semaphore_mem>>) src(%dma_wait3A_198 : memref<10240x128xf32, #tpu.memory_space<hbm>>) dst(%arg12 : memref<128x128xf32, #tpu.memory_space<vmem>>)
        %scan3A = arith.constant 0 : i32
        %scan3A_199 = arith.constant 0 : i32
        %scan3A_200 = arith.constant 128 : i32
        %scan3A_201 = arith.addi %scan3A_199, %scan3A_200 : i32
        %scan3A_202 = arith.constant 1 : i32
        scf.for %scan3A_214 = %scan3A_199 to %scan3A_201 step %scan3A_202  : i32 {
          %mul3A_215 = arith.constant 128 : i32
          %mul3A_216 = arith.muli %add3A_187, %mul3A_215 : i32
          %add3A_217 = arith.addi %mul3A_216, %scan3A_214 : i32
          %get3A = arith.index_cast %add3A_217 : i32 to index
          %get3A_218 = tpu.vector_load %arg11[%get3A] {strides = array<i32>} : memref<4096xf32, #tpu.memory_space<vmem>>, vector<16xf32>,
          %get3A_219 = vector.shape_cast %get3A_218 : vector<16xf32> to vector<16xf32>
          %slice3A = vector.extract_strided_slice %get3A_219 {offsets = [0], sizes = [1], strides = [1]} : vector<16xf32> to vector<1xf32>
          %squeeze3A = vector.extract %slice3A[0] : f32 from vector<1xf32>
          %broadcast_in_dim3A = vector.broadcast %squeeze3A : f32 to vector<16xf32>
          %get3A_220 = arith.index_cast %scan3A_214 : i32 to index
          %get3A_221 = arith.constant 0 : index
          %get3A_222 = tpu.vector_load %arg12[%get3A_220, %get3A_221] {strides = array<i32>} : memref<128x128xf32, #tpu.memory_space<vmem>>, vector<1x16xf32>,
          %get3A_223 = vector.shape_cast %get3A_222 : vector<1x16xf32> to vector<16xf32>
          %mul3A_224 = arith.mulf %get3A_223, %broadcast_in_dim3A : vector<16xf32>
          %get3A_225 = arith.index_cast %scan3A_214 : i32 to index
          %get3A_226 = arith.constant 16 : index
          %get3A_227 = tpu.vector_load %arg12[%get3A_225, %get3A_226] {strides = array<i32>} : memref<128x128xf32, #tpu.memory_space<vmem>>, vector<1x16xf32>,
          %get3A_228 = vector.shape_cast %get3A_227 : vector<1x16xf32> to vector<16xf32>
          %mul3A_229 = arith.mulf %get3A_228, %broadcast_in_dim3A : vector<16xf32>
          %get3A_230 = arith.index_cast %scan3A_214 : i32 to index
          %get3A_231 = arith.constant 32 : index
          %get3A_232 = tpu.vector_load %arg12[%get3A_230, %get3A_231] {strides = array<i32>} : memref<128x128xf32, #tpu.memory_space<vmem>>, vector<1x16xf32>,
          %get3A_233 = vector.shape_cast %get3A_232 : vector<1x16xf32> to vector<16xf32>
          %mul3A_234 = arith.mulf %get3A_233, %broadcast_in_dim3A : vector<16xf32>
          %get3A_235 = arith.index_cast %scan3A_214 : i32 to index
          %get3A_236 = arith.constant 48 : index
          %get3A_237 = tpu.vector_load %arg12[%get3A_235, %get3A_236] {strides = array<i32>} : memref<128x128xf32, #tpu.memory_space<vmem>>, vector<1x16xf32>,
          %get3A_238 = vector.shape_cast %get3A_237 : vector<1x16xf32> to vector<16xf32>
          %mul3A_239 = arith.mulf %get3A_238, %broadcast_in_dim3A : vector<16xf32>
          %get3A_240 = arith.index_cast %scan3A_214 : i32 to index
          %get3A_241 = arith.constant 64 : index
          %get3A_242 = tpu.vector_load %arg12[%get3A_240, %get3A_241] {strides = array<i32>} : memref<128x128xf32, #tpu.memory_space<vmem>>, vector<1x16xf32>,
          %get3A_243 = vector.shape_cast %get3A_242 : vector<1x16xf32> to vector<16xf32>
          %mul3A_244 = arith.mulf %get3A_243, %broadcast_in_dim3A : vector<16xf32>
          %get3A_245 = arith.index_cast %scan3A_214 : i32 to index
          %get3A_246 = arith.constant 80 : index
          %get3A_247 = tpu.vector_load %arg12[%get3A_245, %get3A_246] {strides = array<i32>} : memref<128x128xf32, #tpu.memory_space<vmem>>, vector<1x16xf32>,
          %get3A_248 = vector.shape_cast %get3A_247 : vector<1x16xf32> to vector<16xf32>
          %mul3A_249 = arith.mulf %get3A_248, %broadcast_in_dim3A : vector<16xf32>
          %get3A_250 = arith.index_cast %scan3A_214 : i32 to index
          %get3A_251 = arith.constant 96 : index
          %get3A_252 = tpu.vector_load %arg12[%get3A_250, %get3A_251] {strides = array<i32>} : memref<128x128xf32, #tpu.memory_space<vmem>>, vector<1x16xf32>,
          %get3A_253 = vector.shape_cast %get3A_252 : vector<1x16xf32> to vector<16xf32>
          %mul3A_254 = arith.mulf %get3A_253, %broadcast_in_dim3A : vector<16xf32>
          %get3A_255 = arith.index_cast %scan3A_214 : i32 to index
          %get3A_256 = arith.constant 112 : index
          %get3A_257 = tpu.vector_load %arg12[%get3A_255, %get3A_256] {strides = array<i32>} : memref<128x128xf32, #tpu.memory_space<vmem>>, vector<1x16xf32>,
          %get3A_258 = vector.shape_cast %get3A_257 : vector<1x16xf32> to vector<16xf32>
          %mul3A_259 = arith.mulf %get3A_258, %broadcast_in_dim3A : vector<16xf32>
          %swap3A = arith.index_cast %scan3A_214 : i32 to index
          %swap3A_260 = arith.constant 0 : index
          %swap3A_261 = tpu.vector_load %arg12[%swap3A, %swap3A_260] {strides = array<i32>} : memref<128x128xf32, #tpu.memory_space<vmem>>, vector<1x16xf32>,
          %swap3A_262 = vector.shape_cast %swap3A_261 : vector<1x16xf32> to vector<16xf32>
          %swap3A_263 = vector.shape_cast %mul3A_224 : vector<16xf32> to vector<1x16xf32>
          tpu.vector_store %arg12[%swap3A, %swap3A_260], %swap3A_263 {strides = array<i32>} : memref<128x128xf32, #tpu.memory_space<vmem>>, vector<1x16xf32>,
          %swap3A_264 = arith.index_cast %scan3A_214 : i32 to index
          %swap3A_265 = arith.constant 16 : index
          %swap3A_266 = tpu.vector_load %arg12[%swap3A_264, %swap3A_265] {strides = array<i32>} : memref<128x128xf32, #tpu.memory_space<vmem>>, vector<1x16xf32>,
          %swap3A_267 = vector.shape_cast %swap3A_266 : vector<1x16xf32> to vector<16xf32>
          %swap3A_268 = vector.shape_cast %mul3A_229 : vector<16xf32> to vector<1x16xf32>
          tpu.vector_store %arg12[%swap3A_264, %swap3A_265], %swap3A_268 {strides = array<i32>} : memref<128x128xf32, #tpu.memory_space<vmem>>, vector<1x16xf32>,
          %swap3A_269 = arith.index_cast %scan3A_214 : i32 to index
          %swap3A_270 = arith.constant 32 : index
          %swap3A_271 = tpu.vector_load %arg12[%swap3A_269, %swap3A_270] {strides = array<i32>} : memref<128x128xf32, #tpu.memory_space<vmem>>, vector<1x16xf32>,
          %swap3A_272 = vector.shape_cast %swap3A_271 : vector<1x16xf32> to vector<16xf32>
          %swap3A_273 = vector.shape_cast %mul3A_234 : vector<16xf32> to vector<1x16xf32>
          tpu.vector_store %arg12[%swap3A_269, %swap3A_270], %swap3A_273 {strides = array<i32>} : memref<128x128xf32, #tpu.memory_space<vmem>>, vector<1x16xf32>,
          %swap3A_274 = arith.index_cast %scan3A_214 : i32 to index
          %swap3A_275 = arith.constant 48 : index
          %swap3A_276 = tpu.vector_load %arg12[%swap3A_274, %swap3A_275] {strides = array<i32>} : memref<128x128xf32, #tpu.memory_space<vmem>>, vector<1x16xf32>,
          %swap3A_277 = vector.shape_cast %swap3A_276 : vector<1x16xf32> to vector<16xf32>
          %swap3A_278 = vector.shape_cast %mul3A_239 : vector<16xf32> to vector<1x16xf32>
          tpu.vector_store %arg12[%swap3A_274, %swap3A_275], %swap3A_278 {strides = array<i32>} : memref<128x128xf32, #tpu.memory_space<vmem>>, vector<1x16xf32>,
          %swap3A_279 = arith.index_cast %scan3A_214 : i32 to index
          %swap3A_280 = arith.constant 64 : index
          %swap3A_281 = tpu.vector_load %arg12[%swap3A_279, %swap3A_280] {strides = array<i32>} : memref<128x128xf32, #tpu.memory_space<vmem>>, vector<1x16xf32>,
          %swap3A_282 = vector.shape_cast %swap3A_281 : vector<1x16xf32> to vector<16xf32>
          %swap3A_283 = vector.shape_cast %mul3A_244 : vector<16xf32> to vector<1x16xf32>
          tpu.vector_store %arg12[%swap3A_279, %swap3A_280], %swap3A_283 {strides = array<i32>} : memref<128x128xf32, #tpu.memory_space<vmem>>, vector<1x16xf32>,
          %swap3A_284 = arith.index_cast %scan3A_214 : i32 to index
          %swap3A_285 = arith.constant 80 : index
          %swap3A_286 = tpu.vector_load %arg12[%swap3A_284, %swap3A_285] {strides = array<i32>} : memref<128x128xf32, #tpu.memory_space<vmem>>, vector<1x16xf32>,
          %swap3A_287 = vector.shape_cast %swap3A_286 : vector<1x16xf32> to vector<16xf32>
          %swap3A_288 = vector.shape_cast %mul3A_249 : vector<16xf32> to vector<1x16xf32>
          tpu.vector_store %arg12[%swap3A_284, %swap3A_285], %swap3A_288 {strides = array<i32>} : memref<128x128xf32, #tpu.memory_space<vmem>>, vector<1x16xf32>,
          %swap3A_289 = arith.index_cast %scan3A_214 : i32 to index
          %swap3A_290 = arith.constant 96 : index
          %swap3A_291 = tpu.vector_load %arg12[%swap3A_289, %swap3A_290] {strides = array<i32>} : memref<128x128xf32, #tpu.memory_space<vmem>>, vector<1x16xf32>,
          %swap3A_292 = vector.shape_cast %swap3A_291 : vector<1x16xf32> to vector<16xf32>
          %swap3A_293 = vector.shape_cast %mul3A_254 : vector<16xf32> to vector<1x16xf32>
          tpu.vector_store %arg12[%swap3A_289, %swap3A_290], %swap3A_293 {strides = array<i32>} : memref<128x128xf32, #tpu.memory_space<vmem>>, vector<1x16xf32>,
          %swap3A_294 = arith.index_cast %scan3A_214 : i32 to index
          %swap3A_295 = arith.constant 112 : index
          %swap3A_296 = tpu.vector_load %arg12[%swap3A_294, %swap3A_295] {strides = array<i32>} : memref<128x128xf32, #tpu.memory_space<vmem>>, vector<1x16xf32>,
          %swap3A_297 = vector.shape_cast %swap3A_296 : vector<1x16xf32> to vector<16xf32>
          %swap3A_298 = vector.shape_cast %mul3A_259 : vector<16xf32> to vector<1x16xf32>
          tpu.vector_store %arg12[%swap3A_294, %swap3A_295], %swap3A_298 {strides = array<i32>} : memref<128x128xf32, #tpu.memory_space<vmem>>, vector<1x16xf32>,
        }
        %scan3A_203 = arith.constant 128 : i32
        "tpu.region"() ({
          %run_scoped3A = tpu.sem_alloc : memref<!tpu.dma_semaphore, #tpu.memory_space<semaphore_mem>>
          %dma_start3A_214 = arith.constant 0 : i32
          %dma_start3A_215 = tpu.memref_slice %arg10[%add3A_187, %dma_start3A_214] : memref<32x128xi32, #tpu.memory_space<vmem>> -> memref<1x128xi32, #tpu.memory_space<vmem>>
          %dma_start3A_216 = tpu.memref_squeeze %dma_start3A_215 : memref<1x128xi32, #tpu.memory_space<vmem>> -> memref<128xi32, #tpu.memory_space<vmem>>
          %dma_start3A_217 = arith.constant 0 : i32
          %dma_start3A_218 = arith.constant 0 : i32
          %dma_start3A_219 = tpu.memref_slice %arg8[%dma_start3A_217, %dma_start3A_218] : memref<10240x128xf32, #tpu.memory_space<vmem_shared>> -> memref<10240x128xf32, #tpu.memory_space<vmem_shared>>
          tpu.enqueue_indirect_dma source(%arg12 : memref<128x128xf32, #tpu.memory_space<vmem>>) target(%dma_start3A_219 : memref<10240x128xf32, #tpu.memory_space<vmem_shared>>) offsets(%dma_start3A_216 : memref<128xi32, #tpu.memory_space<vmem>>) semaphore(%run_scoped3A : memref<!tpu.dma_semaphore, #tpu.memory_space<semaphore_mem>>) {add = true}
          %dma_wait3A_220 = arith.constant 0 : i32
          %dma_wait3A_221 = tpu.memref_slice %arg10[%add3A_187, %dma_wait3A_220] : memref<32x128xi32, #tpu.memory_space<vmem>> -> memref<1x128xi32, #tpu.memory_space<vmem>>
          %dma_wait3A_222 = tpu.memref_squeeze %dma_wait3A_221 : memref<1x128xi32, #tpu.memory_space<vmem>> -> memref<128xi32, #tpu.memory_space<vmem>>
          %dma_wait3A_223 = arith.constant 0 : i32
          %dma_wait3A_224 = arith.constant 0 : i32
          %dma_wait3A_225 = tpu.memref_slice %arg8[%dma_wait3A_223, %dma_wait3A_224] : memref<10240x128xf32, #tpu.memory_space<vmem_shared>> -> memref<10240x128xf32, #tpu.memory_space<vmem_shared>>
          tpu.wait_indirect_dma semaphore(%run_scoped3A : memref<!tpu.dma_semaphore, #tpu.memory_space<semaphore_mem>>) src(%arg12 : memref<128x128xf32, #tpu.memory_space<vmem>>) dst(%dma_wait3A_225 : memref<10240x128xf32, #tpu.memory_space<vmem_shared>>)
          tpu.yield
        }) : () -> ()
        %add3A_204 = arith.constant 2 : i32
        %add3A_205 = arith.addi %add3A_187, %add3A_204 : i32
        %lt3A_206 = arith.cmpi slt, %add3A_205, %min3A_127 : i32
        %convert_element_type3A_207 = arith.extui %lt3A_206 : i1 to i32
        %cond3A_208 = arith.constant 0 : i32
        %cond3A_209 = arith.cmpi ne, %convert_element_type3A_207, %cond3A_208 : i32
        scf.if %cond3A_209 {
          %add3A_214 = arith.constant 2 : i32
          %add3A_215 = arith.addi %add3A_187, %add3A_214 : i32
          %mul3A_216 = arith.constant 128 : i32
          %mul3A_217 = arith.muli %add3A_215, %mul3A_216 : i32
          %dma_start3A_218 = tpu.memref_slice %arg9[%mul3A_217] : memref<4096xi32, #tpu.memory_space<vmem>> -> memref<128xi32, #tpu.memory_space<vmem>>
          %dma_start3A_219 = arith.constant 0 : i32
          %dma_start3A_220 = arith.constant 0 : i32
          %dma_start3A_221 = tpu.memref_slice %arg2[%dma_start3A_219, %dma_start3A_220] : memref<10240x128xf32, #tpu.memory_space<hbm>> -> memref<10240x128xf32, #tpu.memory_space<hbm>>
          tpu.enqueue_indirect_dma source(%dma_start3A_221 : memref<10240x128xf32, #tpu.memory_space<hbm>>) target(%arg12 : memref<128x128xf32, #tpu.memory_space<vmem>>) offsets(%dma_start3A_218 : memref<128xi32, #tpu.memory_space<vmem>>) semaphore(%arg15 : memref<!tpu.dma_semaphore, #tpu.memory_space<semaphore_mem>>)
        } else {
        }
        %lt3A_210 = arith.cmpi slt, %add3A_189, %min3A_127 : i32
        %convert_element_type3A_211 = arith.extui %lt3A_210 : i1 to i32
        %cond3A_212 = arith.constant 0 : i32
        %cond3A_213 = arith.cmpi ne, %convert_element_type3A_211, %cond3A_212 : i32
        scf.if %cond3A_213 {
          %dma_wait3A_214 = arith.constant 0 : i32
          %dma_wait3A_215 = tpu.memref_slice %arg9[%dma_wait3A_214] : memref<4096xi32, #tpu.memory_space<vmem>> -> memref<128xi32, #tpu.memory_space<vmem>>
          %dma_wait3A_216 = arith.constant 0 : i32
          %dma_wait3A_217 = arith.constant 0 : i32
          %dma_wait3A_218 = tpu.memref_slice %arg2[%dma_wait3A_216, %dma_wait3A_217] : memref<10240x128xf32, #tpu.memory_space<hbm>> -> memref<10240x128xf32, #tpu.memory_space<hbm>>
          tpu.wait_indirect_dma semaphore(%arg16 : memref<!tpu.dma_semaphore, #tpu.memory_space<semaphore_mem>>) src(%dma_wait3A_218 : memref<10240x128xf32, #tpu.memory_space<hbm>>) dst(%arg13 : memref<128x128xf32, #tpu.memory_space<vmem>>)
          %scan3A_219 = arith.constant 0 : i32
          %scan3A_220 = arith.constant 0 : i32
          %scan3A_221 = arith.constant 128 : i32
          %scan3A_222 = arith.addi %scan3A_220, %scan3A_221 : i32
          %scan3A_223 = arith.constant 1 : i32
          scf.for %scan3A_225 = %scan3A_220 to %scan3A_222 step %scan3A_223  : i32 {
            %mul3A_226 = arith.constant 128 : i32
            %mul3A_227 = arith.muli %add3A_189, %mul3A_226 : i32
            %add3A_228 = arith.addi %mul3A_227, %scan3A_225 : i32
            %get3A = arith.index_cast %add3A_228 : i32 to index
            %get3A_229 = tpu.vector_load %arg11[%get3A] {strides = array<i32>} : memref<4096xf32, #tpu.memory_space<vmem>>, vector<16xf32>,
            %get3A_230 = vector.shape_cast %get3A_229 : vector<16xf32> to vector<16xf32>
            %slice3A = vector.extract_strided_slice %get3A_230 {offsets = [0], sizes = [1], strides = [1]} : vector<16xf32> to vector<1xf32>
            %squeeze3A = vector.extract %slice3A[0] : f32 from vector<1xf32>
            %broadcast_in_dim3A = vector.broadcast %squeeze3A : f32 to vector<16xf32>
            %get3A_231 = arith.index_cast %scan3A_225 : i32 to index
            %get3A_232 = arith.constant 0 : index
            %get3A_233 = tpu.vector_load %arg13[%get3A_231, %get3A_232] {strides = array<i32>} : memref<128x128xf32, #tpu.memory_space<vmem>>, vector<1x16xf32>,
            %get3A_234 = vector.shape_cast %get3A_233 : vector<1x16xf32> to vector<16xf32>
            %mul3A_235 = arith.mulf %get3A_234, %broadcast_in_dim3A : vector<16xf32>
            %get3A_236 = arith.index_cast %scan3A_225 : i32 to index
            %get3A_237 = arith.constant 16 : index
            %get3A_238 = tpu.vector_load %arg13[%get3A_236, %get3A_237] {strides = array<i32>} : memref<128x128xf32, #tpu.memory_space<vmem>>, vector<1x16xf32>,
            %get3A_239 = vector.shape_cast %get3A_238 : vector<1x16xf32> to vector<16xf32>
            %mul3A_240 = arith.mulf %get3A_239, %broadcast_in_dim3A : vector<16xf32>
            %get3A_241 = arith.index_cast %scan3A_225 : i32 to index
            %get3A_242 = arith.constant 32 : index
            %get3A_243 = tpu.vector_load %arg13[%get3A_241, %get3A_242] {strides = array<i32>} : memref<128x128xf32, #tpu.memory_space<vmem>>, vector<1x16xf32>,
            %get3A_244 = vector.shape_cast %get3A_243 : vector<1x16xf32> to vector<16xf32>
            %mul3A_245 = arith.mulf %get3A_244, %broadcast_in_dim3A : vector<16xf32>
            %get3A_246 = arith.index_cast %scan3A_225 : i32 to index
            %get3A_247 = arith.constant 48 : index
            %get3A_248 = tpu.vector_load %arg13[%get3A_246, %get3A_247] {strides = array<i32>} : memref<128x128xf32, #tpu.memory_space<vmem>>, vector<1x16xf32>,
            %get3A_249 = vector.shape_cast %get3A_248 : vector<1x16xf32> to vector<16xf32>
            %mul3A_250 = arith.mulf %get3A_249, %broadcast_in_dim3A : vector<16xf32>
            %get3A_251 = arith.index_cast %scan3A_225 : i32 to index
            %get3A_252 = arith.constant 64 : index
            %get3A_253 = tpu.vector_load %arg13[%get3A_251, %get3A_252] {strides = array<i32>} : memref<128x128xf32, #tpu.memory_space<vmem>>, vector<1x16xf32>,
            %get3A_254 = vector.shape_cast %get3A_253 : vector<1x16xf32> to vector<16xf32>
            %mul3A_255 = arith.mulf %get3A_254, %broadcast_in_dim3A : vector<16xf32>
            %get3A_256 = arith.index_cast %scan3A_225 : i32 to index
            %get3A_257 = arith.constant 80 : index
            %get3A_258 = tpu.vector_load %arg13[%get3A_256, %get3A_257] {strides = array<i32>} : memref<128x128xf32, #tpu.memory_space<vmem>>, vector<1x16xf32>,
            %get3A_259 = vector.shape_cast %get3A_258 : vector<1x16xf32> to vector<16xf32>
            %mul3A_260 = arith.mulf %get3A_259, %broadcast_in_dim3A : vector<16xf32>
            %get3A_261 = arith.index_cast %scan3A_225 : i32 to index
            %get3A_262 = arith.constant 96 : index
            %get3A_263 = tpu.vector_load %arg13[%get3A_261, %get3A_262] {strides = array<i32>} : memref<128x128xf32, #tpu.memory_space<vmem>>, vector<1x16xf32>,
            %get3A_264 = vector.shape_cast %get3A_263 : vector<1x16xf32> to vector<16xf32>
            %mul3A_265 = arith.mulf %get3A_264, %broadcast_in_dim3A : vector<16xf32>
            %get3A_266 = arith.index_cast %scan3A_225 : i32 to index
            %get3A_267 = arith.constant 112 : index
            %get3A_268 = tpu.vector_load %arg13[%get3A_266, %get3A_267] {strides = array<i32>} : memref<128x128xf32, #tpu.memory_space<vmem>>, vector<1x16xf32>,
            %get3A_269 = vector.shape_cast %get3A_268 : vector<1x16xf32> to vector<16xf32>
            %mul3A_270 = arith.mulf %get3A_269, %broadcast_in_dim3A : vector<16xf32>
            %swap3A = arith.index_cast %scan3A_225 : i32 to index
            %swap3A_271 = arith.constant 0 : index
            %swap3A_272 = tpu.vector_load %arg13[%swap3A, %swap3A_271] {strides = array<i32>} : memref<128x128xf32, #tpu.memory_space<vmem>>, vector<1x16xf32>,
            %swap3A_273 = vector.shape_cast %swap3A_272 : vector<1x16xf32> to vector<16xf32>
            %swap3A_274 = vector.shape_cast %mul3A_235 : vector<16xf32> to vector<1x16xf32>
            tpu.vector_store %arg13[%swap3A, %swap3A_271], %swap3A_274 {strides = array<i32>} : memref<128x128xf32, #tpu.memory_space<vmem>>, vector<1x16xf32>,
            %swap3A_275 = arith.index_cast %scan3A_225 : i32 to index
            %swap3A_276 = arith.constant 16 : index
            %swap3A_277 = tpu.vector_load %arg13[%swap3A_275, %swap3A_276] {strides = array<i32>} : memref<128x128xf32, #tpu.memory_space<vmem>>, vector<1x16xf32>,
            %swap3A_278 = vector.shape_cast %swap3A_277 : vector<1x16xf32> to vector<16xf32>
            %swap3A_279 = vector.shape_cast %mul3A_240 : vector<16xf32> to vector<1x16xf32>
            tpu.vector_store %arg13[%swap3A_275, %swap3A_276], %swap3A_279 {strides = array<i32>} : memref<128x128xf32, #tpu.memory_space<vmem>>, vector<1x16xf32>,
            %swap3A_280 = arith.index_cast %scan3A_225 : i32 to index
            %swap3A_281 = arith.constant 32 : index
            %swap3A_282 = tpu.vector_load %arg13[%swap3A_280, %swap3A_281] {strides = array<i32>} : memref<128x128xf32, #tpu.memory_space<vmem>>, vector<1x16xf32>,
            %swap3A_283 = vector.shape_cast %swap3A_282 : vector<1x16xf32> to vector<16xf32>
            %swap3A_284 = vector.shape_cast %mul3A_245 : vector<16xf32> to vector<1x16xf32>
            tpu.vector_store %arg13[%swap3A_280, %swap3A_281], %swap3A_284 {strides = array<i32>} : memref<128x128xf32, #tpu.memory_space<vmem>>, vector<1x16xf32>,
            %swap3A_285 = arith.index_cast %scan3A_225 : i32 to index
            %swap3A_286 = arith.constant 48 : index
            %swap3A_287 = tpu.vector_load %arg13[%swap3A_285, %swap3A_286] {strides = array<i32>} : memref<128x128xf32, #tpu.memory_space<vmem>>, vector<1x16xf32>,
            %swap3A_288 = vector.shape_cast %swap3A_287 : vector<1x16xf32> to vector<16xf32>
            %swap3A_289 = vector.shape_cast %mul3A_250 : vector<16xf32> to vector<1x16xf32>
            tpu.vector_store %arg13[%swap3A_285, %swap3A_286], %swap3A_289 {strides = array<i32>} : memref<128x128xf32, #tpu.memory_space<vmem>>, vector<1x16xf32>,
            %swap3A_290 = arith.index_cast %scan3A_225 : i32 to index
            %swap3A_291 = arith.constant 64 : index
            %swap3A_292 = tpu.vector_load %arg13[%swap3A_290, %swap3A_291] {strides = array<i32>} : memref<128x128xf32, #tpu.memory_space<vmem>>, vector<1x16xf32>,
            %swap3A_293 = vector.shape_cast %swap3A_292 : vector<1x16xf32> to vector<16xf32>
            %swap3A_294 = vector.shape_cast %mul3A_255 : vector<16xf32> to vector<1x16xf32>
            tpu.vector_store %arg13[%swap3A_290, %swap3A_291], %swap3A_294 {strides = array<i32>} : memref<128x128xf32, #tpu.memory_space<vmem>>, vector<1x16xf32>,
            %swap3A_295 = arith.index_cast %scan3A_225 : i32 to index
            %swap3A_296 = arith.constant 80 : index
            %swap3A_297 = tpu.vector_load %arg13[%swap3A_295, %swap3A_296] {strides = array<i32>} : memref<128x128xf32, #tpu.memory_space<vmem>>, vector<1x16xf32>,
            %swap3A_298 = vector.shape_cast %swap3A_297 : vector<1x16xf32> to vector<16xf32>
            %swap3A_299 = vector.shape_cast %mul3A_260 : vector<16xf32> to vector<1x16xf32>
            tpu.vector_store %arg13[%swap3A_295, %swap3A_296], %swap3A_299 {strides = array<i32>} : memref<128x128xf32, #tpu.memory_space<vmem>>, vector<1x16xf32>,
            %swap3A_300 = arith.index_cast %scan3A_225 : i32 to index
            %swap3A_301 = arith.constant 96 : index
            %swap3A_302 = tpu.vector_load %arg13[%swap3A_300, %swap3A_301] {strides = array<i32>} : memref<128x128xf32, #tpu.memory_space<vmem>>, vector<1x16xf32>,
            %swap3A_303 = vector.shape_cast %swap3A_302 : vector<1x16xf32> to vector<16xf32>
            %swap3A_304 = vector.shape_cast %mul3A_265 : vector<16xf32> to vector<1x16xf32>
            tpu.vector_store %arg13[%swap3A_300, %swap3A_301], %swap3A_304 {strides = array<i32>} : memref<128x128xf32, #tpu.memory_space<vmem>>, vector<1x16xf32>,
            %swap3A_305 = arith.index_cast %scan3A_225 : i32 to index
            %swap3A_306 = arith.constant 112 : index
            %swap3A_307 = tpu.vector_load %arg13[%swap3A_305, %swap3A_306] {strides = array<i32>} : memref<128x128xf32, #tpu.memory_space<vmem>>, vector<1x16xf32>,
            %swap3A_308 = vector.shape_cast %swap3A_307 : vector<1x16xf32> to vector<16xf32>
            %swap3A_309 = vector.shape_cast %mul3A_270 : vector<16xf32> to vector<1x16xf32>
            tpu.vector_store %arg13[%swap3A_305, %swap3A_306], %swap3A_309 {strides = array<i32>} : memref<128x128xf32, #tpu.memory_space<vmem>>, vector<1x16xf32>,
          }
          %scan3A_224 = arith.constant 128 : i32
          "tpu.region"() ({
            %run_scoped3A = tpu.sem_alloc : memref<!tpu.dma_semaphore, #tpu.memory_space<semaphore_mem>>
            %dma_start3A_225 = arith.constant 0 : i32
            %dma_start3A_226 = tpu.memref_slice %arg10[%add3A_189, %dma_start3A_225] : memref<32x128xi32, #tpu.memory_space<vmem>> -> memref<1x128xi32, #tpu.memory_space<vmem>>
            %dma_start3A_227 = tpu.memref_squeeze %dma_start3A_226 : memref<1x128xi32, #tpu.memory_space<vmem>> -> memref<128xi32, #tpu.memory_space<vmem>>
            %dma_start3A_228 = arith.constant 0 : i32
            %dma_start3A_229 = arith.constant 0 : i32
            %dma_start3A_230 = tpu.memref_slice %arg8[%dma_start3A_228, %dma_start3A_229] : memref<10240x128xf32, #tpu.memory_space<vmem_shared>> -> memref<10240x128xf32, #tpu.memory_space<vmem_shared>>
            tpu.enqueue_indirect_dma source(%arg13 : memref<128x128xf32, #tpu.memory_space<vmem>>) target(%dma_start3A_230 : memref<10240x128xf32, #tpu.memory_space<vmem_shared>>) offsets(%dma_start3A_227 : memref<128xi32, #tpu.memory_space<vmem>>) semaphore(%run_scoped3A : memref<!tpu.dma_semaphore, #tpu.memory_space<semaphore_mem>>) {add = true}
            %dma_wait3A_231 = arith.constant 0 : i32
            %dma_wait3A_232 = tpu.memref_slice %arg10[%add3A_189, %dma_wait3A_231] : memref<32x128xi32, #tpu.memory_space<vmem>> -> memref<1x128xi32, #tpu.memory_space<vmem>>
            %dma_wait3A_233 = tpu.memref_squeeze %dma_wait3A_232 : memref<1x128xi32, #tpu.memory_space<vmem>> -> memref<128xi32, #tpu.memory_space<vmem>>
            %dma_wait3A_234 = arith.constant 0 : i32
            %dma_wait3A_235 = arith.constant 0 : i32
            %dma_wait3A_236 = tpu.memref_slice %arg8[%dma_wait3A_234, %dma_wait3A_235] : memref<10240x128xf32, #tpu.memory_space<vmem_shared>> -> memref<10240x128xf32, #tpu.memory_space<vmem_shared>>
            tpu.wait_indirect_dma semaphore(%run_scoped3A : memref<!tpu.dma_semaphore, #tpu.memory_space<semaphore_mem>>) src(%arg13 : memref<128x128xf32, #tpu.memory_space<vmem>>) dst(%dma_wait3A_236 : memref<10240x128xf32, #tpu.memory_space<vmem_shared>>)
            tpu.yield
          }) : () -> ()
        } else {
        }
      }
    }
    %while3A_114 = arith.constant 1 : i32
    scf.for %while3A_120 = %while3A_112 to %while3A_108 step %while3A_114  : i32 {
      %mul3A_121 = arith.constant 32 : i32
      %mul3A_122 = arith.muli %while3A_120, %mul3A_121 : i32
      %add3A_123 = arith.addi %mul3A_76, %mul3A_122 : i32
      %sub3A_124 = arith.subi %select_n3A, %add3A_123 : i32
      %max3A = arith.constant 0 : i32
      %max3A_125 = arith.maxsi %sub3A_124, %max3A : i32
      %sub3A_126 = arith.subi %select_n3A_50, %add3A_123 : i32
      %min3A = arith.constant 32 : i32
      %min3A_127 = arith.minsi %sub3A_126, %min3A : i32
      %mul3A_128 = arith.constant 128 : i32
      %mul3A_129 = arith.muli %add3A_123, %mul3A_128 : i32
      %dma_start3A = tpu.memref_slice %arg3[%mul3A_129] : memref<324096xi32, #tpu.memory_space<hbm>> -> memref<4096xi32, #tpu.memory_space<hbm>>
      %dma_start3A_130 = tpu.memref_slice %arg3[%mul3A_129] : memref<324096xi32, #tpu.memory_space<hbm>> -> memref<4096xi32, #tpu.memory_space<hbm>>
      tpu.enqueue_dma source(%dma_start3A_130 : memref<4096xi32, #tpu.memory_space<hbm>>) target(%arg9 : memref<4096xi32, #tpu.memory_space<vmem>>) target_semaphore(%arg14 : memref<!tpu.dma_semaphore, #tpu.memory_space<semaphore_mem>>)
      %dma_wait3A = tpu.memref_slice %arg3[%mul3A_129] : memref<324096xi32, #tpu.memory_space<hbm>> -> memref<4096xi32, #tpu.memory_space<hbm>>
      %dma_wait3A_131 = tpu.memref_slice %arg3[%mul3A_129] : memref<324096xi32, #tpu.memory_space<hbm>> -> memref<4096xi32, #tpu.memory_space<hbm>>
      tpu.wait_dma2 semaphore(%arg14 : memref<!tpu.dma_semaphore, #tpu.memory_space<semaphore_mem>>) src(%dma_wait3A_131 : memref<4096xi32, #tpu.memory_space<hbm>>) dst(%arg9 : memref<4096xi32, #tpu.memory_space<vmem>>)
      %dma_start3A_132 = arith.constant 0 : i32
      %dma_start3A_133 = tpu.memref_slice %arg4[%add3A_123, %dma_start3A_132] : memref<2532x128xi32, #tpu.memory_space<hbm>> -> memref<32x128xi32, #tpu.memory_space<hbm>>
      %dma_start3A_134 = arith.constant 0 : i32
      %dma_start3A_135 = tpu.memref_slice %arg4[%add3A_123, %dma_start3A_134] : memref<2532x128xi32, #tpu.memory_space<hbm>> -> memref<32x128xi32, #tpu.memory_space<hbm>>
      tpu.enqueue_dma source(%dma_start3A_135 : memref<32x128xi32, #tpu.memory_space<hbm>>) target(%arg10 : memref<32x128xi32, #tpu.memory_space<vmem>>) target_semaphore(%arg14 : memref<!tpu.dma_semaphore, #tpu.memory_space<semaphore_mem>>)
      %dma_wait3A_136 = arith.constant 0 : i32
      %dma_wait3A_137 = tpu.memref_slice %arg4[%add3A_123, %dma_wait3A_136] : memref<2532x128xi32, #tpu.memory_space<hbm>> -> memref<32x128xi32, #tpu.memory_space<hbm>>
      %dma_wait3A_138 = arith.constant 0 : i32
      %dma_wait3A_139 = tpu.memref_slice %arg4[%add3A_123, %dma_wait3A_138] : memref<2532x128xi32, #tpu.memory_space<hbm>> -> memref<32x128xi32, #tpu.memory_space<hbm>>
      tpu.wait_dma2 semaphore(%arg14 : memref<!tpu.dma_semaphore, #tpu.memory_space<semaphore_mem>>) src(%dma_wait3A_139 : memref<32x128xi32, #tpu.memory_space<hbm>>) dst(%arg10 : memref<32x128xi32, #tpu.memory_space<vmem>>)
      %mul3A_140 = arith.constant 128 : i32
      %mul3A_141 = arith.muli %add3A_123, %mul3A_140 : i32
      %dma_start3A_142 = tpu.memref_slice %arg5[%mul3A_141] : memref<324096xf32, #tpu.memory_space<hbm>> -> memref<4096xf32, #tpu.memory_space<hbm>>
      %dma_start3A_143 = tpu.memref_slice %arg5[%mul3A_141] : memref<324096xf32, #tpu.memory_space<hbm>> -> memref<4096xf32, #tpu.memory_space<hbm>>
      tpu.enqueue_dma source(%dma_start3A_143 : memref<4096xf32, #tpu.memory_space<hbm>>) target(%arg11 : memref<4096xf32, #tpu.memory_space<vmem>>) target_semaphore(%arg14 : memref<!tpu.dma_semaphore, #tpu.memory_space<semaphore_mem>>)
      %dma_wait3A_144 = tpu.memref_slice %arg5[%mul3A_141] : memref<324096xf32, #tpu.memory_space<hbm>> -> memref<4096xf32, #tpu.memory_space<hbm>>
      %dma_wait3A_145 = tpu.memref_slice %arg5[%mul3A_141] : memref<324096xf32, #tpu.memory_space<hbm>> -> memref<4096xf32, #tpu.memory_space<hbm>>
      tpu.wait_dma2 semaphore(%arg14 : memref<!tpu.dma_semaphore, #tpu.memory_space<semaphore_mem>>) src(%dma_wait3A_145 : memref<4096xf32, #tpu.memory_space<hbm>>) dst(%arg11 : memref<4096xf32, #tpu.memory_space<vmem>>)
      %lt3A = arith.cmpi slt, %max3A_125, %min3A_127 : i32
      %convert_element_type3A = arith.extui %lt3A : i1 to i32
      %cond3A = arith.constant 0 : i32
      %cond3A_146 = arith.cmpi ne, %convert_element_type3A, %cond3A : i32
      scf.if %cond3A_146 {
        %mul3A_184 = arith.constant 128 : i32
        %mul3A_185 = arith.muli %max3A_125, %mul3A_184 : i32
        %dma_start3A_186 = tpu.memref_slice %arg9[%mul3A_185] : memref<4096xi32, #tpu.memory_space<vmem>> -> memref<128xi32, #tpu.memory_space<vmem>>
        %dma_start3A_187 = arith.constant 0 : i32
        %dma_start3A_188 = arith.constant 0 : i32
        %dma_start3A_189 = tpu.memref_slice %arg2[%dma_start3A_187, %dma_start3A_188] : memref<10240x128xf32, #tpu.memory_space<hbm>> -> memref<10240x128xf32, #tpu.memory_space<hbm>>
        tpu.enqueue_indirect_dma source(%dma_start3A_189 : memref<10240x128xf32, #tpu.memory_space<hbm>>) target(%arg12 : memref<128x128xf32, #tpu.memory_space<vmem>>) offsets(%dma_start3A_186 : memref<128xi32, #tpu.memory_space<vmem>>) semaphore(%arg15 : memref<!tpu.dma_semaphore, #tpu.memory_space<semaphore_mem>>)
      } else {
      }
      %sub3A_147 = arith.subi %min3A_127, %max3A_125 : i32
      %add3A_148 = arith.constant 1 : i32
      %add3A_149 = arith.addi %sub3A_147, %add3A_148 : i32
      %jit3A_150 = arith.constant 2 : i32
      %div3A_151 = arith.divsi %add3A_149, %jit3A_150 : i32
      %sign3A_152 = arith.constant 0 : i32
      %sign3A_153 = arith.cmpi sgt, %add3A_149, %sign3A_152 : i32
      %sign3A_154 = arith.extui %sign3A_153 : i1 to i32
      %sign3A_155 = arith.constant 0 : i32
      %sign3A_156 = arith.cmpi slt, %add3A_149, %sign3A_155 : i32
      %sign3A_157 = arith.extui %sign3A_156 : i1 to i32
      %sign3A_158 = arith.subi %sign3A_154, %sign3A_157 : i32
      %sign3A_159 = arith.constant 0 : i32
      %sign3A_160 = arith.cmpi sgt, %jit3A_150, %sign3A_159 : i32
      %sign3A_161 = arith.extui %sign3A_160 : i1 to i32
      %sign3A_162 = arith.constant 0 : i32
      %sign3A_163 = arith.cmpi slt, %jit3A_150, %sign3A_162 : i32
      %sign3A_164 = arith.extui %sign3A_163 : i1 to i32
      %sign3A_165 = arith.subi %sign3A_161, %sign3A_164 : i32
      %ne3A_166 = arith.cmpi ne, %sign3A_158, %sign3A_165 : i32
      %rem3A_167 = arith.remsi %add3A_149, %jit3A_150 : i32
      %ne3A_168 = arith.constant 0 : i32
      %ne3A_169 = arith.cmpi ne, %rem3A_167, %ne3A_168 : i32
      %and3A_170 = arith.andi %ne3A_166, %ne3A_169 : i1
      %sub3A_171 = arith.constant 1 : i32
      %sub3A_172 = arith.subi %div3A_151, %sub3A_171 : i32
      %select_n3A_173 = arith.select %and3A_170, %sub3A_172, %div3A_151 : i32
      %while3A_174 = arith.constant 0 : i32
      %while3A_175 = arith.constant 0 : i32
      %while3A_176 = arith.subi %select_n3A_173, %while3A_175 : i32
      %while3A_177 = arith.addi %while3A_175, %while3A_176 : i32
      %while3A_178 = arith.constant 1 : i32
      %while3A_179 = arith.divsi %while3A_176, %while3A_178 : i32
      %while3A_180 = arith.muli %while3A_179, %while3A_178 : i32
      %while3A_181 = arith.addi %while3A_175, %while3A_180 : i32
      %while3A_182 = arith.constant 1 : i32
      scf.for %while3A_184 = %while3A_175 to %while3A_181 step %while3A_182  : i32 {
        %mul3A_185 = arith.constant 2 : i32
        %mul3A_186 = arith.muli %mul3A_185, %while3A_184 : i32
        %add3A_187 = arith.addi %max3A_125, %mul3A_186 : i32
        %add3A_188 = arith.constant 1 : i32
        %add3A_189 = arith.addi %add3A_187, %add3A_188 : i32
        %lt3A_190 = arith.cmpi slt, %add3A_189, %min3A_127 : i32
        %convert_element_type3A_191 = arith.extui %lt3A_190 : i1 to i32
        %cond3A_192 = arith.constant 0 : i32
        %cond3A_193 = arith.cmpi ne, %convert_element_type3A_191, %cond3A_192 : i32
        scf.if %cond3A_193 {
          %mul3A_214 = arith.constant 128 : i32
          %mul3A_215 = arith.muli %add3A_189, %mul3A_214 : i32
          %dma_start3A_216 = tpu.memref_slice %arg9[%mul3A_215] : memref<4096xi32, #tpu.memory_space<vmem>> -> memref<128xi32, #tpu.memory_space<vmem>>
          %dma_start3A_217 = arith.constant 0 : i32
          %dma_start3A_218 = arith.constant 0 : i32
          %dma_start3A_219 = tpu.memref_slice %arg2[%dma_start3A_217, %dma_start3A_218] : memref<10240x128xf32, #tpu.memory_space<hbm>> -> memref<10240x128xf32, #tpu.memory_space<hbm>>
          tpu.enqueue_indirect_dma source(%dma_start3A_219 : memref<10240x128xf32, #tpu.memory_space<hbm>>) target(%arg13 : memref<128x128xf32, #tpu.memory_space<vmem>>) offsets(%dma_start3A_216 : memref<128xi32, #tpu.memory_space<vmem>>) semaphore(%arg16 : memref<!tpu.dma_semaphore, #tpu.memory_space<semaphore_mem>>)
        } else {
        }
        %dma_wait3A_194 = arith.constant 0 : i32
        %dma_wait3A_195 = tpu.memref_slice %arg9[%dma_wait3A_194] : memref<4096xi32, #tpu.memory_space<vmem>> -> memref<128xi32, #tpu.memory_space<vmem>>
        %dma_wait3A_196 = arith.constant 0 : i32
        %dma_wait3A_197 = arith.constant 0 : i32
        %dma_wait3A_198 = tpu.memref_slice %arg2[%dma_wait3A_196, %dma_wait3A_197] : memref<10240x128xf32, #tpu.memory_space<hbm>> -> memref<10240x128xf32, #tpu.memory_space<hbm>>
        tpu.wait_indirect_dma semaphore(%arg15 : memref<!tpu.dma_semaphore, #tpu.memory_space<semaphore_mem>>) src(%dma_wait3A_198 : memref<10240x128xf32, #tpu.memory_space<hbm>>) dst(%arg12 : memref<128x128xf32, #tpu.memory_space<vmem>>)
        %scan3A = arith.constant 0 : i32
        %scan3A_199 = arith.constant 0 : i32
        %scan3A_200 = arith.constant 128 : i32
        %scan3A_201 = arith.addi %scan3A_199, %scan3A_200 : i32
        %scan3A_202 = arith.constant 1 : i32
        scf.for %scan3A_214 = %scan3A_199 to %scan3A_201 step %scan3A_202  : i32 {
          %mul3A_215 = arith.constant 128 : i32
          %mul3A_216 = arith.muli %add3A_187, %mul3A_215 : i32
          %add3A_217 = arith.addi %mul3A_216, %scan3A_214 : i32
          %get3A = arith.index_cast %add3A_217 : i32 to index
          %get3A_218 = tpu.vector_load %arg11[%get3A] {strides = array<i32>} : memref<4096xf32, #tpu.memory_space<vmem>>, vector<16xf32>,
          %get3A_219 = vector.shape_cast %get3A_218 : vector<16xf32> to vector<16xf32>
          %slice3A = vector.extract_strided_slice %get3A_219 {offsets = [0], sizes = [1], strides = [1]} : vector<16xf32> to vector<1xf32>
          %squeeze3A = vector.extract %slice3A[0] : f32 from vector<1xf32>
          %broadcast_in_dim3A = vector.broadcast %squeeze3A : f32 to vector<16xf32>
          %get3A_220 = arith.index_cast %scan3A_214 : i32 to index
          %get3A_221 = arith.constant 0 : index
          %get3A_222 = tpu.vector_load %arg12[%get3A_220, %get3A_221] {strides = array<i32>} : memref<128x128xf32, #tpu.memory_space<vmem>>, vector<1x16xf32>,
          %get3A_223 = vector.shape_cast %get3A_222 : vector<1x16xf32> to vector<16xf32>
          %mul3A_224 = arith.mulf %get3A_223, %broadcast_in_dim3A : vector<16xf32>
          %get3A_225 = arith.index_cast %scan3A_214 : i32 to index
          %get3A_226 = arith.constant 16 : index
          %get3A_227 = tpu.vector_load %arg12[%get3A_225, %get3A_226] {strides = array<i32>} : memref<128x128xf32, #tpu.memory_space<vmem>>, vector<1x16xf32>,
          %get3A_228 = vector.shape_cast %get3A_227 : vector<1x16xf32> to vector<16xf32>
          %mul3A_229 = arith.mulf %get3A_228, %broadcast_in_dim3A : vector<16xf32>
          %get3A_230 = arith.index_cast %scan3A_214 : i32 to index
          %get3A_231 = arith.constant 32 : index
          %get3A_232 = tpu.vector_load %arg12[%get3A_230, %get3A_231] {strides = array<i32>} : memref<128x128xf32, #tpu.memory_space<vmem>>, vector<1x16xf32>,
          %get3A_233 = vector.shape_cast %get3A_232 : vector<1x16xf32> to vector<16xf32>
          %mul3A_234 = arith.mulf %get3A_233, %broadcast_in_dim3A : vector<16xf32>
          %get3A_235 = arith.index_cast %scan3A_214 : i32 to index
          %get3A_236 = arith.constant 48 : index
          %get3A_237 = tpu.vector_load %arg12[%get3A_235, %get3A_236] {strides = array<i32>} : memref<128x128xf32, #tpu.memory_space<vmem>>, vector<1x16xf32>,
          %get3A_238 = vector.shape_cast %get3A_237 : vector<1x16xf32> to vector<16xf32>
          %mul3A_239 = arith.mulf %get3A_238, %broadcast_in_dim3A : vector<16xf32>
          %get3A_240 = arith.index_cast %scan3A_214 : i32 to index
          %get3A_241 = arith.constant 64 : index
          %get3A_242 = tpu.vector_load %arg12[%get3A_240, %get3A_241] {strides = array<i32>} : memref<128x128xf32, #tpu.memory_space<vmem>>, vector<1x16xf32>,
          %get3A_243 = vector.shape_cast %get3A_242 : vector<1x16xf32> to vector<16xf32>
          %mul3A_244 = arith.mulf %get3A_243, %broadcast_in_dim3A : vector<16xf32>
          %get3A_245 = arith.index_cast %scan3A_214 : i32 to index
          %get3A_246 = arith.constant 80 : index
          %get3A_247 = tpu.vector_load %arg12[%get3A_245, %get3A_246] {strides = array<i32>} : memref<128x128xf32, #tpu.memory_space<vmem>>, vector<1x16xf32>,
          %get3A_248 = vector.shape_cast %get3A_247 : vector<1x16xf32> to vector<16xf32>
          %mul3A_249 = arith.mulf %get3A_248, %broadcast_in_dim3A : vector<16xf32>
          %get3A_250 = arith.index_cast %scan3A_214 : i32 to index
          %get3A_251 = arith.constant 96 : index
          %get3A_252 = tpu.vector_load %arg12[%get3A_250, %get3A_251] {strides = array<i32>} : memref<128x128xf32, #tpu.memory_space<vmem>>, vector<1x16xf32>,
          %get3A_253 = vector.shape_cast %get3A_252 : vector<1x16xf32> to vector<16xf32>
          %mul3A_254 = arith.mulf %get3A_253, %broadcast_in_dim3A : vector<16xf32>
          %get3A_255 = arith.index_cast %scan3A_214 : i32 to index
          %get3A_256 = arith.constant 112 : index
          %get3A_257 = tpu.vector_load %arg12[%get3A_255, %get3A_256] {strides = array<i32>} : memref<128x128xf32, #tpu.memory_space<vmem>>, vector<1x16xf32>,
          %get3A_258 = vector.shape_cast %get3A_257 : vector<1x16xf32> to vector<16xf32>
          %mul3A_259 = arith.mulf %get3A_258, %broadcast_in_dim3A : vector<16xf32>
          %swap3A = arith.index_cast %scan3A_214 : i32 to index
          %swap3A_260 = arith.constant 0 : index
          %swap3A_261 = tpu.vector_load %arg12[%swap3A, %swap3A_260] {strides = array<i32>} : memref<128x128xf32, #tpu.memory_space<vmem>>, vector<1x16xf32>,
          %swap3A_262 = vector.shape_cast %swap3A_261 : vector<1x16xf32> to vector<16xf32>
          %swap3A_263 = vector.shape_cast %mul3A_224 : vector<16xf32> to vector<1x16xf32>
          tpu.vector_store %arg12[%swap3A, %swap3A_260], %swap3A_263 {strides = array<i32>} : memref<128x128xf32, #tpu.memory_space<vmem>>, vector<1x16xf32>,
          %swap3A_264 = arith.index_cast %scan3A_214 : i32 to index
          %swap3A_265 = arith.constant 16 : index
          %swap3A_266 = tpu.vector_load %arg12[%swap3A_264, %swap3A_265] {strides = array<i32>} : memref<128x128xf32, #tpu.memory_space<vmem>>, vector<1x16xf32>,
          %swap3A_267 = vector.shape_cast %swap3A_266 : vector<1x16xf32> to vector<16xf32>
          %swap3A_268 = vector.shape_cast %mul3A_229 : vector<16xf32> to vector<1x16xf32>
          tpu.vector_store %arg12[%swap3A_264, %swap3A_265], %swap3A_268 {strides = array<i32>} : memref<128x128xf32, #tpu.memory_space<vmem>>, vector<1x16xf32>,
          %swap3A_269 = arith.index_cast %scan3A_214 : i32 to index
          %swap3A_270 = arith.constant 32 : index
          %swap3A_271 = tpu.vector_load %arg12[%swap3A_269, %swap3A_270] {strides = array<i32>} : memref<128x128xf32, #tpu.memory_space<vmem>>, vector<1x16xf32>,
          %swap3A_272 = vector.shape_cast %swap3A_271 : vector<1x16xf32> to vector<16xf32>
          %swap3A_273 = vector.shape_cast %mul3A_234 : vector<16xf32> to vector<1x16xf32>
          tpu.vector_store %arg12[%swap3A_269, %swap3A_270], %swap3A_273 {strides = array<i32>} : memref<128x128xf32, #tpu.memory_space<vmem>>, vector<1x16xf32>,
          %swap3A_274 = arith.index_cast %scan3A_214 : i32 to index
          %swap3A_275 = arith.constant 48 : index
          %swap3A_276 = tpu.vector_load %arg12[%swap3A_274, %swap3A_275] {strides = array<i32>} : memref<128x128xf32, #tpu.memory_space<vmem>>, vector<1x16xf32>,
          %swap3A_277 = vector.shape_cast %swap3A_276 : vector<1x16xf32> to vector<16xf32>
          %swap3A_278 = vector.shape_cast %mul3A_239 : vector<16xf32> to vector<1x16xf32>
          tpu.vector_store %arg12[%swap3A_274, %swap3A_275], %swap3A_278 {strides = array<i32>} : memref<128x128xf32, #tpu.memory_space<vmem>>, vector<1x16xf32>,
          %swap3A_279 = arith.index_cast %scan3A_214 : i32 to index
          %swap3A_280 = arith.constant 64 : index
          %swap3A_281 = tpu.vector_load %arg12[%swap3A_279, %swap3A_280] {strides = array<i32>} : memref<128x128xf32, #tpu.memory_space<vmem>>, vector<1x16xf32>,
          %swap3A_282 = vector.shape_cast %swap3A_281 : vector<1x16xf32> to vector<16xf32>
          %swap3A_283 = vector.shape_cast %mul3A_244 : vector<16xf32> to vector<1x16xf32>
          tpu.vector_store %arg12[%swap3A_279, %swap3A_280], %swap3A_283 {strides = array<i32>} : memref<128x128xf32, #tpu.memory_space<vmem>>, vector<1x16xf32>,
          %swap3A_284 = arith.index_cast %scan3A_214 : i32 to index
          %swap3A_285 = arith.constant 80 : index
          %swap3A_286 = tpu.vector_load %arg12[%swap3A_284, %swap3A_285] {strides = array<i32>} : memref<128x128xf32, #tpu.memory_space<vmem>>, vector<1x16xf32>,
          %swap3A_287 = vector.shape_cast %swap3A_286 : vector<1x16xf32> to vector<16xf32>
          %swap3A_288 = vector.shape_cast %mul3A_249 : vector<16xf32> to vector<1x16xf32>
          tpu.vector_store %arg12[%swap3A_284, %swap3A_285], %swap3A_288 {strides = array<i32>} : memref<128x128xf32, #tpu.memory_space<vmem>>, vector<1x16xf32>,
          %swap3A_289 = arith.index_cast %scan3A_214 : i32 to index
          %swap3A_290 = arith.constant 96 : index
          %swap3A_291 = tpu.vector_load %arg12[%swap3A_289, %swap3A_290] {strides = array<i32>} : memref<128x128xf32, #tpu.memory_space<vmem>>, vector<1x16xf32>,
          %swap3A_292 = vector.shape_cast %swap3A_291 : vector<1x16xf32> to vector<16xf32>
          %swap3A_293 = vector.shape_cast %mul3A_254 : vector<16xf32> to vector<1x16xf32>
          tpu.vector_store %arg12[%swap3A_289, %swap3A_290], %swap3A_293 {strides = array<i32>} : memref<128x128xf32, #tpu.memory_space<vmem>>, vector<1x16xf32>,
          %swap3A_294 = arith.index_cast %scan3A_214 : i32 to index
          %swap3A_295 = arith.constant 112 : index
          %swap3A_296 = tpu.vector_load %arg12[%swap3A_294, %swap3A_295] {strides = array<i32>} : memref<128x128xf32, #tpu.memory_space<vmem>>, vector<1x16xf32>,
          %swap3A_297 = vector.shape_cast %swap3A_296 : vector<1x16xf32> to vector<16xf32>
          %swap3A_298 = vector.shape_cast %mul3A_259 : vector<16xf32> to vector<1x16xf32>
          tpu.vector_store %arg12[%swap3A_294, %swap3A_295], %swap3A_298 {strides = array<i32>} : memref<128x128xf32, #tpu.memory_space<vmem>>, vector<1x16xf32>,
        }
        %scan3A_203 = arith.constant 128 : i32
        "tpu.region"() ({
          %run_scoped3A = tpu.sem_alloc : memref<!tpu.dma_semaphore, #tpu.memory_space<semaphore_mem>>
          %dma_start3A_214 = arith.constant 0 : i32
          %dma_start3A_215 = tpu.memref_slice %arg10[%add3A_187, %dma_start3A_214] : memref<32x128xi32, #tpu.memory_space<vmem>> -> memref<1x128xi32, #tpu.memory_space<vmem>>
          %dma_start3A_216 = tpu.memref_squeeze %dma_start3A_215 : memref<1x128xi32, #tpu.memory_space<vmem>> -> memref<128xi32, #tpu.memory_space<vmem>>
          %dma_start3A_217 = arith.constant 0 : i32
          %dma_start3A_218 = arith.constant 0 : i32
          %dma_start3A_219 = tpu.memref_slice %arg8[%dma_start3A_217, %dma_start3A_218] : memref<10240x128xf32, #tpu.memory_space<vmem_shared>> -> memref<10240x128xf32, #tpu.memory_space<vmem_shared>>
          tpu.enqueue_indirect_dma source(%arg12 : memref<128x128xf32, #tpu.memory_space<vmem>>) target(%dma_start3A_219 : memref<10240x128xf32, #tpu.memory_space<vmem_shared>>) offsets(%dma_start3A_216 : memref<128xi32, #tpu.memory_space<vmem>>) semaphore(%run_scoped3A : memref<!tpu.dma_semaphore, #tpu.memory_space<semaphore_mem>>) {add = true}
          %dma_wait3A_220 = arith.constant 0 : i32
          %dma_wait3A_221 = tpu.memref_slice %arg10[%add3A_187, %dma_wait3A_220] : memref<32x128xi32, #tpu.memory_space<vmem>> -> memref<1x128xi32, #tpu.memory_space<vmem>>
          %dma_wait3A_222 = tpu.memref_squeeze %dma_wait3A_221 : memref<1x128xi32, #tpu.memory_space<vmem>> -> memref<128xi32, #tpu.memory_space<vmem>>
          %dma_wait3A_223 = arith.constant 0 : i32
          %dma_wait3A_224 = arith.constant 0 : i32
          %dma_wait3A_225 = tpu.memref_slice %arg8[%dma_wait3A_223, %dma_wait3A_224] : memref<10240x128xf32, #tpu.memory_space<vmem_shared>> -> memref<10240x128xf32, #tpu.memory_space<vmem_shared>>
          tpu.wait_indirect_dma semaphore(%run_scoped3A : memref<!tpu.dma_semaphore, #tpu.memory_space<semaphore_mem>>) src(%arg12 : memref<128x128xf32, #tpu.memory_space<vmem>>) dst(%dma_wait3A_225 : memref<10240x128xf32, #tpu.memory_space<vmem_shared>>)
          tpu.yield
        }) : () -> ()
        %add3A_204 = arith.constant 2 : i32
        %add3A_205 = arith.addi %add3A_187, %add3A_204 : i32
        %lt3A_206 = arith.cmpi slt, %add3A_205, %min3A_127 : i32
        %convert_element_type3A_207 = arith.extui %lt3A_206 : i1 to i32
        %cond3A_208 = arith.constant 0 : i32
        %cond3A_209 = arith.cmpi ne, %convert_element_type3A_207, %cond3A_208 : i32
        scf.if %cond3A_209 {
          %add3A_214 = arith.constant 2 : i32
          %add3A_215 = arith.addi %add3A_187, %add3A_214 : i32
          %mul3A_216 = arith.constant 128 : i32
          %mul3A_217 = arith.muli %add3A_215, %mul3A_216 : i32
          %dma_start3A_218 = tpu.memref_slice %arg9[%mul3A_217] : memref<4096xi32, #tpu.memory_space<vmem>> -> memref<128xi32, #tpu.memory_space<vmem>>
          %dma_start3A_219 = arith.constant 0 : i32
          %dma_start3A_220 = arith.constant 0 : i32
          %dma_start3A_221 = tpu.memref_slice %arg2[%dma_start3A_219, %dma_start3A_220] : memref<10240x128xf32, #tpu.memory_space<hbm>> -> memref<10240x128xf32, #tpu.memory_space<hbm>>
          tpu.enqueue_indirect_dma source(%dma_start3A_221 : memref<10240x128xf32, #tpu.memory_space<hbm>>) target(%arg12 : memref<128x128xf32, #tpu.memory_space<vmem>>) offsets(%dma_start3A_218 : memref<128xi32, #tpu.memory_space<vmem>>) semaphore(%arg15 : memref<!tpu.dma_semaphore, #tpu.memory_space<semaphore_mem>>)
        } else {
        }
        %lt3A_210 = arith.cmpi slt, %add3A_189, %min3A_127 : i32
        %convert_element_type3A_211 = arith.extui %lt3A_210 : i1 to i32
        %cond3A_212 = arith.constant 0 : i32
        %cond3A_213 = arith.cmpi ne, %convert_element_type3A_211, %cond3A_212 : i32
        scf.if %cond3A_213 {
          %dma_wait3A_214 = arith.constant 0 : i32
          %dma_wait3A_215 = tpu.memref_slice %arg9[%dma_wait3A_214] : memref<4096xi32, #tpu.memory_space<vmem>> -> memref<128xi32, #tpu.memory_space<vmem>>
          %dma_wait3A_216 = arith.constant 0 : i32
          %dma_wait3A_217 = arith.constant 0 : i32
          %dma_wait3A_218 = tpu.memref_slice %arg2[%dma_wait3A_216, %dma_wait3A_217] : memref<10240x128xf32, #tpu.memory_space<hbm>> -> memref<10240x128xf32, #tpu.memory_space<hbm>>
          tpu.wait_indirect_dma semaphore(%arg16 : memref<!tpu.dma_semaphore, #tpu.memory_space<semaphore_mem>>) src(%dma_wait3A_218 : memref<10240x128xf32, #tpu.memory_space<hbm>>) dst(%arg13 : memref<128x128xf32, #tpu.memory_space<vmem>>)
          %scan3A_219 = arith.constant 0 : i32
          %scan3A_220 = arith.constant 0 : i32
          %scan3A_221 = arith.constant 128 : i32
          %scan3A_222 = arith.addi %scan3A_220, %scan3A_221 : i32
          %scan3A_223 = arith.constant 1 : i32
          scf.for %scan3A_225 = %scan3A_220 to %scan3A_222 step %scan3A_223  : i32 {
            %mul3A_226 = arith.constant 128 : i32
            %mul3A_227 = arith.muli %add3A_189, %mul3A_226 : i32
            %add3A_228 = arith.addi %mul3A_227, %scan3A_225 : i32
            %get3A = arith.index_cast %add3A_228 : i32 to index
            %get3A_229 = tpu.vector_load %arg11[%get3A] {strides = array<i32>} : memref<4096xf32, #tpu.memory_space<vmem>>, vector<16xf32>,
            %get3A_230 = vector.shape_cast %get3A_229 : vector<16xf32> to vector<16xf32>
            %slice3A = vector.extract_strided_slice %get3A_230 {offsets = [0], sizes = [1], strides = [1]} : vector<16xf32> to vector<1xf32>
            %squeeze3A = vector.extract %slice3A[0] : f32 from vector<1xf32>
            %broadcast_in_dim3A = vector.broadcast %squeeze3A : f32 to vector<16xf32>
            %get3A_231 = arith.index_cast %scan3A_225 : i32 to index
            %get3A_232 = arith.constant 0 : index
            %get3A_233 = tpu.vector_load %arg13[%get3A_231, %get3A_232] {strides = array<i32>} : memref<128x128xf32, #tpu.memory_space<vmem>>, vector<1x16xf32>,
            %get3A_234 = vector.shape_cast %get3A_233 : vector<1x16xf32> to vector<16xf32>
            %mul3A_235 = arith.mulf %get3A_234, %broadcast_in_dim3A : vector<16xf32>
            %get3A_236 = arith.index_cast %scan3A_225 : i32 to index
            %get3A_237 = arith.constant 16 : index
            %get3A_238 = tpu.vector_load %arg13[%get3A_236, %get3A_237] {strides = array<i32>} : memref<128x128xf32, #tpu.memory_space<vmem>>, vector<1x16xf32>,
            %get3A_239 = vector.shape_cast %get3A_238 : vector<1x16xf32> to vector<16xf32>
            %mul3A_240 = arith.mulf %get3A_239, %broadcast_in_dim3A : vector<16xf32>
            %get3A_241 = arith.index_cast %scan3A_225 : i32 to index
            %get3A_242 = arith.constant 32 : index
            %get3A_243 = tpu.vector_load %arg13[%get3A_241, %get3A_242] {strides = array<i32>} : memref<128x128xf32, #tpu.memory_space<vmem>>, vector<1x16xf32>,
            %get3A_244 = vector.shape_cast %get3A_243 : vector<1x16xf32> to vector<16xf32>
            %mul3A_245 = arith.mulf %get3A_244, %broadcast_in_dim3A : vector<16xf32>
            %get3A_246 = arith.index_cast %scan3A_225 : i32 to index
            %get3A_247 = arith.constant 48 : index
            %get3A_248 = tpu.vector_load %arg13[%get3A_246, %get3A_247] {strides = array<i32>} : memref<128x128xf32, #tpu.memory_space<vmem>>, vector<1x16xf32>,
            %get3A_249 = vector.shape_cast %get3A_248 : vector<1x16xf32> to vector<16xf32>
            %mul3A_250 = arith.mulf %get3A_249, %broadcast_in_dim3A : vector<16xf32>
            %get3A_251 = arith.index_cast %scan3A_225 : i32 to index
            %get3A_252 = arith.constant 64 : index
            %get3A_253 = tpu.vector_load %arg13[%get3A_251, %get3A_252] {strides = array<i32>} : memref<128x128xf32, #tpu.memory_space<vmem>>, vector<1x16xf32>,
            %get3A_254 = vector.shape_cast %get3A_253 : vector<1x16xf32> to vector<16xf32>
            %mul3A_255 = arith.mulf %get3A_254, %broadcast_in_dim3A : vector<16xf32>
            %get3A_256 = arith.index_cast %scan3A_225 : i32 to index
            %get3A_257 = arith.constant 80 : index
            %get3A_258 = tpu.vector_load %arg13[%get3A_256, %get3A_257] {strides = array<i32>} : memref<128x128xf32, #tpu.memory_space<vmem>>, vector<1x16xf32>,
            %get3A_259 = vector.shape_cast %get3A_258 : vector<1x16xf32> to vector<16xf32>
            %mul3A_260 = arith.mulf %get3A_259, %broadcast_in_dim3A : vector<16xf32>
            %get3A_261 = arith.index_cast %scan3A_225 : i32 to index
            %get3A_262 = arith.constant 96 : index
            %get3A_263 = tpu.vector_load %arg13[%get3A_261, %get3A_262] {strides = array<i32>} : memref<128x128xf32, #tpu.memory_space<vmem>>, vector<1x16xf32>,
            %get3A_264 = vector.shape_cast %get3A_263 : vector<1x16xf32> to vector<16xf32>
            %mul3A_265 = arith.mulf %get3A_264, %broadcast_in_dim3A : vector<16xf32>
            %get3A_266 = arith.index_cast %scan3A_225 : i32 to index
            %get3A_267 = arith.constant 112 : index
            %get3A_268 = tpu.vector_load %arg13[%get3A_266, %get3A_267] {strides = array<i32>} : memref<128x128xf32, #tpu.memory_space<vmem>>, vector<1x16xf32>,
            %get3A_269 = vector.shape_cast %get3A_268 : vector<1x16xf32> to vector<16xf32>
            %mul3A_270 = arith.mulf %get3A_269, %broadcast_in_dim3A : vector<16xf32>
            %swap3A = arith.index_cast %scan3A_225 : i32 to index
            %swap3A_271 = arith.constant 0 : index
            %swap3A_272 = tpu.vector_load %arg13[%swap3A, %swap3A_271] {strides = array<i32>} : memref<128x128xf32, #tpu.memory_space<vmem>>, vector<1x16xf32>,
            %swap3A_273 = vector.shape_cast %swap3A_272 : vector<1x16xf32> to vector<16xf32>
            %swap3A_274 = vector.shape_cast %mul3A_235 : vector<16xf32> to vector<1x16xf32>
            tpu.vector_store %arg13[%swap3A, %swap3A_271], %swap3A_274 {strides = array<i32>} : memref<128x128xf32, #tpu.memory_space<vmem>>, vector<1x16xf32>,
            %swap3A_275 = arith.index_cast %scan3A_225 : i32 to index
            %swap3A_276 = arith.constant 16 : index
            %swap3A_277 = tpu.vector_load %arg13[%swap3A_275, %swap3A_276] {strides = array<i32>} : memref<128x128xf32, #tpu.memory_space<vmem>>, vector<1x16xf32>,
            %swap3A_278 = vector.shape_cast %swap3A_277 : vector<1x16xf32> to vector<16xf32>
            %swap3A_279 = vector.shape_cast %mul3A_240 : vector<16xf32> to vector<1x16xf32>
            tpu.vector_store %arg13[%swap3A_275, %swap3A_276], %swap3A_279 {strides = array<i32>} : memref<128x128xf32, #tpu.memory_space<vmem>>, vector<1x16xf32>,
            %swap3A_280 = arith.index_cast %scan3A_225 : i32 to index
            %swap3A_281 = arith.constant 32 : index
            %swap3A_282 = tpu.vector_load %arg13[%swap3A_280, %swap3A_281] {strides = array<i32>} : memref<128x128xf32, #tpu.memory_space<vmem>>, vector<1x16xf32>,
            %swap3A_283 = vector.shape_cast %swap3A_282 : vector<1x16xf32> to vector<16xf32>
            %swap3A_284 = vector.shape_cast %mul3A_245 : vector<16xf32> to vector<1x16xf32>
            tpu.vector_store %arg13[%swap3A_280, %swap3A_281], %swap3A_284 {strides = array<i32>} : memref<128x128xf32, #tpu.memory_space<vmem>>, vector<1x16xf32>,
            %swap3A_285 = arith.index_cast %scan3A_225 : i32 to index
            %swap3A_286 = arith.constant 48 : index
            %swap3A_287 = tpu.vector_load %arg13[%swap3A_285, %swap3A_286] {strides = array<i32>} : memref<128x128xf32, #tpu.memory_space<vmem>>, vector<1x16xf32>,
            %swap3A_288 = vector.shape_cast %swap3A_287 : vector<1x16xf32> to vector<16xf32>
            %swap3A_289 = vector.shape_cast %mul3A_250 : vector<16xf32> to vector<1x16xf32>
            tpu.vector_store %arg13[%swap3A_285, %swap3A_286], %swap3A_289 {strides = array<i32>} : memref<128x128xf32, #tpu.memory_space<vmem>>, vector<1x16xf32>,
            %swap3A_290 = arith.index_cast %scan3A_225 : i32 to index
            %swap3A_291 = arith.constant 64 : index
            %swap3A_292 = tpu.vector_load %arg13[%swap3A_290, %swap3A_291] {strides = array<i32>} : memref<128x128xf32, #tpu.memory_space<vmem>>, vector<1x16xf32>,
            %swap3A_293 = vector.shape_cast %swap3A_292 : vector<1x16xf32> to vector<16xf32>
            %swap3A_294 = vector.shape_cast %mul3A_255 : vector<16xf32> to vector<1x16xf32>
            tpu.vector_store %arg13[%swap3A_290, %swap3A_291], %swap3A_294 {strides = array<i32>} : memref<128x128xf32, #tpu.memory_space<vmem>>, vector<1x16xf32>,
            %swap3A_295 = arith.index_cast %scan3A_225 : i32 to index
            %swap3A_296 = arith.constant 80 : index
            %swap3A_297 = tpu.vector_load %arg13[%swap3A_295, %swap3A_296] {strides = array<i32>} : memref<128x128xf32, #tpu.memory_space<vmem>>, vector<1x16xf32>,
            %swap3A_298 = vector.shape_cast %swap3A_297 : vector<1x16xf32> to vector<16xf32>
            %swap3A_299 = vector.shape_cast %mul3A_260 : vector<16xf32> to vector<1x16xf32>
            tpu.vector_store %arg13[%swap3A_295, %swap3A_296], %swap3A_299 {strides = array<i32>} : memref<128x128xf32, #tpu.memory_space<vmem>>, vector<1x16xf32>,
            %swap3A_300 = arith.index_cast %scan3A_225 : i32 to index
            %swap3A_301 = arith.constant 96 : index
            %swap3A_302 = tpu.vector_load %arg13[%swap3A_300, %swap3A_301] {strides = array<i32>} : memref<128x128xf32, #tpu.memory_space<vmem>>, vector<1x16xf32>,
            %swap3A_303 = vector.shape_cast %swap3A_302 : vector<1x16xf32> to vector<16xf32>
            %swap3A_304 = vector.shape_cast %mul3A_265 : vector<16xf32> to vector<1x16xf32>
            tpu.vector_store %arg13[%swap3A_300, %swap3A_301], %swap3A_304 {strides = array<i32>} : memref<128x128xf32, #tpu.memory_space<vmem>>, vector<1x16xf32>,
            %swap3A_305 = arith.index_cast %scan3A_225 : i32 to index
            %swap3A_306 = arith.constant 112 : index
            %swap3A_307 = tpu.vector_load %arg13[%swap3A_305, %swap3A_306] {strides = array<i32>} : memref<128x128xf32, #tpu.memory_space<vmem>>, vector<1x16xf32>,
            %swap3A_308 = vector.shape_cast %swap3A_307 : vector<1x16xf32> to vector<16xf32>
            %swap3A_309 = vector.shape_cast %mul3A_270 : vector<16xf32> to vector<1x16xf32>
            tpu.vector_store %arg13[%swap3A_305, %swap3A_306], %swap3A_309 {strides = array<i32>} : memref<128x128xf32, #tpu.memory_space<vmem>>, vector<1x16xf32>,
          }
          %scan3A_224 = arith.constant 128 : i32
          "tpu.region"() ({
            %run_scoped3A = tpu.sem_alloc : memref<!tpu.dma_semaphore, #tpu.memory_space<semaphore_mem>>
            %dma_start3A_225 = arith.constant 0 : i32
            %dma_start3A_226 = tpu.memref_slice %arg10[%add3A_189, %dma_start3A_225] : memref<32x128xi32, #tpu.memory_space<vmem>> -> memref<1x128xi32, #tpu.memory_space<vmem>>
            %dma_start3A_227 = tpu.memref_squeeze %dma_start3A_226 : memref<1x128xi32, #tpu.memory_space<vmem>> -> memref<128xi32, #tpu.memory_space<vmem>>
            %dma_start3A_228 = arith.constant 0 : i32
            %dma_start3A_229 = arith.constant 0 : i32
            %dma_start3A_230 = tpu.memref_slice %arg8[%dma_start3A_228, %dma_start3A_229] : memref<10240x128xf32, #tpu.memory_space<vmem_shared>> -> memref<10240x128xf32, #tpu.memory_space<vmem_shared>>
            tpu.enqueue_indirect_dma source(%arg13 : memref<128x128xf32, #tpu.memory_space<vmem>>) target(%dma_start3A_230 : memref<10240x128xf32, #tpu.memory_space<vmem_shared>>) offsets(%dma_start3A_227 : memref<128xi32, #tpu.memory_space<vmem>>) semaphore(%run_scoped3A : memref<!tpu.dma_semaphore, #tpu.memory_space<semaphore_mem>>) {add = true}
            %dma_wait3A_231 = arith.constant 0 : i32
            %dma_wait3A_232 = tpu.memref_slice %arg10[%add3A_189, %dma_wait3A_231] : memref<32x128xi32, #tpu.memory_space<vmem>> -> memref<1x128xi32, #tpu.memory_space<vmem>>
            %dma_wait3A_233 = tpu.memref_squeeze %dma_wait3A_232 : memref<1x128xi32, #tpu.memory_space<vmem>> -> memref<128xi32, #tpu.memory_space<vmem>>
            %dma_wait3A_234 = arith.constant 0 : i32
            %dma_wait3A_235 = arith.constant 0 : i32
            %dma_wait3A_236 = tpu.memref_slice %arg8[%dma_wait3A_234, %dma_wait3A_235] : memref<10240x128xf32, #tpu.memory_space<vmem_shared>> -> memref<10240x128xf32, #tpu.memory_space<vmem_shared>>
            tpu.wait_indirect_dma semaphore(%run_scoped3A : memref<!tpu.dma_semaphore, #tpu.memory_space<semaphore_mem>>) src(%arg13 : memref<128x128xf32, #tpu.memory_space<vmem>>) dst(%dma_wait3A_236 : memref<10240x128xf32, #tpu.memory_space<vmem_shared>>)
            tpu.yield
          }) : () -> ()
        } else {
        }
      }
      %while3A_183 = arith.constant 1 : i32
      scf.for %while3A_184 = %while3A_181 to %while3A_177 step %while3A_183  : i32 {
        %mul3A_185 = arith.constant 2 : i32
        %mul3A_186 = arith.muli %mul3A_185, %while3A_184 : i32
        %add3A_187 = arith.addi %max3A_125, %mul3A_186 : i32
        %add3A_188 = arith.constant 1 : i32
        %add3A_189 = arith.addi %add3A_187, %add3A_188 : i32
        %lt3A_190 = arith.cmpi slt, %add3A_189, %min3A_127 : i32
        %convert_element_type3A_191 = arith.extui %lt3A_190 : i1 to i32
        %cond3A_192 = arith.constant 0 : i32
        %cond3A_193 = arith.cmpi ne, %convert_element_type3A_191, %cond3A_192 : i32
        scf.if %cond3A_193 {
          %mul3A_214 = arith.constant 128 : i32
          %mul3A_215 = arith.muli %add3A_189, %mul3A_214 : i32
          %dma_start3A_216 = tpu.memref_slice %arg9[%mul3A_215] : memref<4096xi32, #tpu.memory_space<vmem>> -> memref<128xi32, #tpu.memory_space<vmem>>
          %dma_start3A_217 = arith.constant 0 : i32
          %dma_start3A_218 = arith.constant 0 : i32
          %dma_start3A_219 = tpu.memref_slice %arg2[%dma_start3A_217, %dma_start3A_218] : memref<10240x128xf32, #tpu.memory_space<hbm>> -> memref<10240x128xf32, #tpu.memory_space<hbm>>
          tpu.enqueue_indirect_dma source(%dma_start3A_219 : memref<10240x128xf32, #tpu.memory_space<hbm>>) target(%arg13 : memref<128x128xf32, #tpu.memory_space<vmem>>) offsets(%dma_start3A_216 : memref<128xi32, #tpu.memory_space<vmem>>) semaphore(%arg16 : memref<!tpu.dma_semaphore, #tpu.memory_space<semaphore_mem>>)
        } else {
        }
        %dma_wait3A_194 = arith.constant 0 : i32
        %dma_wait3A_195 = tpu.memref_slice %arg9[%dma_wait3A_194] : memref<4096xi32, #tpu.memory_space<vmem>> -> memref<128xi32, #tpu.memory_space<vmem>>
        %dma_wait3A_196 = arith.constant 0 : i32
        %dma_wait3A_197 = arith.constant 0 : i32
        %dma_wait3A_198 = tpu.memref_slice %arg2[%dma_wait3A_196, %dma_wait3A_197] : memref<10240x128xf32, #tpu.memory_space<hbm>> -> memref<10240x128xf32, #tpu.memory_space<hbm>>
        tpu.wait_indirect_dma semaphore(%arg15 : memref<!tpu.dma_semaphore, #tpu.memory_space<semaphore_mem>>) src(%dma_wait3A_198 : memref<10240x128xf32, #tpu.memory_space<hbm>>) dst(%arg12 : memref<128x128xf32, #tpu.memory_space<vmem>>)
        %scan3A = arith.constant 0 : i32
        %scan3A_199 = arith.constant 0 : i32
        %scan3A_200 = arith.constant 128 : i32
        %scan3A_201 = arith.addi %scan3A_199, %scan3A_200 : i32
        %scan3A_202 = arith.constant 1 : i32
        scf.for %scan3A_214 = %scan3A_199 to %scan3A_201 step %scan3A_202  : i32 {
          %mul3A_215 = arith.constant 128 : i32
          %mul3A_216 = arith.muli %add3A_187, %mul3A_215 : i32
          %add3A_217 = arith.addi %mul3A_216, %scan3A_214 : i32
          %get3A = arith.index_cast %add3A_217 : i32 to index
          %get3A_218 = tpu.vector_load %arg11[%get3A] {strides = array<i32>} : memref<4096xf32, #tpu.memory_space<vmem>>, vector<16xf32>,
          %get3A_219 = vector.shape_cast %get3A_218 : vector<16xf32> to vector<16xf32>
          %slice3A = vector.extract_strided_slice %get3A_219 {offsets = [0], sizes = [1], strides = [1]} : vector<16xf32> to vector<1xf32>
          %squeeze3A = vector.extract %slice3A[0] : f32 from vector<1xf32>
          %broadcast_in_dim3A = vector.broadcast %squeeze3A : f32 to vector<16xf32>
          %get3A_220 = arith.index_cast %scan3A_214 : i32 to index
          %get3A_221 = arith.constant 0 : index
          %get3A_222 = tpu.vector_load %arg12[%get3A_220, %get3A_221] {strides = array<i32>} : memref<128x128xf32, #tpu.memory_space<vmem>>, vector<1x16xf32>,
          %get3A_223 = vector.shape_cast %get3A_222 : vector<1x16xf32> to vector<16xf32>
          %mul3A_224 = arith.mulf %get3A_223, %broadcast_in_dim3A : vector<16xf32>
          %get3A_225 = arith.index_cast %scan3A_214 : i32 to index
          %get3A_226 = arith.constant 16 : index
          %get3A_227 = tpu.vector_load %arg12[%get3A_225, %get3A_226] {strides = array<i32>} : memref<128x128xf32, #tpu.memory_space<vmem>>, vector<1x16xf32>,
          %get3A_228 = vector.shape_cast %get3A_227 : vector<1x16xf32> to vector<16xf32>
          %mul3A_229 = arith.mulf %get3A_228, %broadcast_in_dim3A : vector<16xf32>
          %get3A_230 = arith.index_cast %scan3A_214 : i32 to index
          %get3A_231 = arith.constant 32 : index
          %get3A_232 = tpu.vector_load %arg12[%get3A_230, %get3A_231] {strides = array<i32>} : memref<128x128xf32, #tpu.memory_space<vmem>>, vector<1x16xf32>,
          %get3A_233 = vector.shape_cast %get3A_232 : vector<1x16xf32> to vector<16xf32>
          %mul3A_234 = arith.mulf %get3A_233, %broadcast_in_dim3A : vector<16xf32>
          %get3A_235 = arith.index_cast %scan3A_214 : i32 to index
          %get3A_236 = arith.constant 48 : index
          %get3A_237 = tpu.vector_load %arg12[%get3A_235, %get3A_236] {strides = array<i32>} : memref<128x128xf32, #tpu.memory_space<vmem>>, vector<1x16xf32>,
          %get3A_238 = vector.shape_cast %get3A_237 : vector<1x16xf32> to vector<16xf32>
          %mul3A_239 = arith.mulf %get3A_238, %broadcast_in_dim3A : vector<16xf32>
          %get3A_240 = arith.index_cast %scan3A_214 : i32 to index
          %get3A_241 = arith.constant 64 : index
          %get3A_242 = tpu.vector_load %arg12[%get3A_240, %get3A_241] {strides = array<i32>} : memref<128x128xf32, #tpu.memory_space<vmem>>, vector<1x16xf32>,
          %get3A_243 = vector.shape_cast %get3A_242 : vector<1x16xf32> to vector<16xf32>
          %mul3A_244 = arith.mulf %get3A_243, %broadcast_in_dim3A : vector<16xf32>
          %get3A_245 = arith.index_cast %scan3A_214 : i32 to index
          %get3A_246 = arith.constant 80 : index
          %get3A_247 = tpu.vector_load %arg12[%get3A_245, %get3A_246] {strides = array<i32>} : memref<128x128xf32, #tpu.memory_space<vmem>>, vector<1x16xf32>,
          %get3A_248 = vector.shape_cast %get3A_247 : vector<1x16xf32> to vector<16xf32>
          %mul3A_249 = arith.mulf %get3A_248, %broadcast_in_dim3A : vector<16xf32>
          %get3A_250 = arith.index_cast %scan3A_214 : i32 to index
          %get3A_251 = arith.constant 96 : index
          %get3A_252 = tpu.vector_load %arg12[%get3A_250, %get3A_251] {strides = array<i32>} : memref<128x128xf32, #tpu.memory_space<vmem>>, vector<1x16xf32>,
          %get3A_253 = vector.shape_cast %get3A_252 : vector<1x16xf32> to vector<16xf32>
          %mul3A_254 = arith.mulf %get3A_253, %broadcast_in_dim3A : vector<16xf32>
          %get3A_255 = arith.index_cast %scan3A_214 : i32 to index
          %get3A_256 = arith.constant 112 : index
          %get3A_257 = tpu.vector_load %arg12[%get3A_255, %get3A_256] {strides = array<i32>} : memref<128x128xf32, #tpu.memory_space<vmem>>, vector<1x16xf32>,
          %get3A_258 = vector.shape_cast %get3A_257 : vector<1x16xf32> to vector<16xf32>
          %mul3A_259 = arith.mulf %get3A_258, %broadcast_in_dim3A : vector<16xf32>
          %swap3A = arith.index_cast %scan3A_214 : i32 to index
          %swap3A_260 = arith.constant 0 : index
          %swap3A_261 = tpu.vector_load %arg12[%swap3A, %swap3A_260] {strides = array<i32>} : memref<128x128xf32, #tpu.memory_space<vmem>>, vector<1x16xf32>,
          %swap3A_262 = vector.shape_cast %swap3A_261 : vector<1x16xf32> to vector<16xf32>
          %swap3A_263 = vector.shape_cast %mul3A_224 : vector<16xf32> to vector<1x16xf32>
          tpu.vector_store %arg12[%swap3A, %swap3A_260], %swap3A_263 {strides = array<i32>} : memref<128x128xf32, #tpu.memory_space<vmem>>, vector<1x16xf32>,
          %swap3A_264 = arith.index_cast %scan3A_214 : i32 to index
          %swap3A_265 = arith.constant 16 : index
          %swap3A_266 = tpu.vector_load %arg12[%swap3A_264, %swap3A_265] {strides = array<i32>} : memref<128x128xf32, #tpu.memory_space<vmem>>, vector<1x16xf32>,
          %swap3A_267 = vector.shape_cast %swap3A_266 : vector<1x16xf32> to vector<16xf32>
          %swap3A_268 = vector.shape_cast %mul3A_229 : vector<16xf32> to vector<1x16xf32>
          tpu.vector_store %arg12[%swap3A_264, %swap3A_265], %swap3A_268 {strides = array<i32>} : memref<128x128xf32, #tpu.memory_space<vmem>>, vector<1x16xf32>,
          %swap3A_269 = arith.index_cast %scan3A_214 : i32 to index
          %swap3A_270 = arith.constant 32 : index
          %swap3A_271 = tpu.vector_load %arg12[%swap3A_269, %swap3A_270] {strides = array<i32>} : memref<128x128xf32, #tpu.memory_space<vmem>>, vector<1x16xf32>,
          %swap3A_272 = vector.shape_cast %swap3A_271 : vector<1x16xf32> to vector<16xf32>
          %swap3A_273 = vector.shape_cast %mul3A_234 : vector<16xf32> to vector<1x16xf32>
          tpu.vector_store %arg12[%swap3A_269, %swap3A_270], %swap3A_273 {strides = array<i32>} : memref<128x128xf32, #tpu.memory_space<vmem>>, vector<1x16xf32>,
          %swap3A_274 = arith.index_cast %scan3A_214 : i32 to index
          %swap3A_275 = arith.constant 48 : index
          %swap3A_276 = tpu.vector_load %arg12[%swap3A_274, %swap3A_275] {strides = array<i32>} : memref<128x128xf32, #tpu.memory_space<vmem>>, vector<1x16xf32>,
          %swap3A_277 = vector.shape_cast %swap3A_276 : vector<1x16xf32> to vector<16xf32>
          %swap3A_278 = vector.shape_cast %mul3A_239 : vector<16xf32> to vector<1x16xf32>
          tpu.vector_store %arg12[%swap3A_274, %swap3A_275], %swap3A_278 {strides = array<i32>} : memref<128x128xf32, #tpu.memory_space<vmem>>, vector<1x16xf32>,
          %swap3A_279 = arith.index_cast %scan3A_214 : i32 to index
          %swap3A_280 = arith.constant 64 : index
          %swap3A_281 = tpu.vector_load %arg12[%swap3A_279, %swap3A_280] {strides = array<i32>} : memref<128x128xf32, #tpu.memory_space<vmem>>, vector<1x16xf32>,
          %swap3A_282 = vector.shape_cast %swap3A_281 : vector<1x16xf32> to vector<16xf32>
          %swap3A_283 = vector.shape_cast %mul3A_244 : vector<16xf32> to vector<1x16xf32>
          tpu.vector_store %arg12[%swap3A_279, %swap3A_280], %swap3A_283 {strides = array<i32>} : memref<128x128xf32, #tpu.memory_space<vmem>>, vector<1x16xf32>,
          %swap3A_284 = arith.index_cast %scan3A_214 : i32 to index
          %swap3A_285 = arith.constant 80 : index
          %swap3A_286 = tpu.vector_load %arg12[%swap3A_284, %swap3A_285] {strides = array<i32>} : memref<128x128xf32, #tpu.memory_space<vmem>>, vector<1x16xf32>,
          %swap3A_287 = vector.shape_cast %swap3A_286 : vector<1x16xf32> to vector<16xf32>
          %swap3A_288 = vector.shape_cast %mul3A_249 : vector<16xf32> to vector<1x16xf32>
          tpu.vector_store %arg12[%swap3A_284, %swap3A_285], %swap3A_288 {strides = array<i32>} : memref<128x128xf32, #tpu.memory_space<vmem>>, vector<1x16xf32>,
          %swap3A_289 = arith.index_cast %scan3A_214 : i32 to index
          %swap3A_290 = arith.constant 96 : index
          %swap3A_291 = tpu.vector_load %arg12[%swap3A_289, %swap3A_290] {strides = array<i32>} : memref<128x128xf32, #tpu.memory_space<vmem>>, vector<1x16xf32>,
          %swap3A_292 = vector.shape_cast %swap3A_291 : vector<1x16xf32> to vector<16xf32>
          %swap3A_293 = vector.shape_cast %mul3A_254 : vector<16xf32> to vector<1x16xf32>
          tpu.vector_store %arg12[%swap3A_289, %swap3A_290], %swap3A_293 {strides = array<i32>} : memref<128x128xf32, #tpu.memory_space<vmem>>, vector<1x16xf32>,
          %swap3A_294 = arith.index_cast %scan3A_214 : i32 to index
          %swap3A_295 = arith.constant 112 : index
          %swap3A_296 = tpu.vector_load %arg12[%swap3A_294, %swap3A_295] {strides = array<i32>} : memref<128x128xf32, #tpu.memory_space<vmem>>, vector<1x16xf32>,
          %swap3A_297 = vector.shape_cast %swap3A_296 : vector<1x16xf32> to vector<16xf32>
          %swap3A_298 = vector.shape_cast %mul3A_259 : vector<16xf32> to vector<1x16xf32>
          tpu.vector_store %arg12[%swap3A_294, %swap3A_295], %swap3A_298 {strides = array<i32>} : memref<128x128xf32, #tpu.memory_space<vmem>>, vector<1x16xf32>,
        }
        %scan3A_203 = arith.constant 128 : i32
        "tpu.region"() ({
          %run_scoped3A = tpu.sem_alloc : memref<!tpu.dma_semaphore, #tpu.memory_space<semaphore_mem>>
          %dma_start3A_214 = arith.constant 0 : i32
          %dma_start3A_215 = tpu.memref_slice %arg10[%add3A_187, %dma_start3A_214] : memref<32x128xi32, #tpu.memory_space<vmem>> -> memref<1x128xi32, #tpu.memory_space<vmem>>
          %dma_start3A_216 = tpu.memref_squeeze %dma_start3A_215 : memref<1x128xi32, #tpu.memory_space<vmem>> -> memref<128xi32, #tpu.memory_space<vmem>>
          %dma_start3A_217 = arith.constant 0 : i32
          %dma_start3A_218 = arith.constant 0 : i32
          %dma_start3A_219 = tpu.memref_slice %arg8[%dma_start3A_217, %dma_start3A_218] : memref<10240x128xf32, #tpu.memory_space<vmem_shared>> -> memref<10240x128xf32, #tpu.memory_space<vmem_shared>>
          tpu.enqueue_indirect_dma source(%arg12 : memref<128x128xf32, #tpu.memory_space<vmem>>) target(%dma_start3A_219 : memref<10240x128xf32, #tpu.memory_space<vmem_shared>>) offsets(%dma_start3A_216 : memref<128xi32, #tpu.memory_space<vmem>>) semaphore(%run_scoped3A : memref<!tpu.dma_semaphore, #tpu.memory_space<semaphore_mem>>) {add = true}
          %dma_wait3A_220 = arith.constant 0 : i32
          %dma_wait3A_221 = tpu.memref_slice %arg10[%add3A_187, %dma_wait3A_220] : memref<32x128xi32, #tpu.memory_space<vmem>> -> memref<1x128xi32, #tpu.memory_space<vmem>>
          %dma_wait3A_222 = tpu.memref_squeeze %dma_wait3A_221 : memref<1x128xi32, #tpu.memory_space<vmem>> -> memref<128xi32, #tpu.memory_space<vmem>>
          %dma_wait3A_223 = arith.constant 0 : i32
          %dma_wait3A_224 = arith.constant 0 : i32
          %dma_wait3A_225 = tpu.memref_slice %arg8[%dma_wait3A_223, %dma_wait3A_224] : memref<10240x128xf32, #tpu.memory_space<vmem_shared>> -> memref<10240x128xf32, #tpu.memory_space<vmem_shared>>
          tpu.wait_indirect_dma semaphore(%run_scoped3A : memref<!tpu.dma_semaphore, #tpu.memory_space<semaphore_mem>>) src(%arg12 : memref<128x128xf32, #tpu.memory_space<vmem>>) dst(%dma_wait3A_225 : memref<10240x128xf32, #tpu.memory_space<vmem_shared>>)
          tpu.yield
        }) : () -> ()
        %add3A_204 = arith.constant 2 : i32
        %add3A_205 = arith.addi %add3A_187, %add3A_204 : i32
        %lt3A_206 = arith.cmpi slt, %add3A_205, %min3A_127 : i32
        %convert_element_type3A_207 = arith.extui %lt3A_206 : i1 to i32
        %cond3A_208 = arith.constant 0 : i32
        %cond3A_209 = arith.cmpi ne, %convert_element_type3A_207, %cond3A_208 : i32
        scf.if %cond3A_209 {
          %add3A_214 = arith.constant 2 : i32
          %add3A_215 = arith.addi %add3A_187, %add3A_214 : i32
          %mul3A_216 = arith.constant 128 : i32
          %mul3A_217 = arith.muli %add3A_215, %mul3A_216 : i32
          %dma_start3A_218 = tpu.memref_slice %arg9[%mul3A_217] : memref<4096xi32, #tpu.memory_space<vmem>> -> memref<128xi32, #tpu.memory_space<vmem>>
          %dma_start3A_219 = arith.constant 0 : i32
          %dma_start3A_220 = arith.constant 0 : i32
          %dma_start3A_221 = tpu.memref_slice %arg2[%dma_start3A_219, %dma_start3A_220] : memref<10240x128xf32, #tpu.memory_space<hbm>> -> memref<10240x128xf32, #tpu.memory_space<hbm>>
          tpu.enqueue_indirect_dma source(%dma_start3A_221 : memref<10240x128xf32, #tpu.memory_space<hbm>>) target(%arg12 : memref<128x128xf32, #tpu.memory_space<vmem>>) offsets(%dma_start3A_218 : memref<128xi32, #tpu.memory_space<vmem>>) semaphore(%arg15 : memref<!tpu.dma_semaphore, #tpu.memory_space<semaphore_mem>>)
        } else {
        }
        %lt3A_210 = arith.cmpi slt, %add3A_189, %min3A_127 : i32
        %convert_element_type3A_211 = arith.extui %lt3A_210 : i1 to i32
        %cond3A_212 = arith.constant 0 : i32
        %cond3A_213 = arith.cmpi ne, %convert_element_type3A_211, %cond3A_212 : i32
        scf.if %cond3A_213 {
          %dma_wait3A_214 = arith.constant 0 : i32
          %dma_wait3A_215 = tpu.memref_slice %arg9[%dma_wait3A_214] : memref<4096xi32, #tpu.memory_space<vmem>> -> memref<128xi32, #tpu.memory_space<vmem>>
          %dma_wait3A_216 = arith.constant 0 : i32
          %dma_wait3A_217 = arith.constant 0 : i32
          %dma_wait3A_218 = tpu.memref_slice %arg2[%dma_wait3A_216, %dma_wait3A_217] : memref<10240x128xf32, #tpu.memory_space<hbm>> -> memref<10240x128xf32, #tpu.memory_space<hbm>>
          tpu.wait_indirect_dma semaphore(%arg16 : memref<!tpu.dma_semaphore, #tpu.memory_space<semaphore_mem>>) src(%dma_wait3A_218 : memref<10240x128xf32, #tpu.memory_space<hbm>>) dst(%arg13 : memref<128x128xf32, #tpu.memory_space<vmem>>)
          %scan3A_219 = arith.constant 0 : i32
          %scan3A_220 = arith.constant 0 : i32
          %scan3A_221 = arith.constant 128 : i32
          %scan3A_222 = arith.addi %scan3A_220, %scan3A_221 : i32
          %scan3A_223 = arith.constant 1 : i32
          scf.for %scan3A_225 = %scan3A_220 to %scan3A_222 step %scan3A_223  : i32 {
            %mul3A_226 = arith.constant 128 : i32
            %mul3A_227 = arith.muli %add3A_189, %mul3A_226 : i32
            %add3A_228 = arith.addi %mul3A_227, %scan3A_225 : i32
            %get3A = arith.index_cast %add3A_228 : i32 to index
            %get3A_229 = tpu.vector_load %arg11[%get3A] {strides = array<i32>} : memref<4096xf32, #tpu.memory_space<vmem>>, vector<16xf32>,
            %get3A_230 = vector.shape_cast %get3A_229 : vector<16xf32> to vector<16xf32>
            %slice3A = vector.extract_strided_slice %get3A_230 {offsets = [0], sizes = [1], strides = [1]} : vector<16xf32> to vector<1xf32>
            %squeeze3A = vector.extract %slice3A[0] : f32 from vector<1xf32>
            %broadcast_in_dim3A = vector.broadcast %squeeze3A : f32 to vector<16xf32>
            %get3A_231 = arith.index_cast %scan3A_225 : i32 to index
            %get3A_232 = arith.constant 0 : index
            %get3A_233 = tpu.vector_load %arg13[%get3A_231, %get3A_232] {strides = array<i32>} : memref<128x128xf32, #tpu.memory_space<vmem>>, vector<1x16xf32>,
            %get3A_234 = vector.shape_cast %get3A_233 : vector<1x16xf32> to vector<16xf32>
            %mul3A_235 = arith.mulf %get3A_234, %broadcast_in_dim3A : vector<16xf32>
            %get3A_236 = arith.index_cast %scan3A_225 : i32 to index
            %get3A_237 = arith.constant 16 : index
            %get3A_238 = tpu.vector_load %arg13[%get3A_236, %get3A_237] {strides = array<i32>} : memref<128x128xf32, #tpu.memory_space<vmem>>, vector<1x16xf32>,
            %get3A_239 = vector.shape_cast %get3A_238 : vector<1x16xf32> to vector<16xf32>
            %mul3A_240 = arith.mulf %get3A_239, %broadcast_in_dim3A : vector<16xf32>
            %get3A_241 = arith.index_cast %scan3A_225 : i32 to index
            %get3A_242 = arith.constant 32 : index
            %get3A_243 = tpu.vector_load %arg13[%get3A_241, %get3A_242] {strides = array<i32>} : memref<128x128xf32, #tpu.memory_space<vmem>>, vector<1x16xf32>,
            %get3A_244 = vector.shape_cast %get3A_243 : vector<1x16xf32> to vector<16xf32>
            %mul3A_245 = arith.mulf %get3A_244, %broadcast_in_dim3A : vector<16xf32>
            %get3A_246 = arith.index_cast %scan3A_225 : i32 to index
            %get3A_247 = arith.constant 48 : index
            %get3A_248 = tpu.vector_load %arg13[%get3A_246, %get3A_247] {strides = array<i32>} : memref<128x128xf32, #tpu.memory_space<vmem>>, vector<1x16xf32>,
            %get3A_249 = vector.shape_cast %get3A_248 : vector<1x16xf32> to vector<16xf32>
            %mul3A_250 = arith.mulf %get3A_249, %broadcast_in_dim3A : vector<16xf32>
            %get3A_251 = arith.index_cast %scan3A_225 : i32 to index
            %get3A_252 = arith.constant 64 : index
            %get3A_253 = tpu.vector_load %arg13[%get3A_251, %get3A_252] {strides = array<i32>} : memref<128x128xf32, #tpu.memory_space<vmem>>, vector<1x16xf32>,
            %get3A_254 = vector.shape_cast %get3A_253 : vector<1x16xf32> to vector<16xf32>
            %mul3A_255 = arith.mulf %get3A_254, %broadcast_in_dim3A : vector<16xf32>
            %get3A_256 = arith.index_cast %scan3A_225 : i32 to index
            %get3A_257 = arith.constant 80 : index
            %get3A_258 = tpu.vector_load %arg13[%get3A_256, %get3A_257] {strides = array<i32>} : memref<128x128xf32, #tpu.memory_space<vmem>>, vector<1x16xf32>,
            %get3A_259 = vector.shape_cast %get3A_258 : vector<1x16xf32> to vector<16xf32>
            %mul3A_260 = arith.mulf %get3A_259, %broadcast_in_dim3A : vector<16xf32>
            %get3A_261 = arith.index_cast %scan3A_225 : i32 to index
            %get3A_262 = arith.constant 96 : index
            %get3A_263 = tpu.vector_load %arg13[%get3A_261, %get3A_262] {strides = array<i32>} : memref<128x128xf32, #tpu.memory_space<vmem>>, vector<1x16xf32>,
            %get3A_264 = vector.shape_cast %get3A_263 : vector<1x16xf32> to vector<16xf32>
            %mul3A_265 = arith.mulf %get3A_264, %broadcast_in_dim3A : vector<16xf32>
            %get3A_266 = arith.index_cast %scan3A_225 : i32 to index
            %get3A_267 = arith.constant 112 : index
            %get3A_268 = tpu.vector_load %arg13[%get3A_266, %get3A_267] {strides = array<i32>} : memref<128x128xf32, #tpu.memory_space<vmem>>, vector<1x16xf32>,
            %get3A_269 = vector.shape_cast %get3A_268 : vector<1x16xf32> to vector<16xf32>
            %mul3A_270 = arith.mulf %get3A_269, %broadcast_in_dim3A : vector<16xf32>
            %swap3A = arith.index_cast %scan3A_225 : i32 to index
            %swap3A_271 = arith.constant 0 : index
            %swap3A_272 = tpu.vector_load %arg13[%swap3A, %swap3A_271] {strides = array<i32>} : memref<128x128xf32, #tpu.memory_space<vmem>>, vector<1x16xf32>,
            %swap3A_273 = vector.shape_cast %swap3A_272 : vector<1x16xf32> to vector<16xf32>
            %swap3A_274 = vector.shape_cast %mul3A_235 : vector<16xf32> to vector<1x16xf32>
            tpu.vector_store %arg13[%swap3A, %swap3A_271], %swap3A_274 {strides = array<i32>} : memref<128x128xf32, #tpu.memory_space<vmem>>, vector<1x16xf32>,
            %swap3A_275 = arith.index_cast %scan3A_225 : i32 to index
            %swap3A_276 = arith.constant 16 : index
            %swap3A_277 = tpu.vector_load %arg13[%swap3A_275, %swap3A_276] {strides = array<i32>} : memref<128x128xf32, #tpu.memory_space<vmem>>, vector<1x16xf32>,
            %swap3A_278 = vector.shape_cast %swap3A_277 : vector<1x16xf32> to vector<16xf32>
            %swap3A_279 = vector.shape_cast %mul3A_240 : vector<16xf32> to vector<1x16xf32>
            tpu.vector_store %arg13[%swap3A_275, %swap3A_276], %swap3A_279 {strides = array<i32>} : memref<128x128xf32, #tpu.memory_space<vmem>>, vector<1x16xf32>,
            %swap3A_280 = arith.index_cast %scan3A_225 : i32 to index
            %swap3A_281 = arith.constant 32 : index
            %swap3A_282 = tpu.vector_load %arg13[%swap3A_280, %swap3A_281] {strides = array<i32>} : memref<128x128xf32, #tpu.memory_space<vmem>>, vector<1x16xf32>,
            %swap3A_283 = vector.shape_cast %swap3A_282 : vector<1x16xf32> to vector<16xf32>
            %swap3A_284 = vector.shape_cast %mul3A_245 : vector<16xf32> to vector<1x16xf32>
            tpu.vector_store %arg13[%swap3A_280, %swap3A_281], %swap3A_284 {strides = array<i32>} : memref<128x128xf32, #tpu.memory_space<vmem>>, vector<1x16xf32>,
            %swap3A_285 = arith.index_cast %scan3A_225 : i32 to index
            %swap3A_286 = arith.constant 48 : index
            %swap3A_287 = tpu.vector_load %arg13[%swap3A_285, %swap3A_286] {strides = array<i32>} : memref<128x128xf32, #tpu.memory_space<vmem>>, vector<1x16xf32>,
            %swap3A_288 = vector.shape_cast %swap3A_287 : vector<1x16xf32> to vector<16xf32>
            %swap3A_289 = vector.shape_cast %mul3A_250 : vector<16xf32> to vector<1x16xf32>
            tpu.vector_store %arg13[%swap3A_285, %swap3A_286], %swap3A_289 {strides = array<i32>} : memref<128x128xf32, #tpu.memory_space<vmem>>, vector<1x16xf32>,
            %swap3A_290 = arith.index_cast %scan3A_225 : i32 to index
            %swap3A_291 = arith.constant 64 : index
            %swap3A_292 = tpu.vector_load %arg13[%swap3A_290, %swap3A_291] {strides = array<i32>} : memref<128x128xf32, #tpu.memory_space<vmem>>, vector<1x16xf32>,
            %swap3A_293 = vector.shape_cast %swap3A_292 : vector<1x16xf32> to vector<16xf32>
            %swap3A_294 = vector.shape_cast %mul3A_255 : vector<16xf32> to vector<1x16xf32>
            tpu.vector_store %arg13[%swap3A_290, %swap3A_291], %swap3A_294 {strides = array<i32>} : memref<128x128xf32, #tpu.memory_space<vmem>>, vector<1x16xf32>,
            %swap3A_295 = arith.index_cast %scan3A_225 : i32 to index
            %swap3A_296 = arith.constant 80 : index
            %swap3A_297 = tpu.vector_load %arg13[%swap3A_295, %swap3A_296] {strides = array<i32>} : memref<128x128xf32, #tpu.memory_space<vmem>>, vector<1x16xf32>,
            %swap3A_298 = vector.shape_cast %swap3A_297 : vector<1x16xf32> to vector<16xf32>
            %swap3A_299 = vector.shape_cast %mul3A_260 : vector<16xf32> to vector<1x16xf32>
            tpu.vector_store %arg13[%swap3A_295, %swap3A_296], %swap3A_299 {strides = array<i32>} : memref<128x128xf32, #tpu.memory_space<vmem>>, vector<1x16xf32>,
            %swap3A_300 = arith.index_cast %scan3A_225 : i32 to index
            %swap3A_301 = arith.constant 96 : index
            %swap3A_302 = tpu.vector_load %arg13[%swap3A_300, %swap3A_301] {strides = array<i32>} : memref<128x128xf32, #tpu.memory_space<vmem>>, vector<1x16xf32>,
            %swap3A_303 = vector.shape_cast %swap3A_302 : vector<1x16xf32> to vector<16xf32>
            %swap3A_304 = vector.shape_cast %mul3A_265 : vector<16xf32> to vector<1x16xf32>
            tpu.vector_store %arg13[%swap3A_300, %swap3A_301], %swap3A_304 {strides = array<i32>} : memref<128x128xf32, #tpu.memory_space<vmem>>, vector<1x16xf32>,
            %swap3A_305 = arith.index_cast %scan3A_225 : i32 to index
            %swap3A_306 = arith.constant 112 : index
            %swap3A_307 = tpu.vector_load %arg13[%swap3A_305, %swap3A_306] {strides = array<i32>} : memref<128x128xf32, #tpu.memory_space<vmem>>, vector<1x16xf32>,
            %swap3A_308 = vector.shape_cast %swap3A_307 : vector<1x16xf32> to vector<16xf32>
            %swap3A_309 = vector.shape_cast %mul3A_270 : vector<16xf32> to vector<1x16xf32>
            tpu.vector_store %arg13[%swap3A_305, %swap3A_306], %swap3A_309 {strides = array<i32>} : memref<128x128xf32, #tpu.memory_space<vmem>>, vector<1x16xf32>,
          }
          %scan3A_224 = arith.constant 128 : i32
          "tpu.region"() ({
            %run_scoped3A = tpu.sem_alloc : memref<!tpu.dma_semaphore, #tpu.memory_space<semaphore_mem>>
            %dma_start3A_225 = arith.constant 0 : i32
            %dma_start3A_226 = tpu.memref_slice %arg10[%add3A_189, %dma_start3A_225] : memref<32x128xi32, #tpu.memory_space<vmem>> -> memref<1x128xi32, #tpu.memory_space<vmem>>
            %dma_start3A_227 = tpu.memref_squeeze %dma_start3A_226 : memref<1x128xi32, #tpu.memory_space<vmem>> -> memref<128xi32, #tpu.memory_space<vmem>>
            %dma_start3A_228 = arith.constant 0 : i32
            %dma_start3A_229 = arith.constant 0 : i32
            %dma_start3A_230 = tpu.memref_slice %arg8[%dma_start3A_228, %dma_start3A_229] : memref<10240x128xf32, #tpu.memory_space<vmem_shared>> -> memref<10240x128xf32, #tpu.memory_space<vmem_shared>>
            tpu.enqueue_indirect_dma source(%arg13 : memref<128x128xf32, #tpu.memory_space<vmem>>) target(%dma_start3A_230 : memref<10240x128xf32, #tpu.memory_space<vmem_shared>>) offsets(%dma_start3A_227 : memref<128xi32, #tpu.memory_space<vmem>>) semaphore(%run_scoped3A : memref<!tpu.dma_semaphore, #tpu.memory_space<semaphore_mem>>) {add = true}
            %dma_wait3A_231 = arith.constant 0 : i32
            %dma_wait3A_232 = tpu.memref_slice %arg10[%add3A_189, %dma_wait3A_231] : memref<32x128xi32, #tpu.memory_space<vmem>> -> memref<1x128xi32, #tpu.memory_space<vmem>>
            %dma_wait3A_233 = tpu.memref_squeeze %dma_wait3A_232 : memref<1x128xi32, #tpu.memory_space<vmem>> -> memref<128xi32, #tpu.memory_space<vmem>>
            %dma_wait3A_234 = arith.constant 0 : i32
            %dma_wait3A_235 = arith.constant 0 : i32
            %dma_wait3A_236 = tpu.memref_slice %arg8[%dma_wait3A_234, %dma_wait3A_235] : memref<10240x128xf32, #tpu.memory_space<vmem_shared>> -> memref<10240x128xf32, #tpu.memory_space<vmem_shared>>
            tpu.wait_indirect_dma semaphore(%run_scoped3A : memref<!tpu.dma_semaphore, #tpu.memory_space<semaphore_mem>>) src(%arg13 : memref<128x128xf32, #tpu.memory_space<vmem>>) dst(%dma_wait3A_236 : memref<10240x128xf32, #tpu.memory_space<vmem_shared>>)
            tpu.yield
          }) : () -> ()
        } else {
        }
      }
    }
    %barrier3A_115 = arith.constant 0 : index
    tpu.barrier barrier_id(%barrier3A_115)
    %mul3A_116 = arith.constant 640 : i32
    %mul3A_117 = arith.muli %arg1, %mul3A_116 : i32
    %mul3A_118 = arith.constant 640 : i32
    %mul3A_119 = arith.muli %arg1, %mul3A_118 : i32
    "tpu.region"() ({
      %run_scoped3A = tpu.sem_alloc : memref<!tpu.dma_semaphore, #tpu.memory_space<semaphore_mem>>
      %dma_start3A = arith.constant 0 : i32
      %dma_start3A_120 = tpu.memref_slice %arg7[%arg0, %mul3A_119, %dma_start3A] : memref<2x10240x128xf32, #tpu.memory_space<hbm>> -> memref<1x640x128xf32, #tpu.memory_space<hbm>>
      %dma_start3A_121 = tpu.memref_squeeze %dma_start3A_120 : memref<1x640x128xf32, #tpu.memory_space<hbm>> -> memref<640x128xf32, #tpu.memory_space<hbm>>
      %dma_start3A_122 = arith.constant 0 : i32
      %dma_start3A_123 = tpu.memref_slice %arg8[%mul3A_117, %dma_start3A_122] : memref<10240x128xf32, #tpu.memory_space<vmem_shared>> -> memref<640x128xf32, #tpu.memory_space<vmem_shared>>
      tpu.enqueue_dma source(%dma_start3A_123 : memref<640x128xf32, #tpu.memory_space<vmem_shared>>) target(%dma_start3A_121 : memref<640x128xf32, #tpu.memory_space<hbm>>) target_semaphore(%run_scoped3A : memref<!tpu.dma_semaphore, #tpu.memory_space<semaphore_mem>>)
      %dma_wait3A = arith.constant 0 : i32
      %dma_wait3A_124 = tpu.memref_slice %arg7[%arg0, %mul3A_119, %dma_wait3A] : memref<2x10240x128xf32, #tpu.memory_space<hbm>> -> memref<1x640x128xf32, #tpu.memory_space<hbm>>
      %dma_wait3A_125 = tpu.memref_squeeze %dma_wait3A_124 : memref<1x640x128xf32, #tpu.memory_space<hbm>> -> memref<640x128xf32, #tpu.memory_space<hbm>>
      %dma_wait3A_126 = arith.constant 0 : i32
      %dma_wait3A_127 = tpu.memref_slice %arg8[%mul3A_117, %dma_wait3A_126] : memref<10240x128xf32, #tpu.memory_space<vmem_shared>> -> memref<640x128xf32, #tpu.memory_space<vmem_shared>>
      tpu.wait_dma2 semaphore(%run_scoped3A : memref<!tpu.dma_semaphore, #tpu.memory_space<semaphore_mem>>) src(%dma_wait3A_127 : memref<640x128xf32, #tpu.memory_space<vmem_shared>>) dst(%dma_wait3A_125 : memref<640x128xf32, #tpu.memory_space<hbm>>)
      tpu.yield
    }) : () -> ()
    return
  }
}

module attributes {stable_mosaic.version = 14 : i64} {
  func.func @_build_ego_body(%arg0: memref<5000x128xf32, #tpu.memory_space<vmem>>, %arg1: memref<5000x128xf32, #tpu.memory_space<vmem>>, %arg2: memref<10240x128xf32, #tpu.memory_space<vmem>>) attributes {dimension_semantics = [], scalar_prefetch = 0 : i64, scratch_operands = 0 : i64, tpu.core_type = #tpu.core_type<tc>} {
    %get3A = arith.constant 0 : index
    %get3A_0 = arith.constant 0 : index
    %get3A_1 = vector.load %arg0[%get3A, %get3A_0] : memref<5000x128xf32, #tpu.memory_space<vmem>>, vector<5000x128xf32>
    %swap3A = arith.constant 0 : index
    %swap3A_2 = arith.constant 0 : index
    %swap3A_3 = vector.load %arg2[%swap3A, %swap3A_2] : memref<10240x128xf32, #tpu.memory_space<vmem>>, vector<5000x128xf32>
    tpu.vector_store %arg2[%swap3A, %swap3A_2], %get3A_1 {strides = array<i32>} : memref<10240x128xf32, #tpu.memory_space<vmem>>, vector<5000x128xf32>,
    %get3A_4 = arith.constant 0 : index
    %get3A_5 = arith.constant 0 : index
    %get3A_6 = vector.load %arg1[%get3A_4, %get3A_5] : memref<5000x128xf32, #tpu.memory_space<vmem>>, vector<5000x128xf32>
    %mul3A = arith.mulf %get3A_6, %get3A_6 : vector<5000x128xf32>
    %reduce_sum3A = arith.constant dense<0.000000e+00> : vector<5000xf32>
    %reduce_sum3A_7 = vector.multi_reduction <add>, %mul3A, %reduce_sum3A [1] : vector<5000x128xf32> to vector<5000xf32>
    %broadcast_in_dim3A = vector.shape_cast %reduce_sum3A_7 : vector<5000xf32> to vector<5000x1xf32>
    %sqrt3A = math.sqrt %broadcast_in_dim3A : vector<5000x1xf32>
    %max3A = arith.constant 9.99999996E-13 : f32
    %max3A_8 = vector.broadcast %max3A : f32 to vector<5000x1xf32>
    %max3A_9 = arith.maximumf %sqrt3A, %max3A_8 : vector<5000x1xf32>
    %div3A = vector.broadcast %max3A_9 : vector<5000x1xf32> to vector<5000x128xf32>
    %div3A_10 = arith.divf %get3A_6, %div3A : vector<5000x128xf32>
    %swap3A_11 = arith.constant 5000 : index
    %swap3A_12 = arith.constant 0 : index
    %swap3A_13 = vector.load %arg2[%swap3A_11, %swap3A_12] : memref<10240x128xf32, #tpu.memory_space<vmem>>, vector<5000x128xf32>
    tpu.vector_store %arg2[%swap3A_11, %swap3A_12], %div3A_10 {strides = array<i32>} : memref<10240x128xf32, #tpu.memory_space<vmem>>, vector<5000x128xf32>,
    %broadcast_in_dim3A_14 = arith.constant 0.000000e+00 : f32
    %broadcast_in_dim3A_15 = vector.broadcast %broadcast_in_dim3A_14 : f32 to vector<240x128xf32>
    %swap3A_16 = arith.constant 10000 : index
    %swap3A_17 = arith.constant 0 : index
    %swap3A_18 = vector.load %arg2[%swap3A_16, %swap3A_17] : memref<10240x128xf32, #tpu.memory_space<vmem>>, vector<240x128xf32>
    tpu.vector_store %arg2[%swap3A_16, %swap3A_17], %broadcast_in_dim3A_15 {strides = array<i32>} : memref<10240x128xf32, #tpu.memory_space<vmem>>, vector<240x128xf32>,
    return
  }
}

module attributes {stable_mosaic.version = 14 : i64} {
  func.func @_merge_body(%arg0: memref<2x10240x128xf32, #tpu.memory_space<vmem>>, %arg1: memref<10240x128xf32, #tpu.memory_space<vmem>>, %arg2: memref<10240x128xf32, #tpu.memory_space<vmem>>) attributes {dimension_semantics = [], scalar_prefetch = 0 : i64, scratch_operands = 0 : i64, tpu.core_type = #tpu.core_type<tc>} {
    %get3A = arith.constant 0 : index
    %get3A_0 = arith.constant 0 : index
    %get3A_1 = arith.constant 0 : index
    %get3A_2 = vector.load %arg0[%get3A, %get3A_0, %get3A_1] : memref<2x10240x128xf32, #tpu.memory_space<vmem>>, vector<1x10240x128xf32>
    %get3A_3 = vector.shape_cast %get3A_2 : vector<1x10240x128xf32> to vector<10240x128xf32>
    %get3A_4 = arith.constant 1 : index
    %get3A_5 = arith.constant 0 : index
    %get3A_6 = arith.constant 0 : index
    %get3A_7 = vector.load %arg0[%get3A_4, %get3A_5, %get3A_6] : memref<2x10240x128xf32, #tpu.memory_space<vmem>>, vector<1x10240x128xf32>
    %get3A_8 = vector.shape_cast %get3A_7 : vector<1x10240x128xf32> to vector<10240x128xf32>
    %add3A = arith.addf %get3A_3, %get3A_8 : vector<10240x128xf32>
    %get3A_9 = arith.constant 0 : index
    %get3A_10 = arith.constant 0 : index
    %get3A_11 = vector.load %arg1[%get3A_9, %get3A_10] : memref<10240x128xf32, #tpu.memory_space<vmem>>, vector<10240x128xf32>
    %mul3A = arith.constant 5.000000e-01 : f32
    %mul3A_12 = vector.broadcast %mul3A : f32 to vector<10240x128xf32>
    %mul3A_13 = arith.mulf %mul3A_12, %get3A_11 : vector<10240x128xf32>
    %add3A_14 = arith.addf %add3A, %mul3A_13 : vector<10240x128xf32>
    %swap3A = arith.constant 0 : index
    %swap3A_15 = arith.constant 0 : index
    %swap3A_16 = vector.load %arg2[%swap3A, %swap3A_15] : memref<10240x128xf32, #tpu.memory_space<vmem>>, vector<10240x128xf32>
    tpu.vector_store %arg2[%swap3A, %swap3A_15], %add3A_14 {strides = array<i32>} : memref<10240x128xf32, #tpu.memory_space<vmem>>, vector<10240x128xf32>,
    return
  }
}

</mosaic_0001>

<sc_bundles>
// kernel: kernel.10.cloned.1.call-start
scs
__scs_entry_jumppad:
0x0: {  	(pc) =	sbr.rel $0x88, $3  }
0x1: {  	(tag) =	ssettag $0x0;
	lr =	simm.s32 $0x1  }
0x2: {  	[smem:$0x3F9D] =	sst lr;
	_ =	strace $0xD0000000  }
0x3: {  	_ = 	snop  }
0x4: {  	_ = 	snop  }
0x5: {  	_ = 	snop  }
0x6: {  	_ = 	snop  }
0x7: {  	_ = 	snop  }
__scs_overlays_trampoline_lowered:
0x8: {  	[smem:$0x3FAC] =	sst s0  }
0x9: {  	[smem:$0x3FAD] =	sst s1  }
0xa: {  	[smem:$0x3FAE] =	sst s2  }
0xb: {  	[smem:$0x3FAF] =	sst s3  }
0xc: {  	[smem:$0x3FB0] =	sst s4  }
0xd: {  	[smem:$0x3FB1] =	sst s5  }
0xe: {  	[smem:$0x3FB2] =	sst s6  }
0xf: {  	[smem:$0x3FB3] =	sst s7  }
0x10: {  	[smem:$0x3FB4] =	sst s8  }
0x11: {  	[smem:$0x3FB5] =	sst s9;
	s0 =	simm.s32 @!p0 $0x0  }
0x12: {  	s1 =	sld [smem:$0x3F9B];
	s0 =	simm.s32 @p0 $0x1  }
0x13: {  	[smem:$0x3FB6] =	sst s0;
	s0 =	simm.s32 @!p1 $0x0  }
0x14: {  	s2 =	sld [smem:$0x3F9A];
	s0 =	simm.s32 @p1 $0x1  }
0x15: {  	[smem:$0x3FB7] =	sst s0;
	s0 =	simm.s32 @!p2 $0x0  }
0x16: {  	s3 =	sld [smem:$0x3FDB];
	s0 =	simm.s32 @p2 $0x1  }
0x17: {  	s4 =	simm.s32 $0x1BF5;
	[smem:$0x3FB9] =	sst s0  }
0x18: {  	s0 =	sld [smem:$0x3F9C];
	_ =	swait.ge [sflag:s4], $0x0  }
0x19: {  	s7 =	sld [smem:$0x3F9D]  }
0x1a: {  	s8 =	sadd.s32 $0xFFFFE003, lr  }
0x1b: {  	s9 =	sadd.s32 $0xFFFFFEF7, lr;
	s5 =	simm.s32 $0xFFFFFFFF;
	p2 =	slt.u32 s8, $0xFFFFF086  }
0x1c: {  	p1 =	slt.u32 s9, $0xF7A;
	s5 =	simm.s32 @!p2 $0x0  }
0x1d: {  	s5 =	simm.s32 @p1 $0x1;
	p0 =	seq.s32 s7, s2  }
0x1e: {  	s7 =	smul.u32 @!p0 $0xF7A, s2;
	p2 =	seq.s32 @!p0 s5, $0x0  }
0x1f: {  	s9 =	smul.u32 $0xF7A, s1;
	s8 =	simm.s32 @!p0 $0x1BF5;
	p2 =	por !p2, p0  }
0x20: {  	[sflag:s8] =	ssyncset.s32 @!p0 $0xFFFFF086;
	s6 =	sadd.s32 @!p0 s3, s7;
	s7 =	simm.s32 @!p0 $0x108  }
0x21: {  	s3 =	sadd.s32 s3, s9;
	s6 =	sadd.s32 @!p0 $0x88, s6;
	s7 =	simm.s32 @p2 $0x1082  }
0x22: {  	[simem:s7], [sflag:s8] =	dma.local @!p0 [hbm:s6], $0xF7A  }
0x23: {  	s9 =	sor.u32 $0xD0000000, s2;
	s6 =	simm.s32 $0x108;
	_ =	swait.ge @!p0 [sflag:s8], $0x0  }
0x24: {  	s3 =	sadd.s32 $0x88, s3;
	s6 =	simm.s32 @!p1 $0x1082;
	[sflag:s4] =	ssyncset.s32 $0xFFFFF086  }
0x25: {  	[simem:s6], [sflag:s4] =	dma.local [hbm:s3], $0xF7A  }
0x26: {  	[smem:$0x3F9D] =	sst s1;
	(tag) =	ssettag s2;
	_ =	strace s9  }
0x27: {  	s1 =	sld [smem:$0x3FAD]  }
0x28: {  	s2 =	sld [smem:$0x3FAE]  }
0x29: {  	s4 =	sld [smem:$0x3FB0]  }
0x2a: {  	p0 =	seq.s32 s5, $0x0;
	s5 =	sld [smem:$0x3FB1]  }
0x2b: {  	s6 =	sld [smem:$0x3FB2]  }
0x2c: {  	s7 =	sld [smem:$0x3FB3]  }
0x2d: {  	s3 =	simm.s32 $0x108;
	s8 =	sld [smem:$0x3FB4]  }
0x2e: {  	s3 =	simm.s32 @!p0 $0x1082;
	s9 =	sld [smem:$0x3FB5]  }
0x2f: {  	lr =	sadd.s32 s0, s3;
	s0 =	sld [smem:$0x3FAC]  }
0x30: {  	s3 =	sld [smem:$0x3FAF]  }
0x31: {  	[smem:$0x3FB8] =	sst s10  }
0x32: {  	s10 =	sld [smem:$0x3FB6];
	_ =	sdelay $0x3  }
0x33: {  	p0 =	seq.s32 s10, $0x1;
	s10 =	sld [smem:$0x3FB8];
	_ =	sdelay $0x3  }
0x34: {  	[smem:$0x3FB8] =	sst s10  }
0x35: {  	s10 =	sld [smem:$0x3FB7];
	_ =	sdelay $0x3  }
0x36: {  	p1 =	seq.s32 s10, $0x1;
	s10 =	sld [smem:$0x3FB8];
	_ =	sdelay $0x3  }
0x37: {  	[smem:$0x3FB8] =	sst s10  }
0x38: {  	s10 =	sld [smem:$0x3FB9]  }
0x39: {  	_ = 	snop;
	(pc) =	sbr.ind lr, $3  }
0x3a: {  	_ = 	snop  }
0x3b: {  	_ = 	snop  }
0x3c: {  	p2 =	seq.s32 s10, $0x1;
	s10 =	sld [smem:$0x3FB8]  }
0x3d: {  	_ =	shalt  }
0x3e: {  	_ =	shalt  }
0x3f: {  	_ =	shalt  }
0x40: {  	_ =	shalt  }
0x41: {  	_ =	shalt  }
0x42: {  	_ =	shalt  }
0x43: {  	_ =	shalt  }
0x44: {  	_ =	shalt  }
0x45: {  	_ =	shalt  }
0x46: {  	_ =	shalt  }
0x47: {  	_ =	shalt  }
0x48: {  	_ =	shalt  }
0x49: {  	_ =	shalt  }
0x4a: {  	_ =	shalt  }
0x4b: {  	_ =	shalt  }
0x4c: {  	_ =	shalt  }
0x4d: {  	_ =	shalt  }
0x4e: {  	_ =	shalt  }
0x4f: {  	_ =	shalt  }
0x50: {  	_ =	shalt  }
0x51: {  	_ =	shalt  }
0x52: {  	_ =	shalt  }
0x53: {  	_ =	shalt  }
0x54: {  	_ =	shalt  }
0x55: {  	_ =	shalt  }
0x56: {  	_ =	shalt  }
0x57: {  	_ =	shalt  }
0x58: {  	_ =	shalt  }
0x59: {  	_ =	shalt  }
0x5a: {  	_ =	shalt  }
0x5b: {  	_ =	shalt  }
0x5c: {  	_ =	shalt  }
0x5d: {  	_ =	shalt  }
0x5e: {  	_ =	shalt  }
0x5f: {  	_ =	shalt  }
0x60: {  	_ =	shalt  }
0x61: {  	_ =	shalt  }
0x62: {  	_ =	shalt  }
0x63: {  	_ =	shalt  }
0x64: {  	_ =	shalt  }
0x65: {  	_ =	shalt  }
0x66: {  	_ =	shalt  }
0x67: {  	_ =	shalt  }
0x68: {  	_ =	shalt  }
0x69: {  	_ =	shalt  }
0x6a: {  	_ =	shalt  }
0x6b: {  	_ =	shalt  }
0x6c: {  	_ =	shalt  }
0x6d: {  	_ =	shalt  }
0x6e: {  	_ =	shalt  }
0x6f: {  	_ =	shalt  }
0x70: {  	_ =	shalt  }
0x71: {  	_ =	shalt  }
0x72: {  	_ =	shalt  }
0x73: {  	_ =	shalt  }
0x74: {  	_ =	shalt  }
0x75: {  	_ =	shalt  }
0x76: {  	_ =	shalt  }
0x77: {  	_ =	shalt  }
0x78: {  	_ =	shalt  }
0x79: {  	_ =	shalt  }
0x7a: {  	_ =	shalt  }
0x7b: {  	_ =	shalt  }
0x7c: {  	_ =	shalt  }
0x7d: {  	_ =	shalt  }
0x7e: {  	_ =	shalt  }
0x7f: {  	_ =	shalt  }
0x80: {  	_ =	shalt  }
0x81: {  	_ =	shalt  }
0x82: {  	_ =	shalt  }
0x83: {  	_ =	shalt  }
0x84: {  	_ =	shalt  }
0x85: {  	_ =	shalt  }
0x86: {  	_ =	shalt  }
0x87: {  	_ =	shalt  }
.Lfunc_end0:
.L_simem_size_0:
called_computation.1_lowered:
.L_overlay_start_0:
0x88: {  	s2 =	sld [smem:$0x3FD9]  }
0x89: {  	s3 =	sld [smem:$0x3FFE];
	_ =	sdelay $0x1  }
0x8a: {  	s1 =	srdreg.scid  }
0x8b: {  	s0 =	sand.u32 $0x1, s1  }
0x8c: {  	s17 =	sshll.u32 s0, $0xA;
	s2 =	sadd.s32 s3, s2  }
0x8d: {  	s2 =	sadd.s32 s2, s17  }
0x8e: {  	[smem:$0x3FC4] =	sst s2  }
0x8f: {  	_ = 	snop  }
0x90: {  	s2 =	sld [smem:$0x3FD0];
	(tm) =	ssettm $0x1  }
0x91: {  	s18 =	sld [smem:$0x3FFB];
	_ =	sdelay $0x3  }
0x92: {  	_ =	strace s18  }
0x93: {  	s3 =	sld [smem:$0x3FFC];
	_ =	sdelay $0x3  }
0x94: {  	_ =	strace s3  }
0x95: {  	s3 =	sld [smem:$0x3FFD];
	_ =	sdelay $0x3  }
0x96: {  	_ =	strace s3  }
0x97: {  	_ =	strace $0x8FFFFFFF  }
0x98: {  	s19 =	sld [smem:$0x3FDB];
	_ =	sdelay $0x1  }
0x99: {  	s4 =	simm.s32 $_scs_section_size  }
0x9a: {  	s5 =	simm.s32 $_size__tile_overlayer_lowered;
	s6 =	simm.s32 $_tile_overlayer_lowered  }
0x9b: {  	s22 =	simm.s32 $0x1BFF;
	s21 =	sshll.u32 s6, $0x1;
	s3 =	sadd.s32 s4, s19  }
0x9c: {  	s7 =	simm.s32 $0x0;
	s20 =	sshll.u32 s5, $0x1;
	s5 =	sadd.s32 s21, s3  }
0x9d: {  	[timem:s7], [sflag:s22] =	dma.local [hbm:s5], s20  }
0x9e: {  	_ =	swait.ge [sflag:s22], s20  }
0x9f: {  	s4 =	ssub.s32 $0x0, s20;
	[sflag:s22] =	ssyncset.done $0x0  }
0xa0: {  	[sflag:s22] =	ssyncadd.s32 s4;
	_ =	sdelay $0x1  }
0xa1: {  	s23 =	simm.s32 $0x1B8B  }
0xa2: {  	_ =	swait.ge [sflag:s23], $0x1  }
0xa3: {  	[sflag:s23] =	ssyncset.done $0x0  }
0xa4: {  	s25 =	simm.s32 $0x1B8E;
	s24 =	sld [smem:$0x3FFE];
	[sflag:s23] =	ssyncadd.s32 $0xFFFFFFFF  }
0xa5: {  	s26 =	simm.s32 $execute0_lowered;
	[smem:$0x3FD2] =	sst s25  }
0xa6: {  	s5 =	sshll.u32 s26, $0x1;
	_ =	strace $0x80000049;
	[dreg:$0x1] =	wrdreg $0xFFFFFFFF  }
0xa7: {  	s28 =	simm.s32 $_size_execute0_lowered;
	s3 =	sadd.s32 s3, s5;
	[dreg:$0x0] =	wrdreg $0x0  }
0xa8: {  	s5 =	sshll.u32 s28, $0x1;
	[dreg:$0x2] =	wrdreg s3  }
0xa9: {  	[dreg:$0x3] =	wrdreg s5  }
0xaa: {  	[dreg:$0x4] =	wrdreg $0xC0  }
0xab: {  	_ =	task [dreg:s7], $0x5FFFF  }
0xac: {  	[dreg:$0x1] =	wrdreg $0xFFFFFFFF  }
0xad: {  	[dreg:$0x0] =	wrdreg $0x60  }
0xae: {  	[dreg:$0x2] =	wrdreg s24  }
0xaf: {  	[dreg:$0x3] =	wrdreg s2  }
0xb0: {  	[dreg:$0x4] =	wrdreg $0x0  }
0xb1: {  	[dreg:$0x5] =	wrdreg $0x9  }
0xb2: {  	_ =	task.clear_ibuf [dreg:s7], $0x6FFFF;
	_ =	strace $0x90000049  }
0xb3: {  	s29 =	simm.s32 $0x9;
	_ =	strace $0x8000004B  }
0xb4: {  	_ =	swait.ge [sflag:s29], $0x1  }
0xb5: {  	[sflag:s29] =	ssyncadd.s32 $0xFFFFFFFF  }
0xb6: {  	_ =	strace $0x9000004B  }
0xb7: {  	_ =	sfence  }
0xb8: {  	s30 =	sld [smem:$0x0];
	_ =	sdelay $0x2  }
0xb9: {  	s31 =	sshll.u32 s1, $0xD;
	s1 =	sshrl.u32 s1, $0x2  }
0xba: {  	s3 =	sand.u32 $0x4000, s31;
	s1 =	sadd.s32 s1, s30  }
0xbb: {  	s0 =	sor.u32 s3, s0;
	s1 =	sshll.u32 s1, $0x11  }
0xbc: {  	s0 =	sor.u32 s1, s0  }
0xbd: {  	s0 =	sadd.s32 $0x8F2B, s0  }
0xbe: {  	[sflag:s0] =	ssyncadd.remote.s32 $0x1  }
0xbf: {  	_ =	sfence.sel $0xFFFF  }
0xc0: {  	[dreg:$0x0] =	wrdreg $0xFFFFFFFF;
	(pc) =	sbr.abs _section_cstart, $3  }
0xc1: {  	[dreg:$0x1] =	wrdreg $0xFFFFFFFF  }
0xc2: {  	_ =	task.clear_ibuf [dreg:s7], $0x2FFFF;
	_ =	strace $0x9FFFFFFF  }
0xc3: {  	(tm) =	ssettm $0x7FFFFFFF  }
tec
execute0_lowered:
.L_overlay_start_1:
0x0: {  	(tag) =	ssettag $0x1  }
0x1: {  	s0 =	rddreg [dreg:$0x0];
	s6 =	stileid.u32  }
0x2: {  	s1 =	srdreg.scid;
	s3 =	rddreg [dreg:$0x2];
	s4 =	simm.s32 $0x0  }
0x3: {  	s11 =	simm.s32 $0x1;
	s28 =	simm.s32 $0x3;
	s29 =	simm.s32 $0x1B000  }
0x4: {  	s1 =	sand.u32 $0x1, s1;
	s2 =	sshll.u32 s6, $0x1;
	s10 =	smul.u32 $0x14000, s6  }
0x5: {  	[smem:$0x7FF] =	sst s4;
	s5 =	sadd.s32 $0x14C00, s0;
	s17 =	smul.u32 $0x50000, s6  }
0x6: {  	s14 =	sadd.s32 $0xC00, s0;
	s21 =	sshll.u32 s6, $0x6;
	s22 =	smul.u32 $0x1388, s6  }
0x7: {  	s2 =	sor.u32 s1, s2;
	_ =	strace $0x8000004A;
	s12 =	smul.u32 $0x140000, s1  }
0x8: {  	[dreg:$0x4] =	wrdreg s14;
	s18 =	ssub.s32 $0x2, s1;
	s1 =	smul.u32 $0x9C4, s1  }
0x9: {  	s6 =	sor.u32 $0x1C04, s21;
	s2 =	smul.u32 $0x9C4, s2;
	s15 =	sshrl.u32 s10, $0x3  }
0xa: {  	[dreg:$0x6] =	wrdreg s6;
	s14 =	sadd.s32 s15, s0;
	s12 =	sadd.s32 s10, s12  }
0xb: {  	s1 =	sadd.s32 s1, s22;
	s8 =	sshrl.u32 s2, $0x5;
	s9 =	sand.u32 $0x3E0, s2  }
0xc: {  	s13 =	sshrl.u32 s2, $0xA;
	s2 =	sadd.s32 $0x9C4, s2;
	s12 =	sshrl.u32 s12, $0x3  }
0xd: {  	s14 =	sadd.s32 $0x3CC00, s14;
	p0 =	seq.s32 s8, $0x0;
	p1 =	sne.s32 s9, $0x0  }
0xe: {  	s24 =	sshrl.u32 s1, $0xA;
	s26 =	sshrl.u32 s1, $0x5;
	p0 =	por !p0, !p1  }
0xf: {  	s7 =	smov.u32 s8;
	s8 =	sadd.s32 $0xAC00, s0;
	p0 =	por !p0, !p0  }
0x10: {  	s10 =	sshrl.u32 s2, $0x5;
	s0 =	sadd.s32 s12, s0;
	s11 =	simm.s32 @!p0 $0x0  }
0x11: {  	[dreg:$0x5] =	wrdreg s14;
	s0 =	sadd.s32 $0x64C00, s0;
	s9 =	ssub.s32 s13, s11  }
0x12: {  	s14 =	simm.s32 $0x1;
	[dreg:$0x7] =	wrdreg s0;
	s16 =	sshll.u32 s9, $0x5  }
0x13: {  	s13 =	sshrl.u32 s17, $0x2;
	s25 =	ssub.s32 s24, s11;
	s2 =	ssub.s32 s10, s16  }
0x14: {  	s24 =	simm.s32 $0x80;
	s19 =	sadd.s32 s13, s3;
	s15 =	sadd.s32 $0x1F, s2  }
0x15: {  	s30 =	sshll.u32 s25, $0x5;
	s25 =	simm.s32 $0x17000;
	s17 =	sshll.u32 s15, $0x10  }
0x16: {  	s16 =	sshrl.u32 s18, $0x1;
	s0 =	ssub.s32 s26, s30;
	s20 =	sshra.s32 s17, $0x1F  }
0x17: {  	s1 =	sshrl.u32 s19, $0x3;
	s19 =	simm.s32 $0x4;
	s13 =	sand.u32 $0x1F, s20  }
0x18: {  	s26 =	simm.s32 $0x5;
	s13 =	sadd.s32 s13, s15;
	s15 =	sand.u32 $0x1F, s15  }
0x19: {  	s12 =	ssub.s32 s18, s16;
	p5 =	slt.s32 s2, $0xFFFFFFE2;
	p6 =	sne.s32 s15, $0x0  }
.Ltmp0:
0x1a: {  	[dreg:$0x9] =	wrdreg s0;
	p0 =	por !p5, !p6;
	(pc) =	sbr.rel .LBB2_1-.Ltmp0, $4  }
0x1b: {  	[dreg:$0xa] =	wrdreg s1;
	s23 =	sshll.u32 s13, $0x10;
	p0 =	por !p0, !p0  }
0x1c: {  	s31 =	smax.u32 s12, $0x1;
	s2 =	sshra.s32 s23, $0x15;
	s14 =	simm.s32 @!p0 $0x0  }
0x1d: {  	[dreg:$0x8] =	wrdreg s31;
	s13 =	simm.s32 $0x1;
	s14 =	ssub.s32 s2, s14  }
0x1e: {  	s23 =	simm.s32 $0x2;
	s2 =	simm.s32 $0x0;
	p0 =	slt.s32 s14, $0x1  }
.LBB2_12:
0x1f: {  	[bflag:$0x0] =	sbarrier.arrive $0xFFFF  }
0x20: {  	s6 =	rddreg [dreg:$0x6]  }
0x21: {  	s0 =	rddreg [dreg:$0x7]  }
0x22: {  	s1 =	rddreg [dreg:$0xa]  }
0x23: {  	[hbm:s0], [sflag:s6] =	dma.local [spmem:s1], $0x2800  }
0x24: {  	_ =	swait.ge [sflag:s19], $0x2800  }
0x25: {  	s2 =	rddreg [dreg:$0xb]  }
0x26: {  	s31 =	rddreg [dreg:$0x8];
	s2 =	sadd.s32 $0x1, s2  }
0x27: {  	p1 =	sne.s32 s2, s31  }
.Ltmp1:
0x28: {  	_ = 	snop;
	(pc) =	sbr.rel @!p1 .LBB2_13-.Ltmp1, $3  }
0x29: {  	_ =	sdelay $0x1  }
0x2a: {  	[sflag:s19] =	ssyncset.done $0x0  }
0x2b: {  	[sflag:s19] =	ssyncadd.s32 $0xFFFFD800  }
.LBB2_1:
0x2c: {  	[dreg:$0xb] =	wrdreg s2  }
0x2d: {  	s0 =	rddreg [dreg:$0x5]  }
0x2e: {  	[spmem:s1], [sflag:s6] =	dma.local [hbm:s0], $0x2800  }
.Ltmp2:
0x2f: {  	_ =	swait.ge [sflag:s19], $0x2800;
	(pc) =	sbr.rel @!p0 .LBB2_2-.Ltmp2, $4  }
.Ltmp3:
0x30: {  	[sflag:s19] =	ssyncset.done $0x0;
	(pc) =	sbr.rel @p0 .LBB2_12-.Ltmp3, $4  }
0x31: {  	[sflag:s19] =	ssyncadd.s32 $0xFFFFD800  }
0x32: {  	[bflag:$0x0] =	sbarrier.arrive $0xFFFF  }
0x33: {  	s1 =	simm.s32 $0x0;
	s31 =	rddreg [dreg:$0x9]  }
0x34: {  	_ = 	snop  }
.LBB2_11:
0x35: {  	s1 =	sadd.s32 $0x1, s1  }
0x36: {  	p1 =	sne.s32 s1, s14  }
.Ltmp4:
0x37: {  	_ = 	snop;
	(pc) =	sbr.rel @!p1 .LBB2_12-.Ltmp4, $2  }
0x38: {  	_ =	sdelay $0x2  }
0x39: {  	s31 =	sadd.s32 $0xFFFFFFE0, s31  }
.LBB2_2:
0x3a: {  	s0 =	sadd.s32 s9, s1  }
0x3b: {  	s2 =	sshll.u32 s0, $0x9  }
0x3c: {  	s6 =	rddreg [dreg:$0x1];
	s2 =	sand.u32 $0x1FFFFE00, s2  }
0x3d: {  	s22 =	simm.s32 $0x14000;
	s30 =	sshll.u32 s0, $0x5;
	s11 =	sadd.s32 s6, s2  }
0x3e: {  	[tilespmem:s22], [sflag:$0x1] =	stream.linear.gather [hbm4b:s11+s4], $0x1000, $0x38;
	[tilespmem:$0x1F000] =	vst v63  }
0x3f: {  	s16 =	simm.s32 $0x15000;
	s0 =	ssub.s32 s7, s30;
	_ =	swait.ge [sflag:s13], $0x1000  }
0x40: {  	p1 =	sgt.s32 s0, $0x0;
	[sflag:s13] =	ssyncset.done $0x0;
	s15 =	rddreg [dreg:$0x4]  }
0x41: {  	s11 =	ssub.s32 s10, s30;
	[sflag:s13] =	ssyncadd.s32 $0xFFFFF000;
	s12 =	sadd.s32 s15, s2  }
0x42: {  	[tilespmem:s16], [sflag:$0x1] =	stream.linear.gather [hbm4b:s12+s4], $0x1000, $0x38;
	[tilespmem:$0x1F000] =	vst v63  }
0x43: {  	s0 =	simm.s32 @!p1 $0x0;
	p1 =	slt.s32 s11, $0x20;
	_ =	swait.ge [sflag:s13], $0x1000  }
0x44: {  	s17 =	simm.s32 $0x16000;
	s11 =	simm.s32 @!p1 $0x20;
	[sflag:s13] =	ssyncset.done $0x0  }
0x45: {  	s2 =	sadd.s32 s8, s2;
	p1 =	sle.s32 s11, s0;
	[sflag:s13] =	ssyncadd.s32 $0xFFFFF000  }
0x46: {  	[tilespmem:s17], [sflag:$0x1] =	stream.linear.gather [hbm4b:s2+s4], $0x1000, $0x38;
	[tilespmem:$0x1F000] =	vst v63  }
0x47: {  	s18 =	ssub.s32 s11, s0;
	s2 =	sshll.u32 @!p1 s0, $0x7;
	_ =	swait.ge [sflag:s13], $0x1000  }
0x48: {  	s12 =	simm.s32 @!p1 $0x80;
	s2 =	sand.u32 @!p1 $0x3FFFFF80, s2;
	[sflag:s13] =	ssyncset.done $0x0  }
0x49: {  	s15 =	simm.s32 @!p1 $0x17000;
	s2 =	sadd.s32 @!p1 $0x14000, s2;
	[sflag:s13] =	ssyncadd.s32 $0xFFFFF000  }
0x4a: {  	[tilespmem:s15], [sflag:$0x2] =	stream.indirect.gather @!p1 [hbm4b:s5+s12], $0x80, s2, s12, $0xb8;
	[tilespmem:$0x1F000] =	vst v63  }
0x4b: {  	s20 =	sadd.s32 $0x1, s18;
	p1 =	slt.u32 s18, $0x7FFFFFFF;
	s2 =	simm.s32 $0x1  }
0x4c: {  	s21 =	sshra.s32 s20, $0x1F;
	s2 =	simm.s32 @!p1 $0x0  }
0x4d: {  	s22 =	sand.u32 $0x1, s20;
	s2 =	sadd.s32 s2, s21  }
0x4e: {  	p2 =	seq.s32 s22, $0x1;
	p6 =	sne.s32 s2, $0x1  }
0x4f: {  	s30 =	sshrl.u32 s20, $0x1F;
	p1 =	por !p6, !p2  }
0x50: {  	s12 =	simm.s32 $0x1;
	s2 =	sadd.s32 s30, s20;
	p1 =	por !p1, !p1  }
0x51: {  	s2 =	sshra.s32 s2, $0x1;
	s12 =	simm.s32 @!p1 $0x0  }
0x52: {  	s15 =	ssub.s32 s2, s12  }
0x53: {  	p1 =	slt.s32 s15, $0x1  }
.Ltmp5:
0x54: {  	_ = 	snop;
	(pc) =	sbr.rel @p1 .LBB2_11-.Ltmp5, $1  }
0x55: {  	_ =	sdelay $0x3  }
.Ltmp6:
0x56: {  	p1 =	sgt.s32 s31, $0x0;
	s2 =	smov.u32 s31;
	(pc) =	sbr.rel .LBB2_4-.Ltmp6, $4  }
0x57: {  	s2 =	simm.s32 @!p1 $0x0  }
0x58: {  	s2 =	sshll.u32 s2, $0x7  }
0x59: {  	s2 =	sand.u32 $0x3FFFFF80, s2  }
0x5a: {  	s12 =	simm.s32 $0x0;
	s16 =	sadd.s32 $0x16080, s2;
	s17 =	sadd.s32 $0x16000, s2  }
.LBB2_10:
0x5b: {  	s12 =	sadd.s32 $0x1, s12  }
0x5c: {  	p1 =	slt.s32 s12, s15  }
.Ltmp7:
0x5d: {  	_ = 	snop;
	(pc) =	sbr.rel @!p1 .LBB2_11-.Ltmp7, $2  }
0x5e: {  	_ =	sdelay $0x2  }
0x5f: {  	s17 =	sadd.s32 $0x100, s17;
	s16 =	sadd.s32 $0x100, s16  }
.LBB2_4:
0x60: {  	s2 =	sshll.u32 s12, $0x1  }
0x61: {  	s30 =	sadd.s32 s0, s2  }
0x62: {  	s18 =	sadd.s32 $0x1, s30  }
0x63: {  	p1 =	sge.s32 s18, s11  }
0x64: {  	s2 =	sshll.u32 @!p1 s18, $0x9  }
0x65: {  	s2 =	sshra.s32 @!p1 s2, $0x2  }
0x66: {  	s20 =	simm.s32 @!p1 $0x80;
	s21 =	simm.s32 @!p1 $0x1B000;
	s2 =	sadd.s32 @!p1 $0x14000, s2  }
0x67: {  	[tilespmem:s21], [sflag:$0x3] =	stream.indirect.gather @!p1 [hbm4b:s5+s20], $0x80, s2, s20, $0xb8;
	[tilespmem:$0x1F000] =	vst v63  }
0x68: {  	_ =	swait.ge [sflag:s23], $0x4000  }
0x69: {  	[sflag:s23] =	ssyncset.done $0x0  }
0x6a: {  	s2 =	simm.s32 $0x17040;
	[sflag:s23] =	ssyncadd.s32 $0xFFFFC000  }
0x6b: {  	v4 =	vld [tilespmem:s2+$0x30]  }
0x6c: {  	v7 =	vld [tilespmem:s2+$0x10]  }
0x6d: {  	s22 =	sadd.s32 $0x0, s17;
	v5 =	vld [tilespmem:s2+$0xFFFFFFC0]  }
0x6e: {  	v1 =	vld.msk [tilespmem:s22+$0x0 ss:$0x0], $0xffff  }
0x6f: {  	v6 =	vld [tilespmem:s2+$0xFFFFFFE0]  }
0x70: {  	v0 =	vld [tilespmem:s2+$0xFFFFFFF0]  }
0x71: {  	v2 =	vld [tilespmem:s2+$0x20]  }
0x72: {  	v3 =	vld [tilespmem:s2+$0xFFFFFFD0]  }
0x73: {  	v8 =	vmul.f32 v4, v1;
	v4 =	vld [tilespmem:s2+$0x0]  }
0x74: {  	v5 =	vmul.f32 v1, v5  }
0x75: {  	s20 =	sshll.u32 s30, $0x9;
	s21 =	simm.s32 $0x4;
	s22 =	simm.s32 $0x17040;
	v6 =	vmul.f32 v6, v1;
	v7 =	vmul.f32 v7, v1  }
.LBB2_5:
0x76: {  	p2 =	sne.s32 s21, $0x1FC  }
0x77: {  	v3 =	vmul.f32 v3, v1;
	v2 =	vmul.f32 v2, v1;
	[tilespmem:s2+$0x30] =	vst v8;
	s22 =	sadd.s32 $0x80, s22;
	s6 =	smov.u32 s21;
	s21 =	sadd.s32 $0x4, s21  }
0x78: {  	v8 =	vmul.f32 v0, v1;
	v1 =	vmul.f32 v4, v1;
	[tilespmem:s2+$0xFFFFFFC0] =	vst v5  }
0x79: {  	[tilespmem:s2+$0x10] =	vst v7  }
0x7a: {  	[tilespmem:s2+$0xFFFFFFE0] =	vst v6  }
0x7b: {  	v0 =	vld [tilespmem:s22+$0xFFFFFFF0];
	[tilespmem:s2+$0xFFFFFFF0] =	vst v8  }
0x7c: {  	v6 =	vld [tilespmem:s22+$0x30];
	[tilespmem:s2+$0x0] =	vst v1  }
0x7d: {  	s6 =	sshra.s32 s6, $0x2;
	v7 =	vld [tilespmem:s22+$0x10];
	[tilespmem:s2+$0x20] =	vst v2  }
0x7e: {  	s6 =	sadd.s32 s6, s17;
	v5 =	vld [tilespmem:s22+$0xFFFFFFC0];
	[tilespmem:s2+$0xFFFFFFD0] =	vst v3;
	s2 =	smov.u32 s22  }
0x7f: {  	v1 =	vld.msk [tilespmem:s6+$0x0 ss:$0x0], $0xffff  }
0x80: {  	v9 =	vld [tilespmem:s22+$0xFFFFFFE0]  }
0x81: {  	v2 =	vld [tilespmem:s22+$0x20]  }
.Ltmp8:
0x82: {  	v3 =	vld [tilespmem:s22+$0xFFFFFFD0];
	(pc) =	sbr.rel @p2 .LBB2_5-.Ltmp8, $3  }
0x83: {  	v4 =	vld [tilespmem:s22+$0x0];
	_ =	sdelay $0x1  }
0x84: {  	v5 =	vmul.f32 v1, v5;
	v8 =	vmul.f32 v6, v1  }
0x85: {  	v7 =	vmul.f32 v7, v1;
	v6 =	vmul.f32 v9, v1  }
0x86: {  	[tilespmem:s2+$0x30] =	vst v8  }
0x87: {  	[tilespmem:s2+$0xFFFFFFC0] =	vst v5  }
0x88: {  	v0 =	vmul.f32 v0, v1;
	[tilespmem:s2+$0x10] =	vst v7  }
0x89: {  	v2 =	vmul.f32 v2, v1;
	[tilespmem:s2+$0xFFFFFFE0] =	vst v6  }
0x8a: {  	v63 =	vmul.f32 v3, v1;
	[tilespmem:s2+$0xFFFFFFF0] =	vst v0  }
0x8b: {  	v4 =	vmul.f32 v4, v1;
	[tilespmem:s2+$0x20] =	vst v2  }
0x8c: {  	s6 =	sshra.s32 s20, $0x2;
	[tilespmem:s2+$0xFFFFFFD0] =	vst v63  }
0x8d: {  	s22 =	sadd.s32 $0x15000, s6;
	[tilespmem:s2+$0x0] =	vst v4;
	s2 =	sadd.s32 $0x2, s30  }
0x8e: {  	[spmem:s3] =	stream.indirect.scatter.add.f32 [tilespmem:s25], [sflag:$0x5], $0x80, s22, s24, $0xb8;
	[tilespmem:$0x1F000] =	vst v63  }
.Ltmp9:
0x8f: {  	p2 =	sge.s32 s2, s11;
	(pc) =	sbr.rel @p1 .LBB2_10-.Ltmp9, $4  }
0x90: {  	_ =	swait.ge [sflag:s26], $0x4000;
	s2 =	sshll.u32 @!p2 s2, $0x9  }
0x91: {  	s6 =	simm.s32 @!p2 $0x80;
	[sflag:s26] =	ssyncset.done $0x0;
	s2 =	sshra.s32 @!p2 s2, $0x2  }
0x92: {  	s20 =	simm.s32 @!p2 $0x17000;
	[sflag:s26] =	ssyncadd.s32 $0xFFFFC000;
	s2 =	sadd.s32 @!p2 $0x14000, s2  }
0x93: {  	[tilespmem:s20], [sflag:$0x2] =	stream.indirect.gather @!p2 [hbm4b:s5+s6], $0x80, s2, s6, $0xb8;
	[tilespmem:$0x1F000] =	vst v63  }
0x94: {  	_ =	swait.ge [sflag:s28], $0x4000  }
0x95: {  	[sflag:s28] =	ssyncset.done $0x0  }
0x96: {  	s2 =	simm.s32 $0x1B040;
	[sflag:s28] =	ssyncadd.s32 $0xFFFFC000  }
0x97: {  	v4 =	vld [tilespmem:s2+$0x30]  }
0x98: {  	v7 =	vld [tilespmem:s2+$0x10]  }
0x99: {  	s6 =	sadd.s32 $0x0, s16;
	v5 =	vld [tilespmem:s2+$0xFFFFFFC0]  }
0x9a: {  	v1 =	vld.msk [tilespmem:s6+$0x0 ss:$0x0], $0xffff  }
0x9b: {  	v6 =	vld [tilespmem:s2+$0xFFFFFFE0]  }
0x9c: {  	v0 =	vld [tilespmem:s2+$0xFFFFFFF0]  }
0x9d: {  	v2 =	vld [tilespmem:s2+$0x20]  }
0x9e: {  	v3 =	vld [tilespmem:s2+$0xFFFFFFD0]  }
0x9f: {  	v8 =	vmul.f32 v4, v1;
	v4 =	vld [tilespmem:s2+$0x0]  }
0xa0: {  	v5 =	vmul.f32 v1, v5  }
0xa1: {  	s18 =	sshll.u32 s18, $0x9;
	s20 =	simm.s32 $0x4;
	s21 =	simm.s32 $0x1B040;
	v6 =	vmul.f32 v6, v1;
	v7 =	vmul.f32 v7, v1  }
.LBB2_8:
0xa2: {  	p1 =	sne.s32 s20, $0x1FC  }
0xa3: {  	v3 =	vmul.f32 v3, v1;
	v2 =	vmul.f32 v2, v1;
	[tilespmem:s2+$0x30] =	vst v8;
	s21 =	sadd.s32 $0x80, s21;
	s6 =	smov.u32 s20;
	s20 =	sadd.s32 $0x4, s20  }
0xa4: {  	v8 =	vmul.f32 v0, v1;
	v1 =	vmul.f32 v4, v1;
	[tilespmem:s2+$0xFFFFFFC0] =	vst v5  }
0xa5: {  	[tilespmem:s2+$0x10] =	vst v7  }
0xa6: {  	[tilespmem:s2+$0xFFFFFFE0] =	vst v6  }
0xa7: {  	v0 =	vld [tilespmem:s21+$0xFFFFFFF0];
	[tilespmem:s2+$0xFFFFFFF0] =	vst v8  }
0xa8: {  	v6 =	vld [tilespmem:s21+$0x30];
	[tilespmem:s2+$0x0] =	vst v1  }
0xa9: {  	s6 =	sshra.s32 s6, $0x2;
	v7 =	vld [tilespmem:s21+$0x10];
	[tilespmem:s2+$0x20] =	vst v2  }
0xaa: {  	s6 =	sadd.s32 s6, s16;
	v5 =	vld [tilespmem:s21+$0xFFFFFFC0];
	[tilespmem:s2+$0xFFFFFFD0] =	vst v3;
	s2 =	smov.u32 s21  }
0xab: {  	v1 =	vld.msk [tilespmem:s6+$0x0 ss:$0x0], $0xffff  }
0xac: {  	v9 =	vld [tilespmem:s21+$0xFFFFFFE0]  }
0xad: {  	v2 =	vld [tilespmem:s21+$0x20]  }
.Ltmp10:
0xae: {  	v3 =	vld [tilespmem:s21+$0xFFFFFFD0];
	(pc) =	sbr.rel @p1 .LBB2_8-.Ltmp10, $3  }
0xaf: {  	v4 =	vld [tilespmem:s21+$0x0];
	_ =	sdelay $0x1  }
0xb0: {  	v5 =	vmul.f32 v1, v5;
	v8 =	vmul.f32 v6, v1  }
0xb1: {  	v7 =	vmul.f32 v7, v1;
	v6 =	vmul.f32 v9, v1  }
0xb2: {  	[tilespmem:s2+$0x30] =	vst v8  }
0xb3: {  	[tilespmem:s2+$0xFFFFFFC0] =	vst v5  }
0xb4: {  	v0 =	vmul.f32 v0, v1;
	[tilespmem:s2+$0x10] =	vst v7  }
0xb5: {  	v2 =	vmul.f32 v2, v1;
	[tilespmem:s2+$0xFFFFFFE0] =	vst v6  }
0xb6: {  	v63 =	vmul.f32 v3, v1;
	[tilespmem:s2+$0xFFFFFFF0] =	vst v0  }
0xb7: {  	v4 =	vmul.f32 v4, v1;
	[tilespmem:s2+$0x20] =	vst v2  }
0xb8: {  	s6 =	sshra.s32 s18, $0x2;
	[tilespmem:s2+$0xFFFFFFD0] =	vst v63  }
.Ltmp11:
0xb9: {  	s30 =	sadd.s32 $0x15000, s6;
	[tilespmem:s2+$0x0] =	vst v4;
	(pc) =	sbr.rel .LBB2_10-.Ltmp11, $4  }
0xba: {  	[spmem:s3] =	stream.indirect.scatter.add.f32 [tilespmem:s29], [sflag:$0x4], $0x80, s30, s24, $0xb8;
	[tilespmem:$0x1F000] =	vst v63  }
0xbb: {  	_ =	swait.ge [sflag:s19], $0x4000  }
0xbc: {  	[sflag:s19] =	ssyncset.done $0x0  }
0xbd: {  	[sflag:s19] =	ssyncadd.s32 $0xFFFFC000  }
.LBB2_13:
0xbe: {  	_ =	sfence.sel $0x180000  }
0xbf: {  	[bflag:$0x0] =	sbarrier.arrive $0xFFFF  }
0xc0: {  	_ =	strace $0x9000004A  }
0xc1: {  	s0 =	stileid.u32;
	[bflag:$0x2] =	sbarrier.arrive $0xFFFF  }
0xc2: {  	p0 =	sne.s32 s0, $0x0;
	s0 =	rddreg [dreg:$0x3]  }
0xc3: {  	s0 =	sadd.s32 @!p0 $0x100000, s0  }
0xc4: {  	[sflag:s0] =	ssyncadd.tile.s32 @!p0 $0x1;
	_ =	shalt  }
.Lfunc_end2:
_tile_overlayer_lowered:
.L_overlay_start_2:
0xc5: {  	(tag) =	ssettag $0x2  }
0xc6: {  	s0 =	rddreg [dreg:$0x0];
	s2 =	stileid.u32  }
0xc7: {  	s1 =	rddreg [dreg:$0x1];
	p0 =	sne.s32 s2, $0x0  }
0xc8: {  	s3 =	rddreg [dreg:$0x2];
	[bflag:$0x3] =	sbarrier.arrive $0xFFFF;
	s2 =	simm.s32 @!p0 $0x1C04  }
0xc9: {  	[timem:s3], [sflag:s2] =	dma.local @!p0 [hbm:s0], s1  }
0xca: {  	s0 =	simm.s32 @!p0 $0x4  }
0xcb: {  	_ =	swait.ge @!p0 [sflag:s0], s1  }
0xcc: {  	s1 =	ssub.s32 @!p0 $0x0, s1;
	[sflag:s0] =	ssyncset.done @!p0 $0x0  }
0xcd: {  	[sflag:s0] =	ssyncadd.s32 @!p0 s1  }
0xce: {  	[bflag:$0x3] =	sbarrier.arrive $0xFFFF  }
0xcf: {  	_ =	shalt  }

// kernel: kernel.7.cloned.1.call-start
scs
__scs_entry_jumppad:
0x0: {  	(pc) =	sbr.rel $0x88, $3  }
0x1: {  	(tag) =	ssettag $0x0;
	lr =	simm.s32 $0x1  }
0x2: {  	[smem:$0x3F9D] =	sst lr;
	_ =	strace $0xD0000000  }
0x3: {  	_ = 	snop  }
0x4: {  	_ = 	snop  }
0x5: {  	_ = 	snop  }
0x6: {  	_ = 	snop  }
0x7: {  	_ = 	snop  }
__scs_overlays_trampoline_lowered:
0x8: {  	[smem:$0x3FAC] =	sst s0  }
0x9: {  	[smem:$0x3FAD] =	sst s1  }
0xa: {  	[smem:$0x3FAE] =	sst s2  }
0xb: {  	[smem:$0x3FAF] =	sst s3  }
0xc: {  	[smem:$0x3FB0] =	sst s4  }
0xd: {  	[smem:$0x3FB1] =	sst s5  }
0xe: {  	[smem:$0x3FB2] =	sst s6  }
0xf: {  	[smem:$0x3FB3] =	sst s7  }
0x10: {  	[smem:$0x3FB4] =	sst s8  }
0x11: {  	[smem:$0x3FB5] =	sst s9;
	s0 =	simm.s32 @!p0 $0x0  }
0x12: {  	s1 =	sld [smem:$0x3F9B];
	s0 =	simm.s32 @p0 $0x1  }
0x13: {  	[smem:$0x3FB6] =	sst s0;
	s0 =	simm.s32 @!p1 $0x0  }
0x14: {  	s2 =	sld [smem:$0x3F9A];
	s0 =	simm.s32 @p1 $0x1  }
0x15: {  	[smem:$0x3FB7] =	sst s0;
	s0 =	simm.s32 @!p2 $0x0  }
0x16: {  	s3 =	sld [smem:$0x3FDB];
	s0 =	simm.s32 @p2 $0x1  }
0x17: {  	s4 =	simm.s32 $0x1BF5;
	[smem:$0x3FB9] =	sst s0  }
0x18: {  	s0 =	sld [smem:$0x3F9C];
	_ =	swait.ge [sflag:s4], $0x0  }
0x19: {  	s7 =	sld [smem:$0x3F9D]  }
0x1a: {  	s8 =	sadd.s32 $0xFFFFE003, lr  }
0x1b: {  	s9 =	sadd.s32 $0xFFFFFEF7, lr;
	s5 =	simm.s32 $0xFFFFFFFF;
	p2 =	slt.u32 s8, $0xFFFFF086  }
0x1c: {  	p1 =	slt.u32 s9, $0xF7A;
	s5 =	simm.s32 @!p2 $0x0  }
0x1d: {  	s5 =	simm.s32 @p1 $0x1;
	p0 =	seq.s32 s7, s2  }
0x1e: {  	s7 =	smul.u32 @!p0 $0xF7A, s2;
	p2 =	seq.s32 @!p0 s5, $0x0  }
0x1f: {  	s9 =	smul.u32 $0xF7A, s1;
	s8 =	simm.s32 @!p0 $0x1BF5;
	p2 =	por !p2, p0  }
0x20: {  	[sflag:s8] =	ssyncset.s32 @!p0 $0xFFFFF086;
	s6 =	sadd.s32 @!p0 s3, s7;
	s7 =	simm.s32 @!p0 $0x108  }
0x21: {  	s3 =	sadd.s32 s3, s9;
	s6 =	sadd.s32 @!p0 $0x88, s6;
	s7 =	simm.s32 @p2 $0x1082  }
0x22: {  	[simem:s7], [sflag:s8] =	dma.local @!p0 [hbm:s6], $0xF7A  }
0x23: {  	s9 =	sor.u32 $0xD0000000, s2;
	s6 =	simm.s32 $0x108;
	_ =	swait.ge @!p0 [sflag:s8], $0x0  }
0x24: {  	s3 =	sadd.s32 $0x88, s3;
	s6 =	simm.s32 @!p1 $0x1082;
	[sflag:s4] =	ssyncset.s32 $0xFFFFF086  }
0x25: {  	[simem:s6], [sflag:s4] =	dma.local [hbm:s3], $0xF7A  }
0x26: {  	[smem:$0x3F9D] =	sst s1;
	(tag) =	ssettag s2;
	_ =	strace s9  }
0x27: {  	s1 =	sld [smem:$0x3FAD]  }
0x28: {  	s2 =	sld [smem:$0x3FAE]  }
0x29: {  	s4 =	sld [smem:$0x3FB0]  }
0x2a: {  	p0 =	seq.s32 s5, $0x0;
	s5 =	sld [smem:$0x3FB1]  }
0x2b: {  	s6 =	sld [smem:$0x3FB2]  }
0x2c: {  	s7 =	sld [smem:$0x3FB3]  }
0x2d: {  	s3 =	simm.s32 $0x108;
	s8 =	sld [smem:$0x3FB4]  }
0x2e: {  	s3 =	simm.s32 @!p0 $0x1082;
	s9 =	sld [smem:$0x3FB5]  }
0x2f: {  	lr =	sadd.s32 s0, s3;
	s0 =	sld [smem:$0x3FAC]  }
0x30: {  	s3 =	sld [smem:$0x3FAF]  }
0x31: {  	[smem:$0x3FB8] =	sst s10  }
0x32: {  	s10 =	sld [smem:$0x3FB6];
	_ =	sdelay $0x3  }
0x33: {  	p0 =	seq.s32 s10, $0x1;
	s10 =	sld [smem:$0x3FB8];
	_ =	sdelay $0x3  }
0x34: {  	[smem:$0x3FB8] =	sst s10  }
0x35: {  	s10 =	sld [smem:$0x3FB7];
	_ =	sdelay $0x3  }
0x36: {  	p1 =	seq.s32 s10, $0x1;
	s10 =	sld [smem:$0x3FB8];
	_ =	sdelay $0x3  }
0x37: {  	[smem:$0x3FB8] =	sst s10  }
0x38: {  	s10 =	sld [smem:$0x3FB9]  }
0x39: {  	_ = 	snop;
	(pc) =	sbr.ind lr, $3  }
0x3a: {  	_ = 	snop  }
0x3b: {  	_ = 	snop  }
0x3c: {  	p2 =	seq.s32 s10, $0x1;
	s10 =	sld [smem:$0x3FB8]  }
0x3d: {  	_ =	shalt  }
0x3e: {  	_ =	shalt  }
0x3f: {  	_ =	shalt  }
0x40: {  	_ =	shalt  }
0x41: {  	_ =	shalt  }
0x42: {  	_ =	shalt  }
0x43: {  	_ =	shalt  }
0x44: {  	_ =	shalt  }
0x45: {  	_ =	shalt  }
0x46: {  	_ =	shalt  }
0x47: {  	_ =	shalt  }
0x48: {  	_ =	shalt  }
0x49: {  	_ =	shalt  }
0x4a: {  	_ =	shalt  }
0x4b: {  	_ =	shalt  }
0x4c: {  	_ =	shalt  }
0x4d: {  	_ =	shalt  }
0x4e: {  	_ =	shalt  }
0x4f: {  	_ =	shalt  }
0x50: {  	_ =	shalt  }
0x51: {  	_ =	shalt  }
0x52: {  	_ =	shalt  }
0x53: {  	_ =	shalt  }
0x54: {  	_ =	shalt  }
0x55: {  	_ =	shalt  }
0x56: {  	_ =	shalt  }
0x57: {  	_ =	shalt  }
0x58: {  	_ =	shalt  }
0x59: {  	_ =	shalt  }
0x5a: {  	_ =	shalt  }
0x5b: {  	_ =	shalt  }
0x5c: {  	_ =	shalt  }
0x5d: {  	_ =	shalt  }
0x5e: {  	_ =	shalt  }
0x5f: {  	_ =	shalt  }
0x60: {  	_ =	shalt  }
0x61: {  	_ =	shalt  }
0x62: {  	_ =	shalt  }
0x63: {  	_ =	shalt  }
0x64: {  	_ =	shalt  }
0x65: {  	_ =	shalt  }
0x66: {  	_ =	shalt  }
0x67: {  	_ =	shalt  }
0x68: {  	_ =	shalt  }
0x69: {  	_ =	shalt  }
0x6a: {  	_ =	shalt  }
0x6b: {  	_ =	shalt  }
0x6c: {  	_ =	shalt  }
0x6d: {  	_ =	shalt  }
0x6e: {  	_ =	shalt  }
0x6f: {  	_ =	shalt  }
0x70: {  	_ =	shalt  }
0x71: {  	_ =	shalt  }
0x72: {  	_ =	shalt  }
0x73: {  	_ =	shalt  }
0x74: {  	_ =	shalt  }
0x75: {  	_ =	shalt  }
0x76: {  	_ =	shalt  }
0x77: {  	_ =	shalt  }
0x78: {  	_ =	shalt  }
0x79: {  	_ =	shalt  }
0x7a: {  	_ =	shalt  }
0x7b: {  	_ =	shalt  }
0x7c: {  	_ =	shalt  }
0x7d: {  	_ =	shalt  }
0x7e: {  	_ =	shalt  }
0x7f: {  	_ =	shalt  }
0x80: {  	_ =	shalt  }
0x81: {  	_ =	shalt  }
0x82: {  	_ =	shalt  }
0x83: {  	_ =	shalt  }
0x84: {  	_ =	shalt  }
0x85: {  	_ =	shalt  }
0x86: {  	_ =	shalt  }
0x87: {  	_ =	shalt  }
.Lfunc_end0:
.L_simem_size_0:
called_computation_lowered:
.L_overlay_start_0:
0x88: {  	s2 =	sld [smem:$0x3FD9]  }
0x89: {  	s3 =	sld [smem:$0x3FFE];
	_ =	sdelay $0x1  }
0x8a: {  	s1 =	srdreg.scid  }
0x8b: {  	s0 =	sand.u32 $0x1, s1  }
0x8c: {  	s17 =	sshll.u32 s0, $0xA;
	s2 =	sadd.s32 s3, s2  }
0x8d: {  	s2 =	sadd.s32 s2, s17  }
0x8e: {  	[smem:$0x3FC4] =	sst s2  }
0x8f: {  	_ = 	snop  }
0x90: {  	s2 =	sld [smem:$0x3FD0];
	(tm) =	ssettm $0x1  }
0x91: {  	s18 =	sld [smem:$0x3FFB];
	_ =	sdelay $0x3  }
0x92: {  	_ =	strace s18  }
0x93: {  	s3 =	sld [smem:$0x3FFC];
	_ =	sdelay $0x3  }
0x94: {  	_ =	strace s3  }
0x95: {  	s3 =	sld [smem:$0x3FFD];
	_ =	sdelay $0x3  }
0x96: {  	_ =	strace s3  }
0x97: {  	_ =	strace $0x8FFFFFFF  }
0x98: {  	s19 =	sld [smem:$0x3FDB];
	_ =	sdelay $0x1  }
0x99: {  	s4 =	simm.s32 $_scs_section_size  }
0x9a: {  	s5 =	simm.s32 $_size__tile_overlayer_lowered;
	s6 =	simm.s32 $_tile_overlayer_lowered  }
0x9b: {  	s22 =	simm.s32 $0x1BFF;
	s21 =	sshll.u32 s6, $0x1;
	s3 =	sadd.s32 s4, s19  }
0x9c: {  	s7 =	simm.s32 $0x0;
	s20 =	sshll.u32 s5, $0x1;
	s5 =	sadd.s32 s21, s3  }
0x9d: {  	[timem:s7], [sflag:s22] =	dma.local [hbm:s5], s20  }
0x9e: {  	_ =	swait.ge [sflag:s22], s20  }
0x9f: {  	s4 =	ssub.s32 $0x0, s20;
	[sflag:s22] =	ssyncset.done $0x0  }
0xa0: {  	[sflag:s22] =	ssyncadd.s32 s4;
	_ =	sdelay $0x1  }
0xa1: {  	s23 =	simm.s32 $0x1B8B  }
0xa2: {  	_ =	swait.ge [sflag:s23], $0x1  }
0xa3: {  	[sflag:s23] =	ssyncset.done $0x0  }
0xa4: {  	s25 =	simm.s32 $0x1B8E;
	s24 =	sld [smem:$0x3FFE];
	[sflag:s23] =	ssyncadd.s32 $0xFFFFFFFF  }
0xa5: {  	s26 =	simm.s32 $execute0_lowered;
	[smem:$0x3FD2] =	sst s25  }
0xa6: {  	s5 =	sshll.u32 s26, $0x1;
	_ =	strace $0x80000046;
	[dreg:$0x1] =	wrdreg $0xFFFFFFFF  }
0xa7: {  	s28 =	simm.s32 $_size_execute0_lowered;
	s3 =	sadd.s32 s3, s5;
	[dreg:$0x0] =	wrdreg $0x0  }
0xa8: {  	s5 =	sshll.u32 s28, $0x1;
	[dreg:$0x2] =	wrdreg s3  }
0xa9: {  	[dreg:$0x3] =	wrdreg s5  }
0xaa: {  	[dreg:$0x4] =	wrdreg $0xC0  }
0xab: {  	_ =	task [dreg:s7], $0x5FFFF  }
0xac: {  	[dreg:$0x1] =	wrdreg $0xFFFFFFFF  }
0xad: {  	[dreg:$0x0] =	wrdreg $0x60  }
0xae: {  	[dreg:$0x2] =	wrdreg s24  }
0xaf: {  	[dreg:$0x3] =	wrdreg s2  }
0xb0: {  	[dreg:$0x4] =	wrdreg $0x0  }
0xb1: {  	[dreg:$0x5] =	wrdreg $0x9  }
0xb2: {  	_ =	task.clear_ibuf [dreg:s7], $0x6FFFF;
	_ =	strace $0x90000046  }
0xb3: {  	s29 =	simm.s32 $0x9;
	_ =	strace $0x80000048  }
0xb4: {  	_ =	swait.ge [sflag:s29], $0x1  }
0xb5: {  	[sflag:s29] =	ssyncadd.s32 $0xFFFFFFFF  }
0xb6: {  	_ =	strace $0x90000048  }
0xb7: {  	_ =	sfence  }
0xb8: {  	s30 =	sld [smem:$0x0];
	_ =	sdelay $0x2  }
0xb9: {  	s31 =	sshll.u32 s1, $0xD;
	s1 =	sshrl.u32 s1, $0x2  }
0xba: {  	s3 =	sand.u32 $0x4000, s31;
	s1 =	sadd.s32 s1, s30  }
0xbb: {  	s0 =	sor.u32 s3, s0;
	s1 =	sshll.u32 s1, $0x11  }
0xbc: {  	s0 =	sor.u32 s1, s0  }
0xbd: {  	s0 =	sadd.s32 $0x8F2B, s0  }
0xbe: {  	[sflag:s0] =	ssyncadd.remote.s32 $0x1  }
0xbf: {  	_ =	sfence.sel $0xFFFF  }
0xc0: {  	[dreg:$0x0] =	wrdreg $0xFFFFFFFF;
	(pc) =	sbr.abs _section_cstart, $3  }
0xc1: {  	[dreg:$0x1] =	wrdreg $0xFFFFFFFF  }
0xc2: {  	_ =	task.clear_ibuf [dreg:s7], $0x2FFFF;
	_ =	strace $0x9FFFFFFF  }
0xc3: {  	(tm) =	ssettm $0x7FFFFFFF  }
tec
execute0_lowered:
.L_overlay_start_1:
0x0: {  	(tag) =	ssettag $0x1  }
0x1: {  	s0 =	rddreg [dreg:$0x0];
	s6 =	stileid.u32  }
0x2: {  	s1 =	srdreg.scid;
	s3 =	rddreg [dreg:$0x2];
	s4 =	simm.s32 $0x0  }
0x3: {  	s11 =	simm.s32 $0x1;
	s28 =	simm.s32 $0x3;
	s29 =	simm.s32 $0x1B000  }
0x4: {  	s1 =	sand.u32 $0x1, s1;
	s2 =	sshll.u32 s6, $0x1;
	s10 =	smul.u32 $0x14000, s6  }
0x5: {  	[smem:$0x7FF] =	sst s4;
	s5 =	sadd.s32 $0x14C00, s0;
	s17 =	smul.u32 $0x50000, s6  }
0x6: {  	s14 =	sadd.s32 $0xC00, s0;
	s21 =	sshll.u32 s6, $0x6;
	s22 =	smul.u32 $0x1388, s6  }
0x7: {  	s2 =	sor.u32 s1, s2;
	_ =	strace $0x80000047;
	s12 =	smul.u32 $0x140000, s1  }
0x8: {  	[dreg:$0x4] =	wrdreg s14;
	s18 =	ssub.s32 $0x2, s1;
	s1 =	smul.u32 $0x9C4, s1  }
0x9: {  	s6 =	sor.u32 $0x1C04, s21;
	s2 =	smul.u32 $0x9C4, s2;
	s15 =	sshrl.u32 s10, $0x3  }
0xa: {  	[dreg:$0x6] =	wrdreg s6;
	s14 =	sadd.s32 s15, s0;
	s12 =	sadd.s32 s10, s12  }
0xb: {  	s1 =	sadd.s32 s1, s22;
	s8 =	sshrl.u32 s2, $0x5;
	s9 =	sand.u32 $0x3E0, s2  }
0xc: {  	s13 =	sshrl.u32 s2, $0xA;
	s2 =	sadd.s32 $0x9C4, s2;
	s12 =	sshrl.u32 s12, $0x3  }
0xd: {  	s14 =	sadd.s32 $0x3CC00, s14;
	p0 =	seq.s32 s8, $0x0;
	p1 =	sne.s32 s9, $0x0  }
0xe: {  	s24 =	sshrl.u32 s1, $0xA;
	s26 =	sshrl.u32 s1, $0x5;
	p0 =	por !p0, !p1  }
0xf: {  	s7 =	smov.u32 s8;
	s8 =	sadd.s32 $0xAC00, s0;
	p0 =	por !p0, !p0  }
0x10: {  	s10 =	sshrl.u32 s2, $0x5;
	s0 =	sadd.s32 s12, s0;
	s11 =	simm.s32 @!p0 $0x0  }
0x11: {  	[dreg:$0x5] =	wrdreg s14;
	s0 =	sadd.s32 $0x64C00, s0;
	s9 =	ssub.s32 s13, s11  }
0x12: {  	s14 =	simm.s32 $0x1;
	[dreg:$0x7] =	wrdreg s0;
	s16 =	sshll.u32 s9, $0x5  }
0x13: {  	s13 =	sshrl.u32 s17, $0x2;
	s25 =	ssub.s32 s24, s11;
	s2 =	ssub.s32 s10, s16  }
0x14: {  	s24 =	simm.s32 $0x80;
	s19 =	sadd.s32 s13, s3;
	s15 =	sadd.s32 $0x1F, s2  }
0x15: {  	s30 =	sshll.u32 s25, $0x5;
	s25 =	simm.s32 $0x17000;
	s17 =	sshll.u32 s15, $0x10  }
0x16: {  	s16 =	sshrl.u32 s18, $0x1;
	s0 =	ssub.s32 s26, s30;
	s20 =	sshra.s32 s17, $0x1F  }
0x17: {  	s1 =	sshrl.u32 s19, $0x3;
	s19 =	simm.s32 $0x4;
	s13 =	sand.u32 $0x1F, s20  }
0x18: {  	s26 =	simm.s32 $0x5;
	s13 =	sadd.s32 s13, s15;
	s15 =	sand.u32 $0x1F, s15  }
0x19: {  	s12 =	ssub.s32 s18, s16;
	p5 =	slt.s32 s2, $0xFFFFFFE2;
	p6 =	sne.s32 s15, $0x0  }
.Ltmp0:
0x1a: {  	[dreg:$0x9] =	wrdreg s0;
	p0 =	por !p5, !p6;
	(pc) =	sbr.rel .LBB2_1-.Ltmp0, $4  }
0x1b: {  	[dreg:$0xa] =	wrdreg s1;
	s23 =	sshll.u32 s13, $0x10;
	p0 =	por !p0, !p0  }
0x1c: {  	s31 =	smax.u32 s12, $0x1;
	s2 =	sshra.s32 s23, $0x15;
	s14 =	simm.s32 @!p0 $0x0  }
0x1d: {  	[dreg:$0x8] =	wrdreg s31;
	s13 =	simm.s32 $0x1;
	s14 =	ssub.s32 s2, s14  }
0x1e: {  	s23 =	simm.s32 $0x2;
	s2 =	simm.s32 $0x0;
	p0 =	slt.s32 s14, $0x1  }
.LBB2_12:
0x1f: {  	[bflag:$0x0] =	sbarrier.arrive $0xFFFF  }
0x20: {  	s6 =	rddreg [dreg:$0x6]  }
0x21: {  	s0 =	rddreg [dreg:$0x7]  }
0x22: {  	s1 =	rddreg [dreg:$0xa]  }
0x23: {  	[hbm:s0], [sflag:s6] =	dma.local [spmem:s1], $0x2800  }
0x24: {  	_ =	swait.ge [sflag:s19], $0x2800  }
0x25: {  	s2 =	rddreg [dreg:$0xb]  }
0x26: {  	s31 =	rddreg [dreg:$0x8];
	s2 =	sadd.s32 $0x1, s2  }
0x27: {  	p1 =	sne.s32 s2, s31  }
.Ltmp1:
0x28: {  	_ = 	snop;
	(pc) =	sbr.rel @!p1 .LBB2_13-.Ltmp1, $3  }
0x29: {  	_ =	sdelay $0x1  }
0x2a: {  	[sflag:s19] =	ssyncset.done $0x0  }
0x2b: {  	[sflag:s19] =	ssyncadd.s32 $0xFFFFD800  }
.LBB2_1:
0x2c: {  	[dreg:$0xb] =	wrdreg s2  }
0x2d: {  	s0 =	rddreg [dreg:$0x5]  }
0x2e: {  	[spmem:s1], [sflag:s6] =	dma.local [hbm:s0], $0x2800  }
.Ltmp2:
0x2f: {  	_ =	swait.ge [sflag:s19], $0x2800;
	(pc) =	sbr.rel @!p0 .LBB2_2-.Ltmp2, $4  }
.Ltmp3:
0x30: {  	[sflag:s19] =	ssyncset.done $0x0;
	(pc) =	sbr.rel @p0 .LBB2_12-.Ltmp3, $4  }
0x31: {  	[sflag:s19] =	ssyncadd.s32 $0xFFFFD800  }
0x32: {  	[bflag:$0x0] =	sbarrier.arrive $0xFFFF  }
0x33: {  	s1 =	simm.s32 $0x0;
	s31 =	rddreg [dreg:$0x9]  }
0x34: {  	_ = 	snop  }
.LBB2_11:
0x35: {  	s1 =	sadd.s32 $0x1, s1  }
0x36: {  	p1 =	sne.s32 s1, s14  }
.Ltmp4:
0x37: {  	_ = 	snop;
	(pc) =	sbr.rel @!p1 .LBB2_12-.Ltmp4, $2  }
0x38: {  	_ =	sdelay $0x2  }
0x39: {  	s31 =	sadd.s32 $0xFFFFFFE0, s31  }
.LBB2_2:
0x3a: {  	s0 =	sadd.s32 s9, s1  }
0x3b: {  	s2 =	sshll.u32 s0, $0x9  }
0x3c: {  	s6 =	rddreg [dreg:$0x1];
	s2 =	sand.u32 $0x1FFFFE00, s2  }
0x3d: {  	s22 =	simm.s32 $0x14000;
	s30 =	sshll.u32 s0, $0x5;
	s11 =	sadd.s32 s6, s2  }
0x3e: {  	[tilespmem:s22], [sflag:$0x1] =	stream.linear.gather [hbm4b:s11+s4], $0x1000, $0x38;
	[tilespmem:$0x1F000] =	vst v63  }
0x3f: {  	s16 =	simm.s32 $0x15000;
	s0 =	ssub.s32 s7, s30;
	_ =	swait.ge [sflag:s13], $0x1000  }
0x40: {  	p1 =	sgt.s32 s0, $0x0;
	[sflag:s13] =	ssyncset.done $0x0;
	s15 =	rddreg [dreg:$0x4]  }
0x41: {  	s11 =	ssub.s32 s10, s30;
	[sflag:s13] =	ssyncadd.s32 $0xFFFFF000;
	s12 =	sadd.s32 s15, s2  }
0x42: {  	[tilespmem:s16], [sflag:$0x1] =	stream.linear.gather [hbm4b:s12+s4], $0x1000, $0x38;
	[tilespmem:$0x1F000] =	vst v63  }
0x43: {  	s0 =	simm.s32 @!p1 $0x0;
	p1 =	slt.s32 s11, $0x20;
	_ =	swait.ge [sflag:s13], $0x1000  }
0x44: {  	s17 =	simm.s32 $0x16000;
	s11 =	simm.s32 @!p1 $0x20;
	[sflag:s13] =	ssyncset.done $0x0  }
0x45: {  	s2 =	sadd.s32 s8, s2;
	p1 =	sle.s32 s11, s0;
	[sflag:s13] =	ssyncadd.s32 $0xFFFFF000  }
0x46: {  	[tilespmem:s17], [sflag:$0x1] =	stream.linear.gather [hbm4b:s2+s4], $0x1000, $0x38;
	[tilespmem:$0x1F000] =	vst v63  }
0x47: {  	s18 =	ssub.s32 s11, s0;
	s2 =	sshll.u32 @!p1 s0, $0x7;
	_ =	swait.ge [sflag:s13], $0x1000  }
0x48: {  	s12 =	simm.s32 @!p1 $0x80;
	s2 =	sand.u32 @!p1 $0x3FFFFF80, s2;
	[sflag:s13] =	ssyncset.done $0x0  }
0x49: {  	s15 =	simm.s32 @!p1 $0x17000;
	s2 =	sadd.s32 @!p1 $0x14000, s2;
	[sflag:s13] =	ssyncadd.s32 $0xFFFFF000  }
0x4a: {  	[tilespmem:s15], [sflag:$0x2] =	stream.indirect.gather @!p1 [hbm4b:s5+s12], $0x80, s2, s12, $0xb8;
	[tilespmem:$0x1F000] =	vst v63  }
0x4b: {  	s20 =	sadd.s32 $0x1, s18;
	p1 =	slt.u32 s18, $0x7FFFFFFF;
	s2 =	simm.s32 $0x1  }
0x4c: {  	s21 =	sshra.s32 s20, $0x1F;
	s2 =	simm.s32 @!p1 $0x0  }
0x4d: {  	s22 =	sand.u32 $0x1, s20;
	s2 =	sadd.s32 s2, s21  }
0x4e: {  	p2 =	seq.s32 s22, $0x1;
	p6 =	sne.s32 s2, $0x1  }
0x4f: {  	s30 =	sshrl.u32 s20, $0x1F;
	p1 =	por !p6, !p2  }
0x50: {  	s12 =	simm.s32 $0x1;
	s2 =	sadd.s32 s30, s20;
	p1 =	por !p1, !p1  }
0x51: {  	s2 =	sshra.s32 s2, $0x1;
	s12 =	simm.s32 @!p1 $0x0  }
0x52: {  	s15 =	ssub.s32 s2, s12  }
0x53: {  	p1 =	slt.s32 s15, $0x1  }
.Ltmp5:
0x54: {  	_ = 	snop;
	(pc) =	sbr.rel @p1 .LBB2_11-.Ltmp5, $1  }
0x55: {  	_ =	sdelay $0x3  }
.Ltmp6:
0x56: {  	p1 =	sgt.s32 s31, $0x0;
	s2 =	smov.u32 s31;
	(pc) =	sbr.rel .LBB2_4-.Ltmp6, $4  }
0x57: {  	s2 =	simm.s32 @!p1 $0x0  }
0x58: {  	s2 =	sshll.u32 s2, $0x7  }
0x59: {  	s2 =	sand.u32 $0x3FFFFF80, s2  }
0x5a: {  	s12 =	simm.s32 $0x0;
	s16 =	sadd.s32 $0x16080, s2;
	s17 =	sadd.s32 $0x16000, s2  }
.LBB2_10:
0x5b: {  	s12 =	sadd.s32 $0x1, s12  }
0x5c: {  	p1 =	slt.s32 s12, s15  }
.Ltmp7:
0x5d: {  	_ = 	snop;
	(pc) =	sbr.rel @!p1 .LBB2_11-.Ltmp7, $2  }
0x5e: {  	_ =	sdelay $0x2  }
0x5f: {  	s17 =	sadd.s32 $0x100, s17;
	s16 =	sadd.s32 $0x100, s16  }
.LBB2_4:
0x60: {  	s2 =	sshll.u32 s12, $0x1  }
0x61: {  	s30 =	sadd.s32 s0, s2  }
0x62: {  	s18 =	sadd.s32 $0x1, s30  }
0x63: {  	p1 =	sge.s32 s18, s11  }
0x64: {  	s2 =	sshll.u32 @!p1 s18, $0x9  }
0x65: {  	s2 =	sshra.s32 @!p1 s2, $0x2  }
0x66: {  	s20 =	simm.s32 @!p1 $0x80;
	s21 =	simm.s32 @!p1 $0x1B000;
	s2 =	sadd.s32 @!p1 $0x14000, s2  }
0x67: {  	[tilespmem:s21], [sflag:$0x3] =	stream.indirect.gather @!p1 [hbm4b:s5+s20], $0x80, s2, s20, $0xb8;
	[tilespmem:$0x1F000] =	vst v63  }
0x68: {  	_ =	swait.ge [sflag:s23], $0x4000  }
0x69: {  	[sflag:s23] =	ssyncset.done $0x0  }
0x6a: {  	s2 =	simm.s32 $0x17040;
	[sflag:s23] =	ssyncadd.s32 $0xFFFFC000  }
0x6b: {  	v4 =	vld [tilespmem:s2+$0x30]  }
0x6c: {  	v7 =	vld [tilespmem:s2+$0x10]  }
0x6d: {  	s22 =	sadd.s32 $0x0, s17;
	v5 =	vld [tilespmem:s2+$0xFFFFFFC0]  }
0x6e: {  	v1 =	vld.msk [tilespmem:s22+$0x0 ss:$0x0], $0xffff  }
0x6f: {  	v6 =	vld [tilespmem:s2+$0xFFFFFFE0]  }
0x70: {  	v0 =	vld [tilespmem:s2+$0xFFFFFFF0]  }
0x71: {  	v2 =	vld [tilespmem:s2+$0x20]  }
0x72: {  	v3 =	vld [tilespmem:s2+$0xFFFFFFD0]  }
0x73: {  	v8 =	vmul.f32 v4, v1;
	v4 =	vld [tilespmem:s2+$0x0]  }
0x74: {  	v5 =	vmul.f32 v1, v5  }
0x75: {  	s20 =	sshll.u32 s30, $0x9;
	s21 =	simm.s32 $0x4;
	s22 =	simm.s32 $0x17040;
	v6 =	vmul.f32 v6, v1;
	v7 =	vmul.f32 v7, v1  }
.LBB2_5:
0x76: {  	p2 =	sne.s32 s21, $0x1FC  }
0x77: {  	v3 =	vmul.f32 v3, v1;
	v2 =	vmul.f32 v2, v1;
	[tilespmem:s2+$0x30] =	vst v8;
	s22 =	sadd.s32 $0x80, s22;
	s6 =	smov.u32 s21;
	s21 =	sadd.s32 $0x4, s21  }
0x78: {  	v8 =	vmul.f32 v0, v1;
	v1 =	vmul.f32 v4, v1;
	[tilespmem:s2+$0xFFFFFFC0] =	vst v5  }
0x79: {  	[tilespmem:s2+$0x10] =	vst v7  }
0x7a: {  	[tilespmem:s2+$0xFFFFFFE0] =	vst v6  }
0x7b: {  	v0 =	vld [tilespmem:s22+$0xFFFFFFF0];
	[tilespmem:s2+$0xFFFFFFF0] =	vst v8  }
0x7c: {  	v6 =	vld [tilespmem:s22+$0x30];
	[tilespmem:s2+$0x0] =	vst v1  }
0x7d: {  	s6 =	sshra.s32 s6, $0x2;
	v7 =	vld [tilespmem:s22+$0x10];
	[tilespmem:s2+$0x20] =	vst v2  }
0x7e: {  	s6 =	sadd.s32 s6, s17;
	v5 =	vld [tilespmem:s22+$0xFFFFFFC0];
	[tilespmem:s2+$0xFFFFFFD0] =	vst v3;
	s2 =	smov.u32 s22  }
0x7f: {  	v1 =	vld.msk [tilespmem:s6+$0x0 ss:$0x0], $0xffff  }
0x80: {  	v9 =	vld [tilespmem:s22+$0xFFFFFFE0]  }
0x81: {  	v2 =	vld [tilespmem:s22+$0x20]  }
.Ltmp8:
0x82: {  	v3 =	vld [tilespmem:s22+$0xFFFFFFD0];
	(pc) =	sbr.rel @p2 .LBB2_5-.Ltmp8, $3  }
0x83: {  	v4 =	vld [tilespmem:s22+$0x0];
	_ =	sdelay $0x1  }
0x84: {  	v5 =	vmul.f32 v1, v5;
	v8 =	vmul.f32 v6, v1  }
0x85: {  	v7 =	vmul.f32 v7, v1;
	v6 =	vmul.f32 v9, v1  }
0x86: {  	[tilespmem:s2+$0x30] =	vst v8  }
0x87: {  	[tilespmem:s2+$0xFFFFFFC0] =	vst v5  }
0x88: {  	v0 =	vmul.f32 v0, v1;
	[tilespmem:s2+$0x10] =	vst v7  }
0x89: {  	v2 =	vmul.f32 v2, v1;
	[tilespmem:s2+$0xFFFFFFE0] =	vst v6  }
0x8a: {  	v63 =	vmul.f32 v3, v1;
	[tilespmem:s2+$0xFFFFFFF0] =	vst v0  }
0x8b: {  	v4 =	vmul.f32 v4, v1;
	[tilespmem:s2+$0x20] =	vst v2  }
0x8c: {  	s6 =	sshra.s32 s20, $0x2;
	[tilespmem:s2+$0xFFFFFFD0] =	vst v63  }
0x8d: {  	s22 =	sadd.s32 $0x15000, s6;
	[tilespmem:s2+$0x0] =	vst v4;
	s2 =	sadd.s32 $0x2, s30  }
0x8e: {  	[spmem:s3] =	stream.indirect.scatter.add.f32 [tilespmem:s25], [sflag:$0x5], $0x80, s22, s24, $0xb8;
	[tilespmem:$0x1F000] =	vst v63  }
.Ltmp9:
0x8f: {  	p2 =	sge.s32 s2, s11;
	(pc) =	sbr.rel @p1 .LBB2_10-.Ltmp9, $4  }
0x90: {  	_ =	swait.ge [sflag:s26], $0x4000;
	s2 =	sshll.u32 @!p2 s2, $0x9  }
0x91: {  	s6 =	simm.s32 @!p2 $0x80;
	[sflag:s26] =	ssyncset.done $0x0;
	s2 =	sshra.s32 @!p2 s2, $0x2  }
0x92: {  	s20 =	simm.s32 @!p2 $0x17000;
	[sflag:s26] =	ssyncadd.s32 $0xFFFFC000;
	s2 =	sadd.s32 @!p2 $0x14000, s2  }
0x93: {  	[tilespmem:s20], [sflag:$0x2] =	stream.indirect.gather @!p2 [hbm4b:s5+s6], $0x80, s2, s6, $0xb8;
	[tilespmem:$0x1F000] =	vst v63  }
0x94: {  	_ =	swait.ge [sflag:s28], $0x4000  }
0x95: {  	[sflag:s28] =	ssyncset.done $0x0  }
0x96: {  	s2 =	simm.s32 $0x1B040;
	[sflag:s28] =	ssyncadd.s32 $0xFFFFC000  }
0x97: {  	v4 =	vld [tilespmem:s2+$0x30]  }
0x98: {  	v7 =	vld [tilespmem:s2+$0x10]  }
0x99: {  	s6 =	sadd.s32 $0x0, s16;
	v5 =	vld [tilespmem:s2+$0xFFFFFFC0]  }
0x9a: {  	v1 =	vld.msk [tilespmem:s6+$0x0 ss:$0x0], $0xffff  }
0x9b: {  	v6 =	vld [tilespmem:s2+$0xFFFFFFE0]  }
0x9c: {  	v0 =	vld [tilespmem:s2+$0xFFFFFFF0]  }
0x9d: {  	v2 =	vld [tilespmem:s2+$0x20]  }
0x9e: {  	v3 =	vld [tilespmem:s2+$0xFFFFFFD0]  }
0x9f: {  	v8 =	vmul.f32 v4, v1;
	v4 =	vld [tilespmem:s2+$0x0]  }
0xa0: {  	v5 =	vmul.f32 v1, v5  }
0xa1: {  	s18 =	sshll.u32 s18, $0x9;
	s20 =	simm.s32 $0x4;
	s21 =	simm.s32 $0x1B040;
	v6 =	vmul.f32 v6, v1;
	v7 =	vmul.f32 v7, v1  }
.LBB2_8:
0xa2: {  	p1 =	sne.s32 s20, $0x1FC  }
0xa3: {  	v3 =	vmul.f32 v3, v1;
	v2 =	vmul.f32 v2, v1;
	[tilespmem:s2+$0x30] =	vst v8;
	s21 =	sadd.s32 $0x80, s21;
	s6 =	smov.u32 s20;
	s20 =	sadd.s32 $0x4, s20  }
0xa4: {  	v8 =	vmul.f32 v0, v1;
	v1 =	vmul.f32 v4, v1;
	[tilespmem:s2+$0xFFFFFFC0] =	vst v5  }
0xa5: {  	[tilespmem:s2+$0x10] =	vst v7  }
0xa6: {  	[tilespmem:s2+$0xFFFFFFE0] =	vst v6  }
0xa7: {  	v0 =	vld [tilespmem:s21+$0xFFFFFFF0];
	[tilespmem:s2+$0xFFFFFFF0] =	vst v8  }
0xa8: {  	v6 =	vld [tilespmem:s21+$0x30];
	[tilespmem:s2+$0x0] =	vst v1  }
0xa9: {  	s6 =	sshra.s32 s6, $0x2;
	v7 =	vld [tilespmem:s21+$0x10];
	[tilespmem:s2+$0x20] =	vst v2  }
0xaa: {  	s6 =	sadd.s32 s6, s16;
	v5 =	vld [tilespmem:s21+$0xFFFFFFC0];
	[tilespmem:s2+$0xFFFFFFD0] =	vst v3;
	s2 =	smov.u32 s21  }
0xab: {  	v1 =	vld.msk [tilespmem:s6+$0x0 ss:$0x0], $0xffff  }
0xac: {  	v9 =	vld [tilespmem:s21+$0xFFFFFFE0]  }
0xad: {  	v2 =	vld [tilespmem:s21+$0x20]  }
.Ltmp10:
0xae: {  	v3 =	vld [tilespmem:s21+$0xFFFFFFD0];
	(pc) =	sbr.rel @p1 .LBB2_8-.Ltmp10, $3  }
0xaf: {  	v4 =	vld [tilespmem:s21+$0x0];
	_ =	sdelay $0x1  }
0xb0: {  	v5 =	vmul.f32 v1, v5;
	v8 =	vmul.f32 v6, v1  }
0xb1: {  	v7 =	vmul.f32 v7, v1;
	v6 =	vmul.f32 v9, v1  }
0xb2: {  	[tilespmem:s2+$0x30] =	vst v8  }
0xb3: {  	[tilespmem:s2+$0xFFFFFFC0] =	vst v5  }
0xb4: {  	v0 =	vmul.f32 v0, v1;
	[tilespmem:s2+$0x10] =	vst v7  }
0xb5: {  	v2 =	vmul.f32 v2, v1;
	[tilespmem:s2+$0xFFFFFFE0] =	vst v6  }
0xb6: {  	v63 =	vmul.f32 v3, v1;
	[tilespmem:s2+$0xFFFFFFF0] =	vst v0  }
0xb7: {  	v4 =	vmul.f32 v4, v1;
	[tilespmem:s2+$0x20] =	vst v2  }
0xb8: {  	s6 =	sshra.s32 s18, $0x2;
	[tilespmem:s2+$0xFFFFFFD0] =	vst v63  }
.Ltmp11:
0xb9: {  	s30 =	sadd.s32 $0x15000, s6;
	[tilespmem:s2+$0x0] =	vst v4;
	(pc) =	sbr.rel .LBB2_10-.Ltmp11, $4  }
0xba: {  	[spmem:s3] =	stream.indirect.scatter.add.f32 [tilespmem:s29], [sflag:$0x4], $0x80, s30, s24, $0xb8;
	[tilespmem:$0x1F000] =	vst v63  }
0xbb: {  	_ =	swait.ge [sflag:s19], $0x4000  }
0xbc: {  	[sflag:s19] =	ssyncset.done $0x0  }
0xbd: {  	[sflag:s19] =	ssyncadd.s32 $0xFFFFC000  }
.LBB2_13:
0xbe: {  	_ =	sfence.sel $0x180000  }
0xbf: {  	[bflag:$0x0] =	sbarrier.arrive $0xFFFF  }
0xc0: {  	_ =	strace $0x90000047  }
0xc1: {  	s0 =	stileid.u32;
	[bflag:$0x2] =	sbarrier.arrive $0xFFFF  }
0xc2: {  	p0 =	sne.s32 s0, $0x0;
	s0 =	rddreg [dreg:$0x3]  }
0xc3: {  	s0 =	sadd.s32 @!p0 $0x100000, s0  }
0xc4: {  	[sflag:s0] =	ssyncadd.tile.s32 @!p0 $0x1;
	_ =	shalt  }
.Lfunc_end2:
_tile_overlayer_lowered:
.L_overlay_start_2:
0xc5: {  	(tag) =	ssettag $0x2  }
0xc6: {  	s0 =	rddreg [dreg:$0x0];
	s2 =	stileid.u32  }
0xc7: {  	s1 =	rddreg [dreg:$0x1];
	p0 =	sne.s32 s2, $0x0  }
0xc8: {  	s3 =	rddreg [dreg:$0x2];
	[bflag:$0x3] =	sbarrier.arrive $0xFFFF;
	s2 =	simm.s32 @!p0 $0x1C04  }
0xc9: {  	[timem:s3], [sflag:s2] =	dma.local @!p0 [hbm:s0], s1  }
0xca: {  	s0 =	simm.s32 @!p0 $0x4  }
0xcb: {  	_ =	swait.ge @!p0 [sflag:s0], s1  }
0xcc: {  	s1 =	ssub.s32 @!p0 $0x0, s1;
	[sflag:s0] =	ssyncset.done @!p0 $0x0  }
0xcd: {  	[sflag:s0] =	ssyncadd.s32 @!p0 s1  }
0xce: {  	[bflag:$0x3] =	sbarrier.arrive $0xFFFF  }
0xcf: {  	_ =	shalt  }

</sc_bundles>
